<compile_context>
chip_gen: v7x
topology: tpu7x:2x2x1
jax: 0.10.2.dev20260603
libtpu: 0.0.44.dev20260713+nightly
codegen_flags: <defaults>
</compile_context>

<pallas_src>
import functools

import jax
import jax.numpy as jnp
from jax import lax
from jax.experimental import pallas as pl
from jax.experimental.pallas import tpu as pltpu
from jax.experimental.pallas import tpu_sc as plsc



_NW = 32


def _sc_gather(table, idx):
    _, D = table.shape
    B = idx.shape[0]
    rowbytes = D * table.dtype.itemsize
    R = B // (_NW * 128)
    G = 1
    for cand in range(min(R, 16), 0, -1):
        if R % cand == 0 and R * 512 + cand * 128 * rowbytes <= 450 * 1024:
            G = cand
            break
    n_steps = R // G
    idx2 = idx.reshape(B // 128, 128)
    mesh = plsc.VectorSubcoreMesh(core_axis_name="c", subcore_axis_name="s")

    @functools.partial(
        pl.kernel,
        out_type=jax.ShapeDtypeStruct((B, D), table.dtype),
        mesh=mesh,
        scratch_types=[
            pltpu.VMEM((R, 128), jnp.int32),
            pltpu.VMEM((G * 128, D), table.dtype),
            pltpu.SemaphoreType.DMA,
        ],
        compiler_params=pltpu.CompilerParams(use_tc_tiling_on_sc=False),
    )
    def gk(table_hbm, idx_hbm, out_hbm, idx_all, rows_v, sem):
        w = lax.axis_index("s") * 2 + lax.axis_index("c")
        base = w * R
        pltpu.sync_copy(idx_hbm.at[pl.ds(base, R)], idx_all)

        def body(s, carry):
            row0 = s * G
            cps = [
                pltpu.async_copy(
                    table_hbm.at[idx_all.at[row0 + g]],
                    rows_v.at[pl.ds(g * 128, 128)],
                    sem,
                )
                for g in range(G)
            ]
            for cp in cps:
                cp.wait()
            pltpu.sync_copy(
                rows_v, out_hbm.at[pl.ds((base + row0) * 128, G * 128)])
            return carry

        lax.fori_loop(0, n_steps, body, 0)

    return gk(table, idx2)




def _unpack(x):
    lo = lax.bitcast_convert_type(x << 16, jnp.float32)
    hi = lax.bitcast_convert_type(x & jnp.int32(-65536), jnp.float32)
    return jnp.concatenate([lo, hi], axis=-1)


def _dense_body(conv_ref, raw_ref, nbr_ref, ef_ref, dt_ref, nid_ref,
                wkc_ref, wvc_ref, wqn_ref, qc_ref,
                tw_ref, tb_ref, wr_ref, brp_ref, g_ref, b_ref, rtail_ref,
                f1_ref, f1b_ref, f2_ref, f2b_ref, out_ref,
                *, TM, KK, QD, in_packed):
    f32 = jnp.float32
    bf16 = jnp.bfloat16
    if in_packed:
        conv_f = _unpack(conv_ref[...])
        nbr = _unpack(nbr_ref[...]).astype(bf16).reshape(KK * TM, 128)
    else:
        conv_f = conv_ref[...]
        nbr = nbr_ref[...].astype(bf16).reshape(KK * TM, 128)
    conv_bf = conv_f.astype(bf16)
    ef = ef_ref[...].astype(bf16)
    dt = dt_ref[...].astype(bf16)
    xx = dt[:, :, None] * tw_ref[...][None] + tb_ref[...][None]
    u = xx * xx
    tf = jnp.bfloat16(-1.0 / 720.0)
    for c in (1.0 / 24.0, -0.5, 1.0):
        tf = tf * u + jnp.bfloat16(c)
    eft = jnp.concatenate([ef, tf], axis=2).reshape(KK * TM, 128)
    nbrft = jnp.concatenate([nbr, eft], axis=1)
    k = jnp.dot(nbrft, wkc_ref[...], preferred_element_type=f32)
    v = jnp.dot(nbrft, wvc_ref[...], preferred_element_type=f32)
    q = jnp.dot(conv_bf, wqn_ref[...], preferred_element_type=f32) + qc_ref[...]
    k3 = k.reshape(KK, TM, 256)
    v3 = v.reshape(KK, TM, 256)
    prod = k3 * q[None, :, :]
    s0 = jnp.sum(prod[:, :, :128], axis=-1)
    s1 = jnp.sum(prod[:, :, 128:], axis=-1)
    msk = nid_ref[...] == 0
    neg = jnp.float32(-1e10)
    s0 = jnp.where(msk, neg, s0)
    s1 = jnp.where(msk, neg, s1)
    e0 = jnp.exp(s0 - jnp.max(s0, axis=0, keepdims=True))
    w0 = e0 / jnp.sum(e0, axis=0, keepdims=True)
    e1 = jnp.exp(s1 - jnp.max(s1, axis=0, keepdims=True))
    w1 = e1 / jnp.sum(e1, axis=0, keepdims=True)
    ao0 = jnp.sum(w0[:, :, None] * v3[:, :, :128], axis=0)
    ao1 = jnp.sum(w1[:, :, None] * v3[:, :, 128:], axis=0)
    ao = jnp.concatenate([ao0, ao1], axis=1).astype(bf16)
    o = jnp.dot(ao, wr_ref[...], preferred_element_type=f32) + brp_ref[...]
    resid = jnp.concatenate(
        [conv_f, jnp.broadcast_to(rtail_ref[...], (TM, 128))], axis=1)
    x = resid + o
    inv = 1.0 / QD
    mean = jnp.sum(x, axis=1, keepdims=True) * inv
    var = jnp.sum(x * x, axis=1, keepdims=True) * inv - mean * mean
    ln = (x - mean) * lax.rsqrt(var + 1e-5) * g_ref[...] + b_ref[...]
    xcat = jnp.concatenate(
        [ln.astype(bf16), _unpack(raw_ref[...]).astype(bf16)],
        axis=1)
    h = jnp.maximum(
        jnp.dot(xcat, f1_ref[...], preferred_element_type=f32) + f1b_ref[...],
        0.0).astype(bf16)
    out_ref[...] = (
        jnp.dot(h, f2_ref[...], preferred_element_type=f32) + f2b_ref[...])


def _dense_layer(conv, raw, nbr3, ef3, dt, nid, W, in_packed,
                 interpret=False):
    M = conv.shape[0]
    KK = nbr3.shape[0]
    TM = 256
    QD = W["QD"]
    grid = (M // TM,)
    CW = 64 if in_packed else 128

    def tile(i):
        return (i, 0)

    def tile3(i):
        return (0, i, 0)

    def tile2(i):
        return (0, i)

    def full2(i):
        return (0, 0)

    wnames = ["wkc", "wvc", "wqn", "qc", "tw", "tb",
              "wr", "brp", "g", "b", "rtail", "f1", "f1b", "f2", "f2b"]
    wspecs = [pl.BlockSpec(W[n].shape, full2) for n in wnames]
    body = functools.partial(_dense_body, TM=TM, KK=KK, QD=float(QD),
                             in_packed=in_packed)
    out_shape = jax.ShapeDtypeStruct((M, 128), jnp.float32)
    out_spec = pl.BlockSpec((TM, 128), tile)
    ED = ef3.shape[2]
    return pl.pallas_call(
        body,
        grid=grid,
        in_specs=[
            pl.BlockSpec((TM, CW), tile),
            pl.BlockSpec((TM, 64), tile),
            pl.BlockSpec((KK, TM, CW), tile3),
            pl.BlockSpec((KK, TM, ED), tile3),
            pl.BlockSpec((KK, TM), tile2),
            pl.BlockSpec((KK, TM), tile2),
        ] + wspecs,
        out_specs=out_spec,
        out_shape=out_shape,
        compiler_params=pltpu.CompilerParams(
            dimension_semantics=("parallel",)),
        interpret=interpret,
    )(conv, raw, nbr3, ef3, dt, nid, *[W[n] for n in wnames])




def _prep_weights(i, time_w, time_b, Wq, Wk, Wv, Wr, br, ln_g, ln_b,
                  fc1_w, fc1_b, fc2_w, fc2_b, ND, ED, TD):
    QD = ND + TD
    HD = QD // 2
    scale = HD ** -0.5
    f32 = jnp.float32

    def headpad(Wc):
        z = jnp.zeros((Wc.shape[0], 128 - HD), f32)
        return jnp.concatenate([Wc[:, :HD], z, Wc[:, HD:], z], axis=1)

    ntf = jnp.cos(time_b)[None, :]
    W = {"QD": QD}
    W["wqn"] = headpad(Wq[i][:ND]) * scale
    W["qc"] = headpad(ntf @ Wq[i][ND:]) * scale
    zet = jnp.zeros((128 - ED - TD, QD), f32)
    wet_k = jnp.concatenate([Wk[i][ND:ND + ED], Wk[i][ND + ED:], zet], axis=0)
    wet_v = jnp.concatenate([Wv[i][ND:ND + ED], Wv[i][ND + ED:], zet], axis=0)
    W["wkc"] = jnp.concatenate(
        [headpad(Wk[i][:ND]), headpad(wet_k)], axis=0)
    W["wvc"] = jnp.concatenate(
        [headpad(Wv[i][:ND]), headpad(wet_v)], axis=0)
    zh = jnp.zeros((128 - HD, QD), f32)
    wr = jnp.concatenate([Wr[i][:HD], zh, Wr[i][HD:], zh], axis=0)
    W["wr"] = jnp.concatenate([wr, jnp.zeros((256, 256 - QD), f32)], axis=1)
    zq = jnp.zeros((1, 256 - QD), f32)
    W["brp"] = jnp.concatenate([br[i][None], zq], axis=1)
    W["g"] = jnp.concatenate([ln_g[i][None], zq], axis=1)
    W["b"] = jnp.concatenate([ln_b[i][None], zq], axis=1)
    W["rtail"] = jnp.concatenate(
        [ntf, jnp.zeros((1, 128 - TD), f32)], axis=1)
    W["tw"] = jnp.concatenate(
        [time_w, jnp.zeros((1, 128 - ED - TD), f32)], axis=1).astype(
            jnp.bfloat16)
    W["tb"] = jnp.concatenate(
        [time_b[None], jnp.zeros((1, 128 - ED - TD), f32)], axis=1).astype(
            jnp.bfloat16)
    W["f1"] = jnp.concatenate(
        [fc1_w[i][:QD], jnp.zeros((256 - QD, ND), f32), fc1_w[i][QD:]],
        axis=0)
    W["f1b"] = fc1_b[i][None]
    W["f2"] = fc2_w[i]
    W["f2b"] = fc2_b[i][None]
    for n in ("wqn", "wkc", "wvc", "wr", "f1", "f2"):
        W[n] = W[n].astype(jnp.bfloat16)
    return W




def kernel(src_node_ids, dst_node_ids, node_interact_times, num_neighbors,
           node_raw_features, edge_raw_features, neighbor_node_table,
           neighbor_edge_table, neighbor_time_table, time_w, time_b,
           Wq, Wk, Wv, Wr, br, ln_g, ln_b, fc1_w, fc1_b, fc2_w, fc2_b):
    del num_neighbors
    N1, ND = node_raw_features.shape
    ED = edge_raw_features.shape[1]
    KK = neighbor_node_table.shape[1]
    TD = time_w.shape[1]
    B = src_node_ids.shape[0]
    i32 = jnp.int32

    wargs = (time_w, time_b, Wq, Wk, Wv, Wr, br, ln_g, ln_b,
             fc1_w, fc1_b, fc2_w, fc2_b, ND, ED, TD)
    W0 = _prep_weights(0, *wargs)
    W1 = _prep_weights(1, *wargs)

    def pack(x):
        c = lax.bitcast_convert_type(
            x.astype(jnp.bfloat16), jnp.uint16).astype(jnp.uint32)
        half = x.shape[1] // 2
        return lax.bitcast_convert_type(
            c[:, :half] | (c[:, half:] << 16), i32)

    node_p = pack(node_raw_features)
    edge_p = edge_raw_features

    tbits = lax.bitcast_convert_type(neighbor_time_table, i32)
    comb = jnp.concatenate(
        [neighbor_node_table.astype(i32), neighbor_edge_table.astype(i32),
         tbits, jnp.zeros((N1, 64 - 3 * KK), i32)], axis=1)

    g_ids = jnp.concatenate([src_node_ids, dst_node_ids]).astype(i32)
    t_g = jnp.concatenate([node_interact_times, node_interact_times])

    rowsA = _sc_gather(comb, g_ids)
    nbr1 = rowsA[:, :KK]
    eids1 = rowsA[:, KK:2 * KK]
    t1 = lax.bitcast_convert_type(rowsA[:, 2 * KK:3 * KK], jnp.float32)

    ids1 = jnp.concatenate([g_ids, nbr1.T.reshape(-1)])
    times1 = jnp.concatenate([t_g, t1.T.reshape(-1)])
    M1 = ids1.shape[0]

    rowsB = _sc_gather(comb, ids1)
    nbr2T = rowsB[:, :KK].T
    eids2T = rowsB[:, KK:2 * KK].T
    t2T = lax.bitcast_convert_type(rowsB[:, 2 * KK:3 * KK], jnp.float32).T

    selfraw = _sc_gather(node_p, ids1)
    nbrraw = _sc_gather(node_p, nbr2T.reshape(-1))
    ef2 = _sc_gather(edge_p, eids2T.reshape(-1))
    ef1 = _sc_gather(edge_p, eids1.T.reshape(-1))

    dt2 = times1[None, :] - t2T
    dt1 = t_g[None, :] - t1.T

    h1 = _dense_layer(selfraw, selfraw,
                      nbrraw.reshape(KK, M1, ND // 2),
                      ef2.reshape(KK, M1, ED),
                      dt2, nbr2T, W0, in_packed=True)
    out = _dense_layer(h1[:2 * B], selfraw[:2 * B],
                       h1[2 * B:].reshape(KK, 2 * B, ND),
                       ef1.reshape(KK, 2 * B, ED),
                       dt1, nbr1.T, W1, in_packed=False)
    return (out[:B], out[B:])

# --- scband reference (transcript-rebuilt; emitter-appended) ---
"""Pipeline reference for scband-tgat-146028888478 (READ-ONLY COPY).

The authoritative reference and input builder live on the scoring server;
editing this copy changes nothing except your own understanding.
"""

import jax, jax.numpy as jnp
import numpy as np

NODE_DIM = 128
EDGE_DIM = 16
TIME_DIM = 100
H = 2
L = 2
K = 20
QDIM = NODE_DIM + TIME_DIM
KDIM = NODE_DIM + EDGE_DIM + TIME_DIM
HD = QDIM // H


def _time_encode(ts, w, b):
    # ts: (..., Lseq) -> (..., Lseq, TIME_DIM); w: (1, TIME_DIM), b: (TIME_DIM,)
    return jnp.cos(ts[..., None] * w[0] + b)


def _layer_norm(x, g, b):
    m = jnp.mean(x, axis=-1, keepdims=True)
    v = jnp.var(x, axis=-1, keepdims=True)
    return (x - m) / jnp.sqrt(v + 1e-5) * g + b


def _compute(node_ids, times, layer, P):
    node_raw = P['node_raw'][node_ids]
    if layer == 0:
        return node_raw
    M = node_ids.shape[0]
    node_conv = _compute(node_ids, times, layer - 1, P)
    nbr_ids = P['nbr_tab'][node_ids]
    nbr_eids = P['edge_tab'][node_ids]
    nbr_times = P['time_tab'][node_ids]
    nbr_conv = _compute(nbr_ids.reshape(-1), nbr_times.reshape(-1), layer - 1, P).reshape(M, K, NODE_DIM)
    i = layer - 1
    node_tf = _time_encode(jnp.zeros((M, 1), jnp.float32), P['tw'], P['tb'])
    nbr_tf = _time_encode(times[:, None] - nbr_times, P['tw'], P['tb'])
    nbr_ef = P['edge_raw'][nbr_eids]
    query = jnp.concatenate([node_conv[:, None, :], node_tf], axis=2)
    residual = query
    keyv = jnp.concatenate([nbr_conv, nbr_ef, nbr_tf], axis=2)
    q = (query @ P['Wq'][i]).reshape(M, 1, H, HD)
    k = (keyv @ P['Wk'][i]).reshape(M, K, H, HD)
    v = (keyv @ P['Wv'][i]).reshape(M, K, H, HD)
    att = jnp.einsum('blhd,bnhd->bhln', q, k) * (HD ** -0.5)
    mask = (nbr_ids == 0)[:, None, None, :]
    att = jnp.where(mask, jnp.float32(-1e10), att)
    sc = jax.nn.softmax(att, axis=-1)
    ao = jnp.einsum('bhln,bnhd->blhd', sc, v).reshape(M, 1, H * HD)
    ao = ao @ P['Wr'][i] + P['br'][i]
    out = _layer_norm(residual + ao, P['lg'][i], P['lb'][i])[:, 0, :]
    x = jnp.concatenate([out, node_raw], axis=1)
    h = jax.nn.relu(x @ P['f1w'][i] + P['f1b'][i])
    return h @ P['f2w'][i] + P['f2b'][i]


def setup_inputs(seed: int = 0):
    key = jax.random.key(seed)
    ks = jax.random.split(key, 16)
    B = 2048
    N = 50000
    NE = 800000

    def nrm(k, shape, s=0.05):
        return jax.random.normal(k, shape, jnp.float32) * s

    time_w = (1.0 / (10.0 ** jnp.linspace(0.0, 9.0, TIME_DIM))).reshape(1, TIME_DIM).astype(jnp.float32)
    inp = dict(
        src_node_ids=jax.random.randint(ks[0], (B,), 0, N + 1),
        dst_node_ids=jax.random.randint(ks[1], (B,), 0, N + 1),
        node_interact_times=jax.random.uniform(ks[2], (B,), jnp.float32),
        num_neighbors=K,
        node_raw_features=nrm(ks[3], (N + 1, NODE_DIM), 1.0),
        edge_raw_features=nrm(ks[4], (NE + 1, EDGE_DIM), 1.0),
        neighbor_node_table=jax.random.randint(ks[5], (N + 1, K), 0, N + 1),
        neighbor_edge_table=jax.random.randint(ks[6], (N + 1, K), 0, NE + 1),
        neighbor_time_table=jax.random.uniform(ks[7], (N + 1, K), jnp.float32),
        time_w=time_w,
        time_b=jnp.zeros((TIME_DIM,), jnp.float32),
        Wq=nrm(ks[8], (L, QDIM, H * HD)),
        Wk=nrm(ks[9], (L, KDIM, H * HD)),
        Wv=nrm(ks[10], (L, KDIM, H * HD)),
        Wr=nrm(ks[11], (L, H * HD, QDIM)),
        br=jnp.zeros((L, QDIM), jnp.float32),
        ln_g=jnp.ones((L, QDIM), jnp.float32),
        ln_b=jnp.zeros((L, QDIM), jnp.float32),
        fc1_w=nrm(ks[12], (L, QDIM + NODE_DIM, NODE_DIM)),
        fc1_b=jnp.zeros((L, NODE_DIM), jnp.float32),
        fc2_w=nrm(ks[13], (L, NODE_DIM, NODE_DIM)),
        fc2_b=jnp.zeros((L, NODE_DIM), jnp.float32),
    )
    return inp


def reference(src_node_ids, dst_node_ids, node_interact_times, num_neighbors,
              node_raw_features, edge_raw_features, neighbor_node_table,
              neighbor_edge_table, neighbor_time_table, time_w, time_b,
              Wq, Wk, Wv, Wr, br, ln_g, ln_b, fc1_w, fc1_b, fc2_w, fc2_b):
    P = dict(node_raw=node_raw_features, edge_raw=edge_raw_features,
             nbr_tab=neighbor_node_table, edge_tab=neighbor_edge_table,
             time_tab=neighbor_time_table, tw=time_w, tb=time_b,
             Wq=Wq, Wk=Wk, Wv=Wv, Wr=Wr, br=br, lg=ln_g, lb=ln_b,
             f1w=fc1_w, f1b=fc1_b, f2w=fc2_w, f2b=fc2_b)
    src = _compute(src_node_ids, node_interact_times, L, P)
    dst = _compute(dst_node_ids, node_interact_times, L, P)
    return (src, dst)

if __name__ == "__main__":
    import jax
    _d = setup_inputs()
    print(jax.jit(kernel)(*tuple(_d.values())))

</pallas_src>

<mosaic_0001>
#map = affine_map<(d0, d1) -> (0, 0)>
module attributes {stable_mosaic.version = 14 : i64} {
  func.func @gk(%arg0: i32, %arg1: i32, %arg2: memref<50001x64xi32, #tpu.memory_space<hbm>>, %arg3: memref<32x128xi32, #tpu.memory_space<hbm>>, %arg4: memref<4096x64xi32, #tpu.memory_space<hbm>>, %arg5: memref<1x128xi32, #tpu.memory_space<vmem>>, %arg6: memref<128x64xi32, #tpu.memory_space<vmem>>, %arg7: memref<!tpu.dma_semaphore, #tpu.memory_space<semaphore_mem>>) attributes {dimension_semantics = [#tpu.dimension_semantics<core_parallel>, #tpu.dimension_semantics<subcore_parallel>], iteration_bounds = array<i64: 2, 16>, scalar_prefetch = 0 : i64, scratch_operands = 3 : i64, tpu.core_type = #tpu.core_type<sc_vector_subcore>, window_params = [{transform_indices = #map}, {transform_indices = #map}, {transform_indices = #map}]} {
    %mul3A = arith.constant 2 : i32
    %mul3A_0 = arith.muli %arg1, %mul3A : i32
    %add3A = arith.addi %mul3A_0, %arg0 : i32
    %mul3A_1 = arith.constant 1 : i32
    %mul3A_2 = arith.muli %add3A, %mul3A_1 : i32
    "tpu.region"() ({
      %run_scoped3A = tpu.sem_alloc : memref<!tpu.dma_semaphore, #tpu.memory_space<semaphore_mem>>
      %dma_start3A_28 = arith.constant 0 : i32
      %dma_start3A_29 = tpu.memref_slice %arg3[%mul3A_2, %dma_start3A_28] : memref<32x128xi32, #tpu.memory_space<hbm>> -> memref<1x128xi32, #tpu.memory_space<hbm>>
      %dma_start3A_30 = arith.constant 0 : i32
      %dma_start3A_31 = tpu.memref_slice %arg3[%mul3A_2, %dma_start3A_30] : memref<32x128xi32, #tpu.memory_space<hbm>> -> memref<1x128xi32, #tpu.memory_space<hbm>>
      tpu.enqueue_dma source(%dma_start3A_31 : memref<1x128xi32, #tpu.memory_space<hbm>>) target(%arg5 : memref<1x128xi32, #tpu.memory_space<vmem>>) target_semaphore(%run_scoped3A : memref<!tpu.dma_semaphore, #tpu.memory_space<semaphore_mem>>)
      %dma_wait3A_32 = arith.constant 0 : i32
      %dma_wait3A_33 = tpu.memref_slice %arg3[%mul3A_2, %dma_wait3A_32] : memref<32x128xi32, #tpu.memory_space<hbm>> -> memref<1x128xi32, #tpu.memory_space<hbm>>
      %dma_wait3A_34 = arith.constant 0 : i32
      %dma_wait3A_35 = tpu.memref_slice %arg3[%mul3A_2, %dma_wait3A_34] : memref<32x128xi32, #tpu.memory_space<hbm>> -> memref<1x128xi32, #tpu.memory_space<hbm>>
      tpu.wait_dma2 semaphore(%run_scoped3A : memref<!tpu.dma_semaphore, #tpu.memory_space<semaphore_mem>>) src(%dma_wait3A_35 : memref<1x128xi32, #tpu.memory_space<hbm>>) dst(%arg5 : memref<1x128xi32, #tpu.memory_space<vmem>>)
      tpu.yield
    }) : () -> ()
    %scan3A = arith.constant 0 : i32
    %scan3A_3 = arith.constant 0 : i32
    %mul3A_4 = arith.constant 1 : i32
    %mul3A_5 = arith.muli %scan3A_3, %mul3A_4 : i32
    %add3A_6 = arith.constant 0 : i32
    %add3A_7 = arith.addi %mul3A_5, %add3A_6 : i32
    %dma_start3A = arith.constant 0 : i32
    %dma_start3A_8 = arith.constant 0 : i32
    %dma_start3A_9 = tpu.memref_slice %arg6[%dma_start3A, %dma_start3A_8] : memref<128x64xi32, #tpu.memory_space<vmem>> -> memref<128x64xi32, #tpu.memory_space<vmem>>
    %dma_start3A_10 = arith.constant 0 : i32
    %dma_start3A_11 = tpu.memref_slice %arg5[%add3A_7, %dma_start3A_10] : memref<1x128xi32, #tpu.memory_space<vmem>> -> memref<1x128xi32, #tpu.memory_space<vmem>>
    %dma_start3A_12 = tpu.memref_squeeze %dma_start3A_11 : memref<1x128xi32, #tpu.memory_space<vmem>> -> memref<128xi32, #tpu.memory_space<vmem>>
    %dma_start3A_13 = arith.constant 0 : i32
    %dma_start3A_14 = arith.constant 0 : i32
    %dma_start3A_15 = tpu.memref_slice %arg2[%dma_start3A_13, %dma_start3A_14] : memref<50001x64xi32, #tpu.memory_space<hbm>> -> memref<50001x64xi32, #tpu.memory_space<hbm>>
    tpu.enqueue_indirect_dma source(%dma_start3A_15 : memref<50001x64xi32, #tpu.memory_space<hbm>>) target(%dma_start3A_9 : memref<128x64xi32, #tpu.memory_space<vmem>>) offsets(%dma_start3A_12 : memref<128xi32, #tpu.memory_space<vmem>>) semaphore(%arg7 : memref<!tpu.dma_semaphore, #tpu.memory_space<semaphore_mem>>)
    %dma_wait3A = arith.constant 0 : i32
    %dma_wait3A_16 = arith.constant 0 : i32
    %dma_wait3A_17 = tpu.memref_slice %arg6[%dma_wait3A, %dma_wait3A_16] : memref<128x64xi32, #tpu.memory_space<vmem>> -> memref<128x64xi32, #tpu.memory_space<vmem>>
    %dma_wait3A_18 = arith.constant 0 : i32
    %dma_wait3A_19 = tpu.memref_slice %arg5[%add3A_7, %dma_wait3A_18] : memref<1x128xi32, #tpu.memory_space<vmem>> -> memref<1x128xi32, #tpu.memory_space<vmem>>
    %dma_wait3A_20 = tpu.memref_squeeze %dma_wait3A_19 : memref<1x128xi32, #tpu.memory_space<vmem>> -> memref<128xi32, #tpu.memory_space<vmem>>
    %dma_wait3A_21 = arith.constant 0 : i32
    %dma_wait3A_22 = arith.constant 0 : i32
    %dma_wait3A_23 = tpu.memref_slice %arg2[%dma_wait3A_21, %dma_wait3A_22] : memref<50001x64xi32, #tpu.memory_space<hbm>> -> memref<50001x64xi32, #tpu.memory_space<hbm>>
    tpu.wait_indirect_dma semaphore(%arg7 : memref<!tpu.dma_semaphore, #tpu.memory_space<semaphore_mem>>) src(%dma_wait3A_23 : memref<50001x64xi32, #tpu.memory_space<hbm>>) dst(%dma_wait3A_17 : memref<128x64xi32, #tpu.memory_space<vmem>>)
    %add3A_24 = arith.addi %mul3A_2, %mul3A_5 : i32
    %mul3A_25 = arith.constant 128 : i32
    %mul3A_26 = arith.muli %add3A_24, %mul3A_25 : i32
    "tpu.region"() ({
      %run_scoped3A = tpu.sem_alloc : memref<!tpu.dma_semaphore, #tpu.memory_space<semaphore_mem>>
      %dma_start3A_28 = arith.constant 0 : i32
      %dma_start3A_29 = tpu.memref_slice %arg4[%mul3A_26, %dma_start3A_28] : memref<4096x64xi32, #tpu.memory_space<hbm>> -> memref<128x64xi32, #tpu.memory_space<hbm>>
      %dma_start3A_30 = arith.constant 0 : i32
      %dma_start3A_31 = tpu.memref_slice %arg4[%mul3A_26, %dma_start3A_30] : memref<4096x64xi32, #tpu.memory_space<hbm>> -> memref<128x64xi32, #tpu.memory_space<hbm>>
      tpu.enqueue_dma source(%arg6 : memref<128x64xi32, #tpu.memory_space<vmem>>) target(%dma_start3A_31 : memref<128x64xi32, #tpu.memory_space<hbm>>) target_semaphore(%run_scoped3A : memref<!tpu.dma_semaphore, #tpu.memory_space<semaphore_mem>>)
      %dma_wait3A_32 = arith.constant 0 : i32
      %dma_wait3A_33 = tpu.memref_slice %arg4[%mul3A_26, %dma_wait3A_32] : memref<4096x64xi32, #tpu.memory_space<hbm>> -> memref<128x64xi32, #tpu.memory_space<hbm>>
      %dma_wait3A_34 = arith.constant 0 : i32
      %dma_wait3A_35 = tpu.memref_slice %arg4[%mul3A_26, %dma_wait3A_34] : memref<4096x64xi32, #tpu.memory_space<hbm>> -> memref<128x64xi32, #tpu.memory_space<hbm>>
      tpu.wait_dma2 semaphore(%run_scoped3A : memref<!tpu.dma_semaphore, #tpu.memory_space<semaphore_mem>>) src(%arg6 : memref<128x64xi32, #tpu.memory_space<vmem>>) dst(%dma_wait3A_35 : memref<128x64xi32, #tpu.memory_space<hbm>>)
      tpu.yield
    }) : () -> ()
    %scan3A_27 = arith.constant 1 : i32
    return
  }
}

#map = affine_map<(d0, d1) -> (0, 0)>
module attributes {stable_mosaic.version = 14 : i64} {
  func.func @gk(%arg0: i32, %arg1: i32, %arg2: memref<800001x16xf32, #tpu.memory_space<hbm>>, %arg3: memref<640x128xi32, #tpu.memory_space<hbm>>, %arg4: memref<81920x16xf32, #tpu.memory_space<hbm>>, %arg5: memref<20x128xi32, #tpu.memory_space<vmem>>, %arg6: memref<1280x16xf32, #tpu.memory_space<vmem>>, %arg7: memref<!tpu.dma_semaphore, #tpu.memory_space<semaphore_mem>>) attributes {dimension_semantics = [#tpu.dimension_semantics<core_parallel>, #tpu.dimension_semantics<subcore_parallel>], iteration_bounds = array<i64: 2, 16>, scalar_prefetch = 0 : i64, scratch_operands = 3 : i64, tpu.core_type = #tpu.core_type<sc_vector_subcore>, window_params = [{transform_indices = #map}, {transform_indices = #map}, {transform_indices = #map}]} {
    %mul3A = arith.constant 2 : i32
    %mul3A_0 = arith.muli %arg1, %mul3A : i32
    %add3A = arith.addi %mul3A_0, %arg0 : i32
    %mul3A_1 = arith.constant 20 : i32
    %mul3A_2 = arith.muli %add3A, %mul3A_1 : i32
    "tpu.region"() ({
      %run_scoped3A = tpu.sem_alloc : memref<!tpu.dma_semaphore, #tpu.memory_space<semaphore_mem>>
      %dma_start3A = arith.constant 0 : i32
      %dma_start3A_8 = tpu.memref_slice %arg3[%mul3A_2, %dma_start3A] : memref<640x128xi32, #tpu.memory_space<hbm>> -> memref<20x128xi32, #tpu.memory_space<hbm>>
      %dma_start3A_9 = arith.constant 0 : i32
      %dma_start3A_10 = tpu.memref_slice %arg3[%mul3A_2, %dma_start3A_9] : memref<640x128xi32, #tpu.memory_space<hbm>> -> memref<20x128xi32, #tpu.memory_space<hbm>>
      tpu.enqueue_dma source(%dma_start3A_10 : memref<20x128xi32, #tpu.memory_space<hbm>>) target(%arg5 : memref<20x128xi32, #tpu.memory_space<vmem>>) target_semaphore(%run_scoped3A : memref<!tpu.dma_semaphore, #tpu.memory_space<semaphore_mem>>)
      %dma_wait3A = arith.constant 0 : i32
      %dma_wait3A_11 = tpu.memref_slice %arg3[%mul3A_2, %dma_wait3A] : memref<640x128xi32, #tpu.memory_space<hbm>> -> memref<20x128xi32, #tpu.memory_space<hbm>>
      %dma_wait3A_12 = arith.constant 0 : i32
      %dma_wait3A_13 = tpu.memref_slice %arg3[%mul3A_2, %dma_wait3A_12] : memref<640x128xi32, #tpu.memory_space<hbm>> -> memref<20x128xi32, #tpu.memory_space<hbm>>
      tpu.wait_dma2 semaphore(%run_scoped3A : memref<!tpu.dma_semaphore, #tpu.memory_space<semaphore_mem>>) src(%dma_wait3A_13 : memref<20x128xi32, #tpu.memory_space<hbm>>) dst(%arg5 : memref<20x128xi32, #tpu.memory_space<vmem>>)
      tpu.yield
    }) : () -> ()
    %scan3A = arith.constant 0 : i32
    %scan3A_3 = arith.constant 0 : i32
    %scan3A_4 = arith.constant 2 : i32
    %scan3A_5 = arith.addi %scan3A_3, %scan3A_4 : i32
    %scan3A_6 = arith.constant 1 : i32
    scf.for %scan3A_8 = %scan3A_3 to %scan3A_5 step %scan3A_6  : i32 {
      %mul3A_9 = arith.constant 10 : i32
      %mul3A_10 = arith.muli %scan3A_8, %mul3A_9 : i32
      %add3A_11 = arith.constant 0 : i32
      %add3A_12 = arith.addi %mul3A_10, %add3A_11 : i32
      %dma_start3A = arith.constant 0 : i32
      %dma_start3A_13 = arith.constant 0 : i32
      %dma_start3A_14 = tpu.memref_slice %arg6[%dma_start3A, %dma_start3A_13] : memref<1280x16xf32, #tpu.memory_space<vmem>> -> memref<128x16xf32, #tpu.memory_space<vmem>>
      %dma_start3A_15 = arith.constant 0 : i32
      %dma_start3A_16 = tpu.memref_slice %arg5[%add3A_12, %dma_start3A_15] : memref<20x128xi32, #tpu.memory_space<vmem>> -> memref<1x128xi32, #tpu.memory_space<vmem>>
      %dma_start3A_17 = tpu.memref_squeeze %dma_start3A_16 : memref<1x128xi32, #tpu.memory_space<vmem>> -> memref<128xi32, #tpu.memory_space<vmem>>
      %dma_start3A_18 = arith.constant 0 : i32
      %dma_start3A_19 = arith.constant 0 : i32
      %dma_start3A_20 = tpu.memref_slice %arg2[%dma_start3A_18, %dma_start3A_19] : memref<800001x16xf32, #tpu.memory_space<hbm>> -> memref<800001x16xf32, #tpu.memory_space<hbm>>
      tpu.enqueue_indirect_dma source(%dma_start3A_20 : memref<800001x16xf32, #tpu.memory_space<hbm>>) target(%dma_start3A_14 : memref<128x16xf32, #tpu.memory_space<vmem>>) offsets(%dma_start3A_17 : memref<128xi32, #tpu.memory_space<vmem>>) semaphore(%arg7 : memref<!tpu.dma_semaphore, #tpu.memory_space<semaphore_mem>>)
      %add3A_21 = arith.constant 1 : i32
      %add3A_22 = arith.addi %mul3A_10, %add3A_21 : i32
      %dma_start3A_23 = arith.constant 128 : i32
      %dma_start3A_24 = arith.constant 0 : i32
      %dma_start3A_25 = tpu.memref_slice %arg6[%dma_start3A_23, %dma_start3A_24] : memref<1280x16xf32, #tpu.memory_space<vmem>> -> memref<128x16xf32, #tpu.memory_space<vmem>>
      %dma_start3A_26 = arith.constant 0 : i32
      %dma_start3A_27 = tpu.memref_slice %arg5[%add3A_22, %dma_start3A_26] : memref<20x128xi32, #tpu.memory_space<vmem>> -> memref<1x128xi32, #tpu.memory_space<vmem>>
      %dma_start3A_28 = tpu.memref_squeeze %dma_start3A_27 : memref<1x128xi32, #tpu.memory_space<vmem>> -> memref<128xi32, #tpu.memory_space<vmem>>
      %dma_start3A_29 = arith.constant 0 : i32
      %dma_start3A_30 = arith.constant 0 : i32
      %dma_start3A_31 = tpu.memref_slice %arg2[%dma_start3A_29, %dma_start3A_30] : memref<800001x16xf32, #tpu.memory_space<hbm>> -> memref<800001x16xf32, #tpu.memory_space<hbm>>
      tpu.enqueue_indirect_dma source(%dma_start3A_31 : memref<800001x16xf32, #tpu.memory_space<hbm>>) target(%dma_start3A_25 : memref<128x16xf32, #tpu.memory_space<vmem>>) offsets(%dma_start3A_28 : memref<128xi32, #tpu.memory_space<vmem>>) semaphore(%arg7 : memref<!tpu.dma_semaphore, #tpu.memory_space<semaphore_mem>>)
      %add3A_32 = arith.constant 2 : i32
      %add3A_33 = arith.addi %mul3A_10, %add3A_32 : i32
      %dma_start3A_34 = arith.constant 256 : i32
      %dma_start3A_35 = arith.constant 0 : i32
      %dma_start3A_36 = tpu.memref_slice %arg6[%dma_start3A_34, %dma_start3A_35] : memref<1280x16xf32, #tpu.memory_space<vmem>> -> memref<128x16xf32, #tpu.memory_space<vmem>>
      %dma_start3A_37 = arith.constant 0 : i32
      %dma_start3A_38 = tpu.memref_slice %arg5[%add3A_33, %dma_start3A_37] : memref<20x128xi32, #tpu.memory_space<vmem>> -> memref<1x128xi32, #tpu.memory_space<vmem>>
      %dma_start3A_39 = tpu.memref_squeeze %dma_start3A_38 : memref<1x128xi32, #tpu.memory_space<vmem>> -> memref<128xi32, #tpu.memory_space<vmem>>
      %dma_start3A_40 = arith.constant 0 : i32
      %dma_start3A_41 = arith.constant 0 : i32
      %dma_start3A_42 = tpu.memref_slice %arg2[%dma_start3A_40, %dma_start3A_41] : memref<800001x16xf32, #tpu.memory_space<hbm>> -> memref<800001x16xf32, #tpu.memory_space<hbm>>
      tpu.enqueue_indirect_dma source(%dma_start3A_42 : memref<800001x16xf32, #tpu.memory_space<hbm>>) target(%dma_start3A_36 : memref<128x16xf32, #tpu.memory_space<vmem>>) offsets(%dma_start3A_39 : memref<128xi32, #tpu.memory_space<vmem>>) semaphore(%arg7 : memref<!tpu.dma_semaphore, #tpu.memory_space<semaphore_mem>>)
      %add3A_43 = arith.constant 3 : i32
      %add3A_44 = arith.addi %mul3A_10, %add3A_43 : i32
      %dma_start3A_45 = arith.constant 384 : i32
      %dma_start3A_46 = arith.constant 0 : i32
      %dma_start3A_47 = tpu.memref_slice %arg6[%dma_start3A_45, %dma_start3A_46] : memref<1280x16xf32, #tpu.memory_space<vmem>> -> memref<128x16xf32, #tpu.memory_space<vmem>>
      %dma_start3A_48 = arith.constant 0 : i32
      %dma_start3A_49 = tpu.memref_slice %arg5[%add3A_44, %dma_start3A_48] : memref<20x128xi32, #tpu.memory_space<vmem>> -> memref<1x128xi32, #tpu.memory_space<vmem>>
      %dma_start3A_50 = tpu.memref_squeeze %dma_start3A_49 : memref<1x128xi32, #tpu.memory_space<vmem>> -> memref<128xi32, #tpu.memory_space<vmem>>
      %dma_start3A_51 = arith.constant 0 : i32
      %dma_start3A_52 = arith.constant 0 : i32
      %dma_start3A_53 = tpu.memref_slice %arg2[%dma_start3A_51, %dma_start3A_52] : memref<800001x16xf32, #tpu.memory_space<hbm>> -> memref<800001x16xf32, #tpu.memory_space<hbm>>
      tpu.enqueue_indirect_dma source(%dma_start3A_53 : memref<800001x16xf32, #tpu.memory_space<hbm>>) target(%dma_start3A_47 : memref<128x16xf32, #tpu.memory_space<vmem>>) offsets(%dma_start3A_50 : memref<128xi32, #tpu.memory_space<vmem>>) semaphore(%arg7 : memref<!tpu.dma_semaphore, #tpu.memory_space<semaphore_mem>>)
      %add3A_54 = arith.constant 4 : i32
      %add3A_55 = arith.addi %mul3A_10, %add3A_54 : i32
      %dma_start3A_56 = arith.constant 512 : i32
      %dma_start3A_57 = arith.constant 0 : i32
      %dma_start3A_58 = tpu.memref_slice %arg6[%dma_start3A_56, %dma_start3A_57] : memref<1280x16xf32, #tpu.memory_space<vmem>> -> memref<128x16xf32, #tpu.memory_space<vmem>>
      %dma_start3A_59 = arith.constant 0 : i32
      %dma_start3A_60 = tpu.memref_slice %arg5[%add3A_55, %dma_start3A_59] : memref<20x128xi32, #tpu.memory_space<vmem>> -> memref<1x128xi32, #tpu.memory_space<vmem>>
      %dma_start3A_61 = tpu.memref_squeeze %dma_start3A_60 : memref<1x128xi32, #tpu.memory_space<vmem>> -> memref<128xi32, #tpu.memory_space<vmem>>
      %dma_start3A_62 = arith.constant 0 : i32
      %dma_start3A_63 = arith.constant 0 : i32
      %dma_start3A_64 = tpu.memref_slice %arg2[%dma_start3A_62, %dma_start3A_63] : memref<800001x16xf32, #tpu.memory_space<hbm>> -> memref<800001x16xf32, #tpu.memory_space<hbm>>
      tpu.enqueue_indirect_dma source(%dma_start3A_64 : memref<800001x16xf32, #tpu.memory_space<hbm>>) target(%dma_start3A_58 : memref<128x16xf32, #tpu.memory_space<vmem>>) offsets(%dma_start3A_61 : memref<128xi32, #tpu.memory_space<vmem>>) semaphore(%arg7 : memref<!tpu.dma_semaphore, #tpu.memory_space<semaphore_mem>>)
      %add3A_65 = arith.constant 5 : i32
      %add3A_66 = arith.addi %mul3A_10, %add3A_65 : i32
      %dma_start3A_67 = arith.constant 640 : i32
      %dma_start3A_68 = arith.constant 0 : i32
      %dma_start3A_69 = tpu.memref_slice %arg6[%dma_start3A_67, %dma_start3A_68] : memref<1280x16xf32, #tpu.memory_space<vmem>> -> memref<128x16xf32, #tpu.memory_space<vmem>>
      %dma_start3A_70 = arith.constant 0 : i32
      %dma_start3A_71 = tpu.memref_slice %arg5[%add3A_66, %dma_start3A_70] : memref<20x128xi32, #tpu.memory_space<vmem>> -> memref<1x128xi32, #tpu.memory_space<vmem>>
      %dma_start3A_72 = tpu.memref_squeeze %dma_start3A_71 : memref<1x128xi32, #tpu.memory_space<vmem>> -> memref<128xi32, #tpu.memory_space<vmem>>
      %dma_start3A_73 = arith.constant 0 : i32
      %dma_start3A_74 = arith.constant 0 : i32
      %dma_start3A_75 = tpu.memref_slice %arg2[%dma_start3A_73, %dma_start3A_74] : memref<800001x16xf32, #tpu.memory_space<hbm>> -> memref<800001x16xf32, #tpu.memory_space<hbm>>
      tpu.enqueue_indirect_dma source(%dma_start3A_75 : memref<800001x16xf32, #tpu.memory_space<hbm>>) target(%dma_start3A_69 : memref<128x16xf32, #tpu.memory_space<vmem>>) offsets(%dma_start3A_72 : memref<128xi32, #tpu.memory_space<vmem>>) semaphore(%arg7 : memref<!tpu.dma_semaphore, #tpu.memory_space<semaphore_mem>>)
      %add3A_76 = arith.constant 6 : i32
      %add3A_77 = arith.addi %mul3A_10, %add3A_76 : i32
      %dma_start3A_78 = arith.constant 768 : i32
      %dma_start3A_79 = arith.constant 0 : i32
      %dma_start3A_80 = tpu.memref_slice %arg6[%dma_start3A_78, %dma_start3A_79] : memref<1280x16xf32, #tpu.memory_space<vmem>> -> memref<128x16xf32, #tpu.memory_space<vmem>>
      %dma_start3A_81 = arith.constant 0 : i32
      %dma_start3A_82 = tpu.memref_slice %arg5[%add3A_77, %dma_start3A_81] : memref<20x128xi32, #tpu.memory_space<vmem>> -> memref<1x128xi32, #tpu.memory_space<vmem>>
      %dma_start3A_83 = tpu.memref_squeeze %dma_start3A_82 : memref<1x128xi32, #tpu.memory_space<vmem>> -> memref<128xi32, #tpu.memory_space<vmem>>
      %dma_start3A_84 = arith.constant 0 : i32
      %dma_start3A_85 = arith.constant 0 : i32
      %dma_start3A_86 = tpu.memref_slice %arg2[%dma_start3A_84, %dma_start3A_85] : memref<800001x16xf32, #tpu.memory_space<hbm>> -> memref<800001x16xf32, #tpu.memory_space<hbm>>
      tpu.enqueue_indirect_dma source(%dma_start3A_86 : memref<800001x16xf32, #tpu.memory_space<hbm>>) target(%dma_start3A_80 : memref<128x16xf32, #tpu.memory_space<vmem>>) offsets(%dma_start3A_83 : memref<128xi32, #tpu.memory_space<vmem>>) semaphore(%arg7 : memref<!tpu.dma_semaphore, #tpu.memory_space<semaphore_mem>>)
      %add3A_87 = arith.constant 7 : i32
      %add3A_88 = arith.addi %mul3A_10, %add3A_87 : i32
      %dma_start3A_89 = arith.constant 896 : i32
      %dma_start3A_90 = arith.constant 0 : i32
      %dma_start3A_91 = tpu.memref_slice %arg6[%dma_start3A_89, %dma_start3A_90] : memref<1280x16xf32, #tpu.memory_space<vmem>> -> memref<128x16xf32, #tpu.memory_space<vmem>>
      %dma_start3A_92 = arith.constant 0 : i32
      %dma_start3A_93 = tpu.memref_slice %arg5[%add3A_88, %dma_start3A_92] : memref<20x128xi32, #tpu.memory_space<vmem>> -> memref<1x128xi32, #tpu.memory_space<vmem>>
      %dma_start3A_94 = tpu.memref_squeeze %dma_start3A_93 : memref<1x128xi32, #tpu.memory_space<vmem>> -> memref<128xi32, #tpu.memory_space<vmem>>
      %dma_start3A_95 = arith.constant 0 : i32
      %dma_start3A_96 = arith.constant 0 : i32
      %dma_start3A_97 = tpu.memref_slice %arg2[%dma_start3A_95, %dma_start3A_96] : memref<800001x16xf32, #tpu.memory_space<hbm>> -> memref<800001x16xf32, #tpu.memory_space<hbm>>
      tpu.enqueue_indirect_dma source(%dma_start3A_97 : memref<800001x16xf32, #tpu.memory_space<hbm>>) target(%dma_start3A_91 : memref<128x16xf32, #tpu.memory_space<vmem>>) offsets(%dma_start3A_94 : memref<128xi32, #tpu.memory_space<vmem>>) semaphore(%arg7 : memref<!tpu.dma_semaphore, #tpu.memory_space<semaphore_mem>>)
      %add3A_98 = arith.constant 8 : i32
      %add3A_99 = arith.addi %mul3A_10, %add3A_98 : i32
      %dma_start3A_100 = arith.constant 1024 : i32
      %dma_start3A_101 = arith.constant 0 : i32
      %dma_start3A_102 = tpu.memref_slice %arg6[%dma_start3A_100, %dma_start3A_101] : memref<1280x16xf32, #tpu.memory_space<vmem>> -> memref<128x16xf32, #tpu.memory_space<vmem>>
      %dma_start3A_103 = arith.constant 0 : i32
      %dma_start3A_104 = tpu.memref_slice %arg5[%add3A_99, %dma_start3A_103] : memref<20x128xi32, #tpu.memory_space<vmem>> -> memref<1x128xi32, #tpu.memory_space<vmem>>
      %dma_start3A_105 = tpu.memref_squeeze %dma_start3A_104 : memref<1x128xi32, #tpu.memory_space<vmem>> -> memref<128xi32, #tpu.memory_space<vmem>>
      %dma_start3A_106 = arith.constant 0 : i32
      %dma_start3A_107 = arith.constant 0 : i32
      %dma_start3A_108 = tpu.memref_slice %arg2[%dma_start3A_106, %dma_start3A_107] : memref<800001x16xf32, #tpu.memory_space<hbm>> -> memref<800001x16xf32, #tpu.memory_space<hbm>>
      tpu.enqueue_indirect_dma source(%dma_start3A_108 : memref<800001x16xf32, #tpu.memory_space<hbm>>) target(%dma_start3A_102 : memref<128x16xf32, #tpu.memory_space<vmem>>) offsets(%dma_start3A_105 : memref<128xi32, #tpu.memory_space<vmem>>) semaphore(%arg7 : memref<!tpu.dma_semaphore, #tpu.memory_space<semaphore_mem>>)
      %add3A_109 = arith.constant 9 : i32
      %add3A_110 = arith.addi %mul3A_10, %add3A_109 : i32
      %dma_start3A_111 = arith.constant 1152 : i32
      %dma_start3A_112 = arith.constant 0 : i32
      %dma_start3A_113 = tpu.memref_slice %arg6[%dma_start3A_111, %dma_start3A_112] : memref<1280x16xf32, #tpu.memory_space<vmem>> -> memref<128x16xf32, #tpu.memory_space<vmem>>
      %dma_start3A_114 = arith.constant 0 : i32
      %dma_start3A_115 = tpu.memref_slice %arg5[%add3A_110, %dma_start3A_114] : memref<20x128xi32, #tpu.memory_space<vmem>> -> memref<1x128xi32, #tpu.memory_space<vmem>>
      %dma_start3A_116 = tpu.memref_squeeze %dma_start3A_115 : memref<1x128xi32, #tpu.memory_space<vmem>> -> memref<128xi32, #tpu.memory_space<vmem>>
      %dma_start3A_117 = arith.constant 0 : i32
      %dma_start3A_118 = arith.constant 0 : i32
      %dma_start3A_119 = tpu.memref_slice %arg2[%dma_start3A_117, %dma_start3A_118] : memref<800001x16xf32, #tpu.memory_space<hbm>> -> memref<800001x16xf32, #tpu.memory_space<hbm>>
      tpu.enqueue_indirect_dma source(%dma_start3A_119 : memref<800001x16xf32, #tpu.memory_space<hbm>>) target(%dma_start3A_113 : memref<128x16xf32, #tpu.memory_space<vmem>>) offsets(%dma_start3A_116 : memref<128xi32, #tpu.memory_space<vmem>>) semaphore(%arg7 : memref<!tpu.dma_semaphore, #tpu.memory_space<semaphore_mem>>)
      %dma_wait3A = arith.constant 0 : i32
      %dma_wait3A_120 = arith.constant 0 : i32
      %dma_wait3A_121 = tpu.memref_slice %arg6[%dma_wait3A, %dma_wait3A_120] : memref<1280x16xf32, #tpu.memory_space<vmem>> -> memref<128x16xf32, #tpu.memory_space<vmem>>
      %dma_wait3A_122 = arith.constant 0 : i32
      %dma_wait3A_123 = tpu.memref_slice %arg5[%add3A_12, %dma_wait3A_122] : memref<20x128xi32, #tpu.memory_space<vmem>> -> memref<1x128xi32, #tpu.memory_space<vmem>>
      %dma_wait3A_124 = tpu.memref_squeeze %dma_wait3A_123 : memref<1x128xi32, #tpu.memory_space<vmem>> -> memref<128xi32, #tpu.memory_space<vmem>>
      %dma_wait3A_125 = arith.constant 0 : i32
      %dma_wait3A_126 = arith.constant 0 : i32
      %dma_wait3A_127 = tpu.memref_slice %arg2[%dma_wait3A_125, %dma_wait3A_126] : memref<800001x16xf32, #tpu.memory_space<hbm>> -> memref<800001x16xf32, #tpu.memory_space<hbm>>
      tpu.wait_indirect_dma semaphore(%arg7 : memref<!tpu.dma_semaphore, #tpu.memory_space<semaphore_mem>>) src(%dma_wait3A_127 : memref<800001x16xf32, #tpu.memory_space<hbm>>) dst(%dma_wait3A_121 : memref<128x16xf32, #tpu.memory_space<vmem>>)
      %dma_wait3A_128 = arith.constant 128 : i32
      %dma_wait3A_129 = arith.constant 0 : i32
      %dma_wait3A_130 = tpu.memref_slice %arg6[%dma_wait3A_128, %dma_wait3A_129] : memref<1280x16xf32, #tpu.memory_space<vmem>> -> memref<128x16xf32, #tpu.memory_space<vmem>>
      %dma_wait3A_131 = arith.constant 0 : i32
      %dma_wait3A_132 = tpu.memref_slice %arg5[%add3A_22, %dma_wait3A_131] : memref<20x128xi32, #tpu.memory_space<vmem>> -> memref<1x128xi32, #tpu.memory_space<vmem>>
      %dma_wait3A_133 = tpu.memref_squeeze %dma_wait3A_132 : memref<1x128xi32, #tpu.memory_space<vmem>> -> memref<128xi32, #tpu.memory_space<vmem>>
      %dma_wait3A_134 = arith.constant 0 : i32
      %dma_wait3A_135 = arith.constant 0 : i32
      %dma_wait3A_136 = tpu.memref_slice %arg2[%dma_wait3A_134, %dma_wait3A_135] : memref<800001x16xf32, #tpu.memory_space<hbm>> -> memref<800001x16xf32, #tpu.memory_space<hbm>>
      tpu.wait_indirect_dma semaphore(%arg7 : memref<!tpu.dma_semaphore, #tpu.memory_space<semaphore_mem>>) src(%dma_wait3A_136 : memref<800001x16xf32, #tpu.memory_space<hbm>>) dst(%dma_wait3A_130 : memref<128x16xf32, #tpu.memory_space<vmem>>)
      %dma_wait3A_137 = arith.constant 256 : i32
      %dma_wait3A_138 = arith.constant 0 : i32
      %dma_wait3A_139 = tpu.memref_slice %arg6[%dma_wait3A_137, %dma_wait3A_138] : memref<1280x16xf32, #tpu.memory_space<vmem>> -> memref<128x16xf32, #tpu.memory_space<vmem>>
      %dma_wait3A_140 = arith.constant 0 : i32
      %dma_wait3A_141 = tpu.memref_slice %arg5[%add3A_33, %dma_wait3A_140] : memref<20x128xi32, #tpu.memory_space<vmem>> -> memref<1x128xi32, #tpu.memory_space<vmem>>
      %dma_wait3A_142 = tpu.memref_squeeze %dma_wait3A_141 : memref<1x128xi32, #tpu.memory_space<vmem>> -> memref<128xi32, #tpu.memory_space<vmem>>
      %dma_wait3A_143 = arith.constant 0 : i32
      %dma_wait3A_144 = arith.constant 0 : i32
      %dma_wait3A_145 = tpu.memref_slice %arg2[%dma_wait3A_143, %dma_wait3A_144] : memref<800001x16xf32, #tpu.memory_space<hbm>> -> memref<800001x16xf32, #tpu.memory_space<hbm>>
      tpu.wait_indirect_dma semaphore(%arg7 : memref<!tpu.dma_semaphore, #tpu.memory_space<semaphore_mem>>) src(%dma_wait3A_145 : memref<800001x16xf32, #tpu.memory_space<hbm>>) dst(%dma_wait3A_139 : memref<128x16xf32, #tpu.memory_space<vmem>>)
      %dma_wait3A_146 = arith.constant 384 : i32
      %dma_wait3A_147 = arith.constant 0 : i32
      %dma_wait3A_148 = tpu.memref_slice %arg6[%dma_wait3A_146, %dma_wait3A_147] : memref<1280x16xf32, #tpu.memory_space<vmem>> -> memref<128x16xf32, #tpu.memory_space<vmem>>
      %dma_wait3A_149 = arith.constant 0 : i32
      %dma_wait3A_150 = tpu.memref_slice %arg5[%add3A_44, %dma_wait3A_149] : memref<20x128xi32, #tpu.memory_space<vmem>> -> memref<1x128xi32, #tpu.memory_space<vmem>>
      %dma_wait3A_151 = tpu.memref_squeeze %dma_wait3A_150 : memref<1x128xi32, #tpu.memory_space<vmem>> -> memref<128xi32, #tpu.memory_space<vmem>>
      %dma_wait3A_152 = arith.constant 0 : i32
      %dma_wait3A_153 = arith.constant 0 : i32
      %dma_wait3A_154 = tpu.memref_slice %arg2[%dma_wait3A_152, %dma_wait3A_153] : memref<800001x16xf32, #tpu.memory_space<hbm>> -> memref<800001x16xf32, #tpu.memory_space<hbm>>
      tpu.wait_indirect_dma semaphore(%arg7 : memref<!tpu.dma_semaphore, #tpu.memory_space<semaphore_mem>>) src(%dma_wait3A_154 : memref<800001x16xf32, #tpu.memory_space<hbm>>) dst(%dma_wait3A_148 : memref<128x16xf32, #tpu.memory_space<vmem>>)
      %dma_wait3A_155 = arith.constant 512 : i32
      %dma_wait3A_156 = arith.constant 0 : i32
      %dma_wait3A_157 = tpu.memref_slice %arg6[%dma_wait3A_155, %dma_wait3A_156] : memref<1280x16xf32, #tpu.memory_space<vmem>> -> memref<128x16xf32, #tpu.memory_space<vmem>>
      %dma_wait3A_158 = arith.constant 0 : i32
      %dma_wait3A_159 = tpu.memref_slice %arg5[%add3A_55, %dma_wait3A_158] : memref<20x128xi32, #tpu.memory_space<vmem>> -> memref<1x128xi32, #tpu.memory_space<vmem>>
      %dma_wait3A_160 = tpu.memref_squeeze %dma_wait3A_159 : memref<1x128xi32, #tpu.memory_space<vmem>> -> memref<128xi32, #tpu.memory_space<vmem>>
      %dma_wait3A_161 = arith.constant 0 : i32
      %dma_wait3A_162 = arith.constant 0 : i32
      %dma_wait3A_163 = tpu.memref_slice %arg2[%dma_wait3A_161, %dma_wait3A_162] : memref<800001x16xf32, #tpu.memory_space<hbm>> -> memref<800001x16xf32, #tpu.memory_space<hbm>>
      tpu.wait_indirect_dma semaphore(%arg7 : memref<!tpu.dma_semaphore, #tpu.memory_space<semaphore_mem>>) src(%dma_wait3A_163 : memref<800001x16xf32, #tpu.memory_space<hbm>>) dst(%dma_wait3A_157 : memref<128x16xf32, #tpu.memory_space<vmem>>)
      %dma_wait3A_164 = arith.constant 640 : i32
      %dma_wait3A_165 = arith.constant 0 : i32
      %dma_wait3A_166 = tpu.memref_slice %arg6[%dma_wait3A_164, %dma_wait3A_165] : memref<1280x16xf32, #tpu.memory_space<vmem>> -> memref<128x16xf32, #tpu.memory_space<vmem>>
      %dma_wait3A_167 = arith.constant 0 : i32
      %dma_wait3A_168 = tpu.memref_slice %arg5[%add3A_66, %dma_wait3A_167] : memref<20x128xi32, #tpu.memory_space<vmem>> -> memref<1x128xi32, #tpu.memory_space<vmem>>
      %dma_wait3A_169 = tpu.memref_squeeze %dma_wait3A_168 : memref<1x128xi32, #tpu.memory_space<vmem>> -> memref<128xi32, #tpu.memory_space<vmem>>
      %dma_wait3A_170 = arith.constant 0 : i32
      %dma_wait3A_171 = arith.constant 0 : i32
      %dma_wait3A_172 = tpu.memref_slice %arg2[%dma_wait3A_170, %dma_wait3A_171] : memref<800001x16xf32, #tpu.memory_space<hbm>> -> memref<800001x16xf32, #tpu.memory_space<hbm>>
      tpu.wait_indirect_dma semaphore(%arg7 : memref<!tpu.dma_semaphore, #tpu.memory_space<semaphore_mem>>) src(%dma_wait3A_172 : memref<800001x16xf32, #tpu.memory_space<hbm>>) dst(%dma_wait3A_166 : memref<128x16xf32, #tpu.memory_space<vmem>>)
      %dma_wait3A_173 = arith.constant 768 : i32
      %dma_wait3A_174 = arith.constant 0 : i32
      %dma_wait3A_175 = tpu.memref_slice %arg6[%dma_wait3A_173, %dma_wait3A_174] : memref<1280x16xf32, #tpu.memory_space<vmem>> -> memref<128x16xf32, #tpu.memory_space<vmem>>
      %dma_wait3A_176 = arith.constant 0 : i32
      %dma_wait3A_177 = tpu.memref_slice %arg5[%add3A_77, %dma_wait3A_176] : memref<20x128xi32, #tpu.memory_space<vmem>> -> memref<1x128xi32, #tpu.memory_space<vmem>>
      %dma_wait3A_178 = tpu.memref_squeeze %dma_wait3A_177 : memref<1x128xi32, #tpu.memory_space<vmem>> -> memref<128xi32, #tpu.memory_space<vmem>>
      %dma_wait3A_179 = arith.constant 0 : i32
      %dma_wait3A_180 = arith.constant 0 : i32
      %dma_wait3A_181 = tpu.memref_slice %arg2[%dma_wait3A_179, %dma_wait3A_180] : memref<800001x16xf32, #tpu.memory_space<hbm>> -> memref<800001x16xf32, #tpu.memory_space<hbm>>
      tpu.wait_indirect_dma semaphore(%arg7 : memref<!tpu.dma_semaphore, #tpu.memory_space<semaphore_mem>>) src(%dma_wait3A_181 : memref<800001x16xf32, #tpu.memory_space<hbm>>) dst(%dma_wait3A_175 : memref<128x16xf32, #tpu.memory_space<vmem>>)
      %dma_wait3A_182 = arith.constant 896 : i32
      %dma_wait3A_183 = arith.constant 0 : i32
      %dma_wait3A_184 = tpu.memref_slice %arg6[%dma_wait3A_182, %dma_wait3A_183] : memref<1280x16xf32, #tpu.memory_space<vmem>> -> memref<128x16xf32, #tpu.memory_space<vmem>>
      %dma_wait3A_185 = arith.constant 0 : i32
      %dma_wait3A_186 = tpu.memref_slice %arg5[%add3A_88, %dma_wait3A_185] : memref<20x128xi32, #tpu.memory_space<vmem>> -> memref<1x128xi32, #tpu.memory_space<vmem>>
      %dma_wait3A_187 = tpu.memref_squeeze %dma_wait3A_186 : memref<1x128xi32, #tpu.memory_space<vmem>> -> memref<128xi32, #tpu.memory_space<vmem>>
      %dma_wait3A_188 = arith.constant 0 : i32
      %dma_wait3A_189 = arith.constant 0 : i32
      %dma_wait3A_190 = tpu.memref_slice %arg2[%dma_wait3A_188, %dma_wait3A_189] : memref<800001x16xf32, #tpu.memory_space<hbm>> -> memref<800001x16xf32, #tpu.memory_space<hbm>>
      tpu.wait_indirect_dma semaphore(%arg7 : memref<!tpu.dma_semaphore, #tpu.memory_space<semaphore_mem>>) src(%dma_wait3A_190 : memref<800001x16xf32, #tpu.memory_space<hbm>>) dst(%dma_wait3A_184 : memref<128x16xf32, #tpu.memory_space<vmem>>)
      %dma_wait3A_191 = arith.constant 1024 : i32
      %dma_wait3A_192 = arith.constant 0 : i32
      %dma_wait3A_193 = tpu.memref_slice %arg6[%dma_wait3A_191, %dma_wait3A_192] : memref<1280x16xf32, #tpu.memory_space<vmem>> -> memref<128x16xf32, #tpu.memory_space<vmem>>
      %dma_wait3A_194 = arith.constant 0 : i32
      %dma_wait3A_195 = tpu.memref_slice %arg5[%add3A_99, %dma_wait3A_194] : memref<20x128xi32, #tpu.memory_space<vmem>> -> memref<1x128xi32, #tpu.memory_space<vmem>>
      %dma_wait3A_196 = tpu.memref_squeeze %dma_wait3A_195 : memref<1x128xi32, #tpu.memory_space<vmem>> -> memref<128xi32, #tpu.memory_space<vmem>>
      %dma_wait3A_197 = arith.constant 0 : i32
      %dma_wait3A_198 = arith.constant 0 : i32
      %dma_wait3A_199 = tpu.memref_slice %arg2[%dma_wait3A_197, %dma_wait3A_198] : memref<800001x16xf32, #tpu.memory_space<hbm>> -> memref<800001x16xf32, #tpu.memory_space<hbm>>
      tpu.wait_indirect_dma semaphore(%arg7 : memref<!tpu.dma_semaphore, #tpu.memory_space<semaphore_mem>>) src(%dma_wait3A_199 : memref<800001x16xf32, #tpu.memory_space<hbm>>) dst(%dma_wait3A_193 : memref<128x16xf32, #tpu.memory_space<vmem>>)
      %dma_wait3A_200 = arith.constant 1152 : i32
      %dma_wait3A_201 = arith.constant 0 : i32
      %dma_wait3A_202 = tpu.memref_slice %arg6[%dma_wait3A_200, %dma_wait3A_201] : memref<1280x16xf32, #tpu.memory_space<vmem>> -> memref<128x16xf32, #tpu.memory_space<vmem>>
      %dma_wait3A_203 = arith.constant 0 : i32
      %dma_wait3A_204 = tpu.memref_slice %arg5[%add3A_110, %dma_wait3A_203] : memref<20x128xi32, #tpu.memory_space<vmem>> -> memref<1x128xi32, #tpu.memory_space<vmem>>
      %dma_wait3A_205 = tpu.memref_squeeze %dma_wait3A_204 : memref<1x128xi32, #tpu.memory_space<vmem>> -> memref<128xi32, #tpu.memory_space<vmem>>
      %dma_wait3A_206 = arith.constant 0 : i32
      %dma_wait3A_207 = arith.constant 0 : i32
      %dma_wait3A_208 = tpu.memref_slice %arg2[%dma_wait3A_206, %dma_wait3A_207] : memref<800001x16xf32, #tpu.memory_space<hbm>> -> memref<800001x16xf32, #tpu.memory_space<hbm>>
      tpu.wait_indirect_dma semaphore(%arg7 : memref<!tpu.dma_semaphore, #tpu.memory_space<semaphore_mem>>) src(%dma_wait3A_208 : memref<800001x16xf32, #tpu.memory_space<hbm>>) dst(%dma_wait3A_202 : memref<128x16xf32, #tpu.memory_space<vmem>>)
      %add3A_209 = arith.addi %mul3A_2, %mul3A_10 : i32
      %mul3A_210 = arith.constant 128 : i32
      %mul3A_211 = arith.muli %add3A_209, %mul3A_210 : i32
      "tpu.region"() ({
        %run_scoped3A = tpu.sem_alloc : memref<!tpu.dma_semaphore, #tpu.memory_space<semaphore_mem>>
        %dma_start3A_212 = arith.constant 0 : i32
        %dma_start3A_213 = tpu.memref_slice %arg4[%mul3A_211, %dma_start3A_212] : memref<81920x16xf32, #tpu.memory_space<hbm>> -> memref<1280x16xf32, #tpu.memory_space<hbm>>
        %dma_start3A_214 = arith.constant 0 : i32
        %dma_start3A_215 = tpu.memref_slice %arg4[%mul3A_211, %dma_start3A_214] : memref<81920x16xf32, #tpu.memory_space<hbm>> -> memref<1280x16xf32, #tpu.memory_space<hbm>>
        tpu.enqueue_dma source(%arg6 : memref<1280x16xf32, #tpu.memory_space<vmem>>) target(%dma_start3A_215 : memref<1280x16xf32, #tpu.memory_space<hbm>>) target_semaphore(%run_scoped3A : memref<!tpu.dma_semaphore, #tpu.memory_space<semaphore_mem>>)
        %dma_wait3A_216 = arith.constant 0 : i32
        %dma_wait3A_217 = tpu.memref_slice %arg4[%mul3A_211, %dma_wait3A_216] : memref<81920x16xf32, #tpu.memory_space<hbm>> -> memref<1280x16xf32, #tpu.memory_space<hbm>>
        %dma_wait3A_218 = arith.constant 0 : i32
        %dma_wait3A_219 = tpu.memref_slice %arg4[%mul3A_211, %dma_wait3A_218] : memref<81920x16xf32, #tpu.memory_space<hbm>> -> memref<1280x16xf32, #tpu.memory_space<hbm>>
        tpu.wait_dma2 semaphore(%run_scoped3A : memref<!tpu.dma_semaphore, #tpu.memory_space<semaphore_mem>>) src(%arg6 : memref<1280x16xf32, #tpu.memory_space<vmem>>) dst(%dma_wait3A_219 : memref<1280x16xf32, #tpu.memory_space<hbm>>)
        tpu.yield
      }) : () -> ()
    }
    %scan3A_7 = arith.constant 2 : i32
    return
  }
}

#map = affine_map<(d0, d1) -> (0, 0)>
module attributes {stable_mosaic.version = 14 : i64} {
  func.func @gk(%arg0: i32, %arg1: i32, %arg2: memref<50001x64xi32, #tpu.memory_space<hbm>>, %arg3: memref<672x128xi32, #tpu.memory_space<hbm>>, %arg4: memref<86016x64xi32, #tpu.memory_space<hbm>>, %arg5: memref<21x128xi32, #tpu.memory_space<vmem>>, %arg6: memref<896x64xi32, #tpu.memory_space<vmem>>, %arg7: memref<!tpu.dma_semaphore, #tpu.memory_space<semaphore_mem>>) attributes {dimension_semantics = [#tpu.dimension_semantics<core_parallel>, #tpu.dimension_semantics<subcore_parallel>], iteration_bounds = array<i64: 2, 16>, scalar_prefetch = 0 : i64, scratch_operands = 3 : i64, tpu.core_type = #tpu.core_type<sc_vector_subcore>, window_params = [{transform_indices = #map}, {transform_indices = #map}, {transform_indices = #map}]} {
    %mul3A = arith.constant 2 : i32
    %mul3A_0 = arith.muli %arg1, %mul3A : i32
    %add3A = arith.addi %mul3A_0, %arg0 : i32
    %mul3A_1 = arith.constant 21 : i32
    %mul3A_2 = arith.muli %add3A, %mul3A_1 : i32
    "tpu.region"() ({
      %run_scoped3A = tpu.sem_alloc : memref<!tpu.dma_semaphore, #tpu.memory_space<semaphore_mem>>
      %dma_start3A = arith.constant 0 : i32
      %dma_start3A_8 = tpu.memref_slice %arg3[%mul3A_2, %dma_start3A] : memref<672x128xi32, #tpu.memory_space<hbm>> -> memref<21x128xi32, #tpu.memory_space<hbm>>
      %dma_start3A_9 = arith.constant 0 : i32
      %dma_start3A_10 = tpu.memref_slice %arg3[%mul3A_2, %dma_start3A_9] : memref<672x128xi32, #tpu.memory_space<hbm>> -> memref<21x128xi32, #tpu.memory_space<hbm>>
      tpu.enqueue_dma source(%dma_start3A_10 : memref<21x128xi32, #tpu.memory_space<hbm>>) target(%arg5 : memref<21x128xi32, #tpu.memory_space<vmem>>) target_semaphore(%run_scoped3A : memref<!tpu.dma_semaphore, #tpu.memory_space<semaphore_mem>>)
      %dma_wait3A = arith.constant 0 : i32
      %dma_wait3A_11 = tpu.memref_slice %arg3[%mul3A_2, %dma_wait3A] : memref<672x128xi32, #tpu.memory_space<hbm>> -> memref<21x128xi32, #tpu.memory_space<hbm>>
      %dma_wait3A_12 = arith.constant 0 : i32
      %dma_wait3A_13 = tpu.memref_slice %arg3[%mul3A_2, %dma_wait3A_12] : memref<672x128xi32, #tpu.memory_space<hbm>> -> memref<21x128xi32, #tpu.memory_space<hbm>>
      tpu.wait_dma2 semaphore(%run_scoped3A : memref<!tpu.dma_semaphore, #tpu.memory_space<semaphore_mem>>) src(%dma_wait3A_13 : memref<21x128xi32, #tpu.memory_space<hbm>>) dst(%arg5 : memref<21x128xi32, #tpu.memory_space<vmem>>)
      tpu.yield
    }) : () -> ()
    %scan3A = arith.constant 0 : i32
    %scan3A_3 = arith.constant 0 : i32
    %scan3A_4 = arith.constant 3 : i32
    %scan3A_5 = arith.addi %scan3A_3, %scan3A_4 : i32
    %scan3A_6 = arith.constant 1 : i32
    scf.for %scan3A_8 = %scan3A_3 to %scan3A_5 step %scan3A_6  : i32 {
      %mul3A_9 = arith.constant 7 : i32
      %mul3A_10 = arith.muli %scan3A_8, %mul3A_9 : i32
      %add3A_11 = arith.constant 0 : i32
      %add3A_12 = arith.addi %mul3A_10, %add3A_11 : i32
      %dma_start3A = arith.constant 0 : i32
      %dma_start3A_13 = arith.constant 0 : i32
      %dma_start3A_14 = tpu.memref_slice %arg6[%dma_start3A, %dma_start3A_13] : memref<896x64xi32, #tpu.memory_space<vmem>> -> memref<128x64xi32, #tpu.memory_space<vmem>>
      %dma_start3A_15 = arith.constant 0 : i32
      %dma_start3A_16 = tpu.memref_slice %arg5[%add3A_12, %dma_start3A_15] : memref<21x128xi32, #tpu.memory_space<vmem>> -> memref<1x128xi32, #tpu.memory_space<vmem>>
      %dma_start3A_17 = tpu.memref_squeeze %dma_start3A_16 : memref<1x128xi32, #tpu.memory_space<vmem>> -> memref<128xi32, #tpu.memory_space<vmem>>
      %dma_start3A_18 = arith.constant 0 : i32
      %dma_start3A_19 = arith.constant 0 : i32
      %dma_start3A_20 = tpu.memref_slice %arg2[%dma_start3A_18, %dma_start3A_19] : memref<50001x64xi32, #tpu.memory_space<hbm>> -> memref<50001x64xi32, #tpu.memory_space<hbm>>
      tpu.enqueue_indirect_dma source(%dma_start3A_20 : memref<50001x64xi32, #tpu.memory_space<hbm>>) target(%dma_start3A_14 : memref<128x64xi32, #tpu.memory_space<vmem>>) offsets(%dma_start3A_17 : memref<128xi32, #tpu.memory_space<vmem>>) semaphore(%arg7 : memref<!tpu.dma_semaphore, #tpu.memory_space<semaphore_mem>>)
      %add3A_21 = arith.constant 1 : i32
      %add3A_22 = arith.addi %mul3A_10, %add3A_21 : i32
      %dma_start3A_23 = arith.constant 128 : i32
      %dma_start3A_24 = arith.constant 0 : i32
      %dma_start3A_25 = tpu.memref_slice %arg6[%dma_start3A_23, %dma_start3A_24] : memref<896x64xi32, #tpu.memory_space<vmem>> -> memref<128x64xi32, #tpu.memory_space<vmem>>
      %dma_start3A_26 = arith.constant 0 : i32
      %dma_start3A_27 = tpu.memref_slice %arg5[%add3A_22, %dma_start3A_26] : memref<21x128xi32, #tpu.memory_space<vmem>> -> memref<1x128xi32, #tpu.memory_space<vmem>>
      %dma_start3A_28 = tpu.memref_squeeze %dma_start3A_27 : memref<1x128xi32, #tpu.memory_space<vmem>> -> memref<128xi32, #tpu.memory_space<vmem>>
      %dma_start3A_29 = arith.constant 0 : i32
      %dma_start3A_30 = arith.constant 0 : i32
      %dma_start3A_31 = tpu.memref_slice %arg2[%dma_start3A_29, %dma_start3A_30] : memref<50001x64xi32, #tpu.memory_space<hbm>> -> memref<50001x64xi32, #tpu.memory_space<hbm>>
      tpu.enqueue_indirect_dma source(%dma_start3A_31 : memref<50001x64xi32, #tpu.memory_space<hbm>>) target(%dma_start3A_25 : memref<128x64xi32, #tpu.memory_space<vmem>>) offsets(%dma_start3A_28 : memref<128xi32, #tpu.memory_space<vmem>>) semaphore(%arg7 : memref<!tpu.dma_semaphore, #tpu.memory_space<semaphore_mem>>)
      %add3A_32 = arith.constant 2 : i32
      %add3A_33 = arith.addi %mul3A_10, %add3A_32 : i32
      %dma_start3A_34 = arith.constant 256 : i32
      %dma_start3A_35 = arith.constant 0 : i32
      %dma_start3A_36 = tpu.memref_slice %arg6[%dma_start3A_34, %dma_start3A_35] : memref<896x64xi32, #tpu.memory_space<vmem>> -> memref<128x64xi32, #tpu.memory_space<vmem>>
      %dma_start3A_37 = arith.constant 0 : i32
      %dma_start3A_38 = tpu.memref_slice %arg5[%add3A_33, %dma_start3A_37] : memref<21x128xi32, #tpu.memory_space<vmem>> -> memref<1x128xi32, #tpu.memory_space<vmem>>
      %dma_start3A_39 = tpu.memref_squeeze %dma_start3A_38 : memref<1x128xi32, #tpu.memory_space<vmem>> -> memref<128xi32, #tpu.memory_space<vmem>>
      %dma_start3A_40 = arith.constant 0 : i32
      %dma_start3A_41 = arith.constant 0 : i32
      %dma_start3A_42 = tpu.memref_slice %arg2[%dma_start3A_40, %dma_start3A_41] : memref<50001x64xi32, #tpu.memory_space<hbm>> -> memref<50001x64xi32, #tpu.memory_space<hbm>>
      tpu.enqueue_indirect_dma source(%dma_start3A_42 : memref<50001x64xi32, #tpu.memory_space<hbm>>) target(%dma_start3A_36 : memref<128x64xi32, #tpu.memory_space<vmem>>) offsets(%dma_start3A_39 : memref<128xi32, #tpu.memory_space<vmem>>) semaphore(%arg7 : memref<!tpu.dma_semaphore, #tpu.memory_space<semaphore_mem>>)
      %add3A_43 = arith.constant 3 : i32
      %add3A_44 = arith.addi %mul3A_10, %add3A_43 : i32
      %dma_start3A_45 = arith.constant 384 : i32
      %dma_start3A_46 = arith.constant 0 : i32
      %dma_start3A_47 = tpu.memref_slice %arg6[%dma_start3A_45, %dma_start3A_46] : memref<896x64xi32, #tpu.memory_space<vmem>> -> memref<128x64xi32, #tpu.memory_space<vmem>>
      %dma_start3A_48 = arith.constant 0 : i32
      %dma_start3A_49 = tpu.memref_slice %arg5[%add3A_44, %dma_start3A_48] : memref<21x128xi32, #tpu.memory_space<vmem>> -> memref<1x128xi32, #tpu.memory_space<vmem>>
      %dma_start3A_50 = tpu.memref_squeeze %dma_start3A_49 : memref<1x128xi32, #tpu.memory_space<vmem>> -> memref<128xi32, #tpu.memory_space<vmem>>
      %dma_start3A_51 = arith.constant 0 : i32
      %dma_start3A_52 = arith.constant 0 : i32
      %dma_start3A_53 = tpu.memref_slice %arg2[%dma_start3A_51, %dma_start3A_52] : memref<50001x64xi32, #tpu.memory_space<hbm>> -> memref<50001x64xi32, #tpu.memory_space<hbm>>
      tpu.enqueue_indirect_dma source(%dma_start3A_53 : memref<50001x64xi32, #tpu.memory_space<hbm>>) target(%dma_start3A_47 : memref<128x64xi32, #tpu.memory_space<vmem>>) offsets(%dma_start3A_50 : memref<128xi32, #tpu.memory_space<vmem>>) semaphore(%arg7 : memref<!tpu.dma_semaphore, #tpu.memory_space<semaphore_mem>>)
      %add3A_54 = arith.constant 4 : i32
      %add3A_55 = arith.addi %mul3A_10, %add3A_54 : i32
      %dma_start3A_56 = arith.constant 512 : i32
      %dma_start3A_57 = arith.constant 0 : i32
      %dma_start3A_58 = tpu.memref_slice %arg6[%dma_start3A_56, %dma_start3A_57] : memref<896x64xi32, #tpu.memory_space<vmem>> -> memref<128x64xi32, #tpu.memory_space<vmem>>
      %dma_start3A_59 = arith.constant 0 : i32
      %dma_start3A_60 = tpu.memref_slice %arg5[%add3A_55, %dma_start3A_59] : memref<21x128xi32, #tpu.memory_space<vmem>> -> memref<1x128xi32, #tpu.memory_space<vmem>>
      %dma_start3A_61 = tpu.memref_squeeze %dma_start3A_60 : memref<1x128xi32, #tpu.memory_space<vmem>> -> memref<128xi32, #tpu.memory_space<vmem>>
      %dma_start3A_62 = arith.constant 0 : i32
      %dma_start3A_63 = arith.constant 0 : i32
      %dma_start3A_64 = tpu.memref_slice %arg2[%dma_start3A_62, %dma_start3A_63] : memref<50001x64xi32, #tpu.memory_space<hbm>> -> memref<50001x64xi32, #tpu.memory_space<hbm>>
      tpu.enqueue_indirect_dma source(%dma_start3A_64 : memref<50001x64xi32, #tpu.memory_space<hbm>>) target(%dma_start3A_58 : memref<128x64xi32, #tpu.memory_space<vmem>>) offsets(%dma_start3A_61 : memref<128xi32, #tpu.memory_space<vmem>>) semaphore(%arg7 : memref<!tpu.dma_semaphore, #tpu.memory_space<semaphore_mem>>)
      %add3A_65 = arith.constant 5 : i32
      %add3A_66 = arith.addi %mul3A_10, %add3A_65 : i32
      %dma_start3A_67 = arith.constant 640 : i32
      %dma_start3A_68 = arith.constant 0 : i32
      %dma_start3A_69 = tpu.memref_slice %arg6[%dma_start3A_67, %dma_start3A_68] : memref<896x64xi32, #tpu.memory_space<vmem>> -> memref<128x64xi32, #tpu.memory_space<vmem>>
      %dma_start3A_70 = arith.constant 0 : i32
      %dma_start3A_71 = tpu.memref_slice %arg5[%add3A_66, %dma_start3A_70] : memref<21x128xi32, #tpu.memory_space<vmem>> -> memref<1x128xi32, #tpu.memory_space<vmem>>
      %dma_start3A_72 = tpu.memref_squeeze %dma_start3A_71 : memref<1x128xi32, #tpu.memory_space<vmem>> -> memref<128xi32, #tpu.memory_space<vmem>>
      %dma_start3A_73 = arith.constant 0 : i32
      %dma_start3A_74 = arith.constant 0 : i32
      %dma_start3A_75 = tpu.memref_slice %arg2[%dma_start3A_73, %dma_start3A_74] : memref<50001x64xi32, #tpu.memory_space<hbm>> -> memref<50001x64xi32, #tpu.memory_space<hbm>>
      tpu.enqueue_indirect_dma source(%dma_start3A_75 : memref<50001x64xi32, #tpu.memory_space<hbm>>) target(%dma_start3A_69 : memref<128x64xi32, #tpu.memory_space<vmem>>) offsets(%dma_start3A_72 : memref<128xi32, #tpu.memory_space<vmem>>) semaphore(%arg7 : memref<!tpu.dma_semaphore, #tpu.memory_space<semaphore_mem>>)
      %add3A_76 = arith.constant 6 : i32
      %add3A_77 = arith.addi %mul3A_10, %add3A_76 : i32
      %dma_start3A_78 = arith.constant 768 : i32
      %dma_start3A_79 = arith.constant 0 : i32
      %dma_start3A_80 = tpu.memref_slice %arg6[%dma_start3A_78, %dma_start3A_79] : memref<896x64xi32, #tpu.memory_space<vmem>> -> memref<128x64xi32, #tpu.memory_space<vmem>>
      %dma_start3A_81 = arith.constant 0 : i32
      %dma_start3A_82 = tpu.memref_slice %arg5[%add3A_77, %dma_start3A_81] : memref<21x128xi32, #tpu.memory_space<vmem>> -> memref<1x128xi32, #tpu.memory_space<vmem>>
      %dma_start3A_83 = tpu.memref_squeeze %dma_start3A_82 : memref<1x128xi32, #tpu.memory_space<vmem>> -> memref<128xi32, #tpu.memory_space<vmem>>
      %dma_start3A_84 = arith.constant 0 : i32
      %dma_start3A_85 = arith.constant 0 : i32
      %dma_start3A_86 = tpu.memref_slice %arg2[%dma_start3A_84, %dma_start3A_85] : memref<50001x64xi32, #tpu.memory_space<hbm>> -> memref<50001x64xi32, #tpu.memory_space<hbm>>
      tpu.enqueue_indirect_dma source(%dma_start3A_86 : memref<50001x64xi32, #tpu.memory_space<hbm>>) target(%dma_start3A_80 : memref<128x64xi32, #tpu.memory_space<vmem>>) offsets(%dma_start3A_83 : memref<128xi32, #tpu.memory_space<vmem>>) semaphore(%arg7 : memref<!tpu.dma_semaphore, #tpu.memory_space<semaphore_mem>>)
      %dma_wait3A = arith.constant 0 : i32
      %dma_wait3A_87 = arith.constant 0 : i32
      %dma_wait3A_88 = tpu.memref_slice %arg6[%dma_wait3A, %dma_wait3A_87] : memref<896x64xi32, #tpu.memory_space<vmem>> -> memref<128x64xi32, #tpu.memory_space<vmem>>
      %dma_wait3A_89 = arith.constant 0 : i32
      %dma_wait3A_90 = tpu.memref_slice %arg5[%add3A_12, %dma_wait3A_89] : memref<21x128xi32, #tpu.memory_space<vmem>> -> memref<1x128xi32, #tpu.memory_space<vmem>>
      %dma_wait3A_91 = tpu.memref_squeeze %dma_wait3A_90 : memref<1x128xi32, #tpu.memory_space<vmem>> -> memref<128xi32, #tpu.memory_space<vmem>>
      %dma_wait3A_92 = arith.constant 0 : i32
      %dma_wait3A_93 = arith.constant 0 : i32
      %dma_wait3A_94 = tpu.memref_slice %arg2[%dma_wait3A_92, %dma_wait3A_93] : memref<50001x64xi32, #tpu.memory_space<hbm>> -> memref<50001x64xi32, #tpu.memory_space<hbm>>
      tpu.wait_indirect_dma semaphore(%arg7 : memref<!tpu.dma_semaphore, #tpu.memory_space<semaphore_mem>>) src(%dma_wait3A_94 : memref<50001x64xi32, #tpu.memory_space<hbm>>) dst(%dma_wait3A_88 : memref<128x64xi32, #tpu.memory_space<vmem>>)
      %dma_wait3A_95 = arith.constant 128 : i32
      %dma_wait3A_96 = arith.constant 0 : i32
      %dma_wait3A_97 = tpu.memref_slice %arg6[%dma_wait3A_95, %dma_wait3A_96] : memref<896x64xi32, #tpu.memory_space<vmem>> -> memref<128x64xi32, #tpu.memory_space<vmem>>
      %dma_wait3A_98 = arith.constant 0 : i32
      %dma_wait3A_99 = tpu.memref_slice %arg5[%add3A_22, %dma_wait3A_98] : memref<21x128xi32, #tpu.memory_space<vmem>> -> memref<1x128xi32, #tpu.memory_space<vmem>>
      %dma_wait3A_100 = tpu.memref_squeeze %dma_wait3A_99 : memref<1x128xi32, #tpu.memory_space<vmem>> -> memref<128xi32, #tpu.memory_space<vmem>>
      %dma_wait3A_101 = arith.constant 0 : i32
      %dma_wait3A_102 = arith.constant 0 : i32
      %dma_wait3A_103 = tpu.memref_slice %arg2[%dma_wait3A_101, %dma_wait3A_102] : memref<50001x64xi32, #tpu.memory_space<hbm>> -> memref<50001x64xi32, #tpu.memory_space<hbm>>
      tpu.wait_indirect_dma semaphore(%arg7 : memref<!tpu.dma_semaphore, #tpu.memory_space<semaphore_mem>>) src(%dma_wait3A_103 : memref<50001x64xi32, #tpu.memory_space<hbm>>) dst(%dma_wait3A_97 : memref<128x64xi32, #tpu.memory_space<vmem>>)
      %dma_wait3A_104 = arith.constant 256 : i32
      %dma_wait3A_105 = arith.constant 0 : i32
      %dma_wait3A_106 = tpu.memref_slice %arg6[%dma_wait3A_104, %dma_wait3A_105] : memref<896x64xi32, #tpu.memory_space<vmem>> -> memref<128x64xi32, #tpu.memory_space<vmem>>
      %dma_wait3A_107 = arith.constant 0 : i32
      %dma_wait3A_108 = tpu.memref_slice %arg5[%add3A_33, %dma_wait3A_107] : memref<21x128xi32, #tpu.memory_space<vmem>> -> memref<1x128xi32, #tpu.memory_space<vmem>>
      %dma_wait3A_109 = tpu.memref_squeeze %dma_wait3A_108 : memref<1x128xi32, #tpu.memory_space<vmem>> -> memref<128xi32, #tpu.memory_space<vmem>>
      %dma_wait3A_110 = arith.constant 0 : i32
      %dma_wait3A_111 = arith.constant 0 : i32
      %dma_wait3A_112 = tpu.memref_slice %arg2[%dma_wait3A_110, %dma_wait3A_111] : memref<50001x64xi32, #tpu.memory_space<hbm>> -> memref<50001x64xi32, #tpu.memory_space<hbm>>
      tpu.wait_indirect_dma semaphore(%arg7 : memref<!tpu.dma_semaphore, #tpu.memory_space<semaphore_mem>>) src(%dma_wait3A_112 : memref<50001x64xi32, #tpu.memory_space<hbm>>) dst(%dma_wait3A_106 : memref<128x64xi32, #tpu.memory_space<vmem>>)
      %dma_wait3A_113 = arith.constant 384 : i32
      %dma_wait3A_114 = arith.constant 0 : i32
      %dma_wait3A_115 = tpu.memref_slice %arg6[%dma_wait3A_113, %dma_wait3A_114] : memref<896x64xi32, #tpu.memory_space<vmem>> -> memref<128x64xi32, #tpu.memory_space<vmem>>
      %dma_wait3A_116 = arith.constant 0 : i32
      %dma_wait3A_117 = tpu.memref_slice %arg5[%add3A_44, %dma_wait3A_116] : memref<21x128xi32, #tpu.memory_space<vmem>> -> memref<1x128xi32, #tpu.memory_space<vmem>>
      %dma_wait3A_118 = tpu.memref_squeeze %dma_wait3A_117 : memref<1x128xi32, #tpu.memory_space<vmem>> -> memref<128xi32, #tpu.memory_space<vmem>>
      %dma_wait3A_119 = arith.constant 0 : i32
      %dma_wait3A_120 = arith.constant 0 : i32
      %dma_wait3A_121 = tpu.memref_slice %arg2[%dma_wait3A_119, %dma_wait3A_120] : memref<50001x64xi32, #tpu.memory_space<hbm>> -> memref<50001x64xi32, #tpu.memory_space<hbm>>
      tpu.wait_indirect_dma semaphore(%arg7 : memref<!tpu.dma_semaphore, #tpu.memory_space<semaphore_mem>>) src(%dma_wait3A_121 : memref<50001x64xi32, #tpu.memory_space<hbm>>) dst(%dma_wait3A_115 : memref<128x64xi32, #tpu.memory_space<vmem>>)
      %dma_wait3A_122 = arith.constant 512 : i32
      %dma_wait3A_123 = arith.constant 0 : i32
      %dma_wait3A_124 = tpu.memref_slice %arg6[%dma_wait3A_122, %dma_wait3A_123] : memref<896x64xi32, #tpu.memory_space<vmem>> -> memref<128x64xi32, #tpu.memory_space<vmem>>
      %dma_wait3A_125 = arith.constant 0 : i32
      %dma_wait3A_126 = tpu.memref_slice %arg5[%add3A_55, %dma_wait3A_125] : memref<21x128xi32, #tpu.memory_space<vmem>> -> memref<1x128xi32, #tpu.memory_space<vmem>>
      %dma_wait3A_127 = tpu.memref_squeeze %dma_wait3A_126 : memref<1x128xi32, #tpu.memory_space<vmem>> -> memref<128xi32, #tpu.memory_space<vmem>>
      %dma_wait3A_128 = arith.constant 0 : i32
      %dma_wait3A_129 = arith.constant 0 : i32
      %dma_wait3A_130 = tpu.memref_slice %arg2[%dma_wait3A_128, %dma_wait3A_129] : memref<50001x64xi32, #tpu.memory_space<hbm>> -> memref<50001x64xi32, #tpu.memory_space<hbm>>
      tpu.wait_indirect_dma semaphore(%arg7 : memref<!tpu.dma_semaphore, #tpu.memory_space<semaphore_mem>>) src(%dma_wait3A_130 : memref<50001x64xi32, #tpu.memory_space<hbm>>) dst(%dma_wait3A_124 : memref<128x64xi32, #tpu.memory_space<vmem>>)
      %dma_wait3A_131 = arith.constant 640 : i32
      %dma_wait3A_132 = arith.constant 0 : i32
      %dma_wait3A_133 = tpu.memref_slice %arg6[%dma_wait3A_131, %dma_wait3A_132] : memref<896x64xi32, #tpu.memory_space<vmem>> -> memref<128x64xi32, #tpu.memory_space<vmem>>
      %dma_wait3A_134 = arith.constant 0 : i32
      %dma_wait3A_135 = tpu.memref_slice %arg5[%add3A_66, %dma_wait3A_134] : memref<21x128xi32, #tpu.memory_space<vmem>> -> memref<1x128xi32, #tpu.memory_space<vmem>>
      %dma_wait3A_136 = tpu.memref_squeeze %dma_wait3A_135 : memref<1x128xi32, #tpu.memory_space<vmem>> -> memref<128xi32, #tpu.memory_space<vmem>>
      %dma_wait3A_137 = arith.constant 0 : i32
      %dma_wait3A_138 = arith.constant 0 : i32
      %dma_wait3A_139 = tpu.memref_slice %arg2[%dma_wait3A_137, %dma_wait3A_138] : memref<50001x64xi32, #tpu.memory_space<hbm>> -> memref<50001x64xi32, #tpu.memory_space<hbm>>
      tpu.wait_indirect_dma semaphore(%arg7 : memref<!tpu.dma_semaphore, #tpu.memory_space<semaphore_mem>>) src(%dma_wait3A_139 : memref<50001x64xi32, #tpu.memory_space<hbm>>) dst(%dma_wait3A_133 : memref<128x64xi32, #tpu.memory_space<vmem>>)
      %dma_wait3A_140 = arith.constant 768 : i32
      %dma_wait3A_141 = arith.constant 0 : i32
      %dma_wait3A_142 = tpu.memref_slice %arg6[%dma_wait3A_140, %dma_wait3A_141] : memref<896x64xi32, #tpu.memory_space<vmem>> -> memref<128x64xi32, #tpu.memory_space<vmem>>
      %dma_wait3A_143 = arith.constant 0 : i32
      %dma_wait3A_144 = tpu.memref_slice %arg5[%add3A_77, %dma_wait3A_143] : memref<21x128xi32, #tpu.memory_space<vmem>> -> memref<1x128xi32, #tpu.memory_space<vmem>>
      %dma_wait3A_145 = tpu.memref_squeeze %dma_wait3A_144 : memref<1x128xi32, #tpu.memory_space<vmem>> -> memref<128xi32, #tpu.memory_space<vmem>>
      %dma_wait3A_146 = arith.constant 0 : i32
      %dma_wait3A_147 = arith.constant 0 : i32
      %dma_wait3A_148 = tpu.memref_slice %arg2[%dma_wait3A_146, %dma_wait3A_147] : memref<50001x64xi32, #tpu.memory_space<hbm>> -> memref<50001x64xi32, #tpu.memory_space<hbm>>
      tpu.wait_indirect_dma semaphore(%arg7 : memref<!tpu.dma_semaphore, #tpu.memory_space<semaphore_mem>>) src(%dma_wait3A_148 : memref<50001x64xi32, #tpu.memory_space<hbm>>) dst(%dma_wait3A_142 : memref<128x64xi32, #tpu.memory_space<vmem>>)
      %add3A_149 = arith.addi %mul3A_2, %mul3A_10 : i32
      %mul3A_150 = arith.constant 128 : i32
      %mul3A_151 = arith.muli %add3A_149, %mul3A_150 : i32
      "tpu.region"() ({
        %run_scoped3A = tpu.sem_alloc : memref<!tpu.dma_semaphore, #tpu.memory_space<semaphore_mem>>
        %dma_start3A_152 = arith.constant 0 : i32
        %dma_start3A_153 = tpu.memref_slice %arg4[%mul3A_151, %dma_start3A_152] : memref<86016x64xi32, #tpu.memory_space<hbm>> -> memref<896x64xi32, #tpu.memory_space<hbm>>
        %dma_start3A_154 = arith.constant 0 : i32
        %dma_start3A_155 = tpu.memref_slice %arg4[%mul3A_151, %dma_start3A_154] : memref<86016x64xi32, #tpu.memory_space<hbm>> -> memref<896x64xi32, #tpu.memory_space<hbm>>
        tpu.enqueue_dma source(%arg6 : memref<896x64xi32, #tpu.memory_space<vmem>>) target(%dma_start3A_155 : memref<896x64xi32, #tpu.memory_space<hbm>>) target_semaphore(%run_scoped3A : memref<!tpu.dma_semaphore, #tpu.memory_space<semaphore_mem>>)
        %dma_wait3A_156 = arith.constant 0 : i32
        %dma_wait3A_157 = tpu.memref_slice %arg4[%mul3A_151, %dma_wait3A_156] : memref<86016x64xi32, #tpu.memory_space<hbm>> -> memref<896x64xi32, #tpu.memory_space<hbm>>
        %dma_wait3A_158 = arith.constant 0 : i32
        %dma_wait3A_159 = tpu.memref_slice %arg4[%mul3A_151, %dma_wait3A_158] : memref<86016x64xi32, #tpu.memory_space<hbm>> -> memref<896x64xi32, #tpu.memory_space<hbm>>
        tpu.wait_dma2 semaphore(%run_scoped3A : memref<!tpu.dma_semaphore, #tpu.memory_space<semaphore_mem>>) src(%arg6 : memref<896x64xi32, #tpu.memory_space<vmem>>) dst(%dma_wait3A_159 : memref<896x64xi32, #tpu.memory_space<hbm>>)
        tpu.yield
      }) : () -> ()
    }
    %scan3A_7 = arith.constant 3 : i32
    return
  }
}

#map = affine_map<(d0, d1) -> (0, 0)>
module attributes {stable_mosaic.version = 14 : i64} {
  func.func @gk(%arg0: i32, %arg1: i32, %arg2: memref<50001x64xi32, #tpu.memory_space<hbm>>, %arg3: memref<672x128xi32, #tpu.memory_space<hbm>>, %arg4: memref<86016x64xi32, #tpu.memory_space<hbm>>, %arg5: memref<21x128xi32, #tpu.memory_space<vmem>>, %arg6: memref<896x64xi32, #tpu.memory_space<vmem>>, %arg7: memref<!tpu.dma_semaphore, #tpu.memory_space<semaphore_mem>>) attributes {dimension_semantics = [#tpu.dimension_semantics<core_parallel>, #tpu.dimension_semantics<subcore_parallel>], iteration_bounds = array<i64: 2, 16>, scalar_prefetch = 0 : i64, scratch_operands = 3 : i64, tpu.core_type = #tpu.core_type<sc_vector_subcore>, window_params = [{transform_indices = #map}, {transform_indices = #map}, {transform_indices = #map}]} {
    %mul3A = arith.constant 2 : i32
    %mul3A_0 = arith.muli %arg1, %mul3A : i32
    %add3A = arith.addi %mul3A_0, %arg0 : i32
    %mul3A_1 = arith.constant 21 : i32
    %mul3A_2 = arith.muli %add3A, %mul3A_1 : i32
    "tpu.region"() ({
      %run_scoped3A = tpu.sem_alloc : memref<!tpu.dma_semaphore, #tpu.memory_space<semaphore_mem>>
      %dma_start3A = arith.constant 0 : i32
      %dma_start3A_8 = tpu.memref_slice %arg3[%mul3A_2, %dma_start3A] : memref<672x128xi32, #tpu.memory_space<hbm>> -> memref<21x128xi32, #tpu.memory_space<hbm>>
      %dma_start3A_9 = arith.constant 0 : i32
      %dma_start3A_10 = tpu.memref_slice %arg3[%mul3A_2, %dma_start3A_9] : memref<672x128xi32, #tpu.memory_space<hbm>> -> memref<21x128xi32, #tpu.memory_space<hbm>>
      tpu.enqueue_dma source(%dma_start3A_10 : memref<21x128xi32, #tpu.memory_space<hbm>>) target(%arg5 : memref<21x128xi32, #tpu.memory_space<vmem>>) target_semaphore(%run_scoped3A : memref<!tpu.dma_semaphore, #tpu.memory_space<semaphore_mem>>)
      %dma_wait3A = arith.constant 0 : i32
      %dma_wait3A_11 = tpu.memref_slice %arg3[%mul3A_2, %dma_wait3A] : memref<672x128xi32, #tpu.memory_space<hbm>> -> memref<21x128xi32, #tpu.memory_space<hbm>>
      %dma_wait3A_12 = arith.constant 0 : i32
      %dma_wait3A_13 = tpu.memref_slice %arg3[%mul3A_2, %dma_wait3A_12] : memref<672x128xi32, #tpu.memory_space<hbm>> -> memref<21x128xi32, #tpu.memory_space<hbm>>
      tpu.wait_dma2 semaphore(%run_scoped3A : memref<!tpu.dma_semaphore, #tpu.memory_space<semaphore_mem>>) src(%dma_wait3A_13 : memref<21x128xi32, #tpu.memory_space<hbm>>) dst(%arg5 : memref<21x128xi32, #tpu.memory_space<vmem>>)
      tpu.yield
    }) : () -> ()
    %scan3A = arith.constant 0 : i32
    %scan3A_3 = arith.constant 0 : i32
    %scan3A_4 = arith.constant 3 : i32
    %scan3A_5 = arith.addi %scan3A_3, %scan3A_4 : i32
    %scan3A_6 = arith.constant 1 : i32
    scf.for %scan3A_8 = %scan3A_3 to %scan3A_5 step %scan3A_6  : i32 {
      %mul3A_9 = arith.constant 7 : i32
      %mul3A_10 = arith.muli %scan3A_8, %mul3A_9 : i32
      %add3A_11 = arith.constant 0 : i32
      %add3A_12 = arith.addi %mul3A_10, %add3A_11 : i32
      %dma_start3A = arith.constant 0 : i32
      %dma_start3A_13 = arith.constant 0 : i32
      %dma_start3A_14 = tpu.memref_slice %arg6[%dma_start3A, %dma_start3A_13] : memref<896x64xi32, #tpu.memory_space<vmem>> -> memref<128x64xi32, #tpu.memory_space<vmem>>
      %dma_start3A_15 = arith.constant 0 : i32
      %dma_start3A_16 = tpu.memref_slice %arg5[%add3A_12, %dma_start3A_15] : memref<21x128xi32, #tpu.memory_space<vmem>> -> memref<1x128xi32, #tpu.memory_space<vmem>>
      %dma_start3A_17 = tpu.memref_squeeze %dma_start3A_16 : memref<1x128xi32, #tpu.memory_space<vmem>> -> memref<128xi32, #tpu.memory_space<vmem>>
      %dma_start3A_18 = arith.constant 0 : i32
      %dma_start3A_19 = arith.constant 0 : i32
      %dma_start3A_20 = tpu.memref_slice %arg2[%dma_start3A_18, %dma_start3A_19] : memref<50001x64xi32, #tpu.memory_space<hbm>> -> memref<50001x64xi32, #tpu.memory_space<hbm>>
      tpu.enqueue_indirect_dma source(%dma_start3A_20 : memref<50001x64xi32, #tpu.memory_space<hbm>>) target(%dma_start3A_14 : memref<128x64xi32, #tpu.memory_space<vmem>>) offsets(%dma_start3A_17 : memref<128xi32, #tpu.memory_space<vmem>>) semaphore(%arg7 : memref<!tpu.dma_semaphore, #tpu.memory_space<semaphore_mem>>)
      %add3A_21 = arith.constant 1 : i32
      %add3A_22 = arith.addi %mul3A_10, %add3A_21 : i32
      %dma_start3A_23 = arith.constant 128 : i32
      %dma_start3A_24 = arith.constant 0 : i32
      %dma_start3A_25 = tpu.memref_slice %arg6[%dma_start3A_23, %dma_start3A_24] : memref<896x64xi32, #tpu.memory_space<vmem>> -> memref<128x64xi32, #tpu.memory_space<vmem>>
      %dma_start3A_26 = arith.constant 0 : i32
      %dma_start3A_27 = tpu.memref_slice %arg5[%add3A_22, %dma_start3A_26] : memref<21x128xi32, #tpu.memory_space<vmem>> -> memref<1x128xi32, #tpu.memory_space<vmem>>
      %dma_start3A_28 = tpu.memref_squeeze %dma_start3A_27 : memref<1x128xi32, #tpu.memory_space<vmem>> -> memref<128xi32, #tpu.memory_space<vmem>>
      %dma_start3A_29 = arith.constant 0 : i32
      %dma_start3A_30 = arith.constant 0 : i32
      %dma_start3A_31 = tpu.memref_slice %arg2[%dma_start3A_29, %dma_start3A_30] : memref<50001x64xi32, #tpu.memory_space<hbm>> -> memref<50001x64xi32, #tpu.memory_space<hbm>>
      tpu.enqueue_indirect_dma source(%dma_start3A_31 : memref<50001x64xi32, #tpu.memory_space<hbm>>) target(%dma_start3A_25 : memref<128x64xi32, #tpu.memory_space<vmem>>) offsets(%dma_start3A_28 : memref<128xi32, #tpu.memory_space<vmem>>) semaphore(%arg7 : memref<!tpu.dma_semaphore, #tpu.memory_space<semaphore_mem>>)
      %add3A_32 = arith.constant 2 : i32
      %add3A_33 = arith.addi %mul3A_10, %add3A_32 : i32
      %dma_start3A_34 = arith.constant 256 : i32
      %dma_start3A_35 = arith.constant 0 : i32
      %dma_start3A_36 = tpu.memref_slice %arg6[%dma_start3A_34, %dma_start3A_35] : memref<896x64xi32, #tpu.memory_space<vmem>> -> memref<128x64xi32, #tpu.memory_space<vmem>>
      %dma_start3A_37 = arith.constant 0 : i32
      %dma_start3A_38 = tpu.memref_slice %arg5[%add3A_33, %dma_start3A_37] : memref<21x128xi32, #tpu.memory_space<vmem>> -> memref<1x128xi32, #tpu.memory_space<vmem>>
      %dma_start3A_39 = tpu.memref_squeeze %dma_start3A_38 : memref<1x128xi32, #tpu.memory_space<vmem>> -> memref<128xi32, #tpu.memory_space<vmem>>
      %dma_start3A_40 = arith.constant 0 : i32
      %dma_start3A_41 = arith.constant 0 : i32
      %dma_start3A_42 = tpu.memref_slice %arg2[%dma_start3A_40, %dma_start3A_41] : memref<50001x64xi32, #tpu.memory_space<hbm>> -> memref<50001x64xi32, #tpu.memory_space<hbm>>
      tpu.enqueue_indirect_dma source(%dma_start3A_42 : memref<50001x64xi32, #tpu.memory_space<hbm>>) target(%dma_start3A_36 : memref<128x64xi32, #tpu.memory_space<vmem>>) offsets(%dma_start3A_39 : memref<128xi32, #tpu.memory_space<vmem>>) semaphore(%arg7 : memref<!tpu.dma_semaphore, #tpu.memory_space<semaphore_mem>>)
      %add3A_43 = arith.constant 3 : i32
      %add3A_44 = arith.addi %mul3A_10, %add3A_43 : i32
      %dma_start3A_45 = arith.constant 384 : i32
      %dma_start3A_46 = arith.constant 0 : i32
      %dma_start3A_47 = tpu.memref_slice %arg6[%dma_start3A_45, %dma_start3A_46] : memref<896x64xi32, #tpu.memory_space<vmem>> -> memref<128x64xi32, #tpu.memory_space<vmem>>
      %dma_start3A_48 = arith.constant 0 : i32
      %dma_start3A_49 = tpu.memref_slice %arg5[%add3A_44, %dma_start3A_48] : memref<21x128xi32, #tpu.memory_space<vmem>> -> memref<1x128xi32, #tpu.memory_space<vmem>>
      %dma_start3A_50 = tpu.memref_squeeze %dma_start3A_49 : memref<1x128xi32, #tpu.memory_space<vmem>> -> memref<128xi32, #tpu.memory_space<vmem>>
      %dma_start3A_51 = arith.constant 0 : i32
      %dma_start3A_52 = arith.constant 0 : i32
      %dma_start3A_53 = tpu.memref_slice %arg2[%dma_start3A_51, %dma_start3A_52] : memref<50001x64xi32, #tpu.memory_space<hbm>> -> memref<50001x64xi32, #tpu.memory_space<hbm>>
      tpu.enqueue_indirect_dma source(%dma_start3A_53 : memref<50001x64xi32, #tpu.memory_space<hbm>>) target(%dma_start3A_47 : memref<128x64xi32, #tpu.memory_space<vmem>>) offsets(%dma_start3A_50 : memref<128xi32, #tpu.memory_space<vmem>>) semaphore(%arg7 : memref<!tpu.dma_semaphore, #tpu.memory_space<semaphore_mem>>)
      %add3A_54 = arith.constant 4 : i32
      %add3A_55 = arith.addi %mul3A_10, %add3A_54 : i32
      %dma_start3A_56 = arith.constant 512 : i32
      %dma_start3A_57 = arith.constant 0 : i32
      %dma_start3A_58 = tpu.memref_slice %arg6[%dma_start3A_56, %dma_start3A_57] : memref<896x64xi32, #tpu.memory_space<vmem>> -> memref<128x64xi32, #tpu.memory_space<vmem>>
      %dma_start3A_59 = arith.constant 0 : i32
      %dma_start3A_60 = tpu.memref_slice %arg5[%add3A_55, %dma_start3A_59] : memref<21x128xi32, #tpu.memory_space<vmem>> -> memref<1x128xi32, #tpu.memory_space<vmem>>
      %dma_start3A_61 = tpu.memref_squeeze %dma_start3A_60 : memref<1x128xi32, #tpu.memory_space<vmem>> -> memref<128xi32, #tpu.memory_space<vmem>>
      %dma_start3A_62 = arith.constant 0 : i32
      %dma_start3A_63 = arith.constant 0 : i32
      %dma_start3A_64 = tpu.memref_slice %arg2[%dma_start3A_62, %dma_start3A_63] : memref<50001x64xi32, #tpu.memory_space<hbm>> -> memref<50001x64xi32, #tpu.memory_space<hbm>>
      tpu.enqueue_indirect_dma source(%dma_start3A_64 : memref<50001x64xi32, #tpu.memory_space<hbm>>) target(%dma_start3A_58 : memref<128x64xi32, #tpu.memory_space<vmem>>) offsets(%dma_start3A_61 : memref<128xi32, #tpu.memory_space<vmem>>) semaphore(%arg7 : memref<!tpu.dma_semaphore, #tpu.memory_space<semaphore_mem>>)
      %add3A_65 = arith.constant 5 : i32
      %add3A_66 = arith.addi %mul3A_10, %add3A_65 : i32
      %dma_start3A_67 = arith.constant 640 : i32
      %dma_start3A_68 = arith.constant 0 : i32
      %dma_start3A_69 = tpu.memref_slice %arg6[%dma_start3A_67, %dma_start3A_68] : memref<896x64xi32, #tpu.memory_space<vmem>> -> memref<128x64xi32, #tpu.memory_space<vmem>>
      %dma_start3A_70 = arith.constant 0 : i32
      %dma_start3A_71 = tpu.memref_slice %arg5[%add3A_66, %dma_start3A_70] : memref<21x128xi32, #tpu.memory_space<vmem>> -> memref<1x128xi32, #tpu.memory_space<vmem>>
      %dma_start3A_72 = tpu.memref_squeeze %dma_start3A_71 : memref<1x128xi32, #tpu.memory_space<vmem>> -> memref<128xi32, #tpu.memory_space<vmem>>
      %dma_start3A_73 = arith.constant 0 : i32
      %dma_start3A_74 = arith.constant 0 : i32
      %dma_start3A_75 = tpu.memref_slice %arg2[%dma_start3A_73, %dma_start3A_74] : memref<50001x64xi32, #tpu.memory_space<hbm>> -> memref<50001x64xi32, #tpu.memory_space<hbm>>
      tpu.enqueue_indirect_dma source(%dma_start3A_75 : memref<50001x64xi32, #tpu.memory_space<hbm>>) target(%dma_start3A_69 : memref<128x64xi32, #tpu.memory_space<vmem>>) offsets(%dma_start3A_72 : memref<128xi32, #tpu.memory_space<vmem>>) semaphore(%arg7 : memref<!tpu.dma_semaphore, #tpu.memory_space<semaphore_mem>>)
      %add3A_76 = arith.constant 6 : i32
      %add3A_77 = arith.addi %mul3A_10, %add3A_76 : i32
      %dma_start3A_78 = arith.constant 768 : i32
      %dma_start3A_79 = arith.constant 0 : i32
      %dma_start3A_80 = tpu.memref_slice %arg6[%dma_start3A_78, %dma_start3A_79] : memref<896x64xi32, #tpu.memory_space<vmem>> -> memref<128x64xi32, #tpu.memory_space<vmem>>
      %dma_start3A_81 = arith.constant 0 : i32
      %dma_start3A_82 = tpu.memref_slice %arg5[%add3A_77, %dma_start3A_81] : memref<21x128xi32, #tpu.memory_space<vmem>> -> memref<1x128xi32, #tpu.memory_space<vmem>>
      %dma_start3A_83 = tpu.memref_squeeze %dma_start3A_82 : memref<1x128xi32, #tpu.memory_space<vmem>> -> memref<128xi32, #tpu.memory_space<vmem>>
      %dma_start3A_84 = arith.constant 0 : i32
      %dma_start3A_85 = arith.constant 0 : i32
      %dma_start3A_86 = tpu.memref_slice %arg2[%dma_start3A_84, %dma_start3A_85] : memref<50001x64xi32, #tpu.memory_space<hbm>> -> memref<50001x64xi32, #tpu.memory_space<hbm>>
      tpu.enqueue_indirect_dma source(%dma_start3A_86 : memref<50001x64xi32, #tpu.memory_space<hbm>>) target(%dma_start3A_80 : memref<128x64xi32, #tpu.memory_space<vmem>>) offsets(%dma_start3A_83 : memref<128xi32, #tpu.memory_space<vmem>>) semaphore(%arg7 : memref<!tpu.dma_semaphore, #tpu.memory_space<semaphore_mem>>)
      %dma_wait3A = arith.constant 0 : i32
      %dma_wait3A_87 = arith.constant 0 : i32
      %dma_wait3A_88 = tpu.memref_slice %arg6[%dma_wait3A, %dma_wait3A_87] : memref<896x64xi32, #tpu.memory_space<vmem>> -> memref<128x64xi32, #tpu.memory_space<vmem>>
      %dma_wait3A_89 = arith.constant 0 : i32
      %dma_wait3A_90 = tpu.memref_slice %arg5[%add3A_12, %dma_wait3A_89] : memref<21x128xi32, #tpu.memory_space<vmem>> -> memref<1x128xi32, #tpu.memory_space<vmem>>
      %dma_wait3A_91 = tpu.memref_squeeze %dma_wait3A_90 : memref<1x128xi32, #tpu.memory_space<vmem>> -> memref<128xi32, #tpu.memory_space<vmem>>
      %dma_wait3A_92 = arith.constant 0 : i32
      %dma_wait3A_93 = arith.constant 0 : i32
      %dma_wait3A_94 = tpu.memref_slice %arg2[%dma_wait3A_92, %dma_wait3A_93] : memref<50001x64xi32, #tpu.memory_space<hbm>> -> memref<50001x64xi32, #tpu.memory_space<hbm>>
      tpu.wait_indirect_dma semaphore(%arg7 : memref<!tpu.dma_semaphore, #tpu.memory_space<semaphore_mem>>) src(%dma_wait3A_94 : memref<50001x64xi32, #tpu.memory_space<hbm>>) dst(%dma_wait3A_88 : memref<128x64xi32, #tpu.memory_space<vmem>>)
      %dma_wait3A_95 = arith.constant 128 : i32
      %dma_wait3A_96 = arith.constant 0 : i32
      %dma_wait3A_97 = tpu.memref_slice %arg6[%dma_wait3A_95, %dma_wait3A_96] : memref<896x64xi32, #tpu.memory_space<vmem>> -> memref<128x64xi32, #tpu.memory_space<vmem>>
      %dma_wait3A_98 = arith.constant 0 : i32
      %dma_wait3A_99 = tpu.memref_slice %arg5[%add3A_22, %dma_wait3A_98] : memref<21x128xi32, #tpu.memory_space<vmem>> -> memref<1x128xi32, #tpu.memory_space<vmem>>
      %dma_wait3A_100 = tpu.memref_squeeze %dma_wait3A_99 : memref<1x128xi32, #tpu.memory_space<vmem>> -> memref<128xi32, #tpu.memory_space<vmem>>
      %dma_wait3A_101 = arith.constant 0 : i32
      %dma_wait3A_102 = arith.constant 0 : i32
      %dma_wait3A_103 = tpu.memref_slice %arg2[%dma_wait3A_101, %dma_wait3A_102] : memref<50001x64xi32, #tpu.memory_space<hbm>> -> memref<50001x64xi32, #tpu.memory_space<hbm>>
      tpu.wait_indirect_dma semaphore(%arg7 : memref<!tpu.dma_semaphore, #tpu.memory_space<semaphore_mem>>) src(%dma_wait3A_103 : memref<50001x64xi32, #tpu.memory_space<hbm>>) dst(%dma_wait3A_97 : memref<128x64xi32, #tpu.memory_space<vmem>>)
      %dma_wait3A_104 = arith.constant 256 : i32
      %dma_wait3A_105 = arith.constant 0 : i32
      %dma_wait3A_106 = tpu.memref_slice %arg6[%dma_wait3A_104, %dma_wait3A_105] : memref<896x64xi32, #tpu.memory_space<vmem>> -> memref<128x64xi32, #tpu.memory_space<vmem>>
      %dma_wait3A_107 = arith.constant 0 : i32
      %dma_wait3A_108 = tpu.memref_slice %arg5[%add3A_33, %dma_wait3A_107] : memref<21x128xi32, #tpu.memory_space<vmem>> -> memref<1x128xi32, #tpu.memory_space<vmem>>
      %dma_wait3A_109 = tpu.memref_squeeze %dma_wait3A_108 : memref<1x128xi32, #tpu.memory_space<vmem>> -> memref<128xi32, #tpu.memory_space<vmem>>
      %dma_wait3A_110 = arith.constant 0 : i32
      %dma_wait3A_111 = arith.constant 0 : i32
      %dma_wait3A_112 = tpu.memref_slice %arg2[%dma_wait3A_110, %dma_wait3A_111] : memref<50001x64xi32, #tpu.memory_space<hbm>> -> memref<50001x64xi32, #tpu.memory_space<hbm>>
      tpu.wait_indirect_dma semaphore(%arg7 : memref<!tpu.dma_semaphore, #tpu.memory_space<semaphore_mem>>) src(%dma_wait3A_112 : memref<50001x64xi32, #tpu.memory_space<hbm>>) dst(%dma_wait3A_106 : memref<128x64xi32, #tpu.memory_space<vmem>>)
      %dma_wait3A_113 = arith.constant 384 : i32
      %dma_wait3A_114 = arith.constant 0 : i32
      %dma_wait3A_115 = tpu.memref_slice %arg6[%dma_wait3A_113, %dma_wait3A_114] : memref<896x64xi32, #tpu.memory_space<vmem>> -> memref<128x64xi32, #tpu.memory_space<vmem>>
      %dma_wait3A_116 = arith.constant 0 : i32
      %dma_wait3A_117 = tpu.memref_slice %arg5[%add3A_44, %dma_wait3A_116] : memref<21x128xi32, #tpu.memory_space<vmem>> -> memref<1x128xi32, #tpu.memory_space<vmem>>
      %dma_wait3A_118 = tpu.memref_squeeze %dma_wait3A_117 : memref<1x128xi32, #tpu.memory_space<vmem>> -> memref<128xi32, #tpu.memory_space<vmem>>
      %dma_wait3A_119 = arith.constant 0 : i32
      %dma_wait3A_120 = arith.constant 0 : i32
      %dma_wait3A_121 = tpu.memref_slice %arg2[%dma_wait3A_119, %dma_wait3A_120] : memref<50001x64xi32, #tpu.memory_space<hbm>> -> memref<50001x64xi32, #tpu.memory_space<hbm>>
      tpu.wait_indirect_dma semaphore(%arg7 : memref<!tpu.dma_semaphore, #tpu.memory_space<semaphore_mem>>) src(%dma_wait3A_121 : memref<50001x64xi32, #tpu.memory_space<hbm>>) dst(%dma_wait3A_115 : memref<128x64xi32, #tpu.memory_space<vmem>>)
      %dma_wait3A_122 = arith.constant 512 : i32
      %dma_wait3A_123 = arith.constant 0 : i32
      %dma_wait3A_124 = tpu.memref_slice %arg6[%dma_wait3A_122, %dma_wait3A_123] : memref<896x64xi32, #tpu.memory_space<vmem>> -> memref<128x64xi32, #tpu.memory_space<vmem>>
      %dma_wait3A_125 = arith.constant 0 : i32
      %dma_wait3A_126 = tpu.memref_slice %arg5[%add3A_55, %dma_wait3A_125] : memref<21x128xi32, #tpu.memory_space<vmem>> -> memref<1x128xi32, #tpu.memory_space<vmem>>
      %dma_wait3A_127 = tpu.memref_squeeze %dma_wait3A_126 : memref<1x128xi32, #tpu.memory_space<vmem>> -> memref<128xi32, #tpu.memory_space<vmem>>
      %dma_wait3A_128 = arith.constant 0 : i32
      %dma_wait3A_129 = arith.constant 0 : i32
      %dma_wait3A_130 = tpu.memref_slice %arg2[%dma_wait3A_128, %dma_wait3A_129] : memref<50001x64xi32, #tpu.memory_space<hbm>> -> memref<50001x64xi32, #tpu.memory_space<hbm>>
      tpu.wait_indirect_dma semaphore(%arg7 : memref<!tpu.dma_semaphore, #tpu.memory_space<semaphore_mem>>) src(%dma_wait3A_130 : memref<50001x64xi32, #tpu.memory_space<hbm>>) dst(%dma_wait3A_124 : memref<128x64xi32, #tpu.memory_space<vmem>>)
      %dma_wait3A_131 = arith.constant 640 : i32
      %dma_wait3A_132 = arith.constant 0 : i32
      %dma_wait3A_133 = tpu.memref_slice %arg6[%dma_wait3A_131, %dma_wait3A_132] : memref<896x64xi32, #tpu.memory_space<vmem>> -> memref<128x64xi32, #tpu.memory_space<vmem>>
      %dma_wait3A_134 = arith.constant 0 : i32
      %dma_wait3A_135 = tpu.memref_slice %arg5[%add3A_66, %dma_wait3A_134] : memref<21x128xi32, #tpu.memory_space<vmem>> -> memref<1x128xi32, #tpu.memory_space<vmem>>
      %dma_wait3A_136 = tpu.memref_squeeze %dma_wait3A_135 : memref<1x128xi32, #tpu.memory_space<vmem>> -> memref<128xi32, #tpu.memory_space<vmem>>
      %dma_wait3A_137 = arith.constant 0 : i32
      %dma_wait3A_138 = arith.constant 0 : i32
      %dma_wait3A_139 = tpu.memref_slice %arg2[%dma_wait3A_137, %dma_wait3A_138] : memref<50001x64xi32, #tpu.memory_space<hbm>> -> memref<50001x64xi32, #tpu.memory_space<hbm>>
      tpu.wait_indirect_dma semaphore(%arg7 : memref<!tpu.dma_semaphore, #tpu.memory_space<semaphore_mem>>) src(%dma_wait3A_139 : memref<50001x64xi32, #tpu.memory_space<hbm>>) dst(%dma_wait3A_133 : memref<128x64xi32, #tpu.memory_space<vmem>>)
      %dma_wait3A_140 = arith.constant 768 : i32
      %dma_wait3A_141 = arith.constant 0 : i32
      %dma_wait3A_142 = tpu.memref_slice %arg6[%dma_wait3A_140, %dma_wait3A_141] : memref<896x64xi32, #tpu.memory_space<vmem>> -> memref<128x64xi32, #tpu.memory_space<vmem>>
      %dma_wait3A_143 = arith.constant 0 : i32
      %dma_wait3A_144 = tpu.memref_slice %arg5[%add3A_77, %dma_wait3A_143] : memref<21x128xi32, #tpu.memory_space<vmem>> -> memref<1x128xi32, #tpu.memory_space<vmem>>
      %dma_wait3A_145 = tpu.memref_squeeze %dma_wait3A_144 : memref<1x128xi32, #tpu.memory_space<vmem>> -> memref<128xi32, #tpu.memory_space<vmem>>
      %dma_wait3A_146 = arith.constant 0 : i32
      %dma_wait3A_147 = arith.constant 0 : i32
      %dma_wait3A_148 = tpu.memref_slice %arg2[%dma_wait3A_146, %dma_wait3A_147] : memref<50001x64xi32, #tpu.memory_space<hbm>> -> memref<50001x64xi32, #tpu.memory_space<hbm>>
      tpu.wait_indirect_dma semaphore(%arg7 : memref<!tpu.dma_semaphore, #tpu.memory_space<semaphore_mem>>) src(%dma_wait3A_148 : memref<50001x64xi32, #tpu.memory_space<hbm>>) dst(%dma_wait3A_142 : memref<128x64xi32, #tpu.memory_space<vmem>>)
      %add3A_149 = arith.addi %mul3A_2, %mul3A_10 : i32
      %mul3A_150 = arith.constant 128 : i32
      %mul3A_151 = arith.muli %add3A_149, %mul3A_150 : i32
      "tpu.region"() ({
        %run_scoped3A = tpu.sem_alloc : memref<!tpu.dma_semaphore, #tpu.memory_space<semaphore_mem>>
        %dma_start3A_152 = arith.constant 0 : i32
        %dma_start3A_153 = tpu.memref_slice %arg4[%mul3A_151, %dma_start3A_152] : memref<86016x64xi32, #tpu.memory_space<hbm>> -> memref<896x64xi32, #tpu.memory_space<hbm>>
        %dma_start3A_154 = arith.constant 0 : i32
        %dma_start3A_155 = tpu.memref_slice %arg4[%mul3A_151, %dma_start3A_154] : memref<86016x64xi32, #tpu.memory_space<hbm>> -> memref<896x64xi32, #tpu.memory_space<hbm>>
        tpu.enqueue_dma source(%arg6 : memref<896x64xi32, #tpu.memory_space<vmem>>) target(%dma_start3A_155 : memref<896x64xi32, #tpu.memory_space<hbm>>) target_semaphore(%run_scoped3A : memref<!tpu.dma_semaphore, #tpu.memory_space<semaphore_mem>>)
        %dma_wait3A_156 = arith.constant 0 : i32
        %dma_wait3A_157 = tpu.memref_slice %arg4[%mul3A_151, %dma_wait3A_156] : memref<86016x64xi32, #tpu.memory_space<hbm>> -> memref<896x64xi32, #tpu.memory_space<hbm>>
        %dma_wait3A_158 = arith.constant 0 : i32
        %dma_wait3A_159 = tpu.memref_slice %arg4[%mul3A_151, %dma_wait3A_158] : memref<86016x64xi32, #tpu.memory_space<hbm>> -> memref<896x64xi32, #tpu.memory_space<hbm>>
        tpu.wait_dma2 semaphore(%run_scoped3A : memref<!tpu.dma_semaphore, #tpu.memory_space<semaphore_mem>>) src(%arg6 : memref<896x64xi32, #tpu.memory_space<vmem>>) dst(%dma_wait3A_159 : memref<896x64xi32, #tpu.memory_space<hbm>>)
        tpu.yield
      }) : () -> ()
    }
    %scan3A_7 = arith.constant 3 : i32
    return
  }
}

#map = affine_map<(d0, d1) -> (0, 0)>
module attributes {stable_mosaic.version = 14 : i64} {
  func.func @gk(%arg0: i32, %arg1: i32, %arg2: memref<50001x64xi32, #tpu.memory_space<hbm>>, %arg3: memref<13440x128xi32, #tpu.memory_space<hbm>>, %arg4: memref<1720320x64xi32, #tpu.memory_space<hbm>>, %arg5: memref<420x128xi32, #tpu.memory_space<vmem>>, %arg6: memref<896x64xi32, #tpu.memory_space<vmem>>, %arg7: memref<!tpu.dma_semaphore, #tpu.memory_space<semaphore_mem>>) attributes {dimension_semantics = [#tpu.dimension_semantics<core_parallel>, #tpu.dimension_semantics<subcore_parallel>], iteration_bounds = array<i64: 2, 16>, scalar_prefetch = 0 : i64, scratch_operands = 3 : i64, tpu.core_type = #tpu.core_type<sc_vector_subcore>, window_params = [{transform_indices = #map}, {transform_indices = #map}, {transform_indices = #map}]} {
    %mul3A = arith.constant 2 : i32
    %mul3A_0 = arith.muli %arg1, %mul3A : i32
    %add3A = arith.addi %mul3A_0, %arg0 : i32
    %mul3A_1 = arith.constant 420 : i32
    %mul3A_2 = arith.muli %add3A, %mul3A_1 : i32
    "tpu.region"() ({
      %run_scoped3A = tpu.sem_alloc : memref<!tpu.dma_semaphore, #tpu.memory_space<semaphore_mem>>
      %dma_start3A = arith.constant 0 : i32
      %dma_start3A_8 = tpu.memref_slice %arg3[%mul3A_2, %dma_start3A] : memref<13440x128xi32, #tpu.memory_space<hbm>> -> memref<420x128xi32, #tpu.memory_space<hbm>>
      %dma_start3A_9 = arith.constant 0 : i32
      %dma_start3A_10 = tpu.memref_slice %arg3[%mul3A_2, %dma_start3A_9] : memref<13440x128xi32, #tpu.memory_space<hbm>> -> memref<420x128xi32, #tpu.memory_space<hbm>>
      tpu.enqueue_dma source(%dma_start3A_10 : memref<420x128xi32, #tpu.memory_space<hbm>>) target(%arg5 : memref<420x128xi32, #tpu.memory_space<vmem>>) target_semaphore(%run_scoped3A : memref<!tpu.dma_semaphore, #tpu.memory_space<semaphore_mem>>)
      %dma_wait3A = arith.constant 0 : i32
      %dma_wait3A_11 = tpu.memref_slice %arg3[%mul3A_2, %dma_wait3A] : memref<13440x128xi32, #tpu.memory_space<hbm>> -> memref<420x128xi32, #tpu.memory_space<hbm>>
      %dma_wait3A_12 = arith.constant 0 : i32
      %dma_wait3A_13 = tpu.memref_slice %arg3[%mul3A_2, %dma_wait3A_12] : memref<13440x128xi32, #tpu.memory_space<hbm>> -> memref<420x128xi32, #tpu.memory_space<hbm>>
      tpu.wait_dma2 semaphore(%run_scoped3A : memref<!tpu.dma_semaphore, #tpu.memory_space<semaphore_mem>>) src(%dma_wait3A_13 : memref<420x128xi32, #tpu.memory_space<hbm>>) dst(%arg5 : memref<420x128xi32, #tpu.memory_space<vmem>>)
      tpu.yield
    }) : () -> ()
    %scan3A = arith.constant 0 : i32
    %scan3A_3 = arith.constant 0 : i32
    %scan3A_4 = arith.constant 60 : i32
    %scan3A_5 = arith.addi %scan3A_3, %scan3A_4 : i32
    %scan3A_6 = arith.constant 1 : i32
    scf.for %scan3A_8 = %scan3A_3 to %scan3A_5 step %scan3A_6  : i32 {
      %mul3A_9 = arith.constant 7 : i32
      %mul3A_10 = arith.muli %scan3A_8, %mul3A_9 : i32
      %add3A_11 = arith.constant 0 : i32
      %add3A_12 = arith.addi %mul3A_10, %add3A_11 : i32
      %dma_start3A = arith.constant 0 : i32
      %dma_start3A_13 = arith.constant 0 : i32
      %dma_start3A_14 = tpu.memref_slice %arg6[%dma_start3A, %dma_start3A_13] : memref<896x64xi32, #tpu.memory_space<vmem>> -> memref<128x64xi32, #tpu.memory_space<vmem>>
      %dma_start3A_15 = arith.constant 0 : i32
      %dma_start3A_16 = tpu.memref_slice %arg5[%add3A_12, %dma_start3A_15] : memref<420x128xi32, #tpu.memory_space<vmem>> -> memref<1x128xi32, #tpu.memory_space<vmem>>
      %dma_start3A_17 = tpu.memref_squeeze %dma_start3A_16 : memref<1x128xi32, #tpu.memory_space<vmem>> -> memref<128xi32, #tpu.memory_space<vmem>>
      %dma_start3A_18 = arith.constant 0 : i32
      %dma_start3A_19 = arith.constant 0 : i32
      %dma_start3A_20 = tpu.memref_slice %arg2[%dma_start3A_18, %dma_start3A_19] : memref<50001x64xi32, #tpu.memory_space<hbm>> -> memref<50001x64xi32, #tpu.memory_space<hbm>>
      tpu.enqueue_indirect_dma source(%dma_start3A_20 : memref<50001x64xi32, #tpu.memory_space<hbm>>) target(%dma_start3A_14 : memref<128x64xi32, #tpu.memory_space<vmem>>) offsets(%dma_start3A_17 : memref<128xi32, #tpu.memory_space<vmem>>) semaphore(%arg7 : memref<!tpu.dma_semaphore, #tpu.memory_space<semaphore_mem>>)
      %add3A_21 = arith.constant 1 : i32
      %add3A_22 = arith.addi %mul3A_10, %add3A_21 : i32
      %dma_start3A_23 = arith.constant 128 : i32
      %dma_start3A_24 = arith.constant 0 : i32
      %dma_start3A_25 = tpu.memref_slice %arg6[%dma_start3A_23, %dma_start3A_24] : memref<896x64xi32, #tpu.memory_space<vmem>> -> memref<128x64xi32, #tpu.memory_space<vmem>>
      %dma_start3A_26 = arith.constant 0 : i32
      %dma_start3A_27 = tpu.memref_slice %arg5[%add3A_22, %dma_start3A_26] : memref<420x128xi32, #tpu.memory_space<vmem>> -> memref<1x128xi32, #tpu.memory_space<vmem>>
      %dma_start3A_28 = tpu.memref_squeeze %dma_start3A_27 : memref<1x128xi32, #tpu.memory_space<vmem>> -> memref<128xi32, #tpu.memory_space<vmem>>
      %dma_start3A_29 = arith.constant 0 : i32
      %dma_start3A_30 = arith.constant 0 : i32
      %dma_start3A_31 = tpu.memref_slice %arg2[%dma_start3A_29, %dma_start3A_30] : memref<50001x64xi32, #tpu.memory_space<hbm>> -> memref<50001x64xi32, #tpu.memory_space<hbm>>
      tpu.enqueue_indirect_dma source(%dma_start3A_31 : memref<50001x64xi32, #tpu.memory_space<hbm>>) target(%dma_start3A_25 : memref<128x64xi32, #tpu.memory_space<vmem>>) offsets(%dma_start3A_28 : memref<128xi32, #tpu.memory_space<vmem>>) semaphore(%arg7 : memref<!tpu.dma_semaphore, #tpu.memory_space<semaphore_mem>>)
      %add3A_32 = arith.constant 2 : i32
      %add3A_33 = arith.addi %mul3A_10, %add3A_32 : i32
      %dma_start3A_34 = arith.constant 256 : i32
      %dma_start3A_35 = arith.constant 0 : i32
      %dma_start3A_36 = tpu.memref_slice %arg6[%dma_start3A_34, %dma_start3A_35] : memref<896x64xi32, #tpu.memory_space<vmem>> -> memref<128x64xi32, #tpu.memory_space<vmem>>
      %dma_start3A_37 = arith.constant 0 : i32
      %dma_start3A_38 = tpu.memref_slice %arg5[%add3A_33, %dma_start3A_37] : memref<420x128xi32, #tpu.memory_space<vmem>> -> memref<1x128xi32, #tpu.memory_space<vmem>>
      %dma_start3A_39 = tpu.memref_squeeze %dma_start3A_38 : memref<1x128xi32, #tpu.memory_space<vmem>> -> memref<128xi32, #tpu.memory_space<vmem>>
      %dma_start3A_40 = arith.constant 0 : i32
      %dma_start3A_41 = arith.constant 0 : i32
      %dma_start3A_42 = tpu.memref_slice %arg2[%dma_start3A_40, %dma_start3A_41] : memref<50001x64xi32, #tpu.memory_space<hbm>> -> memref<50001x64xi32, #tpu.memory_space<hbm>>
      tpu.enqueue_indirect_dma source(%dma_start3A_42 : memref<50001x64xi32, #tpu.memory_space<hbm>>) target(%dma_start3A_36 : memref<128x64xi32, #tpu.memory_space<vmem>>) offsets(%dma_start3A_39 : memref<128xi32, #tpu.memory_space<vmem>>) semaphore(%arg7 : memref<!tpu.dma_semaphore, #tpu.memory_space<semaphore_mem>>)
      %add3A_43 = arith.constant 3 : i32
      %add3A_44 = arith.addi %mul3A_10, %add3A_43 : i32
      %dma_start3A_45 = arith.constant 384 : i32
      %dma_start3A_46 = arith.constant 0 : i32
      %dma_start3A_47 = tpu.memref_slice %arg6[%dma_start3A_45, %dma_start3A_46] : memref<896x64xi32, #tpu.memory_space<vmem>> -> memref<128x64xi32, #tpu.memory_space<vmem>>
      %dma_start3A_48 = arith.constant 0 : i32
      %dma_start3A_49 = tpu.memref_slice %arg5[%add3A_44, %dma_start3A_48] : memref<420x128xi32, #tpu.memory_space<vmem>> -> memref<1x128xi32, #tpu.memory_space<vmem>>
      %dma_start3A_50 = tpu.memref_squeeze %dma_start3A_49 : memref<1x128xi32, #tpu.memory_space<vmem>> -> memref<128xi32, #tpu.memory_space<vmem>>
      %dma_start3A_51 = arith.constant 0 : i32
      %dma_start3A_52 = arith.constant 0 : i32
      %dma_start3A_53 = tpu.memref_slice %arg2[%dma_start3A_51, %dma_start3A_52] : memref<50001x64xi32, #tpu.memory_space<hbm>> -> memref<50001x64xi32, #tpu.memory_space<hbm>>
      tpu.enqueue_indirect_dma source(%dma_start3A_53 : memref<50001x64xi32, #tpu.memory_space<hbm>>) target(%dma_start3A_47 : memref<128x64xi32, #tpu.memory_space<vmem>>) offsets(%dma_start3A_50 : memref<128xi32, #tpu.memory_space<vmem>>) semaphore(%arg7 : memref<!tpu.dma_semaphore, #tpu.memory_space<semaphore_mem>>)
      %add3A_54 = arith.constant 4 : i32
      %add3A_55 = arith.addi %mul3A_10, %add3A_54 : i32
      %dma_start3A_56 = arith.constant 512 : i32
      %dma_start3A_57 = arith.constant 0 : i32
      %dma_start3A_58 = tpu.memref_slice %arg6[%dma_start3A_56, %dma_start3A_57] : memref<896x64xi32, #tpu.memory_space<vmem>> -> memref<128x64xi32, #tpu.memory_space<vmem>>
      %dma_start3A_59 = arith.constant 0 : i32
      %dma_start3A_60 = tpu.memref_slice %arg5[%add3A_55, %dma_start3A_59] : memref<420x128xi32, #tpu.memory_space<vmem>> -> memref<1x128xi32, #tpu.memory_space<vmem>>
      %dma_start3A_61 = tpu.memref_squeeze %dma_start3A_60 : memref<1x128xi32, #tpu.memory_space<vmem>> -> memref<128xi32, #tpu.memory_space<vmem>>
      %dma_start3A_62 = arith.constant 0 : i32
      %dma_start3A_63 = arith.constant 0 : i32
      %dma_start3A_64 = tpu.memref_slice %arg2[%dma_start3A_62, %dma_start3A_63] : memref<50001x64xi32, #tpu.memory_space<hbm>> -> memref<50001x64xi32, #tpu.memory_space<hbm>>
      tpu.enqueue_indirect_dma source(%dma_start3A_64 : memref<50001x64xi32, #tpu.memory_space<hbm>>) target(%dma_start3A_58 : memref<128x64xi32, #tpu.memory_space<vmem>>) offsets(%dma_start3A_61 : memref<128xi32, #tpu.memory_space<vmem>>) semaphore(%arg7 : memref<!tpu.dma_semaphore, #tpu.memory_space<semaphore_mem>>)
      %add3A_65 = arith.constant 5 : i32
      %add3A_66 = arith.addi %mul3A_10, %add3A_65 : i32
      %dma_start3A_67 = arith.constant 640 : i32
      %dma_start3A_68 = arith.constant 0 : i32
      %dma_start3A_69 = tpu.memref_slice %arg6[%dma_start3A_67, %dma_start3A_68] : memref<896x64xi32, #tpu.memory_space<vmem>> -> memref<128x64xi32, #tpu.memory_space<vmem>>
      %dma_start3A_70 = arith.constant 0 : i32
      %dma_start3A_71 = tpu.memref_slice %arg5[%add3A_66, %dma_start3A_70] : memref<420x128xi32, #tpu.memory_space<vmem>> -> memref<1x128xi32, #tpu.memory_space<vmem>>
      %dma_start3A_72 = tpu.memref_squeeze %dma_start3A_71 : memref<1x128xi32, #tpu.memory_space<vmem>> -> memref<128xi32, #tpu.memory_space<vmem>>
      %dma_start3A_73 = arith.constant 0 : i32
      %dma_start3A_74 = arith.constant 0 : i32
      %dma_start3A_75 = tpu.memref_slice %arg2[%dma_start3A_73, %dma_start3A_74] : memref<50001x64xi32, #tpu.memory_space<hbm>> -> memref<50001x64xi32, #tpu.memory_space<hbm>>
      tpu.enqueue_indirect_dma source(%dma_start3A_75 : memref<50001x64xi32, #tpu.memory_space<hbm>>) target(%dma_start3A_69 : memref<128x64xi32, #tpu.memory_space<vmem>>) offsets(%dma_start3A_72 : memref<128xi32, #tpu.memory_space<vmem>>) semaphore(%arg7 : memref<!tpu.dma_semaphore, #tpu.memory_space<semaphore_mem>>)
      %add3A_76 = arith.constant 6 : i32
      %add3A_77 = arith.addi %mul3A_10, %add3A_76 : i32
      %dma_start3A_78 = arith.constant 768 : i32
      %dma_start3A_79 = arith.constant 0 : i32
      %dma_start3A_80 = tpu.memref_slice %arg6[%dma_start3A_78, %dma_start3A_79] : memref<896x64xi32, #tpu.memory_space<vmem>> -> memref<128x64xi32, #tpu.memory_space<vmem>>
      %dma_start3A_81 = arith.constant 0 : i32
      %dma_start3A_82 = tpu.memref_slice %arg5[%add3A_77, %dma_start3A_81] : memref<420x128xi32, #tpu.memory_space<vmem>> -> memref<1x128xi32, #tpu.memory_space<vmem>>
      %dma_start3A_83 = tpu.memref_squeeze %dma_start3A_82 : memref<1x128xi32, #tpu.memory_space<vmem>> -> memref<128xi32, #tpu.memory_space<vmem>>
      %dma_start3A_84 = arith.constant 0 : i32
      %dma_start3A_85 = arith.constant 0 : i32
      %dma_start3A_86 = tpu.memref_slice %arg2[%dma_start3A_84, %dma_start3A_85] : memref<50001x64xi32, #tpu.memory_space<hbm>> -> memref<50001x64xi32, #tpu.memory_space<hbm>>
      tpu.enqueue_indirect_dma source(%dma_start3A_86 : memref<50001x64xi32, #tpu.memory_space<hbm>>) target(%dma_start3A_80 : memref<128x64xi32, #tpu.memory_space<vmem>>) offsets(%dma_start3A_83 : memref<128xi32, #tpu.memory_space<vmem>>) semaphore(%arg7 : memref<!tpu.dma_semaphore, #tpu.memory_space<semaphore_mem>>)
      %dma_wait3A = arith.constant 0 : i32
      %dma_wait3A_87 = arith.constant 0 : i32
      %dma_wait3A_88 = tpu.memref_slice %arg6[%dma_wait3A, %dma_wait3A_87] : memref<896x64xi32, #tpu.memory_space<vmem>> -> memref<128x64xi32, #tpu.memory_space<vmem>>
      %dma_wait3A_89 = arith.constant 0 : i32
      %dma_wait3A_90 = tpu.memref_slice %arg5[%add3A_12, %dma_wait3A_89] : memref<420x128xi32, #tpu.memory_space<vmem>> -> memref<1x128xi32, #tpu.memory_space<vmem>>
      %dma_wait3A_91 = tpu.memref_squeeze %dma_wait3A_90 : memref<1x128xi32, #tpu.memory_space<vmem>> -> memref<128xi32, #tpu.memory_space<vmem>>
      %dma_wait3A_92 = arith.constant 0 : i32
      %dma_wait3A_93 = arith.constant 0 : i32
      %dma_wait3A_94 = tpu.memref_slice %arg2[%dma_wait3A_92, %dma_wait3A_93] : memref<50001x64xi32, #tpu.memory_space<hbm>> -> memref<50001x64xi32, #tpu.memory_space<hbm>>
      tpu.wait_indirect_dma semaphore(%arg7 : memref<!tpu.dma_semaphore, #tpu.memory_space<semaphore_mem>>) src(%dma_wait3A_94 : memref<50001x64xi32, #tpu.memory_space<hbm>>) dst(%dma_wait3A_88 : memref<128x64xi32, #tpu.memory_space<vmem>>)
      %dma_wait3A_95 = arith.constant 128 : i32
      %dma_wait3A_96 = arith.constant 0 : i32
      %dma_wait3A_97 = tpu.memref_slice %arg6[%dma_wait3A_95, %dma_wait3A_96] : memref<896x64xi32, #tpu.memory_space<vmem>> -> memref<128x64xi32, #tpu.memory_space<vmem>>
      %dma_wait3A_98 = arith.constant 0 : i32
      %dma_wait3A_99 = tpu.memref_slice %arg5[%add3A_22, %dma_wait3A_98] : memref<420x128xi32, #tpu.memory_space<vmem>> -> memref<1x128xi32, #tpu.memory_space<vmem>>
      %dma_wait3A_100 = tpu.memref_squeeze %dma_wait3A_99 : memref<1x128xi32, #tpu.memory_space<vmem>> -> memref<128xi32, #tpu.memory_space<vmem>>
      %dma_wait3A_101 = arith.constant 0 : i32
      %dma_wait3A_102 = arith.constant 0 : i32
      %dma_wait3A_103 = tpu.memref_slice %arg2[%dma_wait3A_101, %dma_wait3A_102] : memref<50001x64xi32, #tpu.memory_space<hbm>> -> memref<50001x64xi32, #tpu.memory_space<hbm>>
      tpu.wait_indirect_dma semaphore(%arg7 : memref<!tpu.dma_semaphore, #tpu.memory_space<semaphore_mem>>) src(%dma_wait3A_103 : memref<50001x64xi32, #tpu.memory_space<hbm>>) dst(%dma_wait3A_97 : memref<128x64xi32, #tpu.memory_space<vmem>>)
      %dma_wait3A_104 = arith.constant 256 : i32
      %dma_wait3A_105 = arith.constant 0 : i32
      %dma_wait3A_106 = tpu.memref_slice %arg6[%dma_wait3A_104, %dma_wait3A_105] : memref<896x64xi32, #tpu.memory_space<vmem>> -> memref<128x64xi32, #tpu.memory_space<vmem>>
      %dma_wait3A_107 = arith.constant 0 : i32
      %dma_wait3A_108 = tpu.memref_slice %arg5[%add3A_33, %dma_wait3A_107] : memref<420x128xi32, #tpu.memory_space<vmem>> -> memref<1x128xi32, #tpu.memory_space<vmem>>
      %dma_wait3A_109 = tpu.memref_squeeze %dma_wait3A_108 : memref<1x128xi32, #tpu.memory_space<vmem>> -> memref<128xi32, #tpu.memory_space<vmem>>
      %dma_wait3A_110 = arith.constant 0 : i32
      %dma_wait3A_111 = arith.constant 0 : i32
      %dma_wait3A_112 = tpu.memref_slice %arg2[%dma_wait3A_110, %dma_wait3A_111] : memref<50001x64xi32, #tpu.memory_space<hbm>> -> memref<50001x64xi32, #tpu.memory_space<hbm>>
      tpu.wait_indirect_dma semaphore(%arg7 : memref<!tpu.dma_semaphore, #tpu.memory_space<semaphore_mem>>) src(%dma_wait3A_112 : memref<50001x64xi32, #tpu.memory_space<hbm>>) dst(%dma_wait3A_106 : memref<128x64xi32, #tpu.memory_space<vmem>>)
      %dma_wait3A_113 = arith.constant 384 : i32
      %dma_wait3A_114 = arith.constant 0 : i32
      %dma_wait3A_115 = tpu.memref_slice %arg6[%dma_wait3A_113, %dma_wait3A_114] : memref<896x64xi32, #tpu.memory_space<vmem>> -> memref<128x64xi32, #tpu.memory_space<vmem>>
      %dma_wait3A_116 = arith.constant 0 : i32
      %dma_wait3A_117 = tpu.memref_slice %arg5[%add3A_44, %dma_wait3A_116] : memref<420x128xi32, #tpu.memory_space<vmem>> -> memref<1x128xi32, #tpu.memory_space<vmem>>
      %dma_wait3A_118 = tpu.memref_squeeze %dma_wait3A_117 : memref<1x128xi32, #tpu.memory_space<vmem>> -> memref<128xi32, #tpu.memory_space<vmem>>
      %dma_wait3A_119 = arith.constant 0 : i32
      %dma_wait3A_120 = arith.constant 0 : i32
      %dma_wait3A_121 = tpu.memref_slice %arg2[%dma_wait3A_119, %dma_wait3A_120] : memref<50001x64xi32, #tpu.memory_space<hbm>> -> memref<50001x64xi32, #tpu.memory_space<hbm>>
      tpu.wait_indirect_dma semaphore(%arg7 : memref<!tpu.dma_semaphore, #tpu.memory_space<semaphore_mem>>) src(%dma_wait3A_121 : memref<50001x64xi32, #tpu.memory_space<hbm>>) dst(%dma_wait3A_115 : memref<128x64xi32, #tpu.memory_space<vmem>>)
      %dma_wait3A_122 = arith.constant 512 : i32
      %dma_wait3A_123 = arith.constant 0 : i32
      %dma_wait3A_124 = tpu.memref_slice %arg6[%dma_wait3A_122, %dma_wait3A_123] : memref<896x64xi32, #tpu.memory_space<vmem>> -> memref<128x64xi32, #tpu.memory_space<vmem>>
      %dma_wait3A_125 = arith.constant 0 : i32
      %dma_wait3A_126 = tpu.memref_slice %arg5[%add3A_55, %dma_wait3A_125] : memref<420x128xi32, #tpu.memory_space<vmem>> -> memref<1x128xi32, #tpu.memory_space<vmem>>
      %dma_wait3A_127 = tpu.memref_squeeze %dma_wait3A_126 : memref<1x128xi32, #tpu.memory_space<vmem>> -> memref<128xi32, #tpu.memory_space<vmem>>
      %dma_wait3A_128 = arith.constant 0 : i32
      %dma_wait3A_129 = arith.constant 0 : i32
      %dma_wait3A_130 = tpu.memref_slice %arg2[%dma_wait3A_128, %dma_wait3A_129] : memref<50001x64xi32, #tpu.memory_space<hbm>> -> memref<50001x64xi32, #tpu.memory_space<hbm>>
      tpu.wait_indirect_dma semaphore(%arg7 : memref<!tpu.dma_semaphore, #tpu.memory_space<semaphore_mem>>) src(%dma_wait3A_130 : memref<50001x64xi32, #tpu.memory_space<hbm>>) dst(%dma_wait3A_124 : memref<128x64xi32, #tpu.memory_space<vmem>>)
      %dma_wait3A_131 = arith.constant 640 : i32
      %dma_wait3A_132 = arith.constant 0 : i32
      %dma_wait3A_133 = tpu.memref_slice %arg6[%dma_wait3A_131, %dma_wait3A_132] : memref<896x64xi32, #tpu.memory_space<vmem>> -> memref<128x64xi32, #tpu.memory_space<vmem>>
      %dma_wait3A_134 = arith.constant 0 : i32
      %dma_wait3A_135 = tpu.memref_slice %arg5[%add3A_66, %dma_wait3A_134] : memref<420x128xi32, #tpu.memory_space<vmem>> -> memref<1x128xi32, #tpu.memory_space<vmem>>
      %dma_wait3A_136 = tpu.memref_squeeze %dma_wait3A_135 : memref<1x128xi32, #tpu.memory_space<vmem>> -> memref<128xi32, #tpu.memory_space<vmem>>
      %dma_wait3A_137 = arith.constant 0 : i32
      %dma_wait3A_138 = arith.constant 0 : i32
      %dma_wait3A_139 = tpu.memref_slice %arg2[%dma_wait3A_137, %dma_wait3A_138] : memref<50001x64xi32, #tpu.memory_space<hbm>> -> memref<50001x64xi32, #tpu.memory_space<hbm>>
      tpu.wait_indirect_dma semaphore(%arg7 : memref<!tpu.dma_semaphore, #tpu.memory_space<semaphore_mem>>) src(%dma_wait3A_139 : memref<50001x64xi32, #tpu.memory_space<hbm>>) dst(%dma_wait3A_133 : memref<128x64xi32, #tpu.memory_space<vmem>>)
      %dma_wait3A_140 = arith.constant 768 : i32
      %dma_wait3A_141 = arith.constant 0 : i32
      %dma_wait3A_142 = tpu.memref_slice %arg6[%dma_wait3A_140, %dma_wait3A_141] : memref<896x64xi32, #tpu.memory_space<vmem>> -> memref<128x64xi32, #tpu.memory_space<vmem>>
      %dma_wait3A_143 = arith.constant 0 : i32
      %dma_wait3A_144 = tpu.memref_slice %arg5[%add3A_77, %dma_wait3A_143] : memref<420x128xi32, #tpu.memory_space<vmem>> -> memref<1x128xi32, #tpu.memory_space<vmem>>
      %dma_wait3A_145 = tpu.memref_squeeze %dma_wait3A_144 : memref<1x128xi32, #tpu.memory_space<vmem>> -> memref<128xi32, #tpu.memory_space<vmem>>
      %dma_wait3A_146 = arith.constant 0 : i32
      %dma_wait3A_147 = arith.constant 0 : i32
      %dma_wait3A_148 = tpu.memref_slice %arg2[%dma_wait3A_146, %dma_wait3A_147] : memref<50001x64xi32, #tpu.memory_space<hbm>> -> memref<50001x64xi32, #tpu.memory_space<hbm>>
      tpu.wait_indirect_dma semaphore(%arg7 : memref<!tpu.dma_semaphore, #tpu.memory_space<semaphore_mem>>) src(%dma_wait3A_148 : memref<50001x64xi32, #tpu.memory_space<hbm>>) dst(%dma_wait3A_142 : memref<128x64xi32, #tpu.memory_space<vmem>>)
      %add3A_149 = arith.addi %mul3A_2, %mul3A_10 : i32
      %mul3A_150 = arith.constant 128 : i32
      %mul3A_151 = arith.muli %add3A_149, %mul3A_150 : i32
      "tpu.region"() ({
        %run_scoped3A = tpu.sem_alloc : memref<!tpu.dma_semaphore, #tpu.memory_space<semaphore_mem>>
        %dma_start3A_152 = arith.constant 0 : i32
        %dma_start3A_153 = tpu.memref_slice %arg4[%mul3A_151, %dma_start3A_152] : memref<1720320x64xi32, #tpu.memory_space<hbm>> -> memref<896x64xi32, #tpu.memory_space<hbm>>
        %dma_start3A_154 = arith.constant 0 : i32
        %dma_start3A_155 = tpu.memref_slice %arg4[%mul3A_151, %dma_start3A_154] : memref<1720320x64xi32, #tpu.memory_space<hbm>> -> memref<896x64xi32, #tpu.memory_space<hbm>>
        tpu.enqueue_dma source(%arg6 : memref<896x64xi32, #tpu.memory_space<vmem>>) target(%dma_start3A_155 : memref<896x64xi32, #tpu.memory_space<hbm>>) target_semaphore(%run_scoped3A : memref<!tpu.dma_semaphore, #tpu.memory_space<semaphore_mem>>)
        %dma_wait3A_156 = arith.constant 0 : i32
        %dma_wait3A_157 = tpu.memref_slice %arg4[%mul3A_151, %dma_wait3A_156] : memref<1720320x64xi32, #tpu.memory_space<hbm>> -> memref<896x64xi32, #tpu.memory_space<hbm>>
        %dma_wait3A_158 = arith.constant 0 : i32
        %dma_wait3A_159 = tpu.memref_slice %arg4[%mul3A_151, %dma_wait3A_158] : memref<1720320x64xi32, #tpu.memory_space<hbm>> -> memref<896x64xi32, #tpu.memory_space<hbm>>
        tpu.wait_dma2 semaphore(%run_scoped3A : memref<!tpu.dma_semaphore, #tpu.memory_space<semaphore_mem>>) src(%arg6 : memref<896x64xi32, #tpu.memory_space<vmem>>) dst(%dma_wait3A_159 : memref<896x64xi32, #tpu.memory_space<hbm>>)
        tpu.yield
      }) : () -> ()
    }
    %scan3A_7 = arith.constant 60 : i32
    return
  }
}

#map = affine_map<(d0, d1) -> (0, 0)>
module attributes {stable_mosaic.version = 14 : i64} {
  func.func @gk(%arg0: i32, %arg1: i32, %arg2: memref<800001x16xf32, #tpu.memory_space<hbm>>, %arg3: memref<13440x128xi32, #tpu.memory_space<hbm>>, %arg4: memref<1720320x16xf32, #tpu.memory_space<hbm>>, %arg5: memref<420x128xi32, #tpu.memory_space<vmem>>, %arg6: memref<1920x16xf32, #tpu.memory_space<vmem>>, %arg7: memref<!tpu.dma_semaphore, #tpu.memory_space<semaphore_mem>>) attributes {dimension_semantics = [#tpu.dimension_semantics<core_parallel>, #tpu.dimension_semantics<subcore_parallel>], iteration_bounds = array<i64: 2, 16>, scalar_prefetch = 0 : i64, scratch_operands = 3 : i64, tpu.core_type = #tpu.core_type<sc_vector_subcore>, window_params = [{transform_indices = #map}, {transform_indices = #map}, {transform_indices = #map}]} {
    %mul3A = arith.constant 2 : i32
    %mul3A_0 = arith.muli %arg1, %mul3A : i32
    %add3A = arith.addi %mul3A_0, %arg0 : i32
    %mul3A_1 = arith.constant 420 : i32
    %mul3A_2 = arith.muli %add3A, %mul3A_1 : i32
    "tpu.region"() ({
      %run_scoped3A = tpu.sem_alloc : memref<!tpu.dma_semaphore, #tpu.memory_space<semaphore_mem>>
      %dma_start3A = arith.constant 0 : i32
      %dma_start3A_8 = tpu.memref_slice %arg3[%mul3A_2, %dma_start3A] : memref<13440x128xi32, #tpu.memory_space<hbm>> -> memref<420x128xi32, #tpu.memory_space<hbm>>
      %dma_start3A_9 = arith.constant 0 : i32
      %dma_start3A_10 = tpu.memref_slice %arg3[%mul3A_2, %dma_start3A_9] : memref<13440x128xi32, #tpu.memory_space<hbm>> -> memref<420x128xi32, #tpu.memory_space<hbm>>
      tpu.enqueue_dma source(%dma_start3A_10 : memref<420x128xi32, #tpu.memory_space<hbm>>) target(%arg5 : memref<420x128xi32, #tpu.memory_space<vmem>>) target_semaphore(%run_scoped3A : memref<!tpu.dma_semaphore, #tpu.memory_space<semaphore_mem>>)
      %dma_wait3A = arith.constant 0 : i32
      %dma_wait3A_11 = tpu.memref_slice %arg3[%mul3A_2, %dma_wait3A] : memref<13440x128xi32, #tpu.memory_space<hbm>> -> memref<420x128xi32, #tpu.memory_space<hbm>>
      %dma_wait3A_12 = arith.constant 0 : i32
      %dma_wait3A_13 = tpu.memref_slice %arg3[%mul3A_2, %dma_wait3A_12] : memref<13440x128xi32, #tpu.memory_space<hbm>> -> memref<420x128xi32, #tpu.memory_space<hbm>>
      tpu.wait_dma2 semaphore(%run_scoped3A : memref<!tpu.dma_semaphore, #tpu.memory_space<semaphore_mem>>) src(%dma_wait3A_13 : memref<420x128xi32, #tpu.memory_space<hbm>>) dst(%arg5 : memref<420x128xi32, #tpu.memory_space<vmem>>)
      tpu.yield
    }) : () -> ()
    %scan3A = arith.constant 0 : i32
    %scan3A_3 = arith.constant 0 : i32
    %scan3A_4 = arith.constant 28 : i32
    %scan3A_5 = arith.addi %scan3A_3, %scan3A_4 : i32
    %scan3A_6 = arith.constant 1 : i32
    scf.for %scan3A_8 = %scan3A_3 to %scan3A_5 step %scan3A_6  : i32 {
      %mul3A_9 = arith.constant 15 : i32
      %mul3A_10 = arith.muli %scan3A_8, %mul3A_9 : i32
      %add3A_11 = arith.constant 0 : i32
      %add3A_12 = arith.addi %mul3A_10, %add3A_11 : i32
      %dma_start3A = arith.constant 0 : i32
      %dma_start3A_13 = arith.constant 0 : i32
      %dma_start3A_14 = tpu.memref_slice %arg6[%dma_start3A, %dma_start3A_13] : memref<1920x16xf32, #tpu.memory_space<vmem>> -> memref<128x16xf32, #tpu.memory_space<vmem>>
      %dma_start3A_15 = arith.constant 0 : i32
      %dma_start3A_16 = tpu.memref_slice %arg5[%add3A_12, %dma_start3A_15] : memref<420x128xi32, #tpu.memory_space<vmem>> -> memref<1x128xi32, #tpu.memory_space<vmem>>
      %dma_start3A_17 = tpu.memref_squeeze %dma_start3A_16 : memref<1x128xi32, #tpu.memory_space<vmem>> -> memref<128xi32, #tpu.memory_space<vmem>>
      %dma_start3A_18 = arith.constant 0 : i32
      %dma_start3A_19 = arith.constant 0 : i32
      %dma_start3A_20 = tpu.memref_slice %arg2[%dma_start3A_18, %dma_start3A_19] : memref<800001x16xf32, #tpu.memory_space<hbm>> -> memref<800001x16xf32, #tpu.memory_space<hbm>>
      tpu.enqueue_indirect_dma source(%dma_start3A_20 : memref<800001x16xf32, #tpu.memory_space<hbm>>) target(%dma_start3A_14 : memref<128x16xf32, #tpu.memory_space<vmem>>) offsets(%dma_start3A_17 : memref<128xi32, #tpu.memory_space<vmem>>) semaphore(%arg7 : memref<!tpu.dma_semaphore, #tpu.memory_space<semaphore_mem>>)
      %add3A_21 = arith.constant 1 : i32
      %add3A_22 = arith.addi %mul3A_10, %add3A_21 : i32
      %dma_start3A_23 = arith.constant 128 : i32
      %dma_start3A_24 = arith.constant 0 : i32
      %dma_start3A_25 = tpu.memref_slice %arg6[%dma_start3A_23, %dma_start3A_24] : memref<1920x16xf32, #tpu.memory_space<vmem>> -> memref<128x16xf32, #tpu.memory_space<vmem>>
      %dma_start3A_26 = arith.constant 0 : i32
      %dma_start3A_27 = tpu.memref_slice %arg5[%add3A_22, %dma_start3A_26] : memref<420x128xi32, #tpu.memory_space<vmem>> -> memref<1x128xi32, #tpu.memory_space<vmem>>
      %dma_start3A_28 = tpu.memref_squeeze %dma_start3A_27 : memref<1x128xi32, #tpu.memory_space<vmem>> -> memref<128xi32, #tpu.memory_space<vmem>>
      %dma_start3A_29 = arith.constant 0 : i32
      %dma_start3A_30 = arith.constant 0 : i32
      %dma_start3A_31 = tpu.memref_slice %arg2[%dma_start3A_29, %dma_start3A_30] : memref<800001x16xf32, #tpu.memory_space<hbm>> -> memref<800001x16xf32, #tpu.memory_space<hbm>>
      tpu.enqueue_indirect_dma source(%dma_start3A_31 : memref<800001x16xf32, #tpu.memory_space<hbm>>) target(%dma_start3A_25 : memref<128x16xf32, #tpu.memory_space<vmem>>) offsets(%dma_start3A_28 : memref<128xi32, #tpu.memory_space<vmem>>) semaphore(%arg7 : memref<!tpu.dma_semaphore, #tpu.memory_space<semaphore_mem>>)
      %add3A_32 = arith.constant 2 : i32
      %add3A_33 = arith.addi %mul3A_10, %add3A_32 : i32
      %dma_start3A_34 = arith.constant 256 : i32
      %dma_start3A_35 = arith.constant 0 : i32
      %dma_start3A_36 = tpu.memref_slice %arg6[%dma_start3A_34, %dma_start3A_35] : memref<1920x16xf32, #tpu.memory_space<vmem>> -> memref<128x16xf32, #tpu.memory_space<vmem>>
      %dma_start3A_37 = arith.constant 0 : i32
      %dma_start3A_38 = tpu.memref_slice %arg5[%add3A_33, %dma_start3A_37] : memref<420x128xi32, #tpu.memory_space<vmem>> -> memref<1x128xi32, #tpu.memory_space<vmem>>
      %dma_start3A_39 = tpu.memref_squeeze %dma_start3A_38 : memref<1x128xi32, #tpu.memory_space<vmem>> -> memref<128xi32, #tpu.memory_space<vmem>>
      %dma_start3A_40 = arith.constant 0 : i32
      %dma_start3A_41 = arith.constant 0 : i32
      %dma_start3A_42 = tpu.memref_slice %arg2[%dma_start3A_40, %dma_start3A_41] : memref<800001x16xf32, #tpu.memory_space<hbm>> -> memref<800001x16xf32, #tpu.memory_space<hbm>>
      tpu.enqueue_indirect_dma source(%dma_start3A_42 : memref<800001x16xf32, #tpu.memory_space<hbm>>) target(%dma_start3A_36 : memref<128x16xf32, #tpu.memory_space<vmem>>) offsets(%dma_start3A_39 : memref<128xi32, #tpu.memory_space<vmem>>) semaphore(%arg7 : memref<!tpu.dma_semaphore, #tpu.memory_space<semaphore_mem>>)
      %add3A_43 = arith.constant 3 : i32
      %add3A_44 = arith.addi %mul3A_10, %add3A_43 : i32
      %dma_start3A_45 = arith.constant 384 : i32
      %dma_start3A_46 = arith.constant 0 : i32
      %dma_start3A_47 = tpu.memref_slice %arg6[%dma_start3A_45, %dma_start3A_46] : memref<1920x16xf32, #tpu.memory_space<vmem>> -> memref<128x16xf32, #tpu.memory_space<vmem>>
      %dma_start3A_48 = arith.constant 0 : i32
      %dma_start3A_49 = tpu.memref_slice %arg5[%add3A_44, %dma_start3A_48] : memref<420x128xi32, #tpu.memory_space<vmem>> -> memref<1x128xi32, #tpu.memory_space<vmem>>
      %dma_start3A_50 = tpu.memref_squeeze %dma_start3A_49 : memref<1x128xi32, #tpu.memory_space<vmem>> -> memref<128xi32, #tpu.memory_space<vmem>>
      %dma_start3A_51 = arith.constant 0 : i32
      %dma_start3A_52 = arith.constant 0 : i32
      %dma_start3A_53 = tpu.memref_slice %arg2[%dma_start3A_51, %dma_start3A_52] : memref<800001x16xf32, #tpu.memory_space<hbm>> -> memref<800001x16xf32, #tpu.memory_space<hbm>>
      tpu.enqueue_indirect_dma source(%dma_start3A_53 : memref<800001x16xf32, #tpu.memory_space<hbm>>) target(%dma_start3A_47 : memref<128x16xf32, #tpu.memory_space<vmem>>) offsets(%dma_start3A_50 : memref<128xi32, #tpu.memory_space<vmem>>) semaphore(%arg7 : memref<!tpu.dma_semaphore, #tpu.memory_space<semaphore_mem>>)
      %add3A_54 = arith.constant 4 : i32
      %add3A_55 = arith.addi %mul3A_10, %add3A_54 : i32
      %dma_start3A_56 = arith.constant 512 : i32
      %dma_start3A_57 = arith.constant 0 : i32
      %dma_start3A_58 = tpu.memref_slice %arg6[%dma_start3A_56, %dma_start3A_57] : memref<1920x16xf32, #tpu.memory_space<vmem>> -> memref<128x16xf32, #tpu.memory_space<vmem>>
      %dma_start3A_59 = arith.constant 0 : i32
      %dma_start3A_60 = tpu.memref_slice %arg5[%add3A_55, %dma_start3A_59] : memref<420x128xi32, #tpu.memory_space<vmem>> -> memref<1x128xi32, #tpu.memory_space<vmem>>
      %dma_start3A_61 = tpu.memref_squeeze %dma_start3A_60 : memref<1x128xi32, #tpu.memory_space<vmem>> -> memref<128xi32, #tpu.memory_space<vmem>>
      %dma_start3A_62 = arith.constant 0 : i32
      %dma_start3A_63 = arith.constant 0 : i32
      %dma_start3A_64 = tpu.memref_slice %arg2[%dma_start3A_62, %dma_start3A_63] : memref<800001x16xf32, #tpu.memory_space<hbm>> -> memref<800001x16xf32, #tpu.memory_space<hbm>>
      tpu.enqueue_indirect_dma source(%dma_start3A_64 : memref<800001x16xf32, #tpu.memory_space<hbm>>) target(%dma_start3A_58 : memref<128x16xf32, #tpu.memory_space<vmem>>) offsets(%dma_start3A_61 : memref<128xi32, #tpu.memory_space<vmem>>) semaphore(%arg7 : memref<!tpu.dma_semaphore, #tpu.memory_space<semaphore_mem>>)
      %add3A_65 = arith.constant 5 : i32
      %add3A_66 = arith.addi %mul3A_10, %add3A_65 : i32
      %dma_start3A_67 = arith.constant 640 : i32
      %dma_start3A_68 = arith.constant 0 : i32
      %dma_start3A_69 = tpu.memref_slice %arg6[%dma_start3A_67, %dma_start3A_68] : memref<1920x16xf32, #tpu.memory_space<vmem>> -> memref<128x16xf32, #tpu.memory_space<vmem>>
      %dma_start3A_70 = arith.constant 0 : i32
      %dma_start3A_71 = tpu.memref_slice %arg5[%add3A_66, %dma_start3A_70] : memref<420x128xi32, #tpu.memory_space<vmem>> -> memref<1x128xi32, #tpu.memory_space<vmem>>
      %dma_start3A_72 = tpu.memref_squeeze %dma_start3A_71 : memref<1x128xi32, #tpu.memory_space<vmem>> -> memref<128xi32, #tpu.memory_space<vmem>>
      %dma_start3A_73 = arith.constant 0 : i32
      %dma_start3A_74 = arith.constant 0 : i32
      %dma_start3A_75 = tpu.memref_slice %arg2[%dma_start3A_73, %dma_start3A_74] : memref<800001x16xf32, #tpu.memory_space<hbm>> -> memref<800001x16xf32, #tpu.memory_space<hbm>>
      tpu.enqueue_indirect_dma source(%dma_start3A_75 : memref<800001x16xf32, #tpu.memory_space<hbm>>) target(%dma_start3A_69 : memref<128x16xf32, #tpu.memory_space<vmem>>) offsets(%dma_start3A_72 : memref<128xi32, #tpu.memory_space<vmem>>) semaphore(%arg7 : memref<!tpu.dma_semaphore, #tpu.memory_space<semaphore_mem>>)
      %add3A_76 = arith.constant 6 : i32
      %add3A_77 = arith.addi %mul3A_10, %add3A_76 : i32
      %dma_start3A_78 = arith.constant 768 : i32
      %dma_start3A_79 = arith.constant 0 : i32
      %dma_start3A_80 = tpu.memref_slice %arg6[%dma_start3A_78, %dma_start3A_79] : memref<1920x16xf32, #tpu.memory_space<vmem>> -> memref<128x16xf32, #tpu.memory_space<vmem>>
      %dma_start3A_81 = arith.constant 0 : i32
      %dma_start3A_82 = tpu.memref_slice %arg5[%add3A_77, %dma_start3A_81] : memref<420x128xi32, #tpu.memory_space<vmem>> -> memref<1x128xi32, #tpu.memory_space<vmem>>
      %dma_start3A_83 = tpu.memref_squeeze %dma_start3A_82 : memref<1x128xi32, #tpu.memory_space<vmem>> -> memref<128xi32, #tpu.memory_space<vmem>>
      %dma_start3A_84 = arith.constant 0 : i32
      %dma_start3A_85 = arith.constant 0 : i32
      %dma_start3A_86 = tpu.memref_slice %arg2[%dma_start3A_84, %dma_start3A_85] : memref<800001x16xf32, #tpu.memory_space<hbm>> -> memref<800001x16xf32, #tpu.memory_space<hbm>>
      tpu.enqueue_indirect_dma source(%dma_start3A_86 : memref<800001x16xf32, #tpu.memory_space<hbm>>) target(%dma_start3A_80 : memref<128x16xf32, #tpu.memory_space<vmem>>) offsets(%dma_start3A_83 : memref<128xi32, #tpu.memory_space<vmem>>) semaphore(%arg7 : memref<!tpu.dma_semaphore, #tpu.memory_space<semaphore_mem>>)
      %add3A_87 = arith.constant 7 : i32
      %add3A_88 = arith.addi %mul3A_10, %add3A_87 : i32
      %dma_start3A_89 = arith.constant 896 : i32
      %dma_start3A_90 = arith.constant 0 : i32
      %dma_start3A_91 = tpu.memref_slice %arg6[%dma_start3A_89, %dma_start3A_90] : memref<1920x16xf32, #tpu.memory_space<vmem>> -> memref<128x16xf32, #tpu.memory_space<vmem>>
      %dma_start3A_92 = arith.constant 0 : i32
      %dma_start3A_93 = tpu.memref_slice %arg5[%add3A_88, %dma_start3A_92] : memref<420x128xi32, #tpu.memory_space<vmem>> -> memref<1x128xi32, #tpu.memory_space<vmem>>
      %dma_start3A_94 = tpu.memref_squeeze %dma_start3A_93 : memref<1x128xi32, #tpu.memory_space<vmem>> -> memref<128xi32, #tpu.memory_space<vmem>>
      %dma_start3A_95 = arith.constant 0 : i32
      %dma_start3A_96 = arith.constant 0 : i32
      %dma_start3A_97 = tpu.memref_slice %arg2[%dma_start3A_95, %dma_start3A_96] : memref<800001x16xf32, #tpu.memory_space<hbm>> -> memref<800001x16xf32, #tpu.memory_space<hbm>>
      tpu.enqueue_indirect_dma source(%dma_start3A_97 : memref<800001x16xf32, #tpu.memory_space<hbm>>) target(%dma_start3A_91 : memref<128x16xf32, #tpu.memory_space<vmem>>) offsets(%dma_start3A_94 : memref<128xi32, #tpu.memory_space<vmem>>) semaphore(%arg7 : memref<!tpu.dma_semaphore, #tpu.memory_space<semaphore_mem>>)
      %add3A_98 = arith.constant 8 : i32
      %add3A_99 = arith.addi %mul3A_10, %add3A_98 : i32
      %dma_start3A_100 = arith.constant 1024 : i32
      %dma_start3A_101 = arith.constant 0 : i32
      %dma_start3A_102 = tpu.memref_slice %arg6[%dma_start3A_100, %dma_start3A_101] : memref<1920x16xf32, #tpu.memory_space<vmem>> -> memref<128x16xf32, #tpu.memory_space<vmem>>
      %dma_start3A_103 = arith.constant 0 : i32
      %dma_start3A_104 = tpu.memref_slice %arg5[%add3A_99, %dma_start3A_103] : memref<420x128xi32, #tpu.memory_space<vmem>> -> memref<1x128xi32, #tpu.memory_space<vmem>>
      %dma_start3A_105 = tpu.memref_squeeze %dma_start3A_104 : memref<1x128xi32, #tpu.memory_space<vmem>> -> memref<128xi32, #tpu.memory_space<vmem>>
      %dma_start3A_106 = arith.constant 0 : i32
      %dma_start3A_107 = arith.constant 0 : i32
      %dma_start3A_108 = tpu.memref_slice %arg2[%dma_start3A_106, %dma_start3A_107] : memref<800001x16xf32, #tpu.memory_space<hbm>> -> memref<800001x16xf32, #tpu.memory_space<hbm>>
      tpu.enqueue_indirect_dma source(%dma_start3A_108 : memref<800001x16xf32, #tpu.memory_space<hbm>>) target(%dma_start3A_102 : memref<128x16xf32, #tpu.memory_space<vmem>>) offsets(%dma_start3A_105 : memref<128xi32, #tpu.memory_space<vmem>>) semaphore(%arg7 : memref<!tpu.dma_semaphore, #tpu.memory_space<semaphore_mem>>)
      %add3A_109 = arith.constant 9 : i32
      %add3A_110 = arith.addi %mul3A_10, %add3A_109 : i32
      %dma_start3A_111 = arith.constant 1152 : i32
      %dma_start3A_112 = arith.constant 0 : i32
      %dma_start3A_113 = tpu.memref_slice %arg6[%dma_start3A_111, %dma_start3A_112] : memref<1920x16xf32, #tpu.memory_space<vmem>> -> memref<128x16xf32, #tpu.memory_space<vmem>>
      %dma_start3A_114 = arith.constant 0 : i32
      %dma_start3A_115 = tpu.memref_slice %arg5[%add3A_110, %dma_start3A_114] : memref<420x128xi32, #tpu.memory_space<vmem>> -> memref<1x128xi32, #tpu.memory_space<vmem>>
      %dma_start3A_116 = tpu.memref_squeeze %dma_start3A_115 : memref<1x128xi32, #tpu.memory_space<vmem>> -> memref<128xi32, #tpu.memory_space<vmem>>
      %dma_start3A_117 = arith.constant 0 : i32
      %dma_start3A_118 = arith.constant 0 : i32
      %dma_start3A_119 = tpu.memref_slice %arg2[%dma_start3A_117, %dma_start3A_118] : memref<800001x16xf32, #tpu.memory_space<hbm>> -> memref<800001x16xf32, #tpu.memory_space<hbm>>
      tpu.enqueue_indirect_dma source(%dma_start3A_119 : memref<800001x16xf32, #tpu.memory_space<hbm>>) target(%dma_start3A_113 : memref<128x16xf32, #tpu.memory_space<vmem>>) offsets(%dma_start3A_116 : memref<128xi32, #tpu.memory_space<vmem>>) semaphore(%arg7 : memref<!tpu.dma_semaphore, #tpu.memory_space<semaphore_mem>>)
      %add3A_120 = arith.constant 10 : i32
      %add3A_121 = arith.addi %mul3A_10, %add3A_120 : i32
      %dma_start3A_122 = arith.constant 1280 : i32
      %dma_start3A_123 = arith.constant 0 : i32
      %dma_start3A_124 = tpu.memref_slice %arg6[%dma_start3A_122, %dma_start3A_123] : memref<1920x16xf32, #tpu.memory_space<vmem>> -> memref<128x16xf32, #tpu.memory_space<vmem>>
      %dma_start3A_125 = arith.constant 0 : i32
      %dma_start3A_126 = tpu.memref_slice %arg5[%add3A_121, %dma_start3A_125] : memref<420x128xi32, #tpu.memory_space<vmem>> -> memref<1x128xi32, #tpu.memory_space<vmem>>
      %dma_start3A_127 = tpu.memref_squeeze %dma_start3A_126 : memref<1x128xi32, #tpu.memory_space<vmem>> -> memref<128xi32, #tpu.memory_space<vmem>>
      %dma_start3A_128 = arith.constant 0 : i32
      %dma_start3A_129 = arith.constant 0 : i32
      %dma_start3A_130 = tpu.memref_slice %arg2[%dma_start3A_128, %dma_start3A_129] : memref<800001x16xf32, #tpu.memory_space<hbm>> -> memref<800001x16xf32, #tpu.memory_space<hbm>>
      tpu.enqueue_indirect_dma source(%dma_start3A_130 : memref<800001x16xf32, #tpu.memory_space<hbm>>) target(%dma_start3A_124 : memref<128x16xf32, #tpu.memory_space<vmem>>) offsets(%dma_start3A_127 : memref<128xi32, #tpu.memory_space<vmem>>) semaphore(%arg7 : memref<!tpu.dma_semaphore, #tpu.memory_space<semaphore_mem>>)
      %add3A_131 = arith.constant 11 : i32
      %add3A_132 = arith.addi %mul3A_10, %add3A_131 : i32
      %dma_start3A_133 = arith.constant 1408 : i32
      %dma_start3A_134 = arith.constant 0 : i32
      %dma_start3A_135 = tpu.memref_slice %arg6[%dma_start3A_133, %dma_start3A_134] : memref<1920x16xf32, #tpu.memory_space<vmem>> -> memref<128x16xf32, #tpu.memory_space<vmem>>
      %dma_start3A_136 = arith.constant 0 : i32
      %dma_start3A_137 = tpu.memref_slice %arg5[%add3A_132, %dma_start3A_136] : memref<420x128xi32, #tpu.memory_space<vmem>> -> memref<1x128xi32, #tpu.memory_space<vmem>>
      %dma_start3A_138 = tpu.memref_squeeze %dma_start3A_137 : memref<1x128xi32, #tpu.memory_space<vmem>> -> memref<128xi32, #tpu.memory_space<vmem>>
      %dma_start3A_139 = arith.constant 0 : i32
      %dma_start3A_140 = arith.constant 0 : i32
      %dma_start3A_141 = tpu.memref_slice %arg2[%dma_start3A_139, %dma_start3A_140] : memref<800001x16xf32, #tpu.memory_space<hbm>> -> memref<800001x16xf32, #tpu.memory_space<hbm>>
      tpu.enqueue_indirect_dma source(%dma_start3A_141 : memref<800001x16xf32, #tpu.memory_space<hbm>>) target(%dma_start3A_135 : memref<128x16xf32, #tpu.memory_space<vmem>>) offsets(%dma_start3A_138 : memref<128xi32, #tpu.memory_space<vmem>>) semaphore(%arg7 : memref<!tpu.dma_semaphore, #tpu.memory_space<semaphore_mem>>)
      %add3A_142 = arith.constant 12 : i32
      %add3A_143 = arith.addi %mul3A_10, %add3A_142 : i32
      %dma_start3A_144 = arith.constant 1536 : i32
      %dma_start3A_145 = arith.constant 0 : i32
      %dma_start3A_146 = tpu.memref_slice %arg6[%dma_start3A_144, %dma_start3A_145] : memref<1920x16xf32, #tpu.memory_space<vmem>> -> memref<128x16xf32, #tpu.memory_space<vmem>>
      %dma_start3A_147 = arith.constant 0 : i32
      %dma_start3A_148 = tpu.memref_slice %arg5[%add3A_143, %dma_start3A_147] : memref<420x128xi32, #tpu.memory_space<vmem>> -> memref<1x128xi32, #tpu.memory_space<vmem>>
      %dma_start3A_149 = tpu.memref_squeeze %dma_start3A_148 : memref<1x128xi32, #tpu.memory_space<vmem>> -> memref<128xi32, #tpu.memory_space<vmem>>
      %dma_start3A_150 = arith.constant 0 : i32
      %dma_start3A_151 = arith.constant 0 : i32
      %dma_start3A_152 = tpu.memref_slice %arg2[%dma_start3A_150, %dma_start3A_151] : memref<800001x16xf32, #tpu.memory_space<hbm>> -> memref<800001x16xf32, #tpu.memory_space<hbm>>
      tpu.enqueue_indirect_dma source(%dma_start3A_152 : memref<800001x16xf32, #tpu.memory_space<hbm>>) target(%dma_start3A_146 : memref<128x16xf32, #tpu.memory_space<vmem>>) offsets(%dma_start3A_149 : memref<128xi32, #tpu.memory_space<vmem>>) semaphore(%arg7 : memref<!tpu.dma_semaphore, #tpu.memory_space<semaphore_mem>>)
      %add3A_153 = arith.constant 13 : i32
      %add3A_154 = arith.addi %mul3A_10, %add3A_153 : i32
      %dma_start3A_155 = arith.constant 1664 : i32
      %dma_start3A_156 = arith.constant 0 : i32
      %dma_start3A_157 = tpu.memref_slice %arg6[%dma_start3A_155, %dma_start3A_156] : memref<1920x16xf32, #tpu.memory_space<vmem>> -> memref<128x16xf32, #tpu.memory_space<vmem>>
      %dma_start3A_158 = arith.constant 0 : i32
      %dma_start3A_159 = tpu.memref_slice %arg5[%add3A_154, %dma_start3A_158] : memref<420x128xi32, #tpu.memory_space<vmem>> -> memref<1x128xi32, #tpu.memory_space<vmem>>
      %dma_start3A_160 = tpu.memref_squeeze %dma_start3A_159 : memref<1x128xi32, #tpu.memory_space<vmem>> -> memref<128xi32, #tpu.memory_space<vmem>>
      %dma_start3A_161 = arith.constant 0 : i32
      %dma_start3A_162 = arith.constant 0 : i32
      %dma_start3A_163 = tpu.memref_slice %arg2[%dma_start3A_161, %dma_start3A_162] : memref<800001x16xf32, #tpu.memory_space<hbm>> -> memref<800001x16xf32, #tpu.memory_space<hbm>>
      tpu.enqueue_indirect_dma source(%dma_start3A_163 : memref<800001x16xf32, #tpu.memory_space<hbm>>) target(%dma_start3A_157 : memref<128x16xf32, #tpu.memory_space<vmem>>) offsets(%dma_start3A_160 : memref<128xi32, #tpu.memory_space<vmem>>) semaphore(%arg7 : memref<!tpu.dma_semaphore, #tpu.memory_space<semaphore_mem>>)
      %add3A_164 = arith.constant 14 : i32
      %add3A_165 = arith.addi %mul3A_10, %add3A_164 : i32
      %dma_start3A_166 = arith.constant 1792 : i32
      %dma_start3A_167 = arith.constant 0 : i32
      %dma_start3A_168 = tpu.memref_slice %arg6[%dma_start3A_166, %dma_start3A_167] : memref<1920x16xf32, #tpu.memory_space<vmem>> -> memref<128x16xf32, #tpu.memory_space<vmem>>
      %dma_start3A_169 = arith.constant 0 : i32
      %dma_start3A_170 = tpu.memref_slice %arg5[%add3A_165, %dma_start3A_169] : memref<420x128xi32, #tpu.memory_space<vmem>> -> memref<1x128xi32, #tpu.memory_space<vmem>>
      %dma_start3A_171 = tpu.memref_squeeze %dma_start3A_170 : memref<1x128xi32, #tpu.memory_space<vmem>> -> memref<128xi32, #tpu.memory_space<vmem>>
      %dma_start3A_172 = arith.constant 0 : i32
      %dma_start3A_173 = arith.constant 0 : i32
      %dma_start3A_174 = tpu.memref_slice %arg2[%dma_start3A_172, %dma_start3A_173] : memref<800001x16xf32, #tpu.memory_space<hbm>> -> memref<800001x16xf32, #tpu.memory_space<hbm>>
      tpu.enqueue_indirect_dma source(%dma_start3A_174 : memref<800001x16xf32, #tpu.memory_space<hbm>>) target(%dma_start3A_168 : memref<128x16xf32, #tpu.memory_space<vmem>>) offsets(%dma_start3A_171 : memref<128xi32, #tpu.memory_space<vmem>>) semaphore(%arg7 : memref<!tpu.dma_semaphore, #tpu.memory_space<semaphore_mem>>)
      %dma_wait3A = arith.constant 0 : i32
      %dma_wait3A_175 = arith.constant 0 : i32
      %dma_wait3A_176 = tpu.memref_slice %arg6[%dma_wait3A, %dma_wait3A_175] : memref<1920x16xf32, #tpu.memory_space<vmem>> -> memref<128x16xf32, #tpu.memory_space<vmem>>
      %dma_wait3A_177 = arith.constant 0 : i32
      %dma_wait3A_178 = tpu.memref_slice %arg5[%add3A_12, %dma_wait3A_177] : memref<420x128xi32, #tpu.memory_space<vmem>> -> memref<1x128xi32, #tpu.memory_space<vmem>>
      %dma_wait3A_179 = tpu.memref_squeeze %dma_wait3A_178 : memref<1x128xi32, #tpu.memory_space<vmem>> -> memref<128xi32, #tpu.memory_space<vmem>>
      %dma_wait3A_180 = arith.constant 0 : i32
      %dma_wait3A_181 = arith.constant 0 : i32
      %dma_wait3A_182 = tpu.memref_slice %arg2[%dma_wait3A_180, %dma_wait3A_181] : memref<800001x16xf32, #tpu.memory_space<hbm>> -> memref<800001x16xf32, #tpu.memory_space<hbm>>
      tpu.wait_indirect_dma semaphore(%arg7 : memref<!tpu.dma_semaphore, #tpu.memory_space<semaphore_mem>>) src(%dma_wait3A_182 : memref<800001x16xf32, #tpu.memory_space<hbm>>) dst(%dma_wait3A_176 : memref<128x16xf32, #tpu.memory_space<vmem>>)
      %dma_wait3A_183 = arith.constant 128 : i32
      %dma_wait3A_184 = arith.constant 0 : i32
      %dma_wait3A_185 = tpu.memref_slice %arg6[%dma_wait3A_183, %dma_wait3A_184] : memref<1920x16xf32, #tpu.memory_space<vmem>> -> memref<128x16xf32, #tpu.memory_space<vmem>>
      %dma_wait3A_186 = arith.constant 0 : i32
      %dma_wait3A_187 = tpu.memref_slice %arg5[%add3A_22, %dma_wait3A_186] : memref<420x128xi32, #tpu.memory_space<vmem>> -> memref<1x128xi32, #tpu.memory_space<vmem>>
      %dma_wait3A_188 = tpu.memref_squeeze %dma_wait3A_187 : memref<1x128xi32, #tpu.memory_space<vmem>> -> memref<128xi32, #tpu.memory_space<vmem>>
      %dma_wait3A_189 = arith.constant 0 : i32
      %dma_wait3A_190 = arith.constant 0 : i32
      %dma_wait3A_191 = tpu.memref_slice %arg2[%dma_wait3A_189, %dma_wait3A_190] : memref<800001x16xf32, #tpu.memory_space<hbm>> -> memref<800001x16xf32, #tpu.memory_space<hbm>>
      tpu.wait_indirect_dma semaphore(%arg7 : memref<!tpu.dma_semaphore, #tpu.memory_space<semaphore_mem>>) src(%dma_wait3A_191 : memref<800001x16xf32, #tpu.memory_space<hbm>>) dst(%dma_wait3A_185 : memref<128x16xf32, #tpu.memory_space<vmem>>)
      %dma_wait3A_192 = arith.constant 256 : i32
      %dma_wait3A_193 = arith.constant 0 : i32
      %dma_wait3A_194 = tpu.memref_slice %arg6[%dma_wait3A_192, %dma_wait3A_193] : memref<1920x16xf32, #tpu.memory_space<vmem>> -> memref<128x16xf32, #tpu.memory_space<vmem>>
      %dma_wait3A_195 = arith.constant 0 : i32
      %dma_wait3A_196 = tpu.memref_slice %arg5[%add3A_33, %dma_wait3A_195] : memref<420x128xi32, #tpu.memory_space<vmem>> -> memref<1x128xi32, #tpu.memory_space<vmem>>
      %dma_wait3A_197 = tpu.memref_squeeze %dma_wait3A_196 : memref<1x128xi32, #tpu.memory_space<vmem>> -> memref<128xi32, #tpu.memory_space<vmem>>
      %dma_wait3A_198 = arith.constant 0 : i32
      %dma_wait3A_199 = arith.constant 0 : i32
      %dma_wait3A_200 = tpu.memref_slice %arg2[%dma_wait3A_198, %dma_wait3A_199] : memref<800001x16xf32, #tpu.memory_space<hbm>> -> memref<800001x16xf32, #tpu.memory_space<hbm>>
      tpu.wait_indirect_dma semaphore(%arg7 : memref<!tpu.dma_semaphore, #tpu.memory_space<semaphore_mem>>) src(%dma_wait3A_200 : memref<800001x16xf32, #tpu.memory_space<hbm>>) dst(%dma_wait3A_194 : memref<128x16xf32, #tpu.memory_space<vmem>>)
      %dma_wait3A_201 = arith.constant 384 : i32
      %dma_wait3A_202 = arith.constant 0 : i32
      %dma_wait3A_203 = tpu.memref_slice %arg6[%dma_wait3A_201, %dma_wait3A_202] : memref<1920x16xf32, #tpu.memory_space<vmem>> -> memref<128x16xf32, #tpu.memory_space<vmem>>
      %dma_wait3A_204 = arith.constant 0 : i32
      %dma_wait3A_205 = tpu.memref_slice %arg5[%add3A_44, %dma_wait3A_204] : memref<420x128xi32, #tpu.memory_space<vmem>> -> memref<1x128xi32, #tpu.memory_space<vmem>>
      %dma_wait3A_206 = tpu.memref_squeeze %dma_wait3A_205 : memref<1x128xi32, #tpu.memory_space<vmem>> -> memref<128xi32, #tpu.memory_space<vmem>>
      %dma_wait3A_207 = arith.constant 0 : i32
      %dma_wait3A_208 = arith.constant 0 : i32
      %dma_wait3A_209 = tpu.memref_slice %arg2[%dma_wait3A_207, %dma_wait3A_208] : memref<800001x16xf32, #tpu.memory_space<hbm>> -> memref<800001x16xf32, #tpu.memory_space<hbm>>
      tpu.wait_indirect_dma semaphore(%arg7 : memref<!tpu.dma_semaphore, #tpu.memory_space<semaphore_mem>>) src(%dma_wait3A_209 : memref<800001x16xf32, #tpu.memory_space<hbm>>) dst(%dma_wait3A_203 : memref<128x16xf32, #tpu.memory_space<vmem>>)
      %dma_wait3A_210 = arith.constant 512 : i32
      %dma_wait3A_211 = arith.constant 0 : i32
      %dma_wait3A_212 = tpu.memref_slice %arg6[%dma_wait3A_210, %dma_wait3A_211] : memref<1920x16xf32, #tpu.memory_space<vmem>> -> memref<128x16xf32, #tpu.memory_space<vmem>>
      %dma_wait3A_213 = arith.constant 0 : i32
      %dma_wait3A_214 = tpu.memref_slice %arg5[%add3A_55, %dma_wait3A_213] : memref<420x128xi32, #tpu.memory_space<vmem>> -> memref<1x128xi32, #tpu.memory_space<vmem>>
      %dma_wait3A_215 = tpu.memref_squeeze %dma_wait3A_214 : memref<1x128xi32, #tpu.memory_space<vmem>> -> memref<128xi32, #tpu.memory_space<vmem>>
      %dma_wait3A_216 = arith.constant 0 : i32
      %dma_wait3A_217 = arith.constant 0 : i32
      %dma_wait3A_218 = tpu.memref_slice %arg2[%dma_wait3A_216, %dma_wait3A_217] : memref<800001x16xf32, #tpu.memory_space<hbm>> -> memref<800001x16xf32, #tpu.memory_space<hbm>>
      tpu.wait_indirect_dma semaphore(%arg7 : memref<!tpu.dma_semaphore, #tpu.memory_space<semaphore_mem>>) src(%dma_wait3A_218 : memref<800001x16xf32, #tpu.memory_space<hbm>>) dst(%dma_wait3A_212 : memref<128x16xf32, #tpu.memory_space<vmem>>)
      %dma_wait3A_219 = arith.constant 640 : i32
      %dma_wait3A_220 = arith.constant 0 : i32
      %dma_wait3A_221 = tpu.memref_slice %arg6[%dma_wait3A_219, %dma_wait3A_220] : memref<1920x16xf32, #tpu.memory_space<vmem>> -> memref<128x16xf32, #tpu.memory_space<vmem>>
      %dma_wait3A_222 = arith.constant 0 : i32
      %dma_wait3A_223 = tpu.memref_slice %arg5[%add3A_66, %dma_wait3A_222] : memref<420x128xi32, #tpu.memory_space<vmem>> -> memref<1x128xi32, #tpu.memory_space<vmem>>
      %dma_wait3A_224 = tpu.memref_squeeze %dma_wait3A_223 : memref<1x128xi32, #tpu.memory_space<vmem>> -> memref<128xi32, #tpu.memory_space<vmem>>
      %dma_wait3A_225 = arith.constant 0 : i32
      %dma_wait3A_226 = arith.constant 0 : i32
      %dma_wait3A_227 = tpu.memref_slice %arg2[%dma_wait3A_225, %dma_wait3A_226] : memref<800001x16xf32, #tpu.memory_space<hbm>> -> memref<800001x16xf32, #tpu.memory_space<hbm>>
      tpu.wait_indirect_dma semaphore(%arg7 : memref<!tpu.dma_semaphore, #tpu.memory_space<semaphore_mem>>) src(%dma_wait3A_227 : memref<800001x16xf32, #tpu.memory_space<hbm>>) dst(%dma_wait3A_221 : memref<128x16xf32, #tpu.memory_space<vmem>>)
      %dma_wait3A_228 = arith.constant 768 : i32
      %dma_wait3A_229 = arith.constant 0 : i32
      %dma_wait3A_230 = tpu.memref_slice %arg6[%dma_wait3A_228, %dma_wait3A_229] : memref<1920x16xf32, #tpu.memory_space<vmem>> -> memref<128x16xf32, #tpu.memory_space<vmem>>
      %dma_wait3A_231 = arith.constant 0 : i32
      %dma_wait3A_232 = tpu.memref_slice %arg5[%add3A_77, %dma_wait3A_231] : memref<420x128xi32, #tpu.memory_space<vmem>> -> memref<1x128xi32, #tpu.memory_space<vmem>>
      %dma_wait3A_233 = tpu.memref_squeeze %dma_wait3A_232 : memref<1x128xi32, #tpu.memory_space<vmem>> -> memref<128xi32, #tpu.memory_space<vmem>>
      %dma_wait3A_234 = arith.constant 0 : i32
      %dma_wait3A_235 = arith.constant 0 : i32
      %dma_wait3A_236 = tpu.memref_slice %arg2[%dma_wait3A_234, %dma_wait3A_235] : memref<800001x16xf32, #tpu.memory_space<hbm>> -> memref<800001x16xf32, #tpu.memory_space<hbm>>
      tpu.wait_indirect_dma semaphore(%arg7 : memref<!tpu.dma_semaphore, #tpu.memory_space<semaphore_mem>>) src(%dma_wait3A_236 : memref<800001x16xf32, #tpu.memory_space<hbm>>) dst(%dma_wait3A_230 : memref<128x16xf32, #tpu.memory_space<vmem>>)
      %dma_wait3A_237 = arith.constant 896 : i32
      %dma_wait3A_238 = arith.constant 0 : i32
      %dma_wait3A_239 = tpu.memref_slice %arg6[%dma_wait3A_237, %dma_wait3A_238] : memref<1920x16xf32, #tpu.memory_space<vmem>> -> memref<128x16xf32, #tpu.memory_space<vmem>>
      %dma_wait3A_240 = arith.constant 0 : i32
      %dma_wait3A_241 = tpu.memref_slice %arg5[%add3A_88, %dma_wait3A_240] : memref<420x128xi32, #tpu.memory_space<vmem>> -> memref<1x128xi32, #tpu.memory_space<vmem>>
      %dma_wait3A_242 = tpu.memref_squeeze %dma_wait3A_241 : memref<1x128xi32, #tpu.memory_space<vmem>> -> memref<128xi32, #tpu.memory_space<vmem>>
      %dma_wait3A_243 = arith.constant 0 : i32
      %dma_wait3A_244 = arith.constant 0 : i32
      %dma_wait3A_245 = tpu.memref_slice %arg2[%dma_wait3A_243, %dma_wait3A_244] : memref<800001x16xf32, #tpu.memory_space<hbm>> -> memref<800001x16xf32, #tpu.memory_space<hbm>>
      tpu.wait_indirect_dma semaphore(%arg7 : memref<!tpu.dma_semaphore, #tpu.memory_space<semaphore_mem>>) src(%dma_wait3A_245 : memref<800001x16xf32, #tpu.memory_space<hbm>>) dst(%dma_wait3A_239 : memref<128x16xf32, #tpu.memory_space<vmem>>)
      %dma_wait3A_246 = arith.constant 1024 : i32
      %dma_wait3A_247 = arith.constant 0 : i32
      %dma_wait3A_248 = tpu.memref_slice %arg6[%dma_wait3A_246, %dma_wait3A_247] : memref<1920x16xf32, #tpu.memory_space<vmem>> -> memref<128x16xf32, #tpu.memory_space<vmem>>
      %dma_wait3A_249 = arith.constant 0 : i32
      %dma_wait3A_250 = tpu.memref_slice %arg5[%add3A_99, %dma_wait3A_249] : memref<420x128xi32, #tpu.memory_space<vmem>> -> memref<1x128xi32, #tpu.memory_space<vmem>>
      %dma_wait3A_251 = tpu.memref_squeeze %dma_wait3A_250 : memref<1x128xi32, #tpu.memory_space<vmem>> -> memref<128xi32, #tpu.memory_space<vmem>>
      %dma_wait3A_252 = arith.constant 0 : i32
      %dma_wait3A_253 = arith.constant 0 : i32
      %dma_wait3A_254 = tpu.memref_slice %arg2[%dma_wait3A_252, %dma_wait3A_253] : memref<800001x16xf32, #tpu.memory_space<hbm>> -> memref<800001x16xf32, #tpu.memory_space<hbm>>
      tpu.wait_indirect_dma semaphore(%arg7 : memref<!tpu.dma_semaphore, #tpu.memory_space<semaphore_mem>>) src(%dma_wait3A_254 : memref<800001x16xf32, #tpu.memory_space<hbm>>) dst(%dma_wait3A_248 : memref<128x16xf32, #tpu.memory_space<vmem>>)
      %dma_wait3A_255 = arith.constant 1152 : i32
      %dma_wait3A_256 = arith.constant 0 : i32
      %dma_wait3A_257 = tpu.memref_slice %arg6[%dma_wait3A_255, %dma_wait3A_256] : memref<1920x16xf32, #tpu.memory_space<vmem>> -> memref<128x16xf32, #tpu.memory_space<vmem>>
      %dma_wait3A_258 = arith.constant 0 : i32
      %dma_wait3A_259 = tpu.memref_slice %arg5[%add3A_110, %dma_wait3A_258] : memref<420x128xi32, #tpu.memory_space<vmem>> -> memref<1x128xi32, #tpu.memory_space<vmem>>
      %dma_wait3A_260 = tpu.memref_squeeze %dma_wait3A_259 : memref<1x128xi32, #tpu.memory_space<vmem>> -> memref<128xi32, #tpu.memory_space<vmem>>
      %dma_wait3A_261 = arith.constant 0 : i32
      %dma_wait3A_262 = arith.constant 0 : i32
      %dma_wait3A_263 = tpu.memref_slice %arg2[%dma_wait3A_261, %dma_wait3A_262] : memref<800001x16xf32, #tpu.memory_space<hbm>> -> memref<800001x16xf32, #tpu.memory_space<hbm>>
      tpu.wait_indirect_dma semaphore(%arg7 : memref<!tpu.dma_semaphore, #tpu.memory_space<semaphore_mem>>) src(%dma_wait3A_263 : memref<800001x16xf32, #tpu.memory_space<hbm>>) dst(%dma_wait3A_257 : memref<128x16xf32, #tpu.memory_space<vmem>>)
      %dma_wait3A_264 = arith.constant 1280 : i32
      %dma_wait3A_265 = arith.constant 0 : i32
      %dma_wait3A_266 = tpu.memref_slice %arg6[%dma_wait3A_264, %dma_wait3A_265] : memref<1920x16xf32, #tpu.memory_space<vmem>> -> memref<128x16xf32, #tpu.memory_space<vmem>>
      %dma_wait3A_267 = arith.constant 0 : i32
      %dma_wait3A_268 = tpu.memref_slice %arg5[%add3A_121, %dma_wait3A_267] : memref<420x128xi32, #tpu.memory_space<vmem>> -> memref<1x128xi32, #tpu.memory_space<vmem>>
      %dma_wait3A_269 = tpu.memref_squeeze %dma_wait3A_268 : memref<1x128xi32, #tpu.memory_space<vmem>> -> memref<128xi32, #tpu.memory_space<vmem>>
      %dma_wait3A_270 = arith.constant 0 : i32
      %dma_wait3A_271 = arith.constant 0 : i32
      %dma_wait3A_272 = tpu.memref_slice %arg2[%dma_wait3A_270, %dma_wait3A_271] : memref<800001x16xf32, #tpu.memory_space<hbm>> -> memref<800001x16xf32, #tpu.memory_space<hbm>>
      tpu.wait_indirect_dma semaphore(%arg7 : memref<!tpu.dma_semaphore, #tpu.memory_space<semaphore_mem>>) src(%dma_wait3A_272 : memref<800001x16xf32, #tpu.memory_space<hbm>>) dst(%dma_wait3A_266 : memref<128x16xf32, #tpu.memory_space<vmem>>)
      %dma_wait3A_273 = arith.constant 1408 : i32
      %dma_wait3A_274 = arith.constant 0 : i32
      %dma_wait3A_275 = tpu.memref_slice %arg6[%dma_wait3A_273, %dma_wait3A_274] : memref<1920x16xf32, #tpu.memory_space<vmem>> -> memref<128x16xf32, #tpu.memory_space<vmem>>
      %dma_wait3A_276 = arith.constant 0 : i32
      %dma_wait3A_277 = tpu.memref_slice %arg5[%add3A_132, %dma_wait3A_276] : memref<420x128xi32, #tpu.memory_space<vmem>> -> memref<1x128xi32, #tpu.memory_space<vmem>>
      %dma_wait3A_278 = tpu.memref_squeeze %dma_wait3A_277 : memref<1x128xi32, #tpu.memory_space<vmem>> -> memref<128xi32, #tpu.memory_space<vmem>>
      %dma_wait3A_279 = arith.constant 0 : i32
      %dma_wait3A_280 = arith.constant 0 : i32
      %dma_wait3A_281 = tpu.memref_slice %arg2[%dma_wait3A_279, %dma_wait3A_280] : memref<800001x16xf32, #tpu.memory_space<hbm>> -> memref<800001x16xf32, #tpu.memory_space<hbm>>
      tpu.wait_indirect_dma semaphore(%arg7 : memref<!tpu.dma_semaphore, #tpu.memory_space<semaphore_mem>>) src(%dma_wait3A_281 : memref<800001x16xf32, #tpu.memory_space<hbm>>) dst(%dma_wait3A_275 : memref<128x16xf32, #tpu.memory_space<vmem>>)
      %dma_wait3A_282 = arith.constant 1536 : i32
      %dma_wait3A_283 = arith.constant 0 : i32
      %dma_wait3A_284 = tpu.memref_slice %arg6[%dma_wait3A_282, %dma_wait3A_283] : memref<1920x16xf32, #tpu.memory_space<vmem>> -> memref<128x16xf32, #tpu.memory_space<vmem>>
      %dma_wait3A_285 = arith.constant 0 : i32
      %dma_wait3A_286 = tpu.memref_slice %arg5[%add3A_143, %dma_wait3A_285] : memref<420x128xi32, #tpu.memory_space<vmem>> -> memref<1x128xi32, #tpu.memory_space<vmem>>
      %dma_wait3A_287 = tpu.memref_squeeze %dma_wait3A_286 : memref<1x128xi32, #tpu.memory_space<vmem>> -> memref<128xi32, #tpu.memory_space<vmem>>
      %dma_wait3A_288 = arith.constant 0 : i32
      %dma_wait3A_289 = arith.constant 0 : i32
      %dma_wait3A_290 = tpu.memref_slice %arg2[%dma_wait3A_288, %dma_wait3A_289] : memref<800001x16xf32, #tpu.memory_space<hbm>> -> memref<800001x16xf32, #tpu.memory_space<hbm>>
      tpu.wait_indirect_dma semaphore(%arg7 : memref<!tpu.dma_semaphore, #tpu.memory_space<semaphore_mem>>) src(%dma_wait3A_290 : memref<800001x16xf32, #tpu.memory_space<hbm>>) dst(%dma_wait3A_284 : memref<128x16xf32, #tpu.memory_space<vmem>>)
      %dma_wait3A_291 = arith.constant 1664 : i32
      %dma_wait3A_292 = arith.constant 0 : i32
      %dma_wait3A_293 = tpu.memref_slice %arg6[%dma_wait3A_291, %dma_wait3A_292] : memref<1920x16xf32, #tpu.memory_space<vmem>> -> memref<128x16xf32, #tpu.memory_space<vmem>>
      %dma_wait3A_294 = arith.constant 0 : i32
      %dma_wait3A_295 = tpu.memref_slice %arg5[%add3A_154, %dma_wait3A_294] : memref<420x128xi32, #tpu.memory_space<vmem>> -> memref<1x128xi32, #tpu.memory_space<vmem>>
      %dma_wait3A_296 = tpu.memref_squeeze %dma_wait3A_295 : memref<1x128xi32, #tpu.memory_space<vmem>> -> memref<128xi32, #tpu.memory_space<vmem>>
      %dma_wait3A_297 = arith.constant 0 : i32
      %dma_wait3A_298 = arith.constant 0 : i32
      %dma_wait3A_299 = tpu.memref_slice %arg2[%dma_wait3A_297, %dma_wait3A_298] : memref<800001x16xf32, #tpu.memory_space<hbm>> -> memref<800001x16xf32, #tpu.memory_space<hbm>>
      tpu.wait_indirect_dma semaphore(%arg7 : memref<!tpu.dma_semaphore, #tpu.memory_space<semaphore_mem>>) src(%dma_wait3A_299 : memref<800001x16xf32, #tpu.memory_space<hbm>>) dst(%dma_wait3A_293 : memref<128x16xf32, #tpu.memory_space<vmem>>)
      %dma_wait3A_300 = arith.constant 1792 : i32
      %dma_wait3A_301 = arith.constant 0 : i32
      %dma_wait3A_302 = tpu.memref_slice %arg6[%dma_wait3A_300, %dma_wait3A_301] : memref<1920x16xf32, #tpu.memory_space<vmem>> -> memref<128x16xf32, #tpu.memory_space<vmem>>
      %dma_wait3A_303 = arith.constant 0 : i32
      %dma_wait3A_304 = tpu.memref_slice %arg5[%add3A_165, %dma_wait3A_303] : memref<420x128xi32, #tpu.memory_space<vmem>> -> memref<1x128xi32, #tpu.memory_space<vmem>>
      %dma_wait3A_305 = tpu.memref_squeeze %dma_wait3A_304 : memref<1x128xi32, #tpu.memory_space<vmem>> -> memref<128xi32, #tpu.memory_space<vmem>>
      %dma_wait3A_306 = arith.constant 0 : i32
      %dma_wait3A_307 = arith.constant 0 : i32
      %dma_wait3A_308 = tpu.memref_slice %arg2[%dma_wait3A_306, %dma_wait3A_307] : memref<800001x16xf32, #tpu.memory_space<hbm>> -> memref<800001x16xf32, #tpu.memory_space<hbm>>
      tpu.wait_indirect_dma semaphore(%arg7 : memref<!tpu.dma_semaphore, #tpu.memory_space<semaphore_mem>>) src(%dma_wait3A_308 : memref<800001x16xf32, #tpu.memory_space<hbm>>) dst(%dma_wait3A_302 : memref<128x16xf32, #tpu.memory_space<vmem>>)
      %add3A_309 = arith.addi %mul3A_2, %mul3A_10 : i32
      %mul3A_310 = arith.constant 128 : i32
      %mul3A_311 = arith.muli %add3A_309, %mul3A_310 : i32
      "tpu.region"() ({
        %run_scoped3A = tpu.sem_alloc : memref<!tpu.dma_semaphore, #tpu.memory_space<semaphore_mem>>
        %dma_start3A_312 = arith.constant 0 : i32
        %dma_start3A_313 = tpu.memref_slice %arg4[%mul3A_311, %dma_start3A_312] : memref<1720320x16xf32, #tpu.memory_space<hbm>> -> memref<1920x16xf32, #tpu.memory_space<hbm>>
        %dma_start3A_314 = arith.constant 0 : i32
        %dma_start3A_315 = tpu.memref_slice %arg4[%mul3A_311, %dma_start3A_314] : memref<1720320x16xf32, #tpu.memory_space<hbm>> -> memref<1920x16xf32, #tpu.memory_space<hbm>>
        tpu.enqueue_dma source(%arg6 : memref<1920x16xf32, #tpu.memory_space<vmem>>) target(%dma_start3A_315 : memref<1920x16xf32, #tpu.memory_space<hbm>>) target_semaphore(%run_scoped3A : memref<!tpu.dma_semaphore, #tpu.memory_space<semaphore_mem>>)
        %dma_wait3A_316 = arith.constant 0 : i32
        %dma_wait3A_317 = tpu.memref_slice %arg4[%mul3A_311, %dma_wait3A_316] : memref<1720320x16xf32, #tpu.memory_space<hbm>> -> memref<1920x16xf32, #tpu.memory_space<hbm>>
        %dma_wait3A_318 = arith.constant 0 : i32
        %dma_wait3A_319 = tpu.memref_slice %arg4[%mul3A_311, %dma_wait3A_318] : memref<1720320x16xf32, #tpu.memory_space<hbm>> -> memref<1920x16xf32, #tpu.memory_space<hbm>>
        tpu.wait_dma2 semaphore(%run_scoped3A : memref<!tpu.dma_semaphore, #tpu.memory_space<semaphore_mem>>) src(%arg6 : memref<1920x16xf32, #tpu.memory_space<vmem>>) dst(%dma_wait3A_319 : memref<1920x16xf32, #tpu.memory_space<hbm>>)
        tpu.yield
      }) : () -> ()
    }
    %scan3A_7 = arith.constant 28 : i32
    return
  }
}

module attributes {stable_mosaic.version = 14 : i64} {
  func.func @_dense_body(%arg0: i32, %arg1: memref<256x64xi32, #tpu.memory_space<vmem>>, %arg2: memref<256x64xi32, #tpu.memory_space<vmem>>, %arg3: memref<20x256x64xi32, #tpu.memory_space<vmem>>, %arg4: memref<20x256x16xf32, #tpu.memory_space<vmem>>, %arg5: memref<20x256xf32, #tpu.memory_space<vmem>>, %arg6: memref<20x256xi32, #tpu.memory_space<vmem>>, %arg7: memref<256x256xbf16, #tpu.memory_space<vmem>>, %arg8: memref<256x256xbf16, #tpu.memory_space<vmem>>, %arg9: memref<128x256xbf16, #tpu.memory_space<vmem>>, %arg10: memref<1x256xf32, #tpu.memory_space<vmem>>, %arg11: memref<1x112xbf16, #tpu.memory_space<vmem>>, %arg12: memref<1x112xbf16, #tpu.memory_space<vmem>>, %arg13: memref<256x256xbf16, #tpu.memory_space<vmem>>, %arg14: memref<1x256xf32, #tpu.memory_space<vmem>>, %arg15: memref<1x256xf32, #tpu.memory_space<vmem>>, %arg16: memref<1x256xf32, #tpu.memory_space<vmem>>, %arg17: memref<1x128xf32, #tpu.memory_space<vmem>>, %arg18: memref<384x128xbf16, #tpu.memory_space<vmem>>, %arg19: memref<1x128xf32, #tpu.memory_space<vmem>>, %arg20: memref<128x128xbf16, #tpu.memory_space<vmem>>, %arg21: memref<1x128xf32, #tpu.memory_space<vmem>>, %arg22: memref<256x128xf32, #tpu.memory_space<vmem>>) attributes {dimension_semantics = [#tpu.dimension_semantics<parallel>], iteration_bounds = array<i64: 336>, scalar_prefetch = 0 : i64, scratch_operands = 0 : i64, tpu.core_type = #tpu.core_type<tc>, window_params = [{transform_indices = @transform_0, window_bounds = array<i64: 256, 64>}, {transform_indices = @transform_1, window_bounds = array<i64: 256, 64>}, {transform_indices = @transform_2, window_bounds = array<i64: 20, 256, 64>}, {transform_indices = @transform_3, window_bounds = array<i64: 20, 256, 16>}, {transform_indices = @transform_4, window_bounds = array<i64: 20, 256>}, {transform_indices = @transform_5, window_bounds = array<i64: 20, 256>}, {pipeline_mode = #tpu.pipeline_mode<synchronous>, transform_indices = @transform_6, window_bounds = array<i64: 256, 256>}, {pipeline_mode = #tpu.pipeline_mode<synchronous>, transform_indices = @transform_7, window_bounds = array<i64: 256, 256>}, {pipeline_mode = #tpu.pipeline_mode<synchronous>, transform_indices = @transform_8, window_bounds = array<i64: 128, 256>}, {pipeline_mode = #tpu.pipeline_mode<synchronous>, transform_indices = @transform_9, window_bounds = array<i64: 1, 256>}, {pipeline_mode = #tpu.pipeline_mode<synchronous>, transform_indices = @transform_10, window_bounds = array<i64: 1, 112>}, {pipeline_mode = #tpu.pipeline_mode<synchronous>, transform_indices = @transform_11, window_bounds = array<i64: 1, 112>}, {pipeline_mode = #tpu.pipeline_mode<synchronous>, transform_indices = @transform_12, window_bounds = array<i64: 256, 256>}, {pipeline_mode = #tpu.pipeline_mode<synchronous>, transform_indices = @transform_13, window_bounds = array<i64: 1, 256>}, {pipeline_mode = #tpu.pipeline_mode<synchronous>, transform_indices = @transform_14, window_bounds = array<i64: 1, 256>}, {pipeline_mode = #tpu.pipeline_mode<synchronous>, transform_indices = @transform_15, window_bounds = array<i64: 1, 256>}, {pipeline_mode = #tpu.pipeline_mode<synchronous>, transform_indices = @transform_16, window_bounds = array<i64: 1, 128>}, {pipeline_mode = #tpu.pipeline_mode<synchronous>, transform_indices = @transform_17, window_bounds = array<i64: 384, 128>}, {pipeline_mode = #tpu.pipeline_mode<synchronous>, transform_indices = @transform_18, window_bounds = array<i64: 1, 128>}, {pipeline_mode = #tpu.pipeline_mode<synchronous>, transform_indices = @transform_19, window_bounds = array<i64: 128, 128>}, {pipeline_mode = #tpu.pipeline_mode<synchronous>, transform_indices = @transform_20, window_bounds = array<i64: 1, 128>}, {transform_indices = @transform_21, window_bounds = array<i64: 256, 128>}]} {
    %get3A = arith.constant 0 : index
    %get3A_0 = arith.constant 0 : index
    %get3A_1 = vector.load %arg1[%get3A, %get3A_0] : memref<256x64xi32, #tpu.memory_space<vmem>>, vector<256x64xi32>
    %shift_left3A = arith.constant 16 : i32
    %shift_left3A_2 = vector.broadcast %shift_left3A : i32 to vector<256x64xi32>
    %shift_left3A_3 = arith.shli %get3A_1, %shift_left3A_2 : vector<256x64xi32>
    %bitcast_convert_type3A = tpu.bitcast %shift_left3A_3 : vector<256x64xi32> -> vector<256x64xf32>
    %and3A = arith.constant -65536 : i32
    %and3A_4 = vector.broadcast %and3A : i32 to vector<256x64xi32>
    %and3A_5 = arith.andi %get3A_1, %and3A_4 : vector<256x64xi32>
    %bitcast_convert_type3A_6 = tpu.bitcast %and3A_5 : vector<256x64xi32> -> vector<256x64xf32>
    %concatenate3A = tpu.concatenate %bitcast_convert_type3A, %bitcast_convert_type3A_6 in 1 : vector<256x64xf32>, vector<256x64xf32> -> vector<256x128xf32>
    %get3A_7 = arith.constant 0 : index
    %get3A_8 = arith.constant 0 : index
    %get3A_9 = arith.constant 0 : index
    %get3A_10 = vector.load %arg3[%get3A_7, %get3A_8, %get3A_9] : memref<20x256x64xi32, #tpu.memory_space<vmem>>, vector<20x256x64xi32>
    %shift_left3A_11 = arith.constant 16 : i32
    %shift_left3A_12 = vector.broadcast %shift_left3A_11 : i32 to vector<20x256x64xi32>
    %shift_left3A_13 = arith.shli %get3A_10, %shift_left3A_12 : vector<20x256x64xi32>
    %bitcast_convert_type3A_14 = tpu.bitcast %shift_left3A_13 : vector<20x256x64xi32> -> vector<20x256x64xf32>
    %and3A_15 = arith.constant -65536 : i32
    %and3A_16 = vector.broadcast %and3A_15 : i32 to vector<20x256x64xi32>
    %and3A_17 = arith.andi %get3A_10, %and3A_16 : vector<20x256x64xi32>
    %bitcast_convert_type3A_18 = tpu.bitcast %and3A_17 : vector<20x256x64xi32> -> vector<20x256x64xf32>
    %concatenate3A_19 = tpu.concatenate %bitcast_convert_type3A_14, %bitcast_convert_type3A_18 in 2 : vector<20x256x64xf32>, vector<20x256x64xf32> -> vector<20x256x128xf32>
    %convert_element_type3A = arith.truncf %concatenate3A_19 : vector<20x256x128xf32> to vector<20x256x128xbf16>
    %reshape3A = vector.shape_cast %convert_element_type3A : vector<20x256x128xbf16> to vector<5120x128xbf16>
    %convert_element_type3A_20 = arith.truncf %concatenate3A : vector<256x128xf32> to vector<256x128xbf16>
    %get3A_21 = arith.constant 0 : index
    %get3A_22 = arith.constant 0 : index
    %get3A_23 = arith.constant 0 : index
    %get3A_24 = vector.load %arg4[%get3A_21, %get3A_22, %get3A_23] : memref<20x256x16xf32, #tpu.memory_space<vmem>>, vector<20x256x16xf32>
    %convert_element_type3A_25 = arith.truncf %get3A_24 : vector<20x256x16xf32> to vector<20x256x16xbf16>
    %get3A_26 = arith.constant 0 : index
    %get3A_27 = arith.constant 0 : index
    %get3A_28 = vector.load %arg5[%get3A_26, %get3A_27] : memref<20x256xf32, #tpu.memory_space<vmem>>, vector<20x256xf32>
    %convert_element_type3A_29 = arith.truncf %get3A_28 : vector<20x256xf32> to vector<20x256xbf16>
    %broadcast_in_dim3A = vector.shape_cast %convert_element_type3A_29 : vector<20x256xbf16> to vector<20x256x1xbf16>
    %get3A_30 = arith.constant 0 : index
    %get3A_31 = arith.constant 0 : index
    %get3A_32 = vector.load %arg11[%get3A_30, %get3A_31] : memref<1x112xbf16, #tpu.memory_space<vmem>>, vector<1x112xbf16>
    %broadcast_in_dim3A_33 = vector.shape_cast %get3A_32 : vector<1x112xbf16> to vector<1x1x112xbf16>
    %mul3A = vector.broadcast %broadcast_in_dim3A : vector<20x256x1xbf16> to vector<20x256x112xbf16>
    %mul3A_34 = vector.broadcast %broadcast_in_dim3A_33 : vector<1x1x112xbf16> to vector<20x256x112xbf16>
    %mul3A_35 = arith.mulf %mul3A, %mul3A_34 : vector<20x256x112xbf16>
    %get3A_36 = arith.constant 0 : index
    %get3A_37 = arith.constant 0 : index
    %get3A_38 = vector.load %arg12[%get3A_36, %get3A_37] : memref<1x112xbf16, #tpu.memory_space<vmem>>, vector<1x112xbf16>
    %broadcast_in_dim3A_39 = vector.shape_cast %get3A_38 : vector<1x112xbf16> to vector<1x1x112xbf16>
    %add3A = vector.broadcast %broadcast_in_dim3A_39 : vector<1x1x112xbf16> to vector<20x256x112xbf16>
    %add3A_40 = arith.addf %mul3A_35, %add3A : vector<20x256x112xbf16>
    %mul3A_41 = arith.mulf %add3A_40, %add3A_40 : vector<20x256x112xbf16>
    %mul3A_42 = arith.constant -1.388550e-03 : bf16
    %mul3A_43 = vector.broadcast %mul3A_42 : bf16 to vector<20x256x112xbf16>
    %mul3A_44 = arith.mulf %mul3A_43, %mul3A_41 : vector<20x256x112xbf16>
    %add3A_45 = arith.constant 4.174800e-02 : bf16
    %add3A_46 = vector.broadcast %add3A_45 : bf16 to vector<20x256x112xbf16>
    %add3A_47 = arith.addf %mul3A_44, %add3A_46 : vector<20x256x112xbf16>
    %mul3A_48 = arith.mulf %add3A_47, %mul3A_41 : vector<20x256x112xbf16>
    %add3A_49 = arith.constant -5.000000e-01 : bf16
    %add3A_50 = vector.broadcast %add3A_49 : bf16 to vector<20x256x112xbf16>
    %add3A_51 = arith.addf %mul3A_48, %add3A_50 : vector<20x256x112xbf16>
    %mul3A_52 = arith.mulf %add3A_51, %mul3A_41 : vector<20x256x112xbf16>
    %add3A_53 = arith.constant 1.000000e+00 : bf16
    %add3A_54 = vector.broadcast %add3A_53 : bf16 to vector<20x256x112xbf16>
    %add3A_55 = arith.addf %mul3A_52, %add3A_54 : vector<20x256x112xbf16>
    %concatenate3A_56 = tpu.concatenate %convert_element_type3A_25, %add3A_55 in 2 : vector<20x256x16xbf16>, vector<20x256x112xbf16> -> vector<20x256x128xbf16>
    %reshape3A_57 = vector.shape_cast %concatenate3A_56 : vector<20x256x128xbf16> to vector<5120x128xbf16>
    %concatenate3A_58 = tpu.concatenate %reshape3A, %reshape3A_57 in 1 : vector<5120x128xbf16>, vector<5120x128xbf16> -> vector<5120x256xbf16>
    %get3A_59 = arith.constant 0 : index
    %get3A_60 = arith.constant 0 : index
    %get3A_61 = vector.load %arg7[%get3A_59, %get3A_60] : memref<256x256xbf16, #tpu.memory_space<vmem>>, vector<256x256xbf16>
    %dot_general3A = arith.constant dense<0.000000e+00> : vector<5120x256xf32>
    %dot_general3A_62 = tpu.matmul %concatenate3A_58, %get3A_61, %dot_general3A {dimension_numbers = #tpu.dot_dimension_numbers<[1], [0], [0], [1], [0, 0, 1, 1], [], []>, transpose_lhs_hint = false} : vector<5120x256xbf16>, vector<256x256xbf16>, vector<5120x256xf32> -> vector<5120x256xf32>
    %get3A_63 = arith.constant 0 : index
    %get3A_64 = arith.constant 0 : index
    %get3A_65 = vector.load %arg8[%get3A_63, %get3A_64] : memref<256x256xbf16, #tpu.memory_space<vmem>>, vector<256x256xbf16>
    %dot_general3A_66 = arith.constant dense<0.000000e+00> : vector<5120x256xf32>
    %dot_general3A_67 = tpu.matmul %concatenate3A_58, %get3A_65, %dot_general3A_66 {dimension_numbers = #tpu.dot_dimension_numbers<[1], [0], [0], [1], [0, 0, 1, 1], [], []>, transpose_lhs_hint = false} : vector<5120x256xbf16>, vector<256x256xbf16>, vector<5120x256xf32> -> vector<5120x256xf32>
    %get3A_68 = arith.constant 0 : index
    %get3A_69 = arith.constant 0 : index
    %get3A_70 = vector.load %arg9[%get3A_68, %get3A_69] : memref<128x256xbf16, #tpu.memory_space<vmem>>, vector<128x256xbf16>
    %dot_general3A_71 = arith.constant dense<0.000000e+00> : vector<256x256xf32>
    %dot_general3A_72 = tpu.matmul %convert_element_type3A_20, %get3A_70, %dot_general3A_71 {dimension_numbers = #tpu.dot_dimension_numbers<[1], [0], [0], [1], [0, 0, 1, 1], [], []>, transpose_lhs_hint = false} : vector<256x128xbf16>, vector<128x256xbf16>, vector<256x256xf32> -> vector<256x256xf32>
    %get3A_73 = arith.constant 0 : index
    %get3A_74 = arith.constant 0 : index
    %get3A_75 = vector.load %arg10[%get3A_73, %get3A_74] : memref<1x256xf32, #tpu.memory_space<vmem>>, vector<1x256xf32>
    %add3A_76 = vector.broadcast %get3A_75 : vector<1x256xf32> to vector<256x256xf32>
    %add3A_77 = arith.addf %dot_general3A_72, %add3A_76 : vector<256x256xf32>
    %reshape3A_78 = vector.shape_cast %dot_general3A_62 : vector<5120x256xf32> to vector<20x256x256xf32>
    %reshape3A_79 = vector.shape_cast %dot_general3A_67 : vector<5120x256xf32> to vector<20x256x256xf32>
    %broadcast_in_dim3A_80 = vector.shape_cast %add3A_77 : vector<256x256xf32> to vector<1x256x256xf32>
    %mul3A_81 = vector.broadcast %broadcast_in_dim3A_80 : vector<1x256x256xf32> to vector<20x256x256xf32>
    %mul3A_82 = arith.mulf %reshape3A_78, %mul3A_81 : vector<20x256x256xf32>
    %slice3A = vector.extract_strided_slice %mul3A_82 {offsets = [0, 0, 0], sizes = [20, 256, 128], strides = [1, 1, 1]} : vector<20x256x256xf32> to vector<20x256x128xf32>
    %reduce_sum3A = arith.constant dense<0.000000e+00> : vector<20x256xf32>
    %reduce_sum3A_83 = vector.multi_reduction <add>, %slice3A, %reduce_sum3A [2] : vector<20x256x128xf32> to vector<20x256xf32>
    %slice3A_84 = vector.extract_strided_slice %mul3A_82 {offsets = [0, 0, 128], sizes = [20, 256, 128], strides = [1, 1, 1]} : vector<20x256x256xf32> to vector<20x256x128xf32>
    %reduce_sum3A_85 = arith.constant dense<0.000000e+00> : vector<20x256xf32>
    %reduce_sum3A_86 = vector.multi_reduction <add>, %slice3A_84, %reduce_sum3A_85 [2] : vector<20x256x128xf32> to vector<20x256xf32>
    %get3A_87 = arith.constant 0 : index
    %get3A_88 = arith.constant 0 : index
    %get3A_89 = vector.load %arg6[%get3A_87, %get3A_88] : memref<20x256xi32, #tpu.memory_space<vmem>>, vector<20x256xi32>
    %eq3A = arith.constant 0 : i32
    %eq3A_90 = vector.broadcast %eq3A : i32 to vector<20x256xi32>
    %eq3A_91 = arith.cmpi eq, %get3A_89, %eq3A_90 : vector<20x256xi32>
    %jit3A = arith.constant -1.000000e+10 : f32
    %broadcast_in_dim3A_92 = vector.broadcast %jit3A : f32 to vector<20x256xf32>
    %select_n3A = arith.select %eq3A_91, %broadcast_in_dim3A_92, %reduce_sum3A_83 : vector<20x256xi1>, vector<20x256xf32>
    %jit3A_93 = arith.constant -1.000000e+10 : f32
    %broadcast_in_dim3A_94 = vector.broadcast %jit3A_93 : f32 to vector<20x256xf32>
    %select_n3A_95 = arith.select %eq3A_91, %broadcast_in_dim3A_94, %reduce_sum3A_86 : vector<20x256xi1>, vector<20x256xf32>
    %reduce_max3A = arith.constant dense<0xFF800000> : vector<256xf32>
    %reduce_max3A_96 = vector.multi_reduction <maximumf>, %select_n3A, %reduce_max3A [0] : vector<20x256xf32> to vector<256xf32>
    %broadcast_in_dim3A_97 = vector.shape_cast %reduce_max3A_96 : vector<256xf32> to vector<1x256xf32>
    %sub3A = vector.broadcast %broadcast_in_dim3A_97 : vector<1x256xf32> to vector<20x256xf32>
    %sub3A_98 = arith.subf %select_n3A, %sub3A : vector<20x256xf32>
    %exp3A = math.exp %sub3A_98 : vector<20x256xf32>
    %reduce_sum3A_99 = arith.constant dense<0.000000e+00> : vector<256xf32>
    %reduce_sum3A_100 = vector.multi_reduction <add>, %exp3A, %reduce_sum3A_99 [0] : vector<20x256xf32> to vector<256xf32>
    %broadcast_in_dim3A_101 = vector.shape_cast %reduce_sum3A_100 : vector<256xf32> to vector<1x256xf32>
    %div3A = vector.broadcast %broadcast_in_dim3A_101 : vector<1x256xf32> to vector<20x256xf32>
    %div3A_102 = arith.divf %exp3A, %div3A : vector<20x256xf32>
    %reduce_max3A_103 = arith.constant dense<0xFF800000> : vector<256xf32>
    %reduce_max3A_104 = vector.multi_reduction <maximumf>, %select_n3A_95, %reduce_max3A_103 [0] : vector<20x256xf32> to vector<256xf32>
    %broadcast_in_dim3A_105 = vector.shape_cast %reduce_max3A_104 : vector<256xf32> to vector<1x256xf32>
    %sub3A_106 = vector.broadcast %broadcast_in_dim3A_105 : vector<1x256xf32> to vector<20x256xf32>
    %sub3A_107 = arith.subf %select_n3A_95, %sub3A_106 : vector<20x256xf32>
    %exp3A_108 = math.exp %sub3A_107 : vector<20x256xf32>
    %reduce_sum3A_109 = arith.constant dense<0.000000e+00> : vector<256xf32>
    %reduce_sum3A_110 = vector.multi_reduction <add>, %exp3A_108, %reduce_sum3A_109 [0] : vector<20x256xf32> to vector<256xf32>
    %broadcast_in_dim3A_111 = vector.shape_cast %reduce_sum3A_110 : vector<256xf32> to vector<1x256xf32>
    %div3A_112 = vector.broadcast %broadcast_in_dim3A_111 : vector<1x256xf32> to vector<20x256xf32>
    %div3A_113 = arith.divf %exp3A_108, %div3A_112 : vector<20x256xf32>
    %broadcast_in_dim3A_114 = vector.shape_cast %div3A_102 : vector<20x256xf32> to vector<20x256x1xf32>
    %slice3A_115 = vector.extract_strided_slice %reshape3A_79 {offsets = [0, 0, 0], sizes = [20, 256, 128], strides = [1, 1, 1]} : vector<20x256x256xf32> to vector<20x256x128xf32>
    %mul3A_116 = vector.broadcast %broadcast_in_dim3A_114 : vector<20x256x1xf32> to vector<20x256x128xf32>
    %mul3A_117 = arith.mulf %mul3A_116, %slice3A_115 : vector<20x256x128xf32>
    %reduce_sum3A_118 = arith.constant dense<0.000000e+00> : vector<256x128xf32>
    %reduce_sum3A_119 = vector.multi_reduction <add>, %mul3A_117, %reduce_sum3A_118 [0] : vector<20x256x128xf32> to vector<256x128xf32>
    %broadcast_in_dim3A_120 = vector.shape_cast %div3A_113 : vector<20x256xf32> to vector<20x256x1xf32>
    %slice3A_121 = vector.extract_strided_slice %reshape3A_79 {offsets = [0, 0, 128], sizes = [20, 256, 128], strides = [1, 1, 1]} : vector<20x256x256xf32> to vector<20x256x128xf32>
    %mul3A_122 = vector.broadcast %broadcast_in_dim3A_120 : vector<20x256x1xf32> to vector<20x256x128xf32>
    %mul3A_123 = arith.mulf %mul3A_122, %slice3A_121 : vector<20x256x128xf32>
    %reduce_sum3A_124 = arith.constant dense<0.000000e+00> : vector<256x128xf32>
    %reduce_sum3A_125 = vector.multi_reduction <add>, %mul3A_123, %reduce_sum3A_124 [0] : vector<20x256x128xf32> to vector<256x128xf32>
    %concatenate3A_126 = tpu.concatenate %reduce_sum3A_119, %reduce_sum3A_125 in 1 : vector<256x128xf32>, vector<256x128xf32> -> vector<256x256xf32>
    %convert_element_type3A_127 = arith.truncf %concatenate3A_126 : vector<256x256xf32> to vector<256x256xbf16>
    %get3A_128 = arith.constant 0 : index
    %get3A_129 = arith.constant 0 : index
    %get3A_130 = vector.load %arg13[%get3A_128, %get3A_129] : memref<256x256xbf16, #tpu.memory_space<vmem>>, vector<256x256xbf16>
    %dot_general3A_131 = arith.constant dense<0.000000e+00> : vector<256x256xf32>
    %dot_general3A_132 = tpu.matmul %convert_element_type3A_127, %get3A_130, %dot_general3A_131 {dimension_numbers = #tpu.dot_dimension_numbers<[1], [0], [0], [1], [0, 0, 1, 1], [], []>, transpose_lhs_hint = false} : vector<256x256xbf16>, vector<256x256xbf16>, vector<256x256xf32> -> vector<256x256xf32>
    %get3A_133 = arith.constant 0 : index
    %get3A_134 = arith.constant 0 : index
    %get3A_135 = vector.load %arg14[%get3A_133, %get3A_134] : memref<1x256xf32, #tpu.memory_space<vmem>>, vector<1x256xf32>
    %add3A_136 = vector.broadcast %get3A_135 : vector<1x256xf32> to vector<256x256xf32>
    %add3A_137 = arith.addf %dot_general3A_132, %add3A_136 : vector<256x256xf32>
    %get3A_138 = arith.constant 0 : index
    %get3A_139 = arith.constant 0 : index
    %get3A_140 = vector.load %arg17[%get3A_138, %get3A_139] : memref<1x128xf32, #tpu.memory_space<vmem>>, vector<1x128xf32>
    %broadcast_in_dim3A_141 = vector.shape_cast %get3A_140 : vector<1x128xf32> to vector<1x128xf32>
    %broadcast_in_dim3A_142 = vector.broadcast %broadcast_in_dim3A_141 : vector<1x128xf32> to vector<256x128xf32>
    %concatenate3A_143 = tpu.concatenate %concatenate3A, %broadcast_in_dim3A_142 in 1 : vector<256x128xf32>, vector<256x128xf32> -> vector<256x256xf32>
    %add3A_144 = arith.addf %concatenate3A_143, %add3A_137 : vector<256x256xf32>
    %reduce_sum3A_145 = arith.constant dense<0.000000e+00> : vector<256xf32>
    %reduce_sum3A_146 = vector.multi_reduction <add>, %add3A_144, %reduce_sum3A_145 [1] : vector<256x256xf32> to vector<256xf32>
    %broadcast_in_dim3A_147 = vector.shape_cast %reduce_sum3A_146 : vector<256xf32> to vector<256x1xf32>
    %mul3A_148 = arith.constant 0.00438596494 : f32
    %mul3A_149 = vector.broadcast %mul3A_148 : f32 to vector<256x1xf32>
    %mul3A_150 = arith.mulf %broadcast_in_dim3A_147, %mul3A_149 : vector<256x1xf32>
    %mul3A_151 = arith.mulf %add3A_144, %add3A_144 : vector<256x256xf32>
    %reduce_sum3A_152 = arith.constant dense<0.000000e+00> : vector<256xf32>
    %reduce_sum3A_153 = vector.multi_reduction <add>, %mul3A_151, %reduce_sum3A_152 [1] : vector<256x256xf32> to vector<256xf32>
    %broadcast_in_dim3A_154 = vector.shape_cast %reduce_sum3A_153 : vector<256xf32> to vector<256x1xf32>
    %mul3A_155 = arith.constant 0.00438596494 : f32
    %mul3A_156 = vector.broadcast %mul3A_155 : f32 to vector<256x1xf32>
    %mul3A_157 = arith.mulf %broadcast_in_dim3A_154, %mul3A_156 : vector<256x1xf32>
    %mul3A_158 = arith.mulf %mul3A_150, %mul3A_150 : vector<256x1xf32>
    %sub3A_159 = arith.subf %mul3A_157, %mul3A_158 : vector<256x1xf32>
    %sub3A_160 = vector.broadcast %mul3A_150 : vector<256x1xf32> to vector<256x256xf32>
    %sub3A_161 = arith.subf %add3A_144, %sub3A_160 : vector<256x256xf32>
    %add3A_162 = arith.constant 9.99999974E-6 : f32
    %add3A_163 = vector.broadcast %add3A_162 : f32 to vector<256x1xf32>
    %add3A_164 = arith.addf %sub3A_159, %add3A_163 : vector<256x1xf32>
    %rsqrt3A = math.rsqrt %add3A_164 : vector<256x1xf32>
    %mul3A_165 = vector.broadcast %rsqrt3A : vector<256x1xf32> to vector<256x256xf32>
    %mul3A_166 = arith.mulf %sub3A_161, %mul3A_165 : vector<256x256xf32>
    %get3A_167 = arith.constant 0 : index
    %get3A_168 = arith.constant 0 : index
    %get3A_169 = vector.load %arg15[%get3A_167, %get3A_168] : memref<1x256xf32, #tpu.memory_space<vmem>>, vector<1x256xf32>
    %mul3A_170 = vector.broadcast %get3A_169 : vector<1x256xf32> to vector<256x256xf32>
    %mul3A_171 = arith.mulf %mul3A_166, %mul3A_170 : vector<256x256xf32>
    %get3A_172 = arith.constant 0 : index
    %get3A_173 = arith.constant 0 : index
    %get3A_174 = vector.load %arg16[%get3A_172, %get3A_173] : memref<1x256xf32, #tpu.memory_space<vmem>>, vector<1x256xf32>
    %add3A_175 = vector.broadcast %get3A_174 : vector<1x256xf32> to vector<256x256xf32>
    %add3A_176 = arith.addf %mul3A_171, %add3A_175 : vector<256x256xf32>
    %convert_element_type3A_177 = arith.truncf %add3A_176 : vector<256x256xf32> to vector<256x256xbf16>
    %get3A_178 = arith.constant 0 : index
    %get3A_179 = arith.constant 0 : index
    %get3A_180 = vector.load %arg2[%get3A_178, %get3A_179] : memref<256x64xi32, #tpu.memory_space<vmem>>, vector<256x64xi32>
    %shift_left3A_181 = arith.constant 16 : i32
    %shift_left3A_182 = vector.broadcast %shift_left3A_181 : i32 to vector<256x64xi32>
    %shift_left3A_183 = arith.shli %get3A_180, %shift_left3A_182 : vector<256x64xi32>
    %bitcast_convert_type3A_184 = tpu.bitcast %shift_left3A_183 : vector<256x64xi32> -> vector<256x64xf32>
    %and3A_185 = arith.constant -65536 : i32
    %and3A_186 = vector.broadcast %and3A_185 : i32 to vector<256x64xi32>
    %and3A_187 = arith.andi %get3A_180, %and3A_186 : vector<256x64xi32>
    %bitcast_convert_type3A_188 = tpu.bitcast %and3A_187 : vector<256x64xi32> -> vector<256x64xf32>
    %concatenate3A_189 = tpu.concatenate %bitcast_convert_type3A_184, %bitcast_convert_type3A_188 in 1 : vector<256x64xf32>, vector<256x64xf32> -> vector<256x128xf32>
    %convert_element_type3A_190 = arith.truncf %concatenate3A_189 : vector<256x128xf32> to vector<256x128xbf16>
    %concatenate3A_191 = tpu.concatenate %convert_element_type3A_177, %convert_element_type3A_190 in 1 : vector<256x256xbf16>, vector<256x128xbf16> -> vector<256x384xbf16>
    %get3A_192 = arith.constant 0 : index
    %get3A_193 = arith.constant 0 : index
    %get3A_194 = vector.load %arg18[%get3A_192, %get3A_193] : memref<384x128xbf16, #tpu.memory_space<vmem>>, vector<384x128xbf16>
    %dot_general3A_195 = arith.constant dense<0.000000e+00> : vector<256x128xf32>
    %dot_general3A_196 = tpu.matmul %concatenate3A_191, %get3A_194, %dot_general3A_195 {dimension_numbers = #tpu.dot_dimension_numbers<[1], [0], [0], [1], [0, 0, 1, 1], [], []>, transpose_lhs_hint = false} : vector<256x384xbf16>, vector<384x128xbf16>, vector<256x128xf32> -> vector<256x128xf32>
    %get3A_197 = arith.constant 0 : index
    %get3A_198 = arith.constant 0 : index
    %get3A_199 = vector.load %arg19[%get3A_197, %get3A_198] : memref<1x128xf32, #tpu.memory_space<vmem>>, vector<1x128xf32>
    %add3A_200 = vector.broadcast %get3A_199 : vector<1x128xf32> to vector<256x128xf32>
    %add3A_201 = arith.addf %dot_general3A_196, %add3A_200 : vector<256x128xf32>
    %max3A = arith.constant 0.000000e+00 : f32
    %max3A_202 = vector.broadcast %max3A : f32 to vector<256x128xf32>
    %max3A_203 = arith.maximumf %add3A_201, %max3A_202 : vector<256x128xf32>
    %convert_element_type3A_204 = arith.truncf %max3A_203 : vector<256x128xf32> to vector<256x128xbf16>
    %get3A_205 = arith.constant 0 : index
    %get3A_206 = arith.constant 0 : index
    %get3A_207 = vector.load %arg20[%get3A_205, %get3A_206] : memref<128x128xbf16, #tpu.memory_space<vmem>>, vector<128x128xbf16>
    %dot_general3A_208 = arith.constant dense<0.000000e+00> : vector<256x128xf32>
    %dot_general3A_209 = tpu.matmul %convert_element_type3A_204, %get3A_207, %dot_general3A_208 {dimension_numbers = #tpu.dot_dimension_numbers<[1], [0], [0], [1], [0, 0, 1, 1], [], []>, transpose_lhs_hint = false} : vector<256x128xbf16>, vector<128x128xbf16>, vector<256x128xf32> -> vector<256x128xf32>
    %get3A_210 = arith.constant 0 : index
    %get3A_211 = arith.constant 0 : index
    %get3A_212 = vector.load %arg21[%get3A_210, %get3A_211] : memref<1x128xf32, #tpu.memory_space<vmem>>, vector<1x128xf32>
    %add3A_213 = vector.broadcast %get3A_212 : vector<1x128xf32> to vector<256x128xf32>
    %add3A_214 = arith.addf %dot_general3A_209, %add3A_213 : vector<256x128xf32>
    %swap3A = arith.constant 0 : index
    %swap3A_215 = arith.constant 0 : index
    %swap3A_216 = vector.load %arg22[%swap3A, %swap3A_215] : memref<256x128xf32, #tpu.memory_space<vmem>>, vector<256x128xf32>
    tpu.vector_store %arg22[%swap3A, %swap3A_215], %add3A_214 {strides = array<i32>} : memref<256x128xf32, #tpu.memory_space<vmem>>, vector<256x128xf32>,
    return
  }
  func.func @transform_0(%arg0: i32) -> (i32, i32) {
    %c0_i32 = arith.constant 0 : i32
    %c0_i32_0 = arith.constant 0 : i32
    return %arg0, %c0_i32 : i32, i32
  }
  func.func @transform_1(%arg0: i32) -> (i32, i32) {
    %c0_i32 = arith.constant 0 : i32
    %c0_i32_0 = arith.constant 0 : i32
    return %arg0, %c0_i32 : i32, i32
  }
  func.func @transform_2(%arg0: i32) -> (i32, i32, i32) {
    %c0_i32 = arith.constant 0 : i32
    %c0_i32_0 = arith.constant 0 : i32
    %c0_i32_1 = arith.constant 0 : i32
    return %c0_i32, %arg0, %c0_i32_0 : i32, i32, i32
  }
  func.func @transform_3(%arg0: i32) -> (i32, i32, i32) {
    %c0_i32 = arith.constant 0 : i32
    %c0_i32_0 = arith.constant 0 : i32
    %c0_i32_1 = arith.constant 0 : i32
    return %c0_i32, %arg0, %c0_i32_0 : i32, i32, i32
  }
  func.func @transform_4(%arg0: i32) -> (i32, i32) {
    %c0_i32 = arith.constant 0 : i32
    %c0_i32_0 = arith.constant 0 : i32
    return %c0_i32, %arg0 : i32, i32
  }
  func.func @transform_5(%arg0: i32) -> (i32, i32) {
    %c0_i32 = arith.constant 0 : i32
    %c0_i32_0 = arith.constant 0 : i32
    return %c0_i32, %arg0 : i32, i32
  }
  func.func @transform_6(%arg0: i32) -> (i32, i32) {
    %c0_i32 = arith.constant 0 : i32
    %c0_i32_0 = arith.constant 0 : i32
    %c0_i32_1 = arith.constant 0 : i32
    return %c0_i32, %c0_i32_0 : i32, i32
  }
  func.func @transform_7(%arg0: i32) -> (i32, i32) {
    %c0_i32 = arith.constant 0 : i32
    %c0_i32_0 = arith.constant 0 : i32
    %c0_i32_1 = arith.constant 0 : i32
    return %c0_i32, %c0_i32_0 : i32, i32
  }
  func.func @transform_8(%arg0: i32) -> (i32, i32) {
    %c0_i32 = arith.constant 0 : i32
    %c0_i32_0 = arith.constant 0 : i32
    %c0_i32_1 = arith.constant 0 : i32
    return %c0_i32, %c0_i32_0 : i32, i32
  }
  func.func @transform_9(%arg0: i32) -> (i32, i32) {
    %c0_i32 = arith.constant 0 : i32
    %c0_i32_0 = arith.constant 0 : i32
    %c0_i32_1 = arith.constant 0 : i32
    return %c0_i32, %c0_i32_0 : i32, i32
  }
  func.func @transform_10(%arg0: i32) -> (i32, i32) {
    %c0_i32 = arith.constant 0 : i32
    %c0_i32_0 = arith.constant 0 : i32
    %c0_i32_1 = arith.constant 0 : i32
    return %c0_i32, %c0_i32_0 : i32, i32
  }
  func.func @transform_11(%arg0: i32) -> (i32, i32) {
    %c0_i32 = arith.constant 0 : i32
    %c0_i32_0 = arith.constant 0 : i32
    %c0_i32_1 = arith.constant 0 : i32
    return %c0_i32, %c0_i32_0 : i32, i32
  }
  func.func @transform_12(%arg0: i32) -> (i32, i32) {
    %c0_i32 = arith.constant 0 : i32
    %c0_i32_0 = arith.constant 0 : i32
    %c0_i32_1 = arith.constant 0 : i32
    return %c0_i32, %c0_i32_0 : i32, i32
  }
  func.func @transform_13(%arg0: i32) -> (i32, i32) {
    %c0_i32 = arith.constant 0 : i32
    %c0_i32_0 = arith.constant 0 : i32
    %c0_i32_1 = arith.constant 0 : i32
    return %c0_i32, %c0_i32_0 : i32, i32
  }
  func.func @transform_14(%arg0: i32) -> (i32, i32) {
    %c0_i32 = arith.constant 0 : i32
    %c0_i32_0 = arith.constant 0 : i32
    %c0_i32_1 = arith.constant 0 : i32
    return %c0_i32, %c0_i32_0 : i32, i32
  }
  func.func @transform_15(%arg0: i32) -> (i32, i32) {
    %c0_i32 = arith.constant 0 : i32
    %c0_i32_0 = arith.constant 0 : i32
    %c0_i32_1 = arith.constant 0 : i32
    return %c0_i32, %c0_i32_0 : i32, i32
  }
  func.func @transform_16(%arg0: i32) -> (i32, i32) {
    %c0_i32 = arith.constant 0 : i32
    %c0_i32_0 = arith.constant 0 : i32
    %c0_i32_1 = arith.constant 0 : i32
    return %c0_i32, %c0_i32_0 : i32, i32
  }
  func.func @transform_17(%arg0: i32) -> (i32, i32) {
    %c0_i32 = arith.constant 0 : i32
    %c0_i32_0 = arith.constant 0 : i32
    %c0_i32_1 = arith.constant 0 : i32
    return %c0_i32, %c0_i32_0 : i32, i32
  }
  func.func @transform_18(%arg0: i32) -> (i32, i32) {
    %c0_i32 = arith.constant 0 : i32
    %c0_i32_0 = arith.constant 0 : i32
    %c0_i32_1 = arith.constant 0 : i32
    return %c0_i32, %c0_i32_0 : i32, i32
  }
  func.func @transform_19(%arg0: i32) -> (i32, i32) {
    %c0_i32 = arith.constant 0 : i32
    %c0_i32_0 = arith.constant 0 : i32
    %c0_i32_1 = arith.constant 0 : i32
    return %c0_i32, %c0_i32_0 : i32, i32
  }
  func.func @transform_20(%arg0: i32) -> (i32, i32) {
    %c0_i32 = arith.constant 0 : i32
    %c0_i32_0 = arith.constant 0 : i32
    %c0_i32_1 = arith.constant 0 : i32
    return %c0_i32, %c0_i32_0 : i32, i32
  }
  func.func @transform_21(%arg0: i32) -> (i32, i32) {
    %c0_i32 = arith.constant 0 : i32
    %c0_i32_0 = arith.constant 0 : i32
    return %arg0, %c0_i32 : i32, i32
  }
}

module attributes {stable_mosaic.version = 14 : i64} {
  func.func @_dense_body(%arg0: i32, %arg1: memref<256x128xf32, #tpu.memory_space<vmem>>, %arg2: memref<256x64xi32, #tpu.memory_space<vmem>>, %arg3: memref<20x256x128xf32, #tpu.memory_space<vmem>>, %arg4: memref<20x256x16xf32, #tpu.memory_space<vmem>>, %arg5: memref<20x256xf32, #tpu.memory_space<vmem>>, %arg6: memref<20x256xi32, #tpu.memory_space<vmem>>, %arg7: memref<256x256xbf16, #tpu.memory_space<vmem>>, %arg8: memref<256x256xbf16, #tpu.memory_space<vmem>>, %arg9: memref<128x256xbf16, #tpu.memory_space<vmem>>, %arg10: memref<1x256xf32, #tpu.memory_space<vmem>>, %arg11: memref<1x112xbf16, #tpu.memory_space<vmem>>, %arg12: memref<1x112xbf16, #tpu.memory_space<vmem>>, %arg13: memref<256x256xbf16, #tpu.memory_space<vmem>>, %arg14: memref<1x256xf32, #tpu.memory_space<vmem>>, %arg15: memref<1x256xf32, #tpu.memory_space<vmem>>, %arg16: memref<1x256xf32, #tpu.memory_space<vmem>>, %arg17: memref<1x128xf32, #tpu.memory_space<vmem>>, %arg18: memref<384x128xbf16, #tpu.memory_space<vmem>>, %arg19: memref<1x128xf32, #tpu.memory_space<vmem>>, %arg20: memref<128x128xbf16, #tpu.memory_space<vmem>>, %arg21: memref<1x128xf32, #tpu.memory_space<vmem>>, %arg22: memref<256x128xf32, #tpu.memory_space<vmem>>) attributes {dimension_semantics = [#tpu.dimension_semantics<parallel>], iteration_bounds = array<i64: 16>, scalar_prefetch = 0 : i64, scratch_operands = 0 : i64, tpu.core_type = #tpu.core_type<tc>, window_params = [{transform_indices = @transform_0, window_bounds = array<i64: 256, 128>}, {transform_indices = @transform_1, window_bounds = array<i64: 256, 64>}, {transform_indices = @transform_2, window_bounds = array<i64: 20, 256, 128>}, {transform_indices = @transform_3, window_bounds = array<i64: 20, 256, 16>}, {transform_indices = @transform_4, window_bounds = array<i64: 20, 256>}, {transform_indices = @transform_5, window_bounds = array<i64: 20, 256>}, {pipeline_mode = #tpu.pipeline_mode<synchronous>, transform_indices = @transform_6, window_bounds = array<i64: 256, 256>}, {pipeline_mode = #tpu.pipeline_mode<synchronous>, transform_indices = @transform_7, window_bounds = array<i64: 256, 256>}, {pipeline_mode = #tpu.pipeline_mode<synchronous>, transform_indices = @transform_8, window_bounds = array<i64: 128, 256>}, {pipeline_mode = #tpu.pipeline_mode<synchronous>, transform_indices = @transform_9, window_bounds = array<i64: 1, 256>}, {pipeline_mode = #tpu.pipeline_mode<synchronous>, transform_indices = @transform_10, window_bounds = array<i64: 1, 112>}, {pipeline_mode = #tpu.pipeline_mode<synchronous>, transform_indices = @transform_11, window_bounds = array<i64: 1, 112>}, {pipeline_mode = #tpu.pipeline_mode<synchronous>, transform_indices = @transform_12, window_bounds = array<i64: 256, 256>}, {pipeline_mode = #tpu.pipeline_mode<synchronous>, transform_indices = @transform_13, window_bounds = array<i64: 1, 256>}, {pipeline_mode = #tpu.pipeline_mode<synchronous>, transform_indices = @transform_14, window_bounds = array<i64: 1, 256>}, {pipeline_mode = #tpu.pipeline_mode<synchronous>, transform_indices = @transform_15, window_bounds = array<i64: 1, 256>}, {pipeline_mode = #tpu.pipeline_mode<synchronous>, transform_indices = @transform_16, window_bounds = array<i64: 1, 128>}, {pipeline_mode = #tpu.pipeline_mode<synchronous>, transform_indices = @transform_17, window_bounds = array<i64: 384, 128>}, {pipeline_mode = #tpu.pipeline_mode<synchronous>, transform_indices = @transform_18, window_bounds = array<i64: 1, 128>}, {pipeline_mode = #tpu.pipeline_mode<synchronous>, transform_indices = @transform_19, window_bounds = array<i64: 128, 128>}, {pipeline_mode = #tpu.pipeline_mode<synchronous>, transform_indices = @transform_20, window_bounds = array<i64: 1, 128>}, {transform_indices = @transform_21, window_bounds = array<i64: 256, 128>}]} {
    %get3A = arith.constant 0 : index
    %get3A_0 = arith.constant 0 : index
    %get3A_1 = vector.load %arg1[%get3A, %get3A_0] : memref<256x128xf32, #tpu.memory_space<vmem>>, vector<256x128xf32>
    %get3A_2 = arith.constant 0 : index
    %get3A_3 = arith.constant 0 : index
    %get3A_4 = arith.constant 0 : index
    %get3A_5 = vector.load %arg3[%get3A_2, %get3A_3, %get3A_4] : memref<20x256x128xf32, #tpu.memory_space<vmem>>, vector<20x256x128xf32>
    %convert_element_type3A = arith.truncf %get3A_5 : vector<20x256x128xf32> to vector<20x256x128xbf16>
    %reshape3A = vector.shape_cast %convert_element_type3A : vector<20x256x128xbf16> to vector<5120x128xbf16>
    %convert_element_type3A_6 = arith.truncf %get3A_1 : vector<256x128xf32> to vector<256x128xbf16>
    %get3A_7 = arith.constant 0 : index
    %get3A_8 = arith.constant 0 : index
    %get3A_9 = arith.constant 0 : index
    %get3A_10 = vector.load %arg4[%get3A_7, %get3A_8, %get3A_9] : memref<20x256x16xf32, #tpu.memory_space<vmem>>, vector<20x256x16xf32>
    %convert_element_type3A_11 = arith.truncf %get3A_10 : vector<20x256x16xf32> to vector<20x256x16xbf16>
    %get3A_12 = arith.constant 0 : index
    %get3A_13 = arith.constant 0 : index
    %get3A_14 = vector.load %arg5[%get3A_12, %get3A_13] : memref<20x256xf32, #tpu.memory_space<vmem>>, vector<20x256xf32>
    %convert_element_type3A_15 = arith.truncf %get3A_14 : vector<20x256xf32> to vector<20x256xbf16>
    %broadcast_in_dim3A = vector.shape_cast %convert_element_type3A_15 : vector<20x256xbf16> to vector<20x256x1xbf16>
    %get3A_16 = arith.constant 0 : index
    %get3A_17 = arith.constant 0 : index
    %get3A_18 = vector.load %arg11[%get3A_16, %get3A_17] : memref<1x112xbf16, #tpu.memory_space<vmem>>, vector<1x112xbf16>
    %broadcast_in_dim3A_19 = vector.shape_cast %get3A_18 : vector<1x112xbf16> to vector<1x1x112xbf16>
    %mul3A = vector.broadcast %broadcast_in_dim3A : vector<20x256x1xbf16> to vector<20x256x112xbf16>
    %mul3A_20 = vector.broadcast %broadcast_in_dim3A_19 : vector<1x1x112xbf16> to vector<20x256x112xbf16>
    %mul3A_21 = arith.mulf %mul3A, %mul3A_20 : vector<20x256x112xbf16>
    %get3A_22 = arith.constant 0 : index
    %get3A_23 = arith.constant 0 : index
    %get3A_24 = vector.load %arg12[%get3A_22, %get3A_23] : memref<1x112xbf16, #tpu.memory_space<vmem>>, vector<1x112xbf16>
    %broadcast_in_dim3A_25 = vector.shape_cast %get3A_24 : vector<1x112xbf16> to vector<1x1x112xbf16>
    %add3A = vector.broadcast %broadcast_in_dim3A_25 : vector<1x1x112xbf16> to vector<20x256x112xbf16>
    %add3A_26 = arith.addf %mul3A_21, %add3A : vector<20x256x112xbf16>
    %mul3A_27 = arith.mulf %add3A_26, %add3A_26 : vector<20x256x112xbf16>
    %mul3A_28 = arith.constant -1.388550e-03 : bf16
    %mul3A_29 = vector.broadcast %mul3A_28 : bf16 to vector<20x256x112xbf16>
    %mul3A_30 = arith.mulf %mul3A_29, %mul3A_27 : vector<20x256x112xbf16>
    %add3A_31 = arith.constant 4.174800e-02 : bf16
    %add3A_32 = vector.broadcast %add3A_31 : bf16 to vector<20x256x112xbf16>
    %add3A_33 = arith.addf %mul3A_30, %add3A_32 : vector<20x256x112xbf16>
    %mul3A_34 = arith.mulf %add3A_33, %mul3A_27 : vector<20x256x112xbf16>
    %add3A_35 = arith.constant -5.000000e-01 : bf16
    %add3A_36 = vector.broadcast %add3A_35 : bf16 to vector<20x256x112xbf16>
    %add3A_37 = arith.addf %mul3A_34, %add3A_36 : vector<20x256x112xbf16>
    %mul3A_38 = arith.mulf %add3A_37, %mul3A_27 : vector<20x256x112xbf16>
    %add3A_39 = arith.constant 1.000000e+00 : bf16
    %add3A_40 = vector.broadcast %add3A_39 : bf16 to vector<20x256x112xbf16>
    %add3A_41 = arith.addf %mul3A_38, %add3A_40 : vector<20x256x112xbf16>
    %concatenate3A = tpu.concatenate %convert_element_type3A_11, %add3A_41 in 2 : vector<20x256x16xbf16>, vector<20x256x112xbf16> -> vector<20x256x128xbf16>
    %reshape3A_42 = vector.shape_cast %concatenate3A : vector<20x256x128xbf16> to vector<5120x128xbf16>
    %concatenate3A_43 = tpu.concatenate %reshape3A, %reshape3A_42 in 1 : vector<5120x128xbf16>, vector<5120x128xbf16> -> vector<5120x256xbf16>
    %get3A_44 = arith.constant 0 : index
    %get3A_45 = arith.constant 0 : index
    %get3A_46 = vector.load %arg7[%get3A_44, %get3A_45] : memref<256x256xbf16, #tpu.memory_space<vmem>>, vector<256x256xbf16>
    %dot_general3A = arith.constant dense<0.000000e+00> : vector<5120x256xf32>
    %dot_general3A_47 = tpu.matmul %concatenate3A_43, %get3A_46, %dot_general3A {dimension_numbers = #tpu.dot_dimension_numbers<[1], [0], [0], [1], [0, 0, 1, 1], [], []>, transpose_lhs_hint = false} : vector<5120x256xbf16>, vector<256x256xbf16>, vector<5120x256xf32> -> vector<5120x256xf32>
    %get3A_48 = arith.constant 0 : index
    %get3A_49 = arith.constant 0 : index
    %get3A_50 = vector.load %arg8[%get3A_48, %get3A_49] : memref<256x256xbf16, #tpu.memory_space<vmem>>, vector<256x256xbf16>
    %dot_general3A_51 = arith.constant dense<0.000000e+00> : vector<5120x256xf32>
    %dot_general3A_52 = tpu.matmul %concatenate3A_43, %get3A_50, %dot_general3A_51 {dimension_numbers = #tpu.dot_dimension_numbers<[1], [0], [0], [1], [0, 0, 1, 1], [], []>, transpose_lhs_hint = false} : vector<5120x256xbf16>, vector<256x256xbf16>, vector<5120x256xf32> -> vector<5120x256xf32>
    %get3A_53 = arith.constant 0 : index
    %get3A_54 = arith.constant 0 : index
    %get3A_55 = vector.load %arg9[%get3A_53, %get3A_54] : memref<128x256xbf16, #tpu.memory_space<vmem>>, vector<128x256xbf16>
    %dot_general3A_56 = arith.constant dense<0.000000e+00> : vector<256x256xf32>
    %dot_general3A_57 = tpu.matmul %convert_element_type3A_6, %get3A_55, %dot_general3A_56 {dimension_numbers = #tpu.dot_dimension_numbers<[1], [0], [0], [1], [0, 0, 1, 1], [], []>, transpose_lhs_hint = false} : vector<256x128xbf16>, vector<128x256xbf16>, vector<256x256xf32> -> vector<256x256xf32>
    %get3A_58 = arith.constant 0 : index
    %get3A_59 = arith.constant 0 : index
    %get3A_60 = vector.load %arg10[%get3A_58, %get3A_59] : memref<1x256xf32, #tpu.memory_space<vmem>>, vector<1x256xf32>
    %add3A_61 = vector.broadcast %get3A_60 : vector<1x256xf32> to vector<256x256xf32>
    %add3A_62 = arith.addf %dot_general3A_57, %add3A_61 : vector<256x256xf32>
    %reshape3A_63 = vector.shape_cast %dot_general3A_47 : vector<5120x256xf32> to vector<20x256x256xf32>
    %reshape3A_64 = vector.shape_cast %dot_general3A_52 : vector<5120x256xf32> to vector<20x256x256xf32>
    %broadcast_in_dim3A_65 = vector.shape_cast %add3A_62 : vector<256x256xf32> to vector<1x256x256xf32>
    %mul3A_66 = vector.broadcast %broadcast_in_dim3A_65 : vector<1x256x256xf32> to vector<20x256x256xf32>
    %mul3A_67 = arith.mulf %reshape3A_63, %mul3A_66 : vector<20x256x256xf32>
    %slice3A = vector.extract_strided_slice %mul3A_67 {offsets = [0, 0, 0], sizes = [20, 256, 128], strides = [1, 1, 1]} : vector<20x256x256xf32> to vector<20x256x128xf32>
    %reduce_sum3A = arith.constant dense<0.000000e+00> : vector<20x256xf32>
    %reduce_sum3A_68 = vector.multi_reduction <add>, %slice3A, %reduce_sum3A [2] : vector<20x256x128xf32> to vector<20x256xf32>
    %slice3A_69 = vector.extract_strided_slice %mul3A_67 {offsets = [0, 0, 128], sizes = [20, 256, 128], strides = [1, 1, 1]} : vector<20x256x256xf32> to vector<20x256x128xf32>
    %reduce_sum3A_70 = arith.constant dense<0.000000e+00> : vector<20x256xf32>
    %reduce_sum3A_71 = vector.multi_reduction <add>, %slice3A_69, %reduce_sum3A_70 [2] : vector<20x256x128xf32> to vector<20x256xf32>
    %get3A_72 = arith.constant 0 : index
    %get3A_73 = arith.constant 0 : index
    %get3A_74 = vector.load %arg6[%get3A_72, %get3A_73] : memref<20x256xi32, #tpu.memory_space<vmem>>, vector<20x256xi32>
    %eq3A = arith.constant 0 : i32
    %eq3A_75 = vector.broadcast %eq3A : i32 to vector<20x256xi32>
    %eq3A_76 = arith.cmpi eq, %get3A_74, %eq3A_75 : vector<20x256xi32>
    %jit3A = arith.constant -1.000000e+10 : f32
    %broadcast_in_dim3A_77 = vector.broadcast %jit3A : f32 to vector<20x256xf32>
    %select_n3A = arith.select %eq3A_76, %broadcast_in_dim3A_77, %reduce_sum3A_68 : vector<20x256xi1>, vector<20x256xf32>
    %jit3A_78 = arith.constant -1.000000e+10 : f32
    %broadcast_in_dim3A_79 = vector.broadcast %jit3A_78 : f32 to vector<20x256xf32>
    %select_n3A_80 = arith.select %eq3A_76, %broadcast_in_dim3A_79, %reduce_sum3A_71 : vector<20x256xi1>, vector<20x256xf32>
    %reduce_max3A = arith.constant dense<0xFF800000> : vector<256xf32>
    %reduce_max3A_81 = vector.multi_reduction <maximumf>, %select_n3A, %reduce_max3A [0] : vector<20x256xf32> to vector<256xf32>
    %broadcast_in_dim3A_82 = vector.shape_cast %reduce_max3A_81 : vector<256xf32> to vector<1x256xf32>
    %sub3A = vector.broadcast %broadcast_in_dim3A_82 : vector<1x256xf32> to vector<20x256xf32>
    %sub3A_83 = arith.subf %select_n3A, %sub3A : vector<20x256xf32>
    %exp3A = math.exp %sub3A_83 : vector<20x256xf32>
    %reduce_sum3A_84 = arith.constant dense<0.000000e+00> : vector<256xf32>
    %reduce_sum3A_85 = vector.multi_reduction <add>, %exp3A, %reduce_sum3A_84 [0] : vector<20x256xf32> to vector<256xf32>
    %broadcast_in_dim3A_86 = vector.shape_cast %reduce_sum3A_85 : vector<256xf32> to vector<1x256xf32>
    %div3A = vector.broadcast %broadcast_in_dim3A_86 : vector<1x256xf32> to vector<20x256xf32>
    %div3A_87 = arith.divf %exp3A, %div3A : vector<20x256xf32>
    %reduce_max3A_88 = arith.constant dense<0xFF800000> : vector<256xf32>
    %reduce_max3A_89 = vector.multi_reduction <maximumf>, %select_n3A_80, %reduce_max3A_88 [0] : vector<20x256xf32> to vector<256xf32>
    %broadcast_in_dim3A_90 = vector.shape_cast %reduce_max3A_89 : vector<256xf32> to vector<1x256xf32>
    %sub3A_91 = vector.broadcast %broadcast_in_dim3A_90 : vector<1x256xf32> to vector<20x256xf32>
    %sub3A_92 = arith.subf %select_n3A_80, %sub3A_91 : vector<20x256xf32>
    %exp3A_93 = math.exp %sub3A_92 : vector<20x256xf32>
    %reduce_sum3A_94 = arith.constant dense<0.000000e+00> : vector<256xf32>
    %reduce_sum3A_95 = vector.multi_reduction <add>, %exp3A_93, %reduce_sum3A_94 [0] : vector<20x256xf32> to vector<256xf32>
    %broadcast_in_dim3A_96 = vector.shape_cast %reduce_sum3A_95 : vector<256xf32> to vector<1x256xf32>
    %div3A_97 = vector.broadcast %broadcast_in_dim3A_96 : vector<1x256xf32> to vector<20x256xf32>
    %div3A_98 = arith.divf %exp3A_93, %div3A_97 : vector<20x256xf32>
    %broadcast_in_dim3A_99 = vector.shape_cast %div3A_87 : vector<20x256xf32> to vector<20x256x1xf32>
    %slice3A_100 = vector.extract_strided_slice %reshape3A_64 {offsets = [0, 0, 0], sizes = [20, 256, 128], strides = [1, 1, 1]} : vector<20x256x256xf32> to vector<20x256x128xf32>
    %mul3A_101 = vector.broadcast %broadcast_in_dim3A_99 : vector<20x256x1xf32> to vector<20x256x128xf32>
    %mul3A_102 = arith.mulf %mul3A_101, %slice3A_100 : vector<20x256x128xf32>
    %reduce_sum3A_103 = arith.constant dense<0.000000e+00> : vector<256x128xf32>
    %reduce_sum3A_104 = vector.multi_reduction <add>, %mul3A_102, %reduce_sum3A_103 [0] : vector<20x256x128xf32> to vector<256x128xf32>
    %broadcast_in_dim3A_105 = vector.shape_cast %div3A_98 : vector<20x256xf32> to vector<20x256x1xf32>
    %slice3A_106 = vector.extract_strided_slice %reshape3A_64 {offsets = [0, 0, 128], sizes = [20, 256, 128], strides = [1, 1, 1]} : vector<20x256x256xf32> to vector<20x256x128xf32>
    %mul3A_107 = vector.broadcast %broadcast_in_dim3A_105 : vector<20x256x1xf32> to vector<20x256x128xf32>
    %mul3A_108 = arith.mulf %mul3A_107, %slice3A_106 : vector<20x256x128xf32>
    %reduce_sum3A_109 = arith.constant dense<0.000000e+00> : vector<256x128xf32>
    %reduce_sum3A_110 = vector.multi_reduction <add>, %mul3A_108, %reduce_sum3A_109 [0] : vector<20x256x128xf32> to vector<256x128xf32>
    %concatenate3A_111 = tpu.concatenate %reduce_sum3A_104, %reduce_sum3A_110 in 1 : vector<256x128xf32>, vector<256x128xf32> -> vector<256x256xf32>
    %convert_element_type3A_112 = arith.truncf %concatenate3A_111 : vector<256x256xf32> to vector<256x256xbf16>
    %get3A_113 = arith.constant 0 : index
    %get3A_114 = arith.constant 0 : index
    %get3A_115 = vector.load %arg13[%get3A_113, %get3A_114] : memref<256x256xbf16, #tpu.memory_space<vmem>>, vector<256x256xbf16>
    %dot_general3A_116 = arith.constant dense<0.000000e+00> : vector<256x256xf32>
    %dot_general3A_117 = tpu.matmul %convert_element_type3A_112, %get3A_115, %dot_general3A_116 {dimension_numbers = #tpu.dot_dimension_numbers<[1], [0], [0], [1], [0, 0, 1, 1], [], []>, transpose_lhs_hint = false} : vector<256x256xbf16>, vector<256x256xbf16>, vector<256x256xf32> -> vector<256x256xf32>
    %get3A_118 = arith.constant 0 : index
    %get3A_119 = arith.constant 0 : index
    %get3A_120 = vector.load %arg14[%get3A_118, %get3A_119] : memref<1x256xf32, #tpu.memory_space<vmem>>, vector<1x256xf32>
    %add3A_121 = vector.broadcast %get3A_120 : vector<1x256xf32> to vector<256x256xf32>
    %add3A_122 = arith.addf %dot_general3A_117, %add3A_121 : vector<256x256xf32>
    %get3A_123 = arith.constant 0 : index
    %get3A_124 = arith.constant 0 : index
    %get3A_125 = vector.load %arg17[%get3A_123, %get3A_124] : memref<1x128xf32, #tpu.memory_space<vmem>>, vector<1x128xf32>
    %broadcast_in_dim3A_126 = vector.shape_cast %get3A_125 : vector<1x128xf32> to vector<1x128xf32>
    %broadcast_in_dim3A_127 = vector.broadcast %broadcast_in_dim3A_126 : vector<1x128xf32> to vector<256x128xf32>
    %concatenate3A_128 = tpu.concatenate %get3A_1, %broadcast_in_dim3A_127 in 1 : vector<256x128xf32>, vector<256x128xf32> -> vector<256x256xf32>
    %add3A_129 = arith.addf %concatenate3A_128, %add3A_122 : vector<256x256xf32>
    %reduce_sum3A_130 = arith.constant dense<0.000000e+00> : vector<256xf32>
    %reduce_sum3A_131 = vector.multi_reduction <add>, %add3A_129, %reduce_sum3A_130 [1] : vector<256x256xf32> to vector<256xf32>
    %broadcast_in_dim3A_132 = vector.shape_cast %reduce_sum3A_131 : vector<256xf32> to vector<256x1xf32>
    %mul3A_133 = arith.constant 0.00438596494 : f32
    %mul3A_134 = vector.broadcast %mul3A_133 : f32 to vector<256x1xf32>
    %mul3A_135 = arith.mulf %broadcast_in_dim3A_132, %mul3A_134 : vector<256x1xf32>
    %mul3A_136 = arith.mulf %add3A_129, %add3A_129 : vector<256x256xf32>
    %reduce_sum3A_137 = arith.constant dense<0.000000e+00> : vector<256xf32>
    %reduce_sum3A_138 = vector.multi_reduction <add>, %mul3A_136, %reduce_sum3A_137 [1] : vector<256x256xf32> to vector<256xf32>
    %broadcast_in_dim3A_139 = vector.shape_cast %reduce_sum3A_138 : vector<256xf32> to vector<256x1xf32>
    %mul3A_140 = arith.constant 0.00438596494 : f32
    %mul3A_141 = vector.broadcast %mul3A_140 : f32 to vector<256x1xf32>
    %mul3A_142 = arith.mulf %broadcast_in_dim3A_139, %mul3A_141 : vector<256x1xf32>
    %mul3A_143 = arith.mulf %mul3A_135, %mul3A_135 : vector<256x1xf32>
    %sub3A_144 = arith.subf %mul3A_142, %mul3A_143 : vector<256x1xf32>
    %sub3A_145 = vector.broadcast %mul3A_135 : vector<256x1xf32> to vector<256x256xf32>
    %sub3A_146 = arith.subf %add3A_129, %sub3A_145 : vector<256x256xf32>
    %add3A_147 = arith.constant 9.99999974E-6 : f32
    %add3A_148 = vector.broadcast %add3A_147 : f32 to vector<256x1xf32>
    %add3A_149 = arith.addf %sub3A_144, %add3A_148 : vector<256x1xf32>
    %rsqrt3A = math.rsqrt %add3A_149 : vector<256x1xf32>
    %mul3A_150 = vector.broadcast %rsqrt3A : vector<256x1xf32> to vector<256x256xf32>
    %mul3A_151 = arith.mulf %sub3A_146, %mul3A_150 : vector<256x256xf32>
    %get3A_152 = arith.constant 0 : index
    %get3A_153 = arith.constant 0 : index
    %get3A_154 = vector.load %arg15[%get3A_152, %get3A_153] : memref<1x256xf32, #tpu.memory_space<vmem>>, vector<1x256xf32>
    %mul3A_155 = vector.broadcast %get3A_154 : vector<1x256xf32> to vector<256x256xf32>
    %mul3A_156 = arith.mulf %mul3A_151, %mul3A_155 : vector<256x256xf32>
    %get3A_157 = arith.constant 0 : index
    %get3A_158 = arith.constant 0 : index
    %get3A_159 = vector.load %arg16[%get3A_157, %get3A_158] : memref<1x256xf32, #tpu.memory_space<vmem>>, vector<1x256xf32>
    %add3A_160 = vector.broadcast %get3A_159 : vector<1x256xf32> to vector<256x256xf32>
    %add3A_161 = arith.addf %mul3A_156, %add3A_160 : vector<256x256xf32>
    %convert_element_type3A_162 = arith.truncf %add3A_161 : vector<256x256xf32> to vector<256x256xbf16>
    %get3A_163 = arith.constant 0 : index
    %get3A_164 = arith.constant 0 : index
    %get3A_165 = vector.load %arg2[%get3A_163, %get3A_164] : memref<256x64xi32, #tpu.memory_space<vmem>>, vector<256x64xi32>
    %shift_left3A = arith.constant 16 : i32
    %shift_left3A_166 = vector.broadcast %shift_left3A : i32 to vector<256x64xi32>
    %shift_left3A_167 = arith.shli %get3A_165, %shift_left3A_166 : vector<256x64xi32>
    %bitcast_convert_type3A = tpu.bitcast %shift_left3A_167 : vector<256x64xi32> -> vector<256x64xf32>
    %and3A = arith.constant -65536 : i32
    %and3A_168 = vector.broadcast %and3A : i32 to vector<256x64xi32>
    %and3A_169 = arith.andi %get3A_165, %and3A_168 : vector<256x64xi32>
    %bitcast_convert_type3A_170 = tpu.bitcast %and3A_169 : vector<256x64xi32> -> vector<256x64xf32>
    %concatenate3A_171 = tpu.concatenate %bitcast_convert_type3A, %bitcast_convert_type3A_170 in 1 : vector<256x64xf32>, vector<256x64xf32> -> vector<256x128xf32>
    %convert_element_type3A_172 = arith.truncf %concatenate3A_171 : vector<256x128xf32> to vector<256x128xbf16>
    %concatenate3A_173 = tpu.concatenate %convert_element_type3A_162, %convert_element_type3A_172 in 1 : vector<256x256xbf16>, vector<256x128xbf16> -> vector<256x384xbf16>
    %get3A_174 = arith.constant 0 : index
    %get3A_175 = arith.constant 0 : index
    %get3A_176 = vector.load %arg18[%get3A_174, %get3A_175] : memref<384x128xbf16, #tpu.memory_space<vmem>>, vector<384x128xbf16>
    %dot_general3A_177 = arith.constant dense<0.000000e+00> : vector<256x128xf32>
    %dot_general3A_178 = tpu.matmul %concatenate3A_173, %get3A_176, %dot_general3A_177 {dimension_numbers = #tpu.dot_dimension_numbers<[1], [0], [0], [1], [0, 0, 1, 1], [], []>, transpose_lhs_hint = false} : vector<256x384xbf16>, vector<384x128xbf16>, vector<256x128xf32> -> vector<256x128xf32>
    %get3A_179 = arith.constant 0 : index
    %get3A_180 = arith.constant 0 : index
    %get3A_181 = vector.load %arg19[%get3A_179, %get3A_180] : memref<1x128xf32, #tpu.memory_space<vmem>>, vector<1x128xf32>
    %add3A_182 = vector.broadcast %get3A_181 : vector<1x128xf32> to vector<256x128xf32>
    %add3A_183 = arith.addf %dot_general3A_178, %add3A_182 : vector<256x128xf32>
    %max3A = arith.constant 0.000000e+00 : f32
    %max3A_184 = vector.broadcast %max3A : f32 to vector<256x128xf32>
    %max3A_185 = arith.maximumf %add3A_183, %max3A_184 : vector<256x128xf32>
    %convert_element_type3A_186 = arith.truncf %max3A_185 : vector<256x128xf32> to vector<256x128xbf16>
    %get3A_187 = arith.constant 0 : index
    %get3A_188 = arith.constant 0 : index
    %get3A_189 = vector.load %arg20[%get3A_187, %get3A_188] : memref<128x128xbf16, #tpu.memory_space<vmem>>, vector<128x128xbf16>
    %dot_general3A_190 = arith.constant dense<0.000000e+00> : vector<256x128xf32>
    %dot_general3A_191 = tpu.matmul %convert_element_type3A_186, %get3A_189, %dot_general3A_190 {dimension_numbers = #tpu.dot_dimension_numbers<[1], [0], [0], [1], [0, 0, 1, 1], [], []>, transpose_lhs_hint = false} : vector<256x128xbf16>, vector<128x128xbf16>, vector<256x128xf32> -> vector<256x128xf32>
    %get3A_192 = arith.constant 0 : index
    %get3A_193 = arith.constant 0 : index
    %get3A_194 = vector.load %arg21[%get3A_192, %get3A_193] : memref<1x128xf32, #tpu.memory_space<vmem>>, vector<1x128xf32>
    %add3A_195 = vector.broadcast %get3A_194 : vector<1x128xf32> to vector<256x128xf32>
    %add3A_196 = arith.addf %dot_general3A_191, %add3A_195 : vector<256x128xf32>
    %swap3A = arith.constant 0 : index
    %swap3A_197 = arith.constant 0 : index
    %swap3A_198 = vector.load %arg22[%swap3A, %swap3A_197] : memref<256x128xf32, #tpu.memory_space<vmem>>, vector<256x128xf32>
    tpu.vector_store %arg22[%swap3A, %swap3A_197], %add3A_196 {strides = array<i32>} : memref<256x128xf32, #tpu.memory_space<vmem>>, vector<256x128xf32>,
    return
  }
  func.func @transform_0(%arg0: i32) -> (i32, i32) {
    %c0_i32 = arith.constant 0 : i32
    %c0_i32_0 = arith.constant 0 : i32
    return %arg0, %c0_i32 : i32, i32
  }
  func.func @transform_1(%arg0: i32) -> (i32, i32) {
    %c0_i32 = arith.constant 0 : i32
    %c0_i32_0 = arith.constant 0 : i32
    return %arg0, %c0_i32 : i32, i32
  }
  func.func @transform_2(%arg0: i32) -> (i32, i32, i32) {
    %c0_i32 = arith.constant 0 : i32
    %c0_i32_0 = arith.constant 0 : i32
    %c0_i32_1 = arith.constant 0 : i32
    return %c0_i32, %arg0, %c0_i32_0 : i32, i32, i32
  }
  func.func @transform_3(%arg0: i32) -> (i32, i32, i32) {
    %c0_i32 = arith.constant 0 : i32
    %c0_i32_0 = arith.constant 0 : i32
    %c0_i32_1 = arith.constant 0 : i32
    return %c0_i32, %arg0, %c0_i32_0 : i32, i32, i32
  }
  func.func @transform_4(%arg0: i32) -> (i32, i32) {
    %c0_i32 = arith.constant 0 : i32
    %c0_i32_0 = arith.constant 0 : i32
    return %c0_i32, %arg0 : i32, i32
  }
  func.func @transform_5(%arg0: i32) -> (i32, i32) {
    %c0_i32 = arith.constant 0 : i32
    %c0_i32_0 = arith.constant 0 : i32
    return %c0_i32, %arg0 : i32, i32
  }
  func.func @transform_6(%arg0: i32) -> (i32, i32) {
    %c0_i32 = arith.constant 0 : i32
    %c0_i32_0 = arith.constant 0 : i32
    %c0_i32_1 = arith.constant 0 : i32
    return %c0_i32, %c0_i32_0 : i32, i32
  }
  func.func @transform_7(%arg0: i32) -> (i32, i32) {
    %c0_i32 = arith.constant 0 : i32
    %c0_i32_0 = arith.constant 0 : i32
    %c0_i32_1 = arith.constant 0 : i32
    return %c0_i32, %c0_i32_0 : i32, i32
  }
  func.func @transform_8(%arg0: i32) -> (i32, i32) {
    %c0_i32 = arith.constant 0 : i32
    %c0_i32_0 = arith.constant 0 : i32
    %c0_i32_1 = arith.constant 0 : i32
    return %c0_i32, %c0_i32_0 : i32, i32
  }
  func.func @transform_9(%arg0: i32) -> (i32, i32) {
    %c0_i32 = arith.constant 0 : i32
    %c0_i32_0 = arith.constant 0 : i32
    %c0_i32_1 = arith.constant 0 : i32
    return %c0_i32, %c0_i32_0 : i32, i32
  }
  func.func @transform_10(%arg0: i32) -> (i32, i32) {
    %c0_i32 = arith.constant 0 : i32
    %c0_i32_0 = arith.constant 0 : i32
    %c0_i32_1 = arith.constant 0 : i32
    return %c0_i32, %c0_i32_0 : i32, i32
  }
  func.func @transform_11(%arg0: i32) -> (i32, i32) {
    %c0_i32 = arith.constant 0 : i32
    %c0_i32_0 = arith.constant 0 : i32
    %c0_i32_1 = arith.constant 0 : i32
    return %c0_i32, %c0_i32_0 : i32, i32
  }
  func.func @transform_12(%arg0: i32) -> (i32, i32) {
    %c0_i32 = arith.constant 0 : i32
    %c0_i32_0 = arith.constant 0 : i32
    %c0_i32_1 = arith.constant 0 : i32
    return %c0_i32, %c0_i32_0 : i32, i32
  }
  func.func @transform_13(%arg0: i32) -> (i32, i32) {
    %c0_i32 = arith.constant 0 : i32
    %c0_i32_0 = arith.constant 0 : i32
    %c0_i32_1 = arith.constant 0 : i32
    return %c0_i32, %c0_i32_0 : i32, i32
  }
  func.func @transform_14(%arg0: i32) -> (i32, i32) {
    %c0_i32 = arith.constant 0 : i32
    %c0_i32_0 = arith.constant 0 : i32
    %c0_i32_1 = arith.constant 0 : i32
    return %c0_i32, %c0_i32_0 : i32, i32
  }
  func.func @transform_15(%arg0: i32) -> (i32, i32) {
    %c0_i32 = arith.constant 0 : i32
    %c0_i32_0 = arith.constant 0 : i32
    %c0_i32_1 = arith.constant 0 : i32
    return %c0_i32, %c0_i32_0 : i32, i32
  }
  func.func @transform_16(%arg0: i32) -> (i32, i32) {
    %c0_i32 = arith.constant 0 : i32
    %c0_i32_0 = arith.constant 0 : i32
    %c0_i32_1 = arith.constant 0 : i32
    return %c0_i32, %c0_i32_0 : i32, i32
  }
  func.func @transform_17(%arg0: i32) -> (i32, i32) {
    %c0_i32 = arith.constant 0 : i32
    %c0_i32_0 = arith.constant 0 : i32
    %c0_i32_1 = arith.constant 0 : i32
    return %c0_i32, %c0_i32_0 : i32, i32
  }
  func.func @transform_18(%arg0: i32) -> (i32, i32) {
    %c0_i32 = arith.constant 0 : i32
    %c0_i32_0 = arith.constant 0 : i32
    %c0_i32_1 = arith.constant 0 : i32
    return %c0_i32, %c0_i32_0 : i32, i32
  }
  func.func @transform_19(%arg0: i32) -> (i32, i32) {
    %c0_i32 = arith.constant 0 : i32
    %c0_i32_0 = arith.constant 0 : i32
    %c0_i32_1 = arith.constant 0 : i32
    return %c0_i32, %c0_i32_0 : i32, i32
  }
  func.func @transform_20(%arg0: i32) -> (i32, i32) {
    %c0_i32 = arith.constant 0 : i32
    %c0_i32_0 = arith.constant 0 : i32
    %c0_i32_1 = arith.constant 0 : i32
    return %c0_i32, %c0_i32_0 : i32, i32
  }
  func.func @transform_21(%arg0: i32) -> (i32, i32) {
    %c0_i32 = arith.constant 0 : i32
    %c0_i32_0 = arith.constant 0 : i32
    return %arg0, %c0_i32 : i32, i32
  }
}

</mosaic_0001>

<sc_bundles>
// kernel: kernel.10.cloned.1.call-start
scs
__scs_entry_jumppad:
0x0: {  	(pc) =	sbr.rel $0x88, $3  }
0x1: {  	(tag) =	ssettag $0x0;
	lr =	simm.s32 $0x1  }
0x2: {  	[smem:$0x3F8C] =	sst lr;
	_ =	strace $0xD0000000  }
0x3: {  	_ = 	snop  }
0x4: {  	_ = 	snop  }
0x5: {  	_ = 	snop  }
0x6: {  	_ = 	snop  }
0x7: {  	_ = 	snop  }
__scs_overlays_trampoline_lowered:
0x8: {  	[smem:$0x3F9B] =	sst s0  }
0x9: {  	[smem:$0x3F9C] =	sst s1  }
0xa: {  	[smem:$0x3F9D] =	sst s2  }
0xb: {  	[smem:$0x3F9E] =	sst s3  }
0xc: {  	[smem:$0x3F9F] =	sst s4  }
0xd: {  	[smem:$0x3FA0] =	sst s5  }
0xe: {  	[smem:$0x3FA1] =	sst s6  }
0xf: {  	[smem:$0x3FA2] =	sst s7  }
0x10: {  	[smem:$0x3FA3] =	sst s8  }
0x11: {  	[smem:$0x3FA4] =	sst s9;
	s0 =	simm.s32 @!p0 $0x0  }
0x12: {  	s1 =	sld [smem:$0x3F8A];
	s0 =	simm.s32 @p0 $0x1  }
0x13: {  	[smem:$0x3FA5] =	sst s0;
	s0 =	simm.s32 @!p1 $0x0  }
0x14: {  	s2 =	sld [smem:$0x3F89];
	s0 =	simm.s32 @p1 $0x1  }
0x15: {  	[smem:$0x3FA6] =	sst s0;
	s0 =	simm.s32 @!p2 $0x0  }
0x16: {  	s3 =	sld [smem:$0x3FDB];
	s0 =	simm.s32 @p2 $0x1  }
0x17: {  	s4 =	simm.s32 $0x1BF5;
	[smem:$0x3FA8] =	sst s0  }
0x18: {  	s0 =	sld [smem:$0x3F8B];
	_ =	swait.ge [sflag:s4], $0x0  }
0x19: {  	s7 =	sld [smem:$0x3F8C]  }
0x1a: {  	s8 =	sadd.s32 $0xFFFFE003, lr  }
0x1b: {  	s9 =	sadd.s32 $0xFFFFFEF7, lr;
	s5 =	simm.s32 $0xFFFFFFFF;
	p2 =	slt.u32 s8, $0xFFFFF086  }
0x1c: {  	p1 =	slt.u32 s9, $0xF7A;
	s5 =	simm.s32 @!p2 $0x0  }
0x1d: {  	s5 =	simm.s32 @p1 $0x1;
	p0 =	seq.s32 s7, s2  }
0x1e: {  	s7 =	smul.u32 @!p0 $0xF7A, s2;
	p2 =	seq.s32 @!p0 s5, $0x0  }
0x1f: {  	s9 =	smul.u32 $0xF7A, s1;
	s8 =	simm.s32 @!p0 $0x1BF5;
	p2 =	por !p2, p0  }
0x20: {  	[sflag:s8] =	ssyncset.s32 @!p0 $0xFFFFF086;
	s6 =	sadd.s32 @!p0 s3, s7;
	s7 =	simm.s32 @!p0 $0x108  }
0x21: {  	s3 =	sadd.s32 s3, s9;
	s6 =	sadd.s32 @!p0 $0x88, s6;
	s7 =	simm.s32 @p2 $0x1082  }
0x22: {  	[simem:s7], [sflag:s8] =	dma.local @!p0 [hbm:s6], $0xF7A  }
0x23: {  	s9 =	sor.u32 $0xD0000000, s2;
	s6 =	simm.s32 $0x108;
	_ =	swait.ge @!p0 [sflag:s8], $0x0  }
0x24: {  	s3 =	sadd.s32 $0x88, s3;
	s6 =	simm.s32 @!p1 $0x1082;
	[sflag:s4] =	ssyncset.s32 $0xFFFFF086  }
0x25: {  	[simem:s6], [sflag:s4] =	dma.local [hbm:s3], $0xF7A  }
0x26: {  	[smem:$0x3F8C] =	sst s1;
	(tag) =	ssettag s2;
	_ =	strace s9  }
0x27: {  	s1 =	sld [smem:$0x3F9C]  }
0x28: {  	s2 =	sld [smem:$0x3F9D]  }
0x29: {  	s4 =	sld [smem:$0x3F9F]  }
0x2a: {  	p0 =	seq.s32 s5, $0x0;
	s5 =	sld [smem:$0x3FA0]  }
0x2b: {  	s6 =	sld [smem:$0x3FA1]  }
0x2c: {  	s7 =	sld [smem:$0x3FA2]  }
0x2d: {  	s3 =	simm.s32 $0x108;
	s8 =	sld [smem:$0x3FA3]  }
0x2e: {  	s3 =	simm.s32 @!p0 $0x1082;
	s9 =	sld [smem:$0x3FA4]  }
0x2f: {  	lr =	sadd.s32 s0, s3;
	s0 =	sld [smem:$0x3F9B]  }
0x30: {  	s3 =	sld [smem:$0x3F9E]  }
0x31: {  	[smem:$0x3FA7] =	sst s10  }
0x32: {  	s10 =	sld [smem:$0x3FA5];
	_ =	sdelay $0x3  }
0x33: {  	p0 =	seq.s32 s10, $0x1;
	s10 =	sld [smem:$0x3FA7];
	_ =	sdelay $0x3  }
0x34: {  	[smem:$0x3FA7] =	sst s10  }
0x35: {  	s10 =	sld [smem:$0x3FA6];
	_ =	sdelay $0x3  }
0x36: {  	p1 =	seq.s32 s10, $0x1;
	s10 =	sld [smem:$0x3FA7];
	_ =	sdelay $0x3  }
0x37: {  	[smem:$0x3FA7] =	sst s10  }
0x38: {  	s10 =	sld [smem:$0x3FA8]  }
0x39: {  	_ = 	snop;
	(pc) =	sbr.ind lr, $3  }
0x3a: {  	_ = 	snop  }
0x3b: {  	_ = 	snop  }
0x3c: {  	p2 =	seq.s32 s10, $0x1;
	s10 =	sld [smem:$0x3FA7]  }
0x3d: {  	_ =	shalt  }
0x3e: {  	_ =	shalt  }
0x3f: {  	_ =	shalt  }
0x40: {  	_ =	shalt  }
0x41: {  	_ =	shalt  }
0x42: {  	_ =	shalt  }
0x43: {  	_ =	shalt  }
0x44: {  	_ =	shalt  }
0x45: {  	_ =	shalt  }
0x46: {  	_ =	shalt  }
0x47: {  	_ =	shalt  }
0x48: {  	_ =	shalt  }
0x49: {  	_ =	shalt  }
0x4a: {  	_ =	shalt  }
0x4b: {  	_ =	shalt  }
0x4c: {  	_ =	shalt  }
0x4d: {  	_ =	shalt  }
0x4e: {  	_ =	shalt  }
0x4f: {  	_ =	shalt  }
0x50: {  	_ =	shalt  }
0x51: {  	_ =	shalt  }
0x52: {  	_ =	shalt  }
0x53: {  	_ =	shalt  }
0x54: {  	_ =	shalt  }
0x55: {  	_ =	shalt  }
0x56: {  	_ =	shalt  }
0x57: {  	_ =	shalt  }
0x58: {  	_ =	shalt  }
0x59: {  	_ =	shalt  }
0x5a: {  	_ =	shalt  }
0x5b: {  	_ =	shalt  }
0x5c: {  	_ =	shalt  }
0x5d: {  	_ =	shalt  }
0x5e: {  	_ =	shalt  }
0x5f: {  	_ =	shalt  }
0x60: {  	_ =	shalt  }
0x61: {  	_ =	shalt  }
0x62: {  	_ =	shalt  }
0x63: {  	_ =	shalt  }
0x64: {  	_ =	shalt  }
0x65: {  	_ =	shalt  }
0x66: {  	_ =	shalt  }
0x67: {  	_ =	shalt  }
0x68: {  	_ =	shalt  }
0x69: {  	_ =	shalt  }
0x6a: {  	_ =	shalt  }
0x6b: {  	_ =	shalt  }
0x6c: {  	_ =	shalt  }
0x6d: {  	_ =	shalt  }
0x6e: {  	_ =	shalt  }
0x6f: {  	_ =	shalt  }
0x70: {  	_ =	shalt  }
0x71: {  	_ =	shalt  }
0x72: {  	_ =	shalt  }
0x73: {  	_ =	shalt  }
0x74: {  	_ =	shalt  }
0x75: {  	_ =	shalt  }
0x76: {  	_ =	shalt  }
0x77: {  	_ =	shalt  }
0x78: {  	_ =	shalt  }
0x79: {  	_ =	shalt  }
0x7a: {  	_ =	shalt  }
0x7b: {  	_ =	shalt  }
0x7c: {  	_ =	shalt  }
0x7d: {  	_ =	shalt  }
0x7e: {  	_ =	shalt  }
0x7f: {  	_ =	shalt  }
0x80: {  	_ =	shalt  }
0x81: {  	_ =	shalt  }
0x82: {  	_ =	shalt  }
0x83: {  	_ =	shalt  }
0x84: {  	_ =	shalt  }
0x85: {  	_ =	shalt  }
0x86: {  	_ =	shalt  }
0x87: {  	_ =	shalt  }
.Lfunc_end0:
.L_simem_size_0:
called_computation_lowered:
.L_overlay_start_0:
0x88: {  	s2 =	sld [smem:$0x3FD9]  }
0x89: {  	s3 =	sld [smem:$0x3FFE];
	_ =	sdelay $0x1  }
0x8a: {  	s1 =	srdreg.scid  }
0x8b: {  	s0 =	sand.u32 $0x1, s1  }
0x8c: {  	s14 =	sshll.u32 s0, $0xA;
	s2 =	sadd.s32 s3, s2  }
0x8d: {  	s2 =	sadd.s32 s2, s14  }
0x8e: {  	[smem:$0x3FB3] =	sst s2  }
0x8f: {  	_ = 	snop  }
0x90: {  	s2 =	sld [smem:$0x3FD0];
	_ =	sdelay $0x2  }
0x91: {  	s15 =	simm.s32 $0xD;
	s4 =	simm.s32 $0x10  }
0x92: {  	[smem:s4], [sflag:s15] =	dma.local [hbm:s2], $0x1  }
0x93: {  	_ =	swait.eq [sflag:s15], $0x1  }
0x94: {  	[sflag:s15] =	ssyncset.done $0x0  }
0x95: {  	s16 =	sld [smem:$0x10];
	[sflag:s15] =	ssyncadd.s32 $0xFFFFFFFF  }
0x96: {  	s17 =	sld [smem:$0x11];
	(tm) =	ssettm $0x1  }
0x97: {  	s18 =	sld [smem:$0x3FFB];
	_ =	sdelay $0x3  }
0x98: {  	_ =	strace s18  }
0x99: {  	s4 =	sld [smem:$0x3FFC];
	_ =	sdelay $0x3  }
0x9a: {  	_ =	strace s4  }
0x9b: {  	s4 =	sld [smem:$0x3FFD];
	_ =	sdelay $0x3  }
0x9c: {  	_ =	strace s4  }
0x9d: {  	_ =	strace $0x8FFFFFFF  }
0x9e: {  	s19 =	sld [smem:$0x3FDB];
	_ =	sdelay $0x1  }
0x9f: {  	s5 =	simm.s32 $_scs_section_size  }
0xa0: {  	s6 =	simm.s32 $_size__tile_overlayer_lowered;
	s7 =	simm.s32 $_tile_overlayer_lowered  }
0xa1: {  	s22 =	simm.s32 $0x1BFF;
	s21 =	sshll.u32 s7, $0x1;
	s4 =	sadd.s32 s5, s19  }
0xa2: {  	s8 =	simm.s32 $0x0;
	s20 =	sshll.u32 s6, $0x1;
	s6 =	sadd.s32 s21, s4  }
0xa3: {  	[timem:s8], [sflag:s22] =	dma.local [hbm:s6], s20  }
0xa4: {  	_ =	swait.ge [sflag:s22], s20  }
0xa5: {  	s5 =	ssub.s32 $0x0, s20;
	[sflag:s22] =	ssyncset.done $0x0  }
0xa6: {  	[sflag:s22] =	ssyncadd.s32 s5;
	_ =	sdelay $0x1  }
0xa7: {  	s23 =	simm.s32 $0x1B8B  }
0xa8: {  	_ =	swait.ge [sflag:s23], $0x1  }
0xa9: {  	[sflag:s23] =	ssyncset.done $0x0  }
0xaa: {  	s25 =	simm.s32 $0x1B8E;
	s24 =	sld [smem:$0x3FFE];
	[sflag:s23] =	ssyncadd.s32 $0xFFFFFFFF  }
0xab: {  	s26 =	simm.s32 $execute0_lowered;
	[smem:$0x3FD2] =	sst s25  }
0xac: {  	s6 =	sshll.u32 s26, $0x1;
	_ =	strace $0x80000046;
	[dreg:$0x1] =	wrdreg $0xFFFFFFFF  }
0xad: {  	s28 =	simm.s32 $_size_execute0_lowered;
	s4 =	sadd.s32 s4, s6;
	[dreg:$0x0] =	wrdreg $0x0  }
0xae: {  	s6 =	sshll.u32 s28, $0x1;
	[dreg:$0x2] =	wrdreg s4  }
0xaf: {  	[dreg:$0x3] =	wrdreg s6  }
0xb0: {  	[dreg:$0x4] =	wrdreg $0xC0  }
0xb1: {  	_ =	task [dreg:s8], $0x5FFFF  }
0xb2: {  	[dreg:$0x1] =	wrdreg $0xFFFFFFFF  }
0xb3: {  	[dreg:$0x0] =	wrdreg $0x60  }
0xb4: {  	[dreg:$0x2] =	wrdreg s24  }
0xb5: {  	[dreg:$0x3] =	wrdreg s17  }
0xb6: {  	[dreg:$0x4] =	wrdreg s16  }
0xb7: {  	[dreg:$0x5] =	wrdreg $0x9  }
0xb8: {  	_ =	task.clear_ibuf [dreg:s8], $0x6FFFF;
	_ =	strace $0x90000046  }
0xb9: {  	s29 =	simm.s32 $0x9;
	_ =	strace $0x80000048  }
0xba: {  	_ =	swait.ge [sflag:s29], $0x1  }
0xbb: {  	[sflag:s29] =	ssyncadd.s32 $0xFFFFFFFF  }
0xbc: {  	_ =	strace $0x90000048  }
0xbd: {  	_ =	sfence  }
0xbe: {  	s30 =	sld [smem:$0x0];
	_ =	sdelay $0x2  }
0xbf: {  	s31 =	sshll.u32 s1, $0xD;
	s1 =	sshrl.u32 s1, $0x2  }
0xc0: {  	s3 =	sand.u32 $0x4000, s31;
	s1 =	sadd.s32 s1, s30  }
0xc1: {  	s0 =	sor.u32 s3, s0;
	s1 =	sshll.u32 s1, $0x11  }
0xc2: {  	s0 =	sor.u32 s1, s0  }
0xc3: {  	s0 =	sadd.s32 $0x8F2B, s0  }
0xc4: {  	[sflag:s0] =	ssyncadd.remote.s32 $0x1  }
0xc5: {  	_ =	sfence.sel $0xFFFF  }
0xc6: {  	[dreg:$0x0] =	wrdreg $0xFFFFFFFF;
	(pc) =	sbr.abs _section_cstart, $3  }
0xc7: {  	[dreg:$0x1] =	wrdreg $0xFFFFFFFF  }
0xc8: {  	_ =	task.clear_ibuf [dreg:s8], $0x2FFFF;
	_ =	strace $0x9FFFFFFF  }
0xc9: {  	(tm) =	ssettm $0x7FFFFFFF  }
tec
execute0_lowered:
.L_overlay_start_1:
0x0: {  	(tag) =	ssettag $0x1  }
0x1: {  	s5 =	rddreg [dreg:$0x0]  }
0x2: {  	s1 =	srdreg.scid;
	s3 =	rddreg [dreg:$0x1]  }
0x3: {  	s0 =	stileid.u32;
	s8 =	rddreg [dreg:$0x2];
	s6 =	sand.u32 $0x1, s1  }
0x4: {  	s2 =	simm.s32 $0x0;
	s4 =	sshll.u32 s0, $0x8;
	s7 =	sshll.u32 s6, $0x7  }
0x5: {  	[smem:$0x7FF] =	sst s2;
	s9 =	sor.u32 s7, s4  }
0x6: {  	s1 =	rddreg [dreg:$0x3];
	_ =	strace $0x80000047;
	s4 =	sshrl.u32 s9, $0x3  }
0x7: {  	s10 =	ssub.s32 $0x2, s6;
	s4 =	sadd.s32 s3, s4;
	s3 =	simm.s32 $0x2  }
0x8: {  	[tilespmem:s2], [sflag:$0x2] =	stream.linear.gather [hbm4b:s4+s2], $0x80, $0x38;
	[tilespmem:$0x2080] =	vst v63  }
0x9: {  	s5 =	sadd.s32 $0xCE00, s5;
	s11 =	sshrl.u32 s10, $0x1;
	_ =	swait.ge [sflag:s3], $0x80  }
0xa: {  	s6 =	simm.s32 $0x80;
	s10 =	ssub.s32 s10, s11;
	[sflag:s3] =	ssyncset.done $0x0  }
0xb: {  	s7 =	simm.s32 $0x1;
	s31 =	smax.u32 s10, $0x1;
	[sflag:s3] =	ssyncadd.s32 $0xFFFFFF80  }
0xc: {  	[tilespmem:s6], [sflag:$0x1] =	stream.indirect.gather [hbm4b:s5+s6], $0x40, s2, s6, $0xb8;
	[tilespmem:$0x2080] =	vst v63  }
0xd: {  	p0 =	sne.s32 s31, $0x1;
	_ =	swait.ge [sflag:s7], $0x2000  }
.Ltmp0:
0xe: {  	s9 =	sshll.u32 s9, $0x3;
	[sflag:s7] =	ssyncset.done $0x0;
	(pc) =	sbr.rel @!p0 .LBB2_2-.Ltmp0, $4  }
0xf: {  	s8 =	sadd.s32 s8, s9;
	[sflag:s7] =	ssyncadd.s32 $0xFFFFE000  }
0x10: {  	[hbm4b:s8+s2] =	stream.linear.scatter [tilespmem:s6], [sflag:$0x2], $0x2000, $0x38;
	[tilespmem:$0x2080] =	vst v63  }
0x11: {  	_ =	swait.ge [sflag:s3], $0x2000  }
0x12: {  	s9 =	sadd.s32 $0xFFFFFFFF, s31;
	[sflag:s3] =	ssyncset.done $0x0  }
.LBB2_1:
0x13: {  	p0 =	sne.s32 s9, $0x1;
	s9 =	sadd.s32 $0xFFFFFFFF, s9;
	[sflag:s3] =	ssyncadd.s32 $0xFFFFE000  }
0x14: {  	[tilespmem:s2], [sflag:$0x2] =	stream.linear.gather [hbm4b:s4+s2], $0x80, $0x38;
	[tilespmem:$0x2080] =	vst v63  }
0x15: {  	_ =	swait.ge [sflag:s3], $0x80  }
0x16: {  	[sflag:s3] =	ssyncset.done $0x0  }
0x17: {  	[sflag:s3] =	ssyncadd.s32 $0xFFFFFF80  }
0x18: {  	[tilespmem:s6], [sflag:$0x1] =	stream.indirect.gather [hbm4b:s5+s6], $0x40, s2, s6, $0xb8;
	[tilespmem:$0x2080] =	vst v63  }
0x19: {  	_ =	swait.ge [sflag:s7], $0x2000  }
.Ltmp1:
0x1a: {  	[sflag:s7] =	ssyncset.done $0x0;
	(pc) =	sbr.rel @p0 .LBB2_1-.Ltmp1, $4  }
0x1b: {  	[sflag:s7] =	ssyncadd.s32 $0xFFFFE000  }
0x1c: {  	[hbm4b:s8+s2] =	stream.linear.scatter [tilespmem:s6], [sflag:$0x2], $0x2000, $0x38;
	[tilespmem:$0x2080] =	vst v63  }
0x1d: {  	_ =	swait.ge [sflag:s3], $0x2000  }
0x1e: {  	[sflag:s3] =	ssyncset.done $0x0  }
.LBB2_2:
0x1f: {  	[sflag:s3] =	ssyncadd.s32 $0xFFFFE000  }
0x20: {  	_ =	sfence.sel $0x180000  }
0x21: {  	[bflag:$0x0] =	sbarrier.arrive $0xFFFF  }
0x22: {  	p0 =	sne.s32 s0, $0x0;
	_ =	strace $0x90000047  }
0x23: {  	s0 =	sadd.s32 @!p0 $0x100000, s1;
	[bflag:$0x2] =	sbarrier.arrive $0xFFFF  }
0x24: {  	[sflag:s0] =	ssyncadd.tile.s32 @!p0 $0x1;
	_ =	shalt  }
.Lfunc_end2:
_tile_overlayer_lowered:
.L_overlay_start_2:
0x25: {  	(tag) =	ssettag $0x2  }
0x26: {  	s0 =	rddreg [dreg:$0x0];
	s2 =	stileid.u32  }
0x27: {  	s1 =	rddreg [dreg:$0x1];
	p0 =	sne.s32 s2, $0x0  }
0x28: {  	s3 =	rddreg [dreg:$0x2];
	[bflag:$0x3] =	sbarrier.arrive $0xFFFF;
	s2 =	simm.s32 @!p0 $0x1C02  }
0x29: {  	[timem:s3], [sflag:s2] =	dma.local @!p0 [hbm:s0], s1  }
0x2a: {  	s0 =	simm.s32 @!p0 $0x2  }
0x2b: {  	_ =	swait.ge @!p0 [sflag:s0], s1  }
0x2c: {  	s1 =	ssub.s32 @!p0 $0x0, s1;
	[sflag:s0] =	ssyncset.done @!p0 $0x0  }
0x2d: {  	[sflag:s0] =	ssyncadd.s32 @!p0 s1  }
0x2e: {  	[bflag:$0x3] =	sbarrier.arrive $0xFFFF  }
0x2f: {  	_ =	shalt  }

// kernel: kernel.13.cloned.1.call-start
scs
__scs_entry_jumppad:
0x0: {  	(pc) =	sbr.rel $0x88, $3  }
0x1: {  	(tag) =	ssettag $0x0;
	lr =	simm.s32 $0x1  }
0x2: {  	[smem:$0x3F8C] =	sst lr;
	_ =	strace $0xD0000000  }
0x3: {  	_ = 	snop  }
0x4: {  	_ = 	snop  }
0x5: {  	_ = 	snop  }
0x6: {  	_ = 	snop  }
0x7: {  	_ = 	snop  }
__scs_overlays_trampoline_lowered:
0x8: {  	[smem:$0x3F9B] =	sst s0  }
0x9: {  	[smem:$0x3F9C] =	sst s1  }
0xa: {  	[smem:$0x3F9D] =	sst s2  }
0xb: {  	[smem:$0x3F9E] =	sst s3  }
0xc: {  	[smem:$0x3F9F] =	sst s4  }
0xd: {  	[smem:$0x3FA0] =	sst s5  }
0xe: {  	[smem:$0x3FA1] =	sst s6  }
0xf: {  	[smem:$0x3FA2] =	sst s7  }
0x10: {  	[smem:$0x3FA3] =	sst s8  }
0x11: {  	[smem:$0x3FA4] =	sst s9;
	s0 =	simm.s32 @!p0 $0x0  }
0x12: {  	s1 =	sld [smem:$0x3F8A];
	s0 =	simm.s32 @p0 $0x1  }
0x13: {  	[smem:$0x3FA5] =	sst s0;
	s0 =	simm.s32 @!p1 $0x0  }
0x14: {  	s2 =	sld [smem:$0x3F89];
	s0 =	simm.s32 @p1 $0x1  }
0x15: {  	[smem:$0x3FA6] =	sst s0;
	s0 =	simm.s32 @!p2 $0x0  }
0x16: {  	s3 =	sld [smem:$0x3FDB];
	s0 =	simm.s32 @p2 $0x1  }
0x17: {  	s4 =	simm.s32 $0x1BF5;
	[smem:$0x3FA8] =	sst s0  }
0x18: {  	s0 =	sld [smem:$0x3F8B];
	_ =	swait.ge [sflag:s4], $0x0  }
0x19: {  	s7 =	sld [smem:$0x3F8C]  }
0x1a: {  	s8 =	sadd.s32 $0xFFFFE003, lr  }
0x1b: {  	s9 =	sadd.s32 $0xFFFFFEF7, lr;
	s5 =	simm.s32 $0xFFFFFFFF;
	p2 =	slt.u32 s8, $0xFFFFF086  }
0x1c: {  	p1 =	slt.u32 s9, $0xF7A;
	s5 =	simm.s32 @!p2 $0x0  }
0x1d: {  	s5 =	simm.s32 @p1 $0x1;
	p0 =	seq.s32 s7, s2  }
0x1e: {  	s7 =	smul.u32 @!p0 $0xF7A, s2;
	p2 =	seq.s32 @!p0 s5, $0x0  }
0x1f: {  	s9 =	smul.u32 $0xF7A, s1;
	s8 =	simm.s32 @!p0 $0x1BF5;
	p2 =	por !p2, p0  }
0x20: {  	[sflag:s8] =	ssyncset.s32 @!p0 $0xFFFFF086;
	s6 =	sadd.s32 @!p0 s3, s7;
	s7 =	simm.s32 @!p0 $0x108  }
0x21: {  	s3 =	sadd.s32 s3, s9;
	s6 =	sadd.s32 @!p0 $0x88, s6;
	s7 =	simm.s32 @p2 $0x1082  }
0x22: {  	[simem:s7], [sflag:s8] =	dma.local @!p0 [hbm:s6], $0xF7A  }
0x23: {  	s9 =	sor.u32 $0xD0000000, s2;
	s6 =	simm.s32 $0x108;
	_ =	swait.ge @!p0 [sflag:s8], $0x0  }
0x24: {  	s3 =	sadd.s32 $0x88, s3;
	s6 =	simm.s32 @!p1 $0x1082;
	[sflag:s4] =	ssyncset.s32 $0xFFFFF086  }
0x25: {  	[simem:s6], [sflag:s4] =	dma.local [hbm:s3], $0xF7A  }
0x26: {  	[smem:$0x3F8C] =	sst s1;
	(tag) =	ssettag s2;
	_ =	strace s9  }
0x27: {  	s1 =	sld [smem:$0x3F9C]  }
0x28: {  	s2 =	sld [smem:$0x3F9D]  }
0x29: {  	s4 =	sld [smem:$0x3F9F]  }
0x2a: {  	p0 =	seq.s32 s5, $0x0;
	s5 =	sld [smem:$0x3FA0]  }
0x2b: {  	s6 =	sld [smem:$0x3FA1]  }
0x2c: {  	s7 =	sld [smem:$0x3FA2]  }
0x2d: {  	s3 =	simm.s32 $0x108;
	s8 =	sld [smem:$0x3FA3]  }
0x2e: {  	s3 =	simm.s32 @!p0 $0x1082;
	s9 =	sld [smem:$0x3FA4]  }
0x2f: {  	lr =	sadd.s32 s0, s3;
	s0 =	sld [smem:$0x3F9B]  }
0x30: {  	s3 =	sld [smem:$0x3F9E]  }
0x31: {  	[smem:$0x3FA7] =	sst s10  }
0x32: {  	s10 =	sld [smem:$0x3FA5];
	_ =	sdelay $0x3  }
0x33: {  	p0 =	seq.s32 s10, $0x1;
	s10 =	sld [smem:$0x3FA7];
	_ =	sdelay $0x3  }
0x34: {  	[smem:$0x3FA7] =	sst s10  }
0x35: {  	s10 =	sld [smem:$0x3FA6];
	_ =	sdelay $0x3  }
0x36: {  	p1 =	seq.s32 s10, $0x1;
	s10 =	sld [smem:$0x3FA7];
	_ =	sdelay $0x3  }
0x37: {  	[smem:$0x3FA7] =	sst s10  }
0x38: {  	s10 =	sld [smem:$0x3FA8]  }
0x39: {  	_ = 	snop;
	(pc) =	sbr.ind lr, $3  }
0x3a: {  	_ = 	snop  }
0x3b: {  	_ = 	snop  }
0x3c: {  	p2 =	seq.s32 s10, $0x1;
	s10 =	sld [smem:$0x3FA7]  }
0x3d: {  	_ =	shalt  }
0x3e: {  	_ =	shalt  }
0x3f: {  	_ =	shalt  }
0x40: {  	_ =	shalt  }
0x41: {  	_ =	shalt  }
0x42: {  	_ =	shalt  }
0x43: {  	_ =	shalt  }
0x44: {  	_ =	shalt  }
0x45: {  	_ =	shalt  }
0x46: {  	_ =	shalt  }
0x47: {  	_ =	shalt  }
0x48: {  	_ =	shalt  }
0x49: {  	_ =	shalt  }
0x4a: {  	_ =	shalt  }
0x4b: {  	_ =	shalt  }
0x4c: {  	_ =	shalt  }
0x4d: {  	_ =	shalt  }
0x4e: {  	_ =	shalt  }
0x4f: {  	_ =	shalt  }
0x50: {  	_ =	shalt  }
0x51: {  	_ =	shalt  }
0x52: {  	_ =	shalt  }
0x53: {  	_ =	shalt  }
0x54: {  	_ =	shalt  }
0x55: {  	_ =	shalt  }
0x56: {  	_ =	shalt  }
0x57: {  	_ =	shalt  }
0x58: {  	_ =	shalt  }
0x59: {  	_ =	shalt  }
0x5a: {  	_ =	shalt  }
0x5b: {  	_ =	shalt  }
0x5c: {  	_ =	shalt  }
0x5d: {  	_ =	shalt  }
0x5e: {  	_ =	shalt  }
0x5f: {  	_ =	shalt  }
0x60: {  	_ =	shalt  }
0x61: {  	_ =	shalt  }
0x62: {  	_ =	shalt  }
0x63: {  	_ =	shalt  }
0x64: {  	_ =	shalt  }
0x65: {  	_ =	shalt  }
0x66: {  	_ =	shalt  }
0x67: {  	_ =	shalt  }
0x68: {  	_ =	shalt  }
0x69: {  	_ =	shalt  }
0x6a: {  	_ =	shalt  }
0x6b: {  	_ =	shalt  }
0x6c: {  	_ =	shalt  }
0x6d: {  	_ =	shalt  }
0x6e: {  	_ =	shalt  }
0x6f: {  	_ =	shalt  }
0x70: {  	_ =	shalt  }
0x71: {  	_ =	shalt  }
0x72: {  	_ =	shalt  }
0x73: {  	_ =	shalt  }
0x74: {  	_ =	shalt  }
0x75: {  	_ =	shalt  }
0x76: {  	_ =	shalt  }
0x77: {  	_ =	shalt  }
0x78: {  	_ =	shalt  }
0x79: {  	_ =	shalt  }
0x7a: {  	_ =	shalt  }
0x7b: {  	_ =	shalt  }
0x7c: {  	_ =	shalt  }
0x7d: {  	_ =	shalt  }
0x7e: {  	_ =	shalt  }
0x7f: {  	_ =	shalt  }
0x80: {  	_ =	shalt  }
0x81: {  	_ =	shalt  }
0x82: {  	_ =	shalt  }
0x83: {  	_ =	shalt  }
0x84: {  	_ =	shalt  }
0x85: {  	_ =	shalt  }
0x86: {  	_ =	shalt  }
0x87: {  	_ =	shalt  }
.Lfunc_end0:
.L_simem_size_0:
called_computation.1_lowered:
.L_overlay_start_0:
0x88: {  	s2 =	sld [smem:$0x3FD9]  }
0x89: {  	s3 =	sld [smem:$0x3FFE];
	_ =	sdelay $0x1  }
0x8a: {  	s1 =	srdreg.scid  }
0x8b: {  	s0 =	sand.u32 $0x1, s1  }
0x8c: {  	s16 =	sshll.u32 s0, $0xA;
	s2 =	sadd.s32 s3, s2  }
0x8d: {  	s2 =	sadd.s32 s2, s16  }
0x8e: {  	[smem:$0x3FB3] =	sst s2  }
0x8f: {  	_ = 	snop  }
0x90: {  	(tm) =	ssettm $0x1  }
0x91: {  	s17 =	sld [smem:$0x3FFB];
	_ =	sdelay $0x3  }
0x92: {  	_ =	strace s17  }
0x93: {  	s2 =	sld [smem:$0x3FFC];
	_ =	sdelay $0x3  }
0x94: {  	_ =	strace s2  }
0x95: {  	s2 =	sld [smem:$0x3FFD];
	_ =	sdelay $0x3  }
0x96: {  	_ =	strace s2  }
0x97: {  	_ =	strace $0x8FFFFFFF  }
0x98: {  	s18 =	sld [smem:$0x3FDB];
	_ =	sdelay $0x1  }
0x99: {  	s19 =	simm.s32 $_scs_section_size  }
0x9a: {  	s4 =	simm.s32 $_size__tile_overlayer_lowered;
	s5 =	simm.s32 $_tile_overlayer_lowered  }
0x9b: {  	s22 =	simm.s32 $0x1BFF;
	s21 =	sshll.u32 s5, $0x1;
	s2 =	sadd.s32 s19, s18  }
0x9c: {  	s6 =	simm.s32 $0x0;
	s20 =	sshll.u32 s4, $0x1;
	s4 =	sadd.s32 s21, s2  }
0x9d: {  	[timem:s6], [sflag:s22] =	dma.local [hbm:s4], s20  }
0x9e: {  	_ =	swait.ge [sflag:s22], s20  }
0x9f: {  	s3 =	ssub.s32 $0x0, s20;
	[sflag:s22] =	ssyncset.done $0x0  }
0xa0: {  	[sflag:s22] =	ssyncadd.s32 s3;
	_ =	sdelay $0x1  }
0xa1: {  	s23 =	simm.s32 $0x1B8B  }
0xa2: {  	_ =	swait.ge [sflag:s23], $0x1  }
0xa3: {  	[sflag:s23] =	ssyncset.done $0x0  }
0xa4: {  	s25 =	simm.s32 $0x1B8E;
	s24 =	sld [smem:$0x3FFE];
	[sflag:s23] =	ssyncadd.s32 $0xFFFFFFFF  }
0xa5: {  	s26 =	simm.s32 $execute0_lowered;
	[smem:$0x3FD2] =	sst s25  }
0xa6: {  	s4 =	sshll.u32 s26, $0x1;
	_ =	strace $0x80000049;
	[dreg:$0x1] =	wrdreg $0xFFFFFFFF  }
0xa7: {  	s28 =	simm.s32 $_size_execute0_lowered;
	s2 =	sadd.s32 s2, s4;
	[dreg:$0x0] =	wrdreg $0x0  }
0xa8: {  	s4 =	sshll.u32 s28, $0x1;
	[dreg:$0x2] =	wrdreg s2  }
0xa9: {  	[dreg:$0x3] =	wrdreg s4  }
0xaa: {  	[dreg:$0x4] =	wrdreg $0xC0  }
0xab: {  	_ =	task [dreg:s6], $0x5FFFF  }
0xac: {  	[dreg:$0x1] =	wrdreg $0xFFFFFFFF  }
0xad: {  	[dreg:$0x0] =	wrdreg $0x60  }
0xae: {  	[dreg:$0x2] =	wrdreg s24  }
0xaf: {  	[dreg:$0x3] =	wrdreg $0xB  }
0xb0: {  	_ =	task.clear_ibuf [dreg:s6], $0x4FFFF;
	_ =	strace $0x90000049  }
0xb1: {  	s29 =	simm.s32 $0xB;
	_ =	strace $0x8000004B  }
0xb2: {  	_ =	swait.ge [sflag:s29], $0x1  }
0xb3: {  	[sflag:s29] =	ssyncadd.s32 $0xFFFFFFFF  }
0xb4: {  	_ =	strace $0x9000004B  }
0xb5: {  	_ =	sfence  }
0xb6: {  	s30 =	sld [smem:$0x0];
	_ =	sdelay $0x2  }
0xb7: {  	s31 =	sshll.u32 s1, $0xD;
	s1 =	sshrl.u32 s1, $0x2  }
0xb8: {  	s3 =	sand.u32 $0x4000, s31;
	s1 =	sadd.s32 s1, s30  }
0xb9: {  	s0 =	sor.u32 s3, s0;
	s1 =	sshll.u32 s1, $0x11  }
0xba: {  	s0 =	sor.u32 s1, s0  }
0xbb: {  	s0 =	sadd.s32 $0x8F2B, s0  }
0xbc: {  	[sflag:s0] =	ssyncadd.remote.s32 $0x1  }
0xbd: {  	_ =	sfence.sel $0xFFFF  }
0xbe: {  	[dreg:$0x0] =	wrdreg $0xFFFFFFFF;
	(pc) =	sbr.abs _section_cstart, $3  }
0xbf: {  	[dreg:$0x1] =	wrdreg $0xFFFFFFFF  }
0xc0: {  	_ =	task.clear_ibuf [dreg:s6], $0x2FFFF;
	_ =	strace $0x9FFFFFFF  }
0xc1: {  	(tm) =	ssettm $0x7FFFFFFF  }
tec
execute0_lowered:
.L_overlay_start_1:
0x0: {  	(tag) =	ssettag $0x1  }
0x1: {  	s0 =	srdreg.scid  }
0x2: {  	s14 =	stileid.u32;
	s3 =	rddreg [dreg:$0x0];
	s2 =	simm.s32 $0x0  }
0x3: {  	s7 =	simm.s32 $0x80;
	s8 =	simm.s32 $0x2A80;
	s25 =	simm.s32 $0x100  }
0x4: {  	s9 =	simm.s32 $0x4A80;
	s26 =	simm.s32 $0x180;
	s10 =	simm.s32 $0x6A80  }
0x5: {  	s30 =	simm.s32 $0x200;
	s11 =	simm.s32 $0x8A80;
	s31 =	simm.s32 $0x280  }
0x6: {  	s12 =	simm.s32 $0xAA80;
	s13 =	simm.s32 $0xCA80;
	s6 =	simm.s32 $0x1  }
0x7: {  	s28 =	simm.s32 $0x600;
	s29 =	simm.s32 $0x680;
	s15 =	simm.s32 $0x700  }
0x8: {  	p0 =	por $0x0, $0x0;
	s16 =	simm.s32 $0x780;
	s17 =	simm.s32 $0x800  }
0x9: {  	s18 =	simm.s32 $0x880;
	s19 =	simm.s32 $0x900;
	s20 =	simm.s32 $0x980  }
0xa: {  	s0 =	sand.u32 $0x1, s0;
	s1 =	sshll.u32 s14, $0x1;
	[smem:$0x7FF] =	sst s2  }
0xb: {  	s5 =	sadd.s32 $0xCE00, s3;
	_ =	strace $0x8000004A;
	[dreg:$0x6] =	wrdreg s25  }
0xc: {  	s1 =	sor.u32 s0, s1;
	s0 =	ssub.s32 $0x2, s0;
	[dreg:$0x7] =	wrdreg s26  }
0xd: {  	s25 =	simm.s32 $0x500;
	s4 =	smul.u32 $0x150, s1;
	s22 =	sshrl.u32 s0, $0x1  }
0xe: {  	s26 =	simm.s32 $0x580;
	s1 =	smul.u32 $0x5400, s1;
	s0 =	ssub.s32 s0, s22  }
0xf: {  	s22 =	simm.s32 $0x300;
	s4 =	sadd.s32 s4, s3;
	s0 =	smax.u32 s0, $0x1  }
0x10: {  	s1 =	sadd.s32 s1, s3;
	s21 =	sadd.s32 $0x8EA00, s4;
	p1 =	sne.s32 s0, $0x1  }
.Ltmp0:
0x11: {  	s23 =	sadd.s32 $0x91400, s1;
	[dreg:$0x2] =	wrdreg s21;
	(pc) =	sbr.rel @!p1 .LBB2_1-.Ltmp0, $4  }
0x12: {  	s3 =	simm.s32 $0x2;
	s24 =	sadd.s32 $0x93000, s1;
	[dreg:$0x3] =	wrdreg s23  }
0x13: {  	s1 =	sadd.s32 $0x94C00, s1;
	s4 =	simm.s32 $0xA80;
	[dreg:$0x4] =	wrdreg s24  }
0x14: {  	[dreg:$0x5] =	wrdreg s1;
	s23 =	simm.s32 $0x400;
	s24 =	simm.s32 $0x480  }
0x15: {  	s1 =	sadd.s32 $0xFFFFFFFF, s0;
	s21 =	simm.s32 $0xA00;
	s0 =	rddreg [dreg:$0x2]  }
0x16: {  	[tilespmem:s2], [sflag:$0x2] =	stream.linear.gather [hbm4b:s0+s2], $0xA80, $0x38;
	[tilespmem:$0xEA80] =	vst v63  }
0x17: {  	_ =	swait.ge [sflag:s3], $0xA80  }
0x18: {  	[sflag:s3] =	ssyncset.done $0x0  }
0x19: {  	[sflag:s3] =	ssyncadd.s32 $0xFFFFF580  }
0x1a: {  	[tilespmem:s4], [sflag:$0x1] =	stream.indirect.gather [hbm4b:s5+s7], $0x40, s2, s7, $0xb8;
	[tilespmem:$0xEA80] =	vst v63  }
0x1b: {  	_ = 	snop  }
0x1c: {  	[tilespmem:s8], [sflag:$0x1] =	stream.indirect.gather [hbm4b:s5+s7], $0x40, s7, s7, $0xb8;
	[tilespmem:$0xEA80] =	vst v63  }
0x1d: {  	s0 =	rddreg [dreg:$0x6]  }
0x1e: {  	[tilespmem:s9], [sflag:$0x1] =	stream.indirect.gather [hbm4b:s5+s7], $0x40, s0, s7, $0xb8;
	[tilespmem:$0xEA80] =	vst v63  }
0x1f: {  	s14 =	smov.u32 s1;
	s1 =	rddreg [dreg:$0x7]  }
0x20: {  	[tilespmem:s10], [sflag:$0x1] =	stream.indirect.gather [hbm4b:s5+s7], $0x40, s1, s7, $0xb8;
	[tilespmem:$0xEA80] =	vst v63  }
0x21: {  	_ = 	snop  }
0x22: {  	[tilespmem:s11], [sflag:$0x1] =	stream.indirect.gather [hbm4b:s5+s7], $0x40, s30, s7, $0xb8;
	[tilespmem:$0xEA80] =	vst v63  }
0x23: {  	_ = 	snop  }
0x24: {  	[tilespmem:s12], [sflag:$0x1] =	stream.indirect.gather [hbm4b:s5+s7], $0x40, s31, s7, $0xb8;
	[tilespmem:$0xEA80] =	vst v63  }
0x25: {  	_ = 	snop  }
0x26: {  	[tilespmem:s13], [sflag:$0x1] =	stream.indirect.gather [hbm4b:s5+s7], $0x40, s22, s7, $0xb8;
	[tilespmem:$0xEA80] =	vst v63  }
0x27: {  	_ =	swait.ge [sflag:s6], $0x2000  }
0x28: {  	[sflag:s6] =	ssyncset.done $0x0  }
0x29: {  	[sflag:s6] =	ssyncadd.s32 $0xFFFFE000  }
0x2a: {  	_ =	swait.ge [sflag:s6], $0x2000  }
0x2b: {  	[sflag:s6] =	ssyncset.done $0x0  }
0x2c: {  	[sflag:s6] =	ssyncadd.s32 $0xFFFFE000  }
0x2d: {  	_ =	swait.ge [sflag:s6], $0x2000  }
0x2e: {  	[sflag:s6] =	ssyncset.done $0x0  }
0x2f: {  	[sflag:s6] =	ssyncadd.s32 $0xFFFFE000  }
0x30: {  	_ =	swait.ge [sflag:s6], $0x2000  }
0x31: {  	[sflag:s6] =	ssyncset.done $0x0  }
0x32: {  	[sflag:s6] =	ssyncadd.s32 $0xFFFFE000  }
0x33: {  	_ =	swait.ge [sflag:s6], $0x2000  }
0x34: {  	[sflag:s6] =	ssyncset.done $0x0  }
0x35: {  	[sflag:s6] =	ssyncadd.s32 $0xFFFFE000  }
0x36: {  	_ =	swait.ge [sflag:s6], $0x2000  }
0x37: {  	[sflag:s6] =	ssyncset.done $0x0  }
0x38: {  	[sflag:s6] =	ssyncadd.s32 $0xFFFFE000  }
0x39: {  	_ =	swait.ge [sflag:s6], $0x2000  }
0x3a: {  	[sflag:s6] =	ssyncset.done $0x0  }
0x3b: {  	s1 =	rddreg [dreg:$0x3];
	[sflag:s6] =	ssyncadd.s32 $0xFFFFE000  }
0x3c: {  	[hbm4b:s1+s2] =	stream.linear.scatter [tilespmem:s4], [sflag:$0x2], $0xE000, $0x38;
	[tilespmem:$0xEA80] =	vst v63  }
0x3d: {  	_ =	swait.ge [sflag:s3], $0xE000  }
0x3e: {  	[sflag:s3] =	ssyncset.done $0x0  }
0x3f: {  	s1 =	simm.s32 $0x380;
	[sflag:s3] =	ssyncadd.s32 $0xFFFF2000  }
0x40: {  	[tilespmem:s4], [sflag:$0x1] =	stream.indirect.gather [hbm4b:s5+s7], $0x40, s1, s7, $0xb8;
	[tilespmem:$0xEA80] =	vst v63  }
0x41: {  	_ = 	snop  }
0x42: {  	[tilespmem:s8], [sflag:$0x1] =	stream.indirect.gather [hbm4b:s5+s7], $0x40, s23, s7, $0xb8;
	[tilespmem:$0xEA80] =	vst v63  }
0x43: {  	_ = 	snop  }
0x44: {  	[tilespmem:s9], [sflag:$0x1] =	stream.indirect.gather [hbm4b:s5+s7], $0x40, s24, s7, $0xb8;
	[tilespmem:$0xEA80] =	vst v63  }
0x45: {  	_ = 	snop  }
0x46: {  	[tilespmem:s10], [sflag:$0x1] =	stream.indirect.gather [hbm4b:s5+s7], $0x40, s25, s7, $0xb8;
	[tilespmem:$0xEA80] =	vst v63  }
0x47: {  	_ = 	snop  }
0x48: {  	[tilespmem:s11], [sflag:$0x1] =	stream.indirect.gather [hbm4b:s5+s7], $0x40, s26, s7, $0xb8;
	[tilespmem:$0xEA80] =	vst v63  }
0x49: {  	_ = 	snop  }
0x4a: {  	[tilespmem:s12], [sflag:$0x1] =	stream.indirect.gather [hbm4b:s5+s7], $0x40, s28, s7, $0xb8;
	[tilespmem:$0xEA80] =	vst v63  }
0x4b: {  	_ = 	snop  }
0x4c: {  	[tilespmem:s13], [sflag:$0x1] =	stream.indirect.gather [hbm4b:s5+s7], $0x40, s29, s7, $0xb8;
	[tilespmem:$0xEA80] =	vst v63  }
0x4d: {  	_ =	swait.ge [sflag:s6], $0x2000  }
0x4e: {  	[sflag:s6] =	ssyncset.done $0x0  }
0x4f: {  	[sflag:s6] =	ssyncadd.s32 $0xFFFFE000  }
0x50: {  	_ =	swait.ge [sflag:s6], $0x2000  }
0x51: {  	[sflag:s6] =	ssyncset.done $0x0  }
0x52: {  	[sflag:s6] =	ssyncadd.s32 $0xFFFFE000  }
0x53: {  	_ =	swait.ge [sflag:s6], $0x2000  }
0x54: {  	[sflag:s6] =	ssyncset.done $0x0  }
0x55: {  	[sflag:s6] =	ssyncadd.s32 $0xFFFFE000  }
0x56: {  	_ =	swait.ge [sflag:s6], $0x2000  }
0x57: {  	[sflag:s6] =	ssyncset.done $0x0  }
0x58: {  	[sflag:s6] =	ssyncadd.s32 $0xFFFFE000  }
0x59: {  	_ =	swait.ge [sflag:s6], $0x2000  }
0x5a: {  	[sflag:s6] =	ssyncset.done $0x0  }
0x5b: {  	[sflag:s6] =	ssyncadd.s32 $0xFFFFE000  }
0x5c: {  	_ =	swait.ge [sflag:s6], $0x2000  }
0x5d: {  	[sflag:s6] =	ssyncset.done $0x0  }
0x5e: {  	[sflag:s6] =	ssyncadd.s32 $0xFFFFE000  }
0x5f: {  	_ =	swait.ge [sflag:s6], $0x2000  }
0x60: {  	[sflag:s6] =	ssyncset.done $0x0  }
0x61: {  	s1 =	rddreg [dreg:$0x4];
	[sflag:s6] =	ssyncadd.s32 $0xFFFFE000  }
0x62: {  	[hbm4b:s1+s2] =	stream.linear.scatter [tilespmem:s4], [sflag:$0x2], $0xE000, $0x38;
	[tilespmem:$0xEA80] =	vst v63  }
0x63: {  	_ =	swait.ge [sflag:s3], $0xE000  }
0x64: {  	[sflag:s3] =	ssyncset.done $0x0  }
0x65: {  	[sflag:s3] =	ssyncadd.s32 $0xFFFF2000  }
0x66: {  	[tilespmem:s4], [sflag:$0x1] =	stream.indirect.gather [hbm4b:s5+s7], $0x40, s15, s7, $0xb8;
	[tilespmem:$0xEA80] =	vst v63  }
0x67: {  	_ = 	snop  }
0x68: {  	[tilespmem:s8], [sflag:$0x1] =	stream.indirect.gather [hbm4b:s5+s7], $0x40, s16, s7, $0xb8;
	[tilespmem:$0xEA80] =	vst v63  }
0x69: {  	_ = 	snop  }
0x6a: {  	[tilespmem:s9], [sflag:$0x1] =	stream.indirect.gather [hbm4b:s5+s7], $0x40, s17, s7, $0xb8;
	[tilespmem:$0xEA80] =	vst v63  }
0x6b: {  	_ = 	snop  }
0x6c: {  	[tilespmem:s10], [sflag:$0x1] =	stream.indirect.gather [hbm4b:s5+s7], $0x40, s18, s7, $0xb8;
	[tilespmem:$0xEA80] =	vst v63  }
0x6d: {  	_ = 	snop  }
0x6e: {  	[tilespmem:s11], [sflag:$0x1] =	stream.indirect.gather [hbm4b:s5+s7], $0x40, s19, s7, $0xb8;
	[tilespmem:$0xEA80] =	vst v63  }
0x6f: {  	_ = 	snop  }
0x70: {  	[tilespmem:s12], [sflag:$0x1] =	stream.indirect.gather [hbm4b:s5+s7], $0x40, s20, s7, $0xb8;
	[tilespmem:$0xEA80] =	vst v63  }
0x71: {  	_ = 	snop  }
0x72: {  	[tilespmem:s13], [sflag:$0x1] =	stream.indirect.gather [hbm4b:s5+s7], $0x40, s21, s7, $0xb8;
	[tilespmem:$0xEA80] =	vst v63  }
0x73: {  	_ =	swait.ge [sflag:s6], $0x2000  }
0x74: {  	[sflag:s6] =	ssyncset.done $0x0  }
0x75: {  	[sflag:s6] =	ssyncadd.s32 $0xFFFFE000  }
0x76: {  	_ =	swait.ge [sflag:s6], $0x2000  }
0x77: {  	[sflag:s6] =	ssyncset.done $0x0  }
0x78: {  	[sflag:s6] =	ssyncadd.s32 $0xFFFFE000  }
0x79: {  	_ =	swait.ge [sflag:s6], $0x2000  }
0x7a: {  	[sflag:s6] =	ssyncset.done $0x0  }
0x7b: {  	[sflag:s6] =	ssyncadd.s32 $0xFFFFE000  }
0x7c: {  	_ =	swait.ge [sflag:s6], $0x2000  }
0x7d: {  	[sflag:s6] =	ssyncset.done $0x0  }
0x7e: {  	[sflag:s6] =	ssyncadd.s32 $0xFFFFE000  }
0x7f: {  	_ =	swait.ge [sflag:s6], $0x2000  }
0x80: {  	[sflag:s6] =	ssyncset.done $0x0  }
0x81: {  	[sflag:s6] =	ssyncadd.s32 $0xFFFFE000  }
0x82: {  	_ =	swait.ge [sflag:s6], $0x2000  }
0x83: {  	[sflag:s6] =	ssyncset.done $0x0  }
0x84: {  	[sflag:s6] =	ssyncadd.s32 $0xFFFFE000  }
0x85: {  	p1 =	sne.s32 s14, $0x1;
	_ =	swait.ge [sflag:s6], $0x2000  }
.Ltmp1:
0x86: {  	[sflag:s6] =	ssyncset.done $0x0;
	(pc) =	sbr.rel @!p1 .LBB2_3-.Ltmp1, $4  }
0x87: {  	s1 =	rddreg [dreg:$0x5];
	[sflag:s6] =	ssyncadd.s32 $0xFFFFE000  }
0x88: {  	[hbm4b:s1+s2] =	stream.linear.scatter [tilespmem:s4], [sflag:$0x2], $0xE000, $0x38;
	[tilespmem:$0xEA80] =	vst v63  }
0x89: {  	p0 =	por $0x1, $0x1;
	_ =	swait.ge [sflag:s3], $0xE000  }
0x8a: {  	s1 =	sadd.s32 $0xFFFFFFFF, s14;
	s0 =	rddreg [dreg:$0x2];
	[sflag:s3] =	ssyncset.done $0x0  }
.LBB2_4:
0x8b: {  	[sflag:s3] =	ssyncadd.s32 $0xFFFF2000  }
0x8c: {  	[tilespmem:s2], [sflag:$0x2] =	stream.linear.gather [hbm4b:s0+s2], $0xA80, $0x38;
	[tilespmem:$0xEA80] =	vst v63  }
0x8d: {  	_ =	swait.ge [sflag:s3], $0xA80  }
0x8e: {  	[sflag:s3] =	ssyncset.done $0x0  }
0x8f: {  	[sflag:s3] =	ssyncadd.s32 $0xFFFFF580  }
0x90: {  	[tilespmem:s4], [sflag:$0x1] =	stream.indirect.gather [hbm4b:s5+s7], $0x40, s2, s7, $0xb8;
	[tilespmem:$0xEA80] =	vst v63  }
0x91: {  	_ = 	snop  }
0x92: {  	[tilespmem:s8], [sflag:$0x1] =	stream.indirect.gather [hbm4b:s5+s7], $0x40, s7, s7, $0xb8;
	[tilespmem:$0xEA80] =	vst v63  }
0x93: {  	s0 =	rddreg [dreg:$0x6]  }
0x94: {  	[tilespmem:s9], [sflag:$0x1] =	stream.indirect.gather [hbm4b:s5+s7], $0x40, s0, s7, $0xb8;
	[tilespmem:$0xEA80] =	vst v63  }
0x95: {  	s14 =	rddreg [dreg:$0x7]  }
0x96: {  	[tilespmem:s10], [sflag:$0x1] =	stream.indirect.gather [hbm4b:s5+s7], $0x40, s14, s7, $0xb8;
	[tilespmem:$0xEA80] =	vst v63  }
0x97: {  	_ = 	snop  }
0x98: {  	[tilespmem:s11], [sflag:$0x1] =	stream.indirect.gather [hbm4b:s5+s7], $0x40, s30, s7, $0xb8;
	[tilespmem:$0xEA80] =	vst v63  }
0x99: {  	_ = 	snop  }
0x9a: {  	[tilespmem:s12], [sflag:$0x1] =	stream.indirect.gather [hbm4b:s5+s7], $0x40, s31, s7, $0xb8;
	[tilespmem:$0xEA80] =	vst v63  }
0x9b: {  	_ = 	snop  }
0x9c: {  	[tilespmem:s13], [sflag:$0x1] =	stream.indirect.gather [hbm4b:s5+s7], $0x40, s22, s7, $0xb8;
	[tilespmem:$0xEA80] =	vst v63  }
0x9d: {  	_ =	swait.ge [sflag:s6], $0x2000  }
0x9e: {  	[sflag:s6] =	ssyncset.done $0x0  }
0x9f: {  	[sflag:s6] =	ssyncadd.s32 $0xFFFFE000  }
0xa0: {  	_ =	swait.ge [sflag:s6], $0x2000  }
0xa1: {  	[sflag:s6] =	ssyncset.done $0x0  }
0xa2: {  	[sflag:s6] =	ssyncadd.s32 $0xFFFFE000  }
0xa3: {  	_ =	swait.ge [sflag:s6], $0x2000  }
0xa4: {  	[sflag:s6] =	ssyncset.done $0x0  }
0xa5: {  	[sflag:s6] =	ssyncadd.s32 $0xFFFFE000  }
0xa6: {  	_ =	swait.ge [sflag:s6], $0x2000  }
0xa7: {  	[sflag:s6] =	ssyncset.done $0x0  }
0xa8: {  	[sflag:s6] =	ssyncadd.s32 $0xFFFFE000  }
0xa9: {  	_ =	swait.ge [sflag:s6], $0x2000  }
0xaa: {  	[sflag:s6] =	ssyncset.done $0x0  }
0xab: {  	[sflag:s6] =	ssyncadd.s32 $0xFFFFE000  }
0xac: {  	_ =	swait.ge [sflag:s6], $0x2000  }
0xad: {  	[sflag:s6] =	ssyncset.done $0x0  }
0xae: {  	[sflag:s6] =	ssyncadd.s32 $0xFFFFE000  }
0xaf: {  	_ =	swait.ge [sflag:s6], $0x2000  }
0xb0: {  	[sflag:s6] =	ssyncset.done $0x0  }
0xb1: {  	s14 =	rddreg [dreg:$0x3];
	[sflag:s6] =	ssyncadd.s32 $0xFFFFE000  }
0xb2: {  	[hbm4b:s14+s2] =	stream.linear.scatter [tilespmem:s4], [sflag:$0x2], $0xE000, $0x38;
	[tilespmem:$0xEA80] =	vst v63  }
0xb3: {  	_ =	swait.ge [sflag:s3], $0xE000  }
0xb4: {  	[sflag:s3] =	ssyncset.done $0x0  }
0xb5: {  	s14 =	simm.s32 $0x380;
	[sflag:s3] =	ssyncadd.s32 $0xFFFF2000  }
0xb6: {  	[tilespmem:s4], [sflag:$0x1] =	stream.indirect.gather [hbm4b:s5+s7], $0x40, s14, s7, $0xb8;
	[tilespmem:$0xEA80] =	vst v63  }
0xb7: {  	_ = 	snop  }
0xb8: {  	[tilespmem:s8], [sflag:$0x1] =	stream.indirect.gather [hbm4b:s5+s7], $0x40, s23, s7, $0xb8;
	[tilespmem:$0xEA80] =	vst v63  }
0xb9: {  	_ = 	snop  }
0xba: {  	[tilespmem:s9], [sflag:$0x1] =	stream.indirect.gather [hbm4b:s5+s7], $0x40, s24, s7, $0xb8;
	[tilespmem:$0xEA80] =	vst v63  }
0xbb: {  	_ = 	snop  }
0xbc: {  	[tilespmem:s10], [sflag:$0x1] =	stream.indirect.gather [hbm4b:s5+s7], $0x40, s25, s7, $0xb8;
	[tilespmem:$0xEA80] =	vst v63  }
0xbd: {  	_ = 	snop  }
0xbe: {  	[tilespmem:s11], [sflag:$0x1] =	stream.indirect.gather [hbm4b:s5+s7], $0x40, s26, s7, $0xb8;
	[tilespmem:$0xEA80] =	vst v63  }
0xbf: {  	_ = 	snop  }
0xc0: {  	[tilespmem:s12], [sflag:$0x1] =	stream.indirect.gather [hbm4b:s5+s7], $0x40, s28, s7, $0xb8;
	[tilespmem:$0xEA80] =	vst v63  }
0xc1: {  	_ = 	snop  }
0xc2: {  	[tilespmem:s13], [sflag:$0x1] =	stream.indirect.gather [hbm4b:s5+s7], $0x40, s29, s7, $0xb8;
	[tilespmem:$0xEA80] =	vst v63  }
0xc3: {  	_ =	swait.ge [sflag:s6], $0x2000  }
0xc4: {  	[sflag:s6] =	ssyncset.done $0x0  }
0xc5: {  	[sflag:s6] =	ssyncadd.s32 $0xFFFFE000  }
0xc6: {  	_ =	swait.ge [sflag:s6], $0x2000  }
0xc7: {  	[sflag:s6] =	ssyncset.done $0x0  }
0xc8: {  	[sflag:s6] =	ssyncadd.s32 $0xFFFFE000  }
0xc9: {  	_ =	swait.ge [sflag:s6], $0x2000  }
0xca: {  	[sflag:s6] =	ssyncset.done $0x0  }
0xcb: {  	[sflag:s6] =	ssyncadd.s32 $0xFFFFE000  }
0xcc: {  	_ =	swait.ge [sflag:s6], $0x2000  }
0xcd: {  	[sflag:s6] =	ssyncset.done $0x0  }
0xce: {  	[sflag:s6] =	ssyncadd.s32 $0xFFFFE000  }
0xcf: {  	_ =	swait.ge [sflag:s6], $0x2000  }
0xd0: {  	[sflag:s6] =	ssyncset.done $0x0  }
0xd1: {  	[sflag:s6] =	ssyncadd.s32 $0xFFFFE000  }
0xd2: {  	_ =	swait.ge [sflag:s6], $0x2000  }
0xd3: {  	[sflag:s6] =	ssyncset.done $0x0  }
0xd4: {  	[sflag:s6] =	ssyncadd.s32 $0xFFFFE000  }
0xd5: {  	_ =	swait.ge [sflag:s6], $0x2000  }
0xd6: {  	[sflag:s6] =	ssyncset.done $0x0  }
0xd7: {  	s14 =	rddreg [dreg:$0x4];
	[sflag:s6] =	ssyncadd.s32 $0xFFFFE000  }
0xd8: {  	[hbm4b:s14+s2] =	stream.linear.scatter [tilespmem:s4], [sflag:$0x2], $0xE000, $0x38;
	[tilespmem:$0xEA80] =	vst v63  }
0xd9: {  	_ =	swait.ge [sflag:s3], $0xE000  }
0xda: {  	[sflag:s3] =	ssyncset.done $0x0  }
0xdb: {  	[sflag:s3] =	ssyncadd.s32 $0xFFFF2000  }
0xdc: {  	[tilespmem:s4], [sflag:$0x1] =	stream.indirect.gather [hbm4b:s5+s7], $0x40, s15, s7, $0xb8;
	[tilespmem:$0xEA80] =	vst v63  }
0xdd: {  	_ = 	snop  }
0xde: {  	[tilespmem:s8], [sflag:$0x1] =	stream.indirect.gather [hbm4b:s5+s7], $0x40, s16, s7, $0xb8;
	[tilespmem:$0xEA80] =	vst v63  }
0xdf: {  	_ = 	snop  }
0xe0: {  	[tilespmem:s9], [sflag:$0x1] =	stream.indirect.gather [hbm4b:s5+s7], $0x40, s17, s7, $0xb8;
	[tilespmem:$0xEA80] =	vst v63  }
0xe1: {  	_ = 	snop  }
0xe2: {  	[tilespmem:s10], [sflag:$0x1] =	stream.indirect.gather [hbm4b:s5+s7], $0x40, s18, s7, $0xb8;
	[tilespmem:$0xEA80] =	vst v63  }
0xe3: {  	_ = 	snop  }
0xe4: {  	[tilespmem:s11], [sflag:$0x1] =	stream.indirect.gather [hbm4b:s5+s7], $0x40, s19, s7, $0xb8;
	[tilespmem:$0xEA80] =	vst v63  }
0xe5: {  	_ = 	snop  }
0xe6: {  	[tilespmem:s12], [sflag:$0x1] =	stream.indirect.gather [hbm4b:s5+s7], $0x40, s20, s7, $0xb8;
	[tilespmem:$0xEA80] =	vst v63  }
0xe7: {  	_ = 	snop  }
0xe8: {  	[tilespmem:s13], [sflag:$0x1] =	stream.indirect.gather [hbm4b:s5+s7], $0x40, s21, s7, $0xb8;
	[tilespmem:$0xEA80] =	vst v63  }
0xe9: {  	_ =	swait.ge [sflag:s6], $0x2000  }
0xea: {  	[sflag:s6] =	ssyncset.done $0x0  }
0xeb: {  	[sflag:s6] =	ssyncadd.s32 $0xFFFFE000  }
0xec: {  	_ =	swait.ge [sflag:s6], $0x2000  }
0xed: {  	[sflag:s6] =	ssyncset.done $0x0  }
0xee: {  	[sflag:s6] =	ssyncadd.s32 $0xFFFFE000  }
0xef: {  	_ =	swait.ge [sflag:s6], $0x2000  }
0xf0: {  	[sflag:s6] =	ssyncset.done $0x0  }
0xf1: {  	[sflag:s6] =	ssyncadd.s32 $0xFFFFE000  }
0xf2: {  	_ =	swait.ge [sflag:s6], $0x2000  }
0xf3: {  	[sflag:s6] =	ssyncset.done $0x0  }
0xf4: {  	[sflag:s6] =	ssyncadd.s32 $0xFFFFE000  }
0xf5: {  	_ =	swait.ge [sflag:s6], $0x2000  }
0xf6: {  	[sflag:s6] =	ssyncset.done $0x0  }
0xf7: {  	[sflag:s6] =	ssyncadd.s32 $0xFFFFE000  }
0xf8: {  	_ =	swait.ge [sflag:s6], $0x2000  }
0xf9: {  	[sflag:s6] =	ssyncset.done $0x0  }
0xfa: {  	[sflag:s6] =	ssyncadd.s32 $0xFFFFE000  }
0xfb: {  	p1 =	sne.s32 s1, $0x1;
	_ =	swait.ge [sflag:s6], $0x2000  }
.Ltmp2:
0xfc: {  	[sflag:s6] =	ssyncset.done $0x0;
	(pc) =	sbr.rel @p1 .LBB2_4-.Ltmp2, $4  }
0xfd: {  	s14 =	rddreg [dreg:$0x5];
	[sflag:s6] =	ssyncadd.s32 $0xFFFFE000  }
0xfe: {  	[hbm4b:s14+s2] =	stream.linear.scatter [tilespmem:s4], [sflag:$0x2], $0xE000, $0x38;
	[tilespmem:$0xEA80] =	vst v63  }
0xff: {  	_ =	swait.ge [sflag:s3], $0xE000  }
0x100: {  	s1 =	sadd.s32 $0xFFFFFFFF, s1;
	s0 =	rddreg [dreg:$0x2];
	[sflag:s3] =	ssyncset.done $0x0  }
0x101: {  	s21 =	simm.s32 $0x300;
	s31 =	simm.s32 $0x280  }
0x102: {  	s30 =	simm.s32 $0x200;
	s29 =	simm.s32 $0x680;
	s28 =	simm.s32 $0x600  }
0x103: {  	s26 =	simm.s32 $0x580;
	s25 =	simm.s32 $0x500;
	s24 =	simm.s32 $0x480  }
0x104: {  	s23 =	simm.s32 $0x400;
	s22 =	simm.s32 $0x380;
	s20 =	simm.s32 $0x980  }
0x105: {  	s19 =	simm.s32 $0x900;
	s18 =	simm.s32 $0x880;
	s17 =	simm.s32 $0x800  }
0x106: {  	s16 =	simm.s32 $0x780;
	s15 =	simm.s32 $0x700;
	s14 =	stileid.u32  }
.LBB2_6:
0x107: {  	[sflag:s3] =	ssyncadd.s32 @p0 $0xFFFF2000  }
0x108: {  	[tilespmem:s2], [sflag:$0x2] =	stream.linear.gather [hbm4b:s0+s2], $0xA80, $0x38;
	[tilespmem:$0xEA80] =	vst v63  }
0x109: {  	_ =	swait.ge [sflag:s3], $0xA80  }
0x10a: {  	[sflag:s3] =	ssyncset.done $0x0  }
0x10b: {  	[sflag:s3] =	ssyncadd.s32 $0xFFFFF580  }
0x10c: {  	[tilespmem:s4], [sflag:$0x1] =	stream.indirect.gather [hbm4b:s5+s7], $0x40, s2, s7, $0xb8;
	[tilespmem:$0xEA80] =	vst v63  }
0x10d: {  	_ = 	snop  }
0x10e: {  	[tilespmem:s8], [sflag:$0x1] =	stream.indirect.gather [hbm4b:s5+s7], $0x40, s7, s7, $0xb8;
	[tilespmem:$0xEA80] =	vst v63  }
0x10f: {  	s0 =	rddreg [dreg:$0x6]  }
0x110: {  	[tilespmem:s9], [sflag:$0x1] =	stream.indirect.gather [hbm4b:s5+s7], $0x40, s0, s7, $0xb8;
	[tilespmem:$0xEA80] =	vst v63  }
0x111: {  	s1 =	rddreg [dreg:$0x7]  }
0x112: {  	[tilespmem:s10], [sflag:$0x1] =	stream.indirect.gather [hbm4b:s5+s7], $0x40, s1, s7, $0xb8;
	[tilespmem:$0xEA80] =	vst v63  }
0x113: {  	_ = 	snop  }
0x114: {  	[tilespmem:s11], [sflag:$0x1] =	stream.indirect.gather [hbm4b:s5+s7], $0x40, s30, s7, $0xb8;
	[tilespmem:$0xEA80] =	vst v63  }
0x115: {  	_ = 	snop  }
0x116: {  	[tilespmem:s12], [sflag:$0x1] =	stream.indirect.gather [hbm4b:s5+s7], $0x40, s31, s7, $0xb8;
	[tilespmem:$0xEA80] =	vst v63  }
0x117: {  	_ = 	snop  }
0x118: {  	[tilespmem:s13], [sflag:$0x1] =	stream.indirect.gather [hbm4b:s5+s7], $0x40, s21, s7, $0xb8;
	[tilespmem:$0xEA80] =	vst v63  }
0x119: {  	_ =	swait.ge [sflag:s6], $0x2000  }
0x11a: {  	[sflag:s6] =	ssyncset.done $0x0  }
0x11b: {  	[sflag:s6] =	ssyncadd.s32 $0xFFFFE000  }
0x11c: {  	_ =	swait.ge [sflag:s6], $0x2000  }
0x11d: {  	[sflag:s6] =	ssyncset.done $0x0  }
0x11e: {  	[sflag:s6] =	ssyncadd.s32 $0xFFFFE000  }
0x11f: {  	_ =	swait.ge [sflag:s6], $0x2000  }
0x120: {  	[sflag:s6] =	ssyncset.done $0x0  }
0x121: {  	[sflag:s6] =	ssyncadd.s32 $0xFFFFE000  }
0x122: {  	_ =	swait.ge [sflag:s6], $0x2000  }
0x123: {  	[sflag:s6] =	ssyncset.done $0x0  }
0x124: {  	[sflag:s6] =	ssyncadd.s32 $0xFFFFE000  }
0x125: {  	_ =	swait.ge [sflag:s6], $0x2000  }
0x126: {  	[sflag:s6] =	ssyncset.done $0x0  }
0x127: {  	[sflag:s6] =	ssyncadd.s32 $0xFFFFE000  }
0x128: {  	_ =	swait.ge [sflag:s6], $0x2000  }
0x129: {  	[sflag:s6] =	ssyncset.done $0x0  }
0x12a: {  	[sflag:s6] =	ssyncadd.s32 $0xFFFFE000  }
0x12b: {  	_ =	swait.ge [sflag:s6], $0x2000  }
0x12c: {  	[sflag:s6] =	ssyncset.done $0x0  }
0x12d: {  	s21 =	rddreg [dreg:$0x3];
	[sflag:s6] =	ssyncadd.s32 $0xFFFFE000  }
0x12e: {  	[hbm4b:s21+s2] =	stream.linear.scatter [tilespmem:s4], [sflag:$0x2], $0xE000, $0x38;
	[tilespmem:$0xEA80] =	vst v63  }
0x12f: {  	_ =	swait.ge [sflag:s3], $0xE000  }
0x130: {  	[sflag:s3] =	ssyncset.done $0x0  }
0x131: {  	[sflag:s3] =	ssyncadd.s32 $0xFFFF2000  }
0x132: {  	[tilespmem:s4], [sflag:$0x1] =	stream.indirect.gather [hbm4b:s5+s7], $0x40, s22, s7, $0xb8;
	[tilespmem:$0xEA80] =	vst v63  }
0x133: {  	_ = 	snop  }
0x134: {  	[tilespmem:s8], [sflag:$0x1] =	stream.indirect.gather [hbm4b:s5+s7], $0x40, s23, s7, $0xb8;
	[tilespmem:$0xEA80] =	vst v63  }
0x135: {  	_ = 	snop  }
0x136: {  	[tilespmem:s9], [sflag:$0x1] =	stream.indirect.gather [hbm4b:s5+s7], $0x40, s24, s7, $0xb8;
	[tilespmem:$0xEA80] =	vst v63  }
0x137: {  	_ = 	snop  }
0x138: {  	[tilespmem:s10], [sflag:$0x1] =	stream.indirect.gather [hbm4b:s5+s7], $0x40, s25, s7, $0xb8;
	[tilespmem:$0xEA80] =	vst v63  }
0x139: {  	_ = 	snop  }
0x13a: {  	[tilespmem:s11], [sflag:$0x1] =	stream.indirect.gather [hbm4b:s5+s7], $0x40, s26, s7, $0xb8;
	[tilespmem:$0xEA80] =	vst v63  }
0x13b: {  	_ = 	snop  }
0x13c: {  	[tilespmem:s12], [sflag:$0x1] =	stream.indirect.gather [hbm4b:s5+s7], $0x40, s28, s7, $0xb8;
	[tilespmem:$0xEA80] =	vst v63  }
0x13d: {  	_ = 	snop  }
0x13e: {  	[tilespmem:s13], [sflag:$0x1] =	stream.indirect.gather [hbm4b:s5+s7], $0x40, s29, s7, $0xb8;
	[tilespmem:$0xEA80] =	vst v63  }
0x13f: {  	_ =	swait.ge [sflag:s6], $0x2000  }
0x140: {  	[sflag:s6] =	ssyncset.done $0x0  }
0x141: {  	[sflag:s6] =	ssyncadd.s32 $0xFFFFE000  }
0x142: {  	_ =	swait.ge [sflag:s6], $0x2000  }
0x143: {  	[sflag:s6] =	ssyncset.done $0x0  }
0x144: {  	[sflag:s6] =	ssyncadd.s32 $0xFFFFE000  }
0x145: {  	_ =	swait.ge [sflag:s6], $0x2000  }
0x146: {  	[sflag:s6] =	ssyncset.done $0x0  }
0x147: {  	[sflag:s6] =	ssyncadd.s32 $0xFFFFE000  }
0x148: {  	_ =	swait.ge [sflag:s6], $0x2000  }
0x149: {  	[sflag:s6] =	ssyncset.done $0x0  }
0x14a: {  	[sflag:s6] =	ssyncadd.s32 $0xFFFFE000  }
0x14b: {  	_ =	swait.ge [sflag:s6], $0x2000  }
0x14c: {  	[sflag:s6] =	ssyncset.done $0x0  }
0x14d: {  	[sflag:s6] =	ssyncadd.s32 $0xFFFFE000  }
0x14e: {  	_ =	swait.ge [sflag:s6], $0x2000  }
0x14f: {  	[sflag:s6] =	ssyncset.done $0x0  }
0x150: {  	[sflag:s6] =	ssyncadd.s32 $0xFFFFE000  }
0x151: {  	_ =	swait.ge [sflag:s6], $0x2000  }
0x152: {  	[sflag:s6] =	ssyncset.done $0x0  }
0x153: {  	s29 =	rddreg [dreg:$0x4];
	[sflag:s6] =	ssyncadd.s32 $0xFFFFE000  }
0x154: {  	[hbm4b:s29+s2] =	stream.linear.scatter [tilespmem:s4], [sflag:$0x2], $0xE000, $0x38;
	[tilespmem:$0xEA80] =	vst v63  }
0x155: {  	_ =	swait.ge [sflag:s3], $0xE000  }
0x156: {  	[sflag:s3] =	ssyncset.done $0x0  }
0x157: {  	[sflag:s3] =	ssyncadd.s32 $0xFFFF2000  }
0x158: {  	[tilespmem:s4], [sflag:$0x1] =	stream.indirect.gather [hbm4b:s5+s7], $0x40, s15, s7, $0xb8;
	[tilespmem:$0xEA80] =	vst v63  }
0x159: {  	_ = 	snop  }
0x15a: {  	[tilespmem:s8], [sflag:$0x1] =	stream.indirect.gather [hbm4b:s5+s7], $0x40, s16, s7, $0xb8;
	[tilespmem:$0xEA80] =	vst v63  }
0x15b: {  	_ = 	snop  }
0x15c: {  	[tilespmem:s9], [sflag:$0x1] =	stream.indirect.gather [hbm4b:s5+s7], $0x40, s17, s7, $0xb8;
	[tilespmem:$0xEA80] =	vst v63  }
0x15d: {  	_ = 	snop  }
0x15e: {  	[tilespmem:s10], [sflag:$0x1] =	stream.indirect.gather [hbm4b:s5+s7], $0x40, s18, s7, $0xb8;
	[tilespmem:$0xEA80] =	vst v63  }
0x15f: {  	_ = 	snop  }
0x160: {  	[tilespmem:s11], [sflag:$0x1] =	stream.indirect.gather [hbm4b:s5+s7], $0x40, s19, s7, $0xb8;
	[tilespmem:$0xEA80] =	vst v63  }
0x161: {  	_ = 	snop  }
0x162: {  	[tilespmem:s12], [sflag:$0x1] =	stream.indirect.gather [hbm4b:s5+s7], $0x40, s20, s7, $0xb8;
	[tilespmem:$0xEA80] =	vst v63  }
0x163: {  	s30 =	simm.s32 $0xA00  }
0x164: {  	[tilespmem:s13], [sflag:$0x1] =	stream.indirect.gather [hbm4b:s5+s7], $0x40, s30, s7, $0xb8;
	[tilespmem:$0xEA80] =	vst v63  }
0x165: {  	_ =	swait.ge [sflag:s6], $0x2000  }
0x166: {  	[sflag:s6] =	ssyncset.done $0x0  }
0x167: {  	[sflag:s6] =	ssyncadd.s32 $0xFFFFE000  }
0x168: {  	_ =	swait.ge [sflag:s6], $0x2000  }
0x169: {  	[sflag:s6] =	ssyncset.done $0x0  }
0x16a: {  	[sflag:s6] =	ssyncadd.s32 $0xFFFFE000  }
0x16b: {  	_ =	swait.ge [sflag:s6], $0x2000  }
0x16c: {  	[sflag:s6] =	ssyncset.done $0x0  }
0x16d: {  	[sflag:s6] =	ssyncadd.s32 $0xFFFFE000  }
0x16e: {  	_ =	swait.ge [sflag:s6], $0x2000  }
0x16f: {  	[sflag:s6] =	ssyncset.done $0x0  }
0x170: {  	[sflag:s6] =	ssyncadd.s32 $0xFFFFE000  }
0x171: {  	_ =	swait.ge [sflag:s6], $0x2000  }
0x172: {  	[sflag:s6] =	ssyncset.done $0x0  }
0x173: {  	[sflag:s6] =	ssyncadd.s32 $0xFFFFE000  }
0x174: {  	_ =	swait.ge [sflag:s6], $0x2000  }
0x175: {  	[sflag:s6] =	ssyncset.done $0x0  }
0x176: {  	[sflag:s6] =	ssyncadd.s32 $0xFFFFE000  }
0x177: {  	_ =	swait.ge [sflag:s6], $0x2000  }
0x178: {  	[sflag:s6] =	ssyncset.done $0x0  }
0x179: {  	s31 =	rddreg [dreg:$0x5];
	[sflag:s6] =	ssyncadd.s32 $0xFFFFE000  }
0x17a: {  	[hbm4b:s31+s2] =	stream.linear.scatter [tilespmem:s4], [sflag:$0x2], $0xE000, $0x38;
	[tilespmem:$0xEA80] =	vst v63  }
0x17b: {  	_ =	swait.ge [sflag:s3], $0xE000  }
0x17c: {  	[sflag:s3] =	ssyncset.done $0x0  }
0x17d: {  	[sflag:s3] =	ssyncadd.s32 $0xFFFF2000  }
0x17e: {  	_ =	sfence.sel $0x180000  }
0x17f: {  	[bflag:$0x0] =	sbarrier.arrive $0xFFFF  }
0x180: {  	_ =	strace $0x9000004A  }
0x181: {  	[bflag:$0x2] =	sbarrier.arrive $0xFFFF  }
0x182: {  	p0 =	sne.s32 s14, $0x0;
	s0 =	rddreg [dreg:$0x1]  }
0x183: {  	s0 =	sadd.s32 @!p0 $0x100000, s0  }
0x184: {  	[sflag:s0] =	ssyncadd.tile.s32 @!p0 $0x1;
	_ =	shalt  }
.LBB2_1:
0x185: {  	s21 =	simm.s32 $0x300;
	s31 =	simm.s32 $0x280  }
.Ltmp3:
0x186: {  	s30 =	simm.s32 $0x200;
	s29 =	simm.s32 $0x680;
	(pc) =	sbr.rel .LBB2_6-.Ltmp3, $4  }
0x187: {  	s28 =	simm.s32 $0x600;
	s26 =	simm.s32 $0x580;
	s25 =	simm.s32 $0x500  }
0x188: {  	s24 =	simm.s32 $0x480;
	s23 =	simm.s32 $0x400;
	s22 =	simm.s32 $0x380  }
0x189: {  	s20 =	simm.s32 $0x980;
	s19 =	simm.s32 $0x900;
	s18 =	simm.s32 $0x880  }
0x18a: {  	s17 =	simm.s32 $0x800;
	s16 =	simm.s32 $0x780;
	s15 =	simm.s32 $0x700  }
.LBB2_3:
0x18b: {  	s21 =	simm.s32 $0x300;
	s31 =	simm.s32 $0x280;
	s30 =	simm.s32 $0x200  }
.Ltmp4:
0x18c: {  	s29 =	simm.s32 $0x680;
	s28 =	simm.s32 $0x600;
	(pc) =	sbr.rel .LBB2_6-.Ltmp4, $4  }
0x18d: {  	s26 =	simm.s32 $0x580;
	s25 =	simm.s32 $0x500;
	s24 =	simm.s32 $0x480  }
0x18e: {  	s23 =	simm.s32 $0x400;
	s22 =	simm.s32 $0x380;
	s20 =	simm.s32 $0x980  }
0x18f: {  	s19 =	simm.s32 $0x900;
	s18 =	simm.s32 $0x880;
	s17 =	simm.s32 $0x800  }
0x190: {  	s16 =	simm.s32 $0x780;
	s15 =	simm.s32 $0x700;
	s14 =	stileid.u32  }
.Lfunc_end2:
_tile_overlayer_lowered:
.L_overlay_start_2:
0x191: {  	(tag) =	ssettag $0x2  }
0x192: {  	s0 =	rddreg [dreg:$0x0];
	s2 =	stileid.u32  }
0x193: {  	s1 =	rddreg [dreg:$0x1];
	p0 =	sne.s32 s2, $0x0  }
0x194: {  	s3 =	rddreg [dreg:$0x2];
	[bflag:$0x3] =	sbarrier.arrive $0xFFFF;
	s2 =	simm.s32 @!p0 $0x1C02  }
0x195: {  	[timem:s3], [sflag:s2] =	dma.local @!p0 [hbm:s0], s1  }
0x196: {  	s0 =	simm.s32 @!p0 $0x2  }
0x197: {  	_ =	swait.ge @!p0 [sflag:s0], s1  }
0x198: {  	s1 =	ssub.s32 @!p0 $0x0, s1;
	[sflag:s0] =	ssyncset.done @!p0 $0x0  }
0x199: {  	[sflag:s0] =	ssyncadd.s32 @!p0 s1  }
0x19a: {  	[bflag:$0x3] =	sbarrier.arrive $0xFFFF  }
0x19b: {  	_ =	shalt  }

// kernel: kernel.16.cloned.1.call-start
scs
__scs_entry_jumppad:
0x0: {  	(pc) =	sbr.rel $0x88, $3  }
0x1: {  	(tag) =	ssettag $0x0;
	lr =	simm.s32 $0x1  }
0x2: {  	[smem:$0x3F8C] =	sst lr;
	_ =	strace $0xD0000000  }
0x3: {  	_ = 	snop  }
0x4: {  	_ = 	snop  }
0x5: {  	_ = 	snop  }
0x6: {  	_ = 	snop  }
0x7: {  	_ = 	snop  }
__scs_overlays_trampoline_lowered:
0x8: {  	[smem:$0x3F9B] =	sst s0  }
0x9: {  	[smem:$0x3F9C] =	sst s1  }
0xa: {  	[smem:$0x3F9D] =	sst s2  }
0xb: {  	[smem:$0x3F9E] =	sst s3  }
0xc: {  	[smem:$0x3F9F] =	sst s4  }
0xd: {  	[smem:$0x3FA0] =	sst s5  }
0xe: {  	[smem:$0x3FA1] =	sst s6  }
0xf: {  	[smem:$0x3FA2] =	sst s7  }
0x10: {  	[smem:$0x3FA3] =	sst s8  }
0x11: {  	[smem:$0x3FA4] =	sst s9;
	s0 =	simm.s32 @!p0 $0x0  }
0x12: {  	s1 =	sld [smem:$0x3F8A];
	s0 =	simm.s32 @p0 $0x1  }
0x13: {  	[smem:$0x3FA5] =	sst s0;
	s0 =	simm.s32 @!p1 $0x0  }
0x14: {  	s2 =	sld [smem:$0x3F89];
	s0 =	simm.s32 @p1 $0x1  }
0x15: {  	[smem:$0x3FA6] =	sst s0;
	s0 =	simm.s32 @!p2 $0x0  }
0x16: {  	s3 =	sld [smem:$0x3FDB];
	s0 =	simm.s32 @p2 $0x1  }
0x17: {  	s4 =	simm.s32 $0x1BF5;
	[smem:$0x3FA8] =	sst s0  }
0x18: {  	s0 =	sld [smem:$0x3F8B];
	_ =	swait.ge [sflag:s4], $0x0  }
0x19: {  	s7 =	sld [smem:$0x3F8C]  }
0x1a: {  	s8 =	sadd.s32 $0xFFFFE003, lr  }
0x1b: {  	s9 =	sadd.s32 $0xFFFFFEF7, lr;
	s5 =	simm.s32 $0xFFFFFFFF;
	p2 =	slt.u32 s8, $0xFFFFF086  }
0x1c: {  	p1 =	slt.u32 s9, $0xF7A;
	s5 =	simm.s32 @!p2 $0x0  }
0x1d: {  	s5 =	simm.s32 @p1 $0x1;
	p0 =	seq.s32 s7, s2  }
0x1e: {  	s7 =	smul.u32 @!p0 $0xF7A, s2;
	p2 =	seq.s32 @!p0 s5, $0x0  }
0x1f: {  	s9 =	smul.u32 $0xF7A, s1;
	s8 =	simm.s32 @!p0 $0x1BF5;
	p2 =	por !p2, p0  }
0x20: {  	[sflag:s8] =	ssyncset.s32 @!p0 $0xFFFFF086;
	s6 =	sadd.s32 @!p0 s3, s7;
	s7 =	simm.s32 @!p0 $0x108  }
0x21: {  	s3 =	sadd.s32 s3, s9;
	s6 =	sadd.s32 @!p0 $0x88, s6;
	s7 =	simm.s32 @p2 $0x1082  }
0x22: {  	[simem:s7], [sflag:s8] =	dma.local @!p0 [hbm:s6], $0xF7A  }
0x23: {  	s9 =	sor.u32 $0xD0000000, s2;
	s6 =	simm.s32 $0x108;
	_ =	swait.ge @!p0 [sflag:s8], $0x0  }
0x24: {  	s3 =	sadd.s32 $0x88, s3;
	s6 =	simm.s32 @!p1 $0x1082;
	[sflag:s4] =	ssyncset.s32 $0xFFFFF086  }
0x25: {  	[simem:s6], [sflag:s4] =	dma.local [hbm:s3], $0xF7A  }
0x26: {  	[smem:$0x3F8C] =	sst s1;
	(tag) =	ssettag s2;
	_ =	strace s9  }
0x27: {  	s1 =	sld [smem:$0x3F9C]  }
0x28: {  	s2 =	sld [smem:$0x3F9D]  }
0x29: {  	s4 =	sld [smem:$0x3F9F]  }
0x2a: {  	p0 =	seq.s32 s5, $0x0;
	s5 =	sld [smem:$0x3FA0]  }
0x2b: {  	s6 =	sld [smem:$0x3FA1]  }
0x2c: {  	s7 =	sld [smem:$0x3FA2]  }
0x2d: {  	s3 =	simm.s32 $0x108;
	s8 =	sld [smem:$0x3FA3]  }
0x2e: {  	s3 =	simm.s32 @!p0 $0x1082;
	s9 =	sld [smem:$0x3FA4]  }
0x2f: {  	lr =	sadd.s32 s0, s3;
	s0 =	sld [smem:$0x3F9B]  }
0x30: {  	s3 =	sld [smem:$0x3F9E]  }
0x31: {  	[smem:$0x3FA7] =	sst s10  }
0x32: {  	s10 =	sld [smem:$0x3FA5];
	_ =	sdelay $0x3  }
0x33: {  	p0 =	seq.s32 s10, $0x1;
	s10 =	sld [smem:$0x3FA7];
	_ =	sdelay $0x3  }
0x34: {  	[smem:$0x3FA7] =	sst s10  }
0x35: {  	s10 =	sld [smem:$0x3FA6];
	_ =	sdelay $0x3  }
0x36: {  	p1 =	seq.s32 s10, $0x1;
	s10 =	sld [smem:$0x3FA7];
	_ =	sdelay $0x3  }
0x37: {  	[smem:$0x3FA7] =	sst s10  }
0x38: {  	s10 =	sld [smem:$0x3FA8]  }
0x39: {  	_ = 	snop;
	(pc) =	sbr.ind lr, $3  }
0x3a: {  	_ = 	snop  }
0x3b: {  	_ = 	snop  }
0x3c: {  	p2 =	seq.s32 s10, $0x1;
	s10 =	sld [smem:$0x3FA7]  }
0x3d: {  	_ =	shalt  }
0x3e: {  	_ =	shalt  }
0x3f: {  	_ =	shalt  }
0x40: {  	_ =	shalt  }
0x41: {  	_ =	shalt  }
0x42: {  	_ =	shalt  }
0x43: {  	_ =	shalt  }
0x44: {  	_ =	shalt  }
0x45: {  	_ =	shalt  }
0x46: {  	_ =	shalt  }
0x47: {  	_ =	shalt  }
0x48: {  	_ =	shalt  }
0x49: {  	_ =	shalt  }
0x4a: {  	_ =	shalt  }
0x4b: {  	_ =	shalt  }
0x4c: {  	_ =	shalt  }
0x4d: {  	_ =	shalt  }
0x4e: {  	_ =	shalt  }
0x4f: {  	_ =	shalt  }
0x50: {  	_ =	shalt  }
0x51: {  	_ =	shalt  }
0x52: {  	_ =	shalt  }
0x53: {  	_ =	shalt  }
0x54: {  	_ =	shalt  }
0x55: {  	_ =	shalt  }
0x56: {  	_ =	shalt  }
0x57: {  	_ =	shalt  }
0x58: {  	_ =	shalt  }
0x59: {  	_ =	shalt  }
0x5a: {  	_ =	shalt  }
0x5b: {  	_ =	shalt  }
0x5c: {  	_ =	shalt  }
0x5d: {  	_ =	shalt  }
0x5e: {  	_ =	shalt  }
0x5f: {  	_ =	shalt  }
0x60: {  	_ =	shalt  }
0x61: {  	_ =	shalt  }
0x62: {  	_ =	shalt  }
0x63: {  	_ =	shalt  }
0x64: {  	_ =	shalt  }
0x65: {  	_ =	shalt  }
0x66: {  	_ =	shalt  }
0x67: {  	_ =	shalt  }
0x68: {  	_ =	shalt  }
0x69: {  	_ =	shalt  }
0x6a: {  	_ =	shalt  }
0x6b: {  	_ =	shalt  }
0x6c: {  	_ =	shalt  }
0x6d: {  	_ =	shalt  }
0x6e: {  	_ =	shalt  }
0x6f: {  	_ =	shalt  }
0x70: {  	_ =	shalt  }
0x71: {  	_ =	shalt  }
0x72: {  	_ =	shalt  }
0x73: {  	_ =	shalt  }
0x74: {  	_ =	shalt  }
0x75: {  	_ =	shalt  }
0x76: {  	_ =	shalt  }
0x77: {  	_ =	shalt  }
0x78: {  	_ =	shalt  }
0x79: {  	_ =	shalt  }
0x7a: {  	_ =	shalt  }
0x7b: {  	_ =	shalt  }
0x7c: {  	_ =	shalt  }
0x7d: {  	_ =	shalt  }
0x7e: {  	_ =	shalt  }
0x7f: {  	_ =	shalt  }
0x80: {  	_ =	shalt  }
0x81: {  	_ =	shalt  }
0x82: {  	_ =	shalt  }
0x83: {  	_ =	shalt  }
0x84: {  	_ =	shalt  }
0x85: {  	_ =	shalt  }
0x86: {  	_ =	shalt  }
0x87: {  	_ =	shalt  }
.Lfunc_end0:
.L_simem_size_0:
called_computation.2_lowered:
.L_overlay_start_0:
0x88: {  	s2 =	sld [smem:$0x3FD9]  }
0x89: {  	s3 =	sld [smem:$0x3FFE];
	_ =	sdelay $0x1  }
0x8a: {  	s1 =	srdreg.scid  }
0x8b: {  	s0 =	sand.u32 $0x1, s1  }
0x8c: {  	s17 =	sshll.u32 s0, $0xA;
	s2 =	sadd.s32 s3, s2  }
0x8d: {  	s2 =	sadd.s32 s2, s17  }
0x8e: {  	[smem:$0x3FB3] =	sst s2  }
0x8f: {  	_ = 	snop  }
0x90: {  	(tm) =	ssettm $0x1  }
0x91: {  	s18 =	sld [smem:$0x3FFB];
	_ =	sdelay $0x3  }
0x92: {  	_ =	strace s18  }
0x93: {  	s2 =	sld [smem:$0x3FFC];
	_ =	sdelay $0x3  }
0x94: {  	_ =	strace s2  }
0x95: {  	s2 =	sld [smem:$0x3FFD];
	_ =	sdelay $0x3  }
0x96: {  	_ =	strace s2  }
0x97: {  	_ =	strace $0x8FFFFFFF  }
0x98: {  	s19 =	sld [smem:$0x3FDB];
	_ =	sdelay $0x1  }
0x99: {  	s20 =	simm.s32 $_scs_section_size  }
0x9a: {  	s4 =	simm.s32 $_size__tile_overlayer_lowered;
	s5 =	simm.s32 $_tile_overlayer_lowered  }
0x9b: {  	s6 =	simm.s32 $0x1BFF;
	s21 =	sshll.u32 s5, $0x1;
	s3 =	sadd.s32 s20, s19  }
0x9c: {  	s22 =	simm.s32 $0x0;
	s4 =	sshll.u32 s4, $0x1;
	s5 =	sadd.s32 s21, s3  }
0x9d: {  	[timem:s22], [sflag:s6] =	dma.local [hbm:s5], s4  }
0x9e: {  	_ =	swait.ge [sflag:s6], s4  }
0x9f: {  	s4 =	ssub.s32 $0x0, s4;
	[sflag:s6] =	ssyncset.done $0x0  }
0xa0: {  	[sflag:s6] =	ssyncadd.s32 s4;
	_ =	sdelay $0x1  }
0xa1: {  	s23 =	simm.s32 $0x1B8B  }
0xa2: {  	_ =	swait.ge [sflag:s23], $0x1  }
0xa3: {  	[sflag:s23] =	ssyncset.done $0x0  }
0xa4: {  	[sflag:s23] =	ssyncadd.s32 $0xFFFFFFFF  }
0xa5: {  	s4 =	sld [smem:$0x0]  }
0xa6: {  	s5 =	sand.u32 $0xFFFFFFFE, s1  }
0xa7: {  	p0 =	sne.s32 s1, s5  }
0xa8: {  	s5 =	sshll.u32 @p0 s5, $0xE  }
0xa9: {  	s5 =	sadd.s32 @p0 $0x11B8D, s5;
	s6 =	sshll.u32 @p0 s4, $0x11  }
0xaa: {  	s5 =	sor.u32 @p0 s6, s5  }
0xab: {  	[sflag:s5] =	ssyncadd.remote.s32 @p0 $0x1;
	_ =	sdelay $0x1  }
0xac: {  	s5 =	simm.s32 @p0 $0x1B8D  }
0xad: {  	_ =	swait.eq @p0 [sflag:s5], $0x1  }
0xae: {  	[sflag:s5] =	ssyncadd.s32 @p0 $0xFFFFFFFF  }
0xaf: {  	s6 =	sshll.u32 @!p0 s1, $0xE  }
0xb0: {  	s6 =	sor.u32 @!p0 $0x4000, s6;
	s5 =	simm.s32 @!p0 $0x1B8D  }
0xb1: {  	s4 =	sshll.u32 @!p0 s4, $0x11;
	s6 =	sadd.s32 @!p0 $0x11B8D, s6;
	_ =	swait.eq @!p0 [sflag:s5], $0x1  }
0xb2: {  	s4 =	sor.u32 @!p0 s4, s6;
	[sflag:s5] =	ssyncadd.s32 @!p0 $0xFFFFFFFF  }
0xb3: {  	s25 =	simm.s32 $0x1B8E;
	s24 =	sld [smem:$0x3FFE];
	[sflag:s4] =	ssyncadd.remote.s32 @!p0 $0x1  }
0xb4: {  	s26 =	simm.s32 $execute0_lowered;
	[smem:$0x3FD2] =	sst s25  }
0xb5: {  	s5 =	sshll.u32 s26, $0x1;
	_ =	strace $0x8000004C;
	[dreg:$0x1] =	wrdreg $0xFFFFFFFF  }
0xb6: {  	s28 =	simm.s32 $_size_execute0_lowered;
	s3 =	sadd.s32 s3, s5;
	[dreg:$0x0] =	wrdreg $0x0  }
0xb7: {  	s5 =	sshll.u32 s28, $0x1;
	[dreg:$0x2] =	wrdreg s3  }
0xb8: {  	[dreg:$0x3] =	wrdreg s5  }
0xb9: {  	[dreg:$0x4] =	wrdreg $0xC0  }
0xba: {  	_ =	task [dreg:s22], $0x5FFFF  }
0xbb: {  	[dreg:$0x1] =	wrdreg $0xFFFFFFFF  }
0xbc: {  	[dreg:$0x0] =	wrdreg $0x60  }
0xbd: {  	[dreg:$0x2] =	wrdreg s24  }
0xbe: {  	[dreg:$0x3] =	wrdreg $0x9  }
0xbf: {  	_ =	task.clear_ibuf [dreg:s22], $0x4FFFF;
	_ =	strace $0x9000004C  }
0xc0: {  	s29 =	simm.s32 $0x9;
	_ =	strace $0x8000004E  }
0xc1: {  	_ =	swait.ge [sflag:s29], $0x1  }
0xc2: {  	[sflag:s29] =	ssyncadd.s32 $0xFFFFFFFF  }
0xc3: {  	_ =	strace $0x9000004E  }
0xc4: {  	_ =	sfence  }
0xc5: {  	s30 =	sld [smem:$0x0];
	_ =	sdelay $0x2  }
0xc6: {  	s31 =	sshll.u32 s1, $0xD;
	s1 =	sshrl.u32 s1, $0x2  }
0xc7: {  	s4 =	sand.u32 $0x4000, s31;
	s1 =	sadd.s32 s1, s30  }
0xc8: {  	s0 =	sor.u32 s4, s0;
	s1 =	sshll.u32 s1, $0x11  }
0xc9: {  	s0 =	sor.u32 s1, s0  }
0xca: {  	s0 =	sadd.s32 $0x8F2B, s0  }
0xcb: {  	[sflag:s0] =	ssyncadd.remote.s32 $0x1  }
0xcc: {  	_ =	sfence.sel $0xFFFF  }
0xcd: {  	[dreg:$0x0] =	wrdreg $0xFFFFFFFF;
	(pc) =	sbr.abs _section_cstart, $3  }
0xce: {  	[dreg:$0x1] =	wrdreg $0xFFFFFFFF  }
0xcf: {  	_ =	task.clear_ibuf [dreg:s22], $0x2FFFF;
	_ =	strace $0x9FFFFFFF  }
0xd0: {  	(tm) =	ssettm $0x7FFFFFFF  }
0xd1: {  	_ =	shalt  }
tec
execute0_lowered:
.L_overlay_start_1:
0x0: {  	(tag) =	ssettag $0x1  }
0x1: {  	s0 =	srdreg.scid  }
0x2: {  	s14 =	stileid.u32;
	s3 =	rddreg [dreg:$0x0];
	s2 =	simm.s32 $0x0  }
0x3: {  	s7 =	simm.s32 $0x80;
	s8 =	simm.s32 $0x2A80;
	s25 =	simm.s32 $0x100  }
0x4: {  	s9 =	simm.s32 $0x4A80;
	s26 =	simm.s32 $0x180;
	s10 =	simm.s32 $0x6A80  }
0x5: {  	s30 =	simm.s32 $0x200;
	s11 =	simm.s32 $0x8A80;
	s31 =	simm.s32 $0x280  }
0x6: {  	s12 =	simm.s32 $0xAA80;
	s13 =	simm.s32 $0xCA80;
	s6 =	simm.s32 $0x1  }
0x7: {  	s28 =	simm.s32 $0x600;
	s29 =	simm.s32 $0x680;
	s15 =	simm.s32 $0x700  }
0x8: {  	p0 =	por $0x0, $0x0;
	s16 =	simm.s32 $0x780;
	s17 =	simm.s32 $0x800  }
0x9: {  	s18 =	simm.s32 $0x880;
	s19 =	simm.s32 $0x900;
	s20 =	simm.s32 $0x980  }
0xa: {  	s0 =	sand.u32 $0x1, s0;
	s1 =	sshll.u32 s14, $0x1;
	[smem:$0x7FF] =	sst s2  }
0xb: {  	s5 =	sadd.s32 $0x1FCA00, s3;
	_ =	strace $0x8000004D;
	[dreg:$0x6] =	wrdreg s25  }
0xc: {  	s1 =	sor.u32 s0, s1;
	s0 =	ssub.s32 $0x2, s0;
	[dreg:$0x7] =	wrdreg s26  }
0xd: {  	s25 =	simm.s32 $0x500;
	s4 =	smul.u32 $0x150, s1;
	s22 =	sshrl.u32 s0, $0x1  }
0xe: {  	s26 =	simm.s32 $0x580;
	s1 =	smul.u32 $0x5400, s1;
	s0 =	ssub.s32 s0, s22  }
0xf: {  	s22 =	simm.s32 $0x300;
	s4 =	sadd.s32 s4, s3;
	s0 =	smax.u32 s0, $0x1  }
0x10: {  	s1 =	sadd.s32 s1, s3;
	s21 =	sadd.s32 $0x8EA00, s4;
	p1 =	sne.s32 s0, $0x1  }
.Ltmp0:
0x11: {  	s23 =	sadd.s32 $0x139400, s1;
	[dreg:$0x2] =	wrdreg s21;
	(pc) =	sbr.rel @!p1 .LBB2_1-.Ltmp0, $4  }
0x12: {  	s3 =	simm.s32 $0x2;
	s24 =	sadd.s32 $0x13B000, s1;
	[dreg:$0x3] =	wrdreg s23  }
0x13: {  	s1 =	sadd.s32 $0x13CC00, s1;
	s4 =	simm.s32 $0xA80;
	[dreg:$0x4] =	wrdreg s24  }
0x14: {  	[dreg:$0x5] =	wrdreg s1;
	s23 =	simm.s32 $0x400;
	s24 =	simm.s32 $0x480  }
0x15: {  	s1 =	sadd.s32 $0xFFFFFFFF, s0;
	s21 =	simm.s32 $0xA00;
	s0 =	rddreg [dreg:$0x2]  }
0x16: {  	[tilespmem:s2], [sflag:$0x2] =	stream.linear.gather [hbm4b:s0+s2], $0xA80, $0x38;
	[tilespmem:$0xEA80] =	vst v63  }
0x17: {  	_ =	swait.ge [sflag:s3], $0xA80  }
0x18: {  	[sflag:s3] =	ssyncset.done $0x0  }
0x19: {  	[sflag:s3] =	ssyncadd.s32 $0xFFFFF580  }
0x1a: {  	[tilespmem:s4], [sflag:$0x1] =	stream.indirect.gather [hbm4b:s5+s7], $0x40, s2, s7, $0xb8;
	[tilespmem:$0xEA80] =	vst v63  }
0x1b: {  	_ = 	snop  }
0x1c: {  	[tilespmem:s8], [sflag:$0x1] =	stream.indirect.gather [hbm4b:s5+s7], $0x40, s7, s7, $0xb8;
	[tilespmem:$0xEA80] =	vst v63  }
0x1d: {  	s0 =	rddreg [dreg:$0x6]  }
0x1e: {  	[tilespmem:s9], [sflag:$0x1] =	stream.indirect.gather [hbm4b:s5+s7], $0x40, s0, s7, $0xb8;
	[tilespmem:$0xEA80] =	vst v63  }
0x1f: {  	s14 =	smov.u32 s1;
	s1 =	rddreg [dreg:$0x7]  }
0x20: {  	[tilespmem:s10], [sflag:$0x1] =	stream.indirect.gather [hbm4b:s5+s7], $0x40, s1, s7, $0xb8;
	[tilespmem:$0xEA80] =	vst v63  }
0x21: {  	_ = 	snop  }
0x22: {  	[tilespmem:s11], [sflag:$0x1] =	stream.indirect.gather [hbm4b:s5+s7], $0x40, s30, s7, $0xb8;
	[tilespmem:$0xEA80] =	vst v63  }
0x23: {  	_ = 	snop  }
0x24: {  	[tilespmem:s12], [sflag:$0x1] =	stream.indirect.gather [hbm4b:s5+s7], $0x40, s31, s7, $0xb8;
	[tilespmem:$0xEA80] =	vst v63  }
0x25: {  	_ = 	snop  }
0x26: {  	[tilespmem:s13], [sflag:$0x1] =	stream.indirect.gather [hbm4b:s5+s7], $0x40, s22, s7, $0xb8;
	[tilespmem:$0xEA80] =	vst v63  }
0x27: {  	_ =	swait.ge [sflag:s6], $0x2000  }
0x28: {  	[sflag:s6] =	ssyncset.done $0x0  }
0x29: {  	[sflag:s6] =	ssyncadd.s32 $0xFFFFE000  }
0x2a: {  	_ =	swait.ge [sflag:s6], $0x2000  }
0x2b: {  	[sflag:s6] =	ssyncset.done $0x0  }
0x2c: {  	[sflag:s6] =	ssyncadd.s32 $0xFFFFE000  }
0x2d: {  	_ =	swait.ge [sflag:s6], $0x2000  }
0x2e: {  	[sflag:s6] =	ssyncset.done $0x0  }
0x2f: {  	[sflag:s6] =	ssyncadd.s32 $0xFFFFE000  }
0x30: {  	_ =	swait.ge [sflag:s6], $0x2000  }
0x31: {  	[sflag:s6] =	ssyncset.done $0x0  }
0x32: {  	[sflag:s6] =	ssyncadd.s32 $0xFFFFE000  }
0x33: {  	_ =	swait.ge [sflag:s6], $0x2000  }
0x34: {  	[sflag:s6] =	ssyncset.done $0x0  }
0x35: {  	[sflag:s6] =	ssyncadd.s32 $0xFFFFE000  }
0x36: {  	_ =	swait.ge [sflag:s6], $0x2000  }
0x37: {  	[sflag:s6] =	ssyncset.done $0x0  }
0x38: {  	[sflag:s6] =	ssyncadd.s32 $0xFFFFE000  }
0x39: {  	_ =	swait.ge [sflag:s6], $0x2000  }
0x3a: {  	[sflag:s6] =	ssyncset.done $0x0  }
0x3b: {  	s1 =	rddreg [dreg:$0x3];
	[sflag:s6] =	ssyncadd.s32 $0xFFFFE000  }
0x3c: {  	[hbm4b:s1+s2] =	stream.linear.scatter [tilespmem:s4], [sflag:$0x2], $0xE000, $0x38;
	[tilespmem:$0xEA80] =	vst v63  }
0x3d: {  	_ =	swait.ge [sflag:s3], $0xE000  }
0x3e: {  	[sflag:s3] =	ssyncset.done $0x0  }
0x3f: {  	s1 =	simm.s32 $0x380;
	[sflag:s3] =	ssyncadd.s32 $0xFFFF2000  }
0x40: {  	[tilespmem:s4], [sflag:$0x1] =	stream.indirect.gather [hbm4b:s5+s7], $0x40, s1, s7, $0xb8;
	[tilespmem:$0xEA80] =	vst v63  }
0x41: {  	_ = 	snop  }
0x42: {  	[tilespmem:s8], [sflag:$0x1] =	stream.indirect.gather [hbm4b:s5+s7], $0x40, s23, s7, $0xb8;
	[tilespmem:$0xEA80] =	vst v63  }
0x43: {  	_ = 	snop  }
0x44: {  	[tilespmem:s9], [sflag:$0x1] =	stream.indirect.gather [hbm4b:s5+s7], $0x40, s24, s7, $0xb8;
	[tilespmem:$0xEA80] =	vst v63  }
0x45: {  	_ = 	snop  }
0x46: {  	[tilespmem:s10], [sflag:$0x1] =	stream.indirect.gather [hbm4b:s5+s7], $0x40, s25, s7, $0xb8;
	[tilespmem:$0xEA80] =	vst v63  }
0x47: {  	_ = 	snop  }
0x48: {  	[tilespmem:s11], [sflag:$0x1] =	stream.indirect.gather [hbm4b:s5+s7], $0x40, s26, s7, $0xb8;
	[tilespmem:$0xEA80] =	vst v63  }
0x49: {  	_ = 	snop  }
0x4a: {  	[tilespmem:s12], [sflag:$0x1] =	stream.indirect.gather [hbm4b:s5+s7], $0x40, s28, s7, $0xb8;
	[tilespmem:$0xEA80] =	vst v63  }
0x4b: {  	_ = 	snop  }
0x4c: {  	[tilespmem:s13], [sflag:$0x1] =	stream.indirect.gather [hbm4b:s5+s7], $0x40, s29, s7, $0xb8;
	[tilespmem:$0xEA80] =	vst v63  }
0x4d: {  	_ =	swait.ge [sflag:s6], $0x2000  }
0x4e: {  	[sflag:s6] =	ssyncset.done $0x0  }
0x4f: {  	[sflag:s6] =	ssyncadd.s32 $0xFFFFE000  }
0x50: {  	_ =	swait.ge [sflag:s6], $0x2000  }
0x51: {  	[sflag:s6] =	ssyncset.done $0x0  }
0x52: {  	[sflag:s6] =	ssyncadd.s32 $0xFFFFE000  }
0x53: {  	_ =	swait.ge [sflag:s6], $0x2000  }
0x54: {  	[sflag:s6] =	ssyncset.done $0x0  }
0x55: {  	[sflag:s6] =	ssyncadd.s32 $0xFFFFE000  }
0x56: {  	_ =	swait.ge [sflag:s6], $0x2000  }
0x57: {  	[sflag:s6] =	ssyncset.done $0x0  }
0x58: {  	[sflag:s6] =	ssyncadd.s32 $0xFFFFE000  }
0x59: {  	_ =	swait.ge [sflag:s6], $0x2000  }
0x5a: {  	[sflag:s6] =	ssyncset.done $0x0  }
0x5b: {  	[sflag:s6] =	ssyncadd.s32 $0xFFFFE000  }
0x5c: {  	_ =	swait.ge [sflag:s6], $0x2000  }
0x5d: {  	[sflag:s6] =	ssyncset.done $0x0  }
0x5e: {  	[sflag:s6] =	ssyncadd.s32 $0xFFFFE000  }
0x5f: {  	_ =	swait.ge [sflag:s6], $0x2000  }
0x60: {  	[sflag:s6] =	ssyncset.done $0x0  }
0x61: {  	s1 =	rddreg [dreg:$0x4];
	[sflag:s6] =	ssyncadd.s32 $0xFFFFE000  }
0x62: {  	[hbm4b:s1+s2] =	stream.linear.scatter [tilespmem:s4], [sflag:$0x2], $0xE000, $0x38;
	[tilespmem:$0xEA80] =	vst v63  }
0x63: {  	_ =	swait.ge [sflag:s3], $0xE000  }
0x64: {  	[sflag:s3] =	ssyncset.done $0x0  }
0x65: {  	[sflag:s3] =	ssyncadd.s32 $0xFFFF2000  }
0x66: {  	[tilespmem:s4], [sflag:$0x1] =	stream.indirect.gather [hbm4b:s5+s7], $0x40, s15, s7, $0xb8;
	[tilespmem:$0xEA80] =	vst v63  }
0x67: {  	_ = 	snop  }
0x68: {  	[tilespmem:s8], [sflag:$0x1] =	stream.indirect.gather [hbm4b:s5+s7], $0x40, s16, s7, $0xb8;
	[tilespmem:$0xEA80] =	vst v63  }
0x69: {  	_ = 	snop  }
0x6a: {  	[tilespmem:s9], [sflag:$0x1] =	stream.indirect.gather [hbm4b:s5+s7], $0x40, s17, s7, $0xb8;
	[tilespmem:$0xEA80] =	vst v63  }
0x6b: {  	_ = 	snop  }
0x6c: {  	[tilespmem:s10], [sflag:$0x1] =	stream.indirect.gather [hbm4b:s5+s7], $0x40, s18, s7, $0xb8;
	[tilespmem:$0xEA80] =	vst v63  }
0x6d: {  	_ = 	snop  }
0x6e: {  	[tilespmem:s11], [sflag:$0x1] =	stream.indirect.gather [hbm4b:s5+s7], $0x40, s19, s7, $0xb8;
	[tilespmem:$0xEA80] =	vst v63  }
0x6f: {  	_ = 	snop  }
0x70: {  	[tilespmem:s12], [sflag:$0x1] =	stream.indirect.gather [hbm4b:s5+s7], $0x40, s20, s7, $0xb8;
	[tilespmem:$0xEA80] =	vst v63  }
0x71: {  	_ = 	snop  }
0x72: {  	[tilespmem:s13], [sflag:$0x1] =	stream.indirect.gather [hbm4b:s5+s7], $0x40, s21, s7, $0xb8;
	[tilespmem:$0xEA80] =	vst v63  }
0x73: {  	_ =	swait.ge [sflag:s6], $0x2000  }
0x74: {  	[sflag:s6] =	ssyncset.done $0x0  }
0x75: {  	[sflag:s6] =	ssyncadd.s32 $0xFFFFE000  }
0x76: {  	_ =	swait.ge [sflag:s6], $0x2000  }
0x77: {  	[sflag:s6] =	ssyncset.done $0x0  }
0x78: {  	[sflag:s6] =	ssyncadd.s32 $0xFFFFE000  }
0x79: {  	_ =	swait.ge [sflag:s6], $0x2000  }
0x7a: {  	[sflag:s6] =	ssyncset.done $0x0  }
0x7b: {  	[sflag:s6] =	ssyncadd.s32 $0xFFFFE000  }
0x7c: {  	_ =	swait.ge [sflag:s6], $0x2000  }
0x7d: {  	[sflag:s6] =	ssyncset.done $0x0  }
0x7e: {  	[sflag:s6] =	ssyncadd.s32 $0xFFFFE000  }
0x7f: {  	_ =	swait.ge [sflag:s6], $0x2000  }
0x80: {  	[sflag:s6] =	ssyncset.done $0x0  }
0x81: {  	[sflag:s6] =	ssyncadd.s32 $0xFFFFE000  }
0x82: {  	_ =	swait.ge [sflag:s6], $0x2000  }
0x83: {  	[sflag:s6] =	ssyncset.done $0x0  }
0x84: {  	[sflag:s6] =	ssyncadd.s32 $0xFFFFE000  }
0x85: {  	p1 =	sne.s32 s14, $0x1;
	_ =	swait.ge [sflag:s6], $0x2000  }
.Ltmp1:
0x86: {  	[sflag:s6] =	ssyncset.done $0x0;
	(pc) =	sbr.rel @!p1 .LBB2_3-.Ltmp1, $4  }
0x87: {  	s1 =	rddreg [dreg:$0x5];
	[sflag:s6] =	ssyncadd.s32 $0xFFFFE000  }
0x88: {  	[hbm4b:s1+s2] =	stream.linear.scatter [tilespmem:s4], [sflag:$0x2], $0xE000, $0x38;
	[tilespmem:$0xEA80] =	vst v63  }
0x89: {  	p0 =	por $0x1, $0x1;
	_ =	swait.ge [sflag:s3], $0xE000  }
0x8a: {  	s1 =	sadd.s32 $0xFFFFFFFF, s14;
	s0 =	rddreg [dreg:$0x2];
	[sflag:s3] =	ssyncset.done $0x0  }
.LBB2_4:
0x8b: {  	[sflag:s3] =	ssyncadd.s32 $0xFFFF2000  }
0x8c: {  	[tilespmem:s2], [sflag:$0x2] =	stream.linear.gather [hbm4b:s0+s2], $0xA80, $0x38;
	[tilespmem:$0xEA80] =	vst v63  }
0x8d: {  	_ =	swait.ge [sflag:s3], $0xA80  }
0x8e: {  	[sflag:s3] =	ssyncset.done $0x0  }
0x8f: {  	[sflag:s3] =	ssyncadd.s32 $0xFFFFF580  }
0x90: {  	[tilespmem:s4], [sflag:$0x1] =	stream.indirect.gather [hbm4b:s5+s7], $0x40, s2, s7, $0xb8;
	[tilespmem:$0xEA80] =	vst v63  }
0x91: {  	_ = 	snop  }
0x92: {  	[tilespmem:s8], [sflag:$0x1] =	stream.indirect.gather [hbm4b:s5+s7], $0x40, s7, s7, $0xb8;
	[tilespmem:$0xEA80] =	vst v63  }
0x93: {  	s0 =	rddreg [dreg:$0x6]  }
0x94: {  	[tilespmem:s9], [sflag:$0x1] =	stream.indirect.gather [hbm4b:s5+s7], $0x40, s0, s7, $0xb8;
	[tilespmem:$0xEA80] =	vst v63  }
0x95: {  	s14 =	rddreg [dreg:$0x7]  }
0x96: {  	[tilespmem:s10], [sflag:$0x1] =	stream.indirect.gather [hbm4b:s5+s7], $0x40, s14, s7, $0xb8;
	[tilespmem:$0xEA80] =	vst v63  }
0x97: {  	_ = 	snop  }
0x98: {  	[tilespmem:s11], [sflag:$0x1] =	stream.indirect.gather [hbm4b:s5+s7], $0x40, s30, s7, $0xb8;
	[tilespmem:$0xEA80] =	vst v63  }
0x99: {  	_ = 	snop  }
0x9a: {  	[tilespmem:s12], [sflag:$0x1] =	stream.indirect.gather [hbm4b:s5+s7], $0x40, s31, s7, $0xb8;
	[tilespmem:$0xEA80] =	vst v63  }
0x9b: {  	_ = 	snop  }
0x9c: {  	[tilespmem:s13], [sflag:$0x1] =	stream.indirect.gather [hbm4b:s5+s7], $0x40, s22, s7, $0xb8;
	[tilespmem:$0xEA80] =	vst v63  }
0x9d: {  	_ =	swait.ge [sflag:s6], $0x2000  }
0x9e: {  	[sflag:s6] =	ssyncset.done $0x0  }
0x9f: {  	[sflag:s6] =	ssyncadd.s32 $0xFFFFE000  }
0xa0: {  	_ =	swait.ge [sflag:s6], $0x2000  }
0xa1: {  	[sflag:s6] =	ssyncset.done $0x0  }
0xa2: {  	[sflag:s6] =	ssyncadd.s32 $0xFFFFE000  }
0xa3: {  	_ =	swait.ge [sflag:s6], $0x2000  }
0xa4: {  	[sflag:s6] =	ssyncset.done $0x0  }
0xa5: {  	[sflag:s6] =	ssyncadd.s32 $0xFFFFE000  }
0xa6: {  	_ =	swait.ge [sflag:s6], $0x2000  }
0xa7: {  	[sflag:s6] =	ssyncset.done $0x0  }
0xa8: {  	[sflag:s6] =	ssyncadd.s32 $0xFFFFE000  }
0xa9: {  	_ =	swait.ge [sflag:s6], $0x2000  }
0xaa: {  	[sflag:s6] =	ssyncset.done $0x0  }
0xab: {  	[sflag:s6] =	ssyncadd.s32 $0xFFFFE000  }
0xac: {  	_ =	swait.ge [sflag:s6], $0x2000  }
0xad: {  	[sflag:s6] =	ssyncset.done $0x0  }
0xae: {  	[sflag:s6] =	ssyncadd.s32 $0xFFFFE000  }
0xaf: {  	_ =	swait.ge [sflag:s6], $0x2000  }
0xb0: {  	[sflag:s6] =	ssyncset.done $0x0  }
0xb1: {  	s14 =	rddreg [dreg:$0x3];
	[sflag:s6] =	ssyncadd.s32 $0xFFFFE000  }
0xb2: {  	[hbm4b:s14+s2] =	stream.linear.scatter [tilespmem:s4], [sflag:$0x2], $0xE000, $0x38;
	[tilespmem:$0xEA80] =	vst v63  }
0xb3: {  	_ =	swait.ge [sflag:s3], $0xE000  }
0xb4: {  	[sflag:s3] =	ssyncset.done $0x0  }
0xb5: {  	s14 =	simm.s32 $0x380;
	[sflag:s3] =	ssyncadd.s32 $0xFFFF2000  }
0xb6: {  	[tilespmem:s4], [sflag:$0x1] =	stream.indirect.gather [hbm4b:s5+s7], $0x40, s14, s7, $0xb8;
	[tilespmem:$0xEA80] =	vst v63  }
0xb7: {  	_ = 	snop  }
0xb8: {  	[tilespmem:s8], [sflag:$0x1] =	stream.indirect.gather [hbm4b:s5+s7], $0x40, s23, s7, $0xb8;
	[tilespmem:$0xEA80] =	vst v63  }
0xb9: {  	_ = 	snop  }
0xba: {  	[tilespmem:s9], [sflag:$0x1] =	stream.indirect.gather [hbm4b:s5+s7], $0x40, s24, s7, $0xb8;
	[tilespmem:$0xEA80] =	vst v63  }
0xbb: {  	_ = 	snop  }
0xbc: {  	[tilespmem:s10], [sflag:$0x1] =	stream.indirect.gather [hbm4b:s5+s7], $0x40, s25, s7, $0xb8;
	[tilespmem:$0xEA80] =	vst v63  }
0xbd: {  	_ = 	snop  }
0xbe: {  	[tilespmem:s11], [sflag:$0x1] =	stream.indirect.gather [hbm4b:s5+s7], $0x40, s26, s7, $0xb8;
	[tilespmem:$0xEA80] =	vst v63  }
0xbf: {  	_ = 	snop  }
0xc0: {  	[tilespmem:s12], [sflag:$0x1] =	stream.indirect.gather [hbm4b:s5+s7], $0x40, s28, s7, $0xb8;
	[tilespmem:$0xEA80] =	vst v63  }
0xc1: {  	_ = 	snop  }
0xc2: {  	[tilespmem:s13], [sflag:$0x1] =	stream.indirect.gather [hbm4b:s5+s7], $0x40, s29, s7, $0xb8;
	[tilespmem:$0xEA80] =	vst v63  }
0xc3: {  	_ =	swait.ge [sflag:s6], $0x2000  }
0xc4: {  	[sflag:s6] =	ssyncset.done $0x0  }
0xc5: {  	[sflag:s6] =	ssyncadd.s32 $0xFFFFE000  }
0xc6: {  	_ =	swait.ge [sflag:s6], $0x2000  }
0xc7: {  	[sflag:s6] =	ssyncset.done $0x0  }
0xc8: {  	[sflag:s6] =	ssyncadd.s32 $0xFFFFE000  }
0xc9: {  	_ =	swait.ge [sflag:s6], $0x2000  }
0xca: {  	[sflag:s6] =	ssyncset.done $0x0  }
0xcb: {  	[sflag:s6] =	ssyncadd.s32 $0xFFFFE000  }
0xcc: {  	_ =	swait.ge [sflag:s6], $0x2000  }
0xcd: {  	[sflag:s6] =	ssyncset.done $0x0  }
0xce: {  	[sflag:s6] =	ssyncadd.s32 $0xFFFFE000  }
0xcf: {  	_ =	swait.ge [sflag:s6], $0x2000  }
0xd0: {  	[sflag:s6] =	ssyncset.done $0x0  }
0xd1: {  	[sflag:s6] =	ssyncadd.s32 $0xFFFFE000  }
0xd2: {  	_ =	swait.ge [sflag:s6], $0x2000  }
0xd3: {  	[sflag:s6] =	ssyncset.done $0x0  }
0xd4: {  	[sflag:s6] =	ssyncadd.s32 $0xFFFFE000  }
0xd5: {  	_ =	swait.ge [sflag:s6], $0x2000  }
0xd6: {  	[sflag:s6] =	ssyncset.done $0x0  }
0xd7: {  	s14 =	rddreg [dreg:$0x4];
	[sflag:s6] =	ssyncadd.s32 $0xFFFFE000  }
0xd8: {  	[hbm4b:s14+s2] =	stream.linear.scatter [tilespmem:s4], [sflag:$0x2], $0xE000, $0x38;
	[tilespmem:$0xEA80] =	vst v63  }
0xd9: {  	_ =	swait.ge [sflag:s3], $0xE000  }
0xda: {  	[sflag:s3] =	ssyncset.done $0x0  }
0xdb: {  	[sflag:s3] =	ssyncadd.s32 $0xFFFF2000  }
0xdc: {  	[tilespmem:s4], [sflag:$0x1] =	stream.indirect.gather [hbm4b:s5+s7], $0x40, s15, s7, $0xb8;
	[tilespmem:$0xEA80] =	vst v63  }
0xdd: {  	_ = 	snop  }
0xde: {  	[tilespmem:s8], [sflag:$0x1] =	stream.indirect.gather [hbm4b:s5+s7], $0x40, s16, s7, $0xb8;
	[tilespmem:$0xEA80] =	vst v63  }
0xdf: {  	_ = 	snop  }
0xe0: {  	[tilespmem:s9], [sflag:$0x1] =	stream.indirect.gather [hbm4b:s5+s7], $0x40, s17, s7, $0xb8;
	[tilespmem:$0xEA80] =	vst v63  }
0xe1: {  	_ = 	snop  }
0xe2: {  	[tilespmem:s10], [sflag:$0x1] =	stream.indirect.gather [hbm4b:s5+s7], $0x40, s18, s7, $0xb8;
	[tilespmem:$0xEA80] =	vst v63  }
0xe3: {  	_ = 	snop  }
0xe4: {  	[tilespmem:s11], [sflag:$0x1] =	stream.indirect.gather [hbm4b:s5+s7], $0x40, s19, s7, $0xb8;
	[tilespmem:$0xEA80] =	vst v63  }
0xe5: {  	_ = 	snop  }
0xe6: {  	[tilespmem:s12], [sflag:$0x1] =	stream.indirect.gather [hbm4b:s5+s7], $0x40, s20, s7, $0xb8;
	[tilespmem:$0xEA80] =	vst v63  }
0xe7: {  	_ = 	snop  }
0xe8: {  	[tilespmem:s13], [sflag:$0x1] =	stream.indirect.gather [hbm4b:s5+s7], $0x40, s21, s7, $0xb8;
	[tilespmem:$0xEA80] =	vst v63  }
0xe9: {  	_ =	swait.ge [sflag:s6], $0x2000  }
0xea: {  	[sflag:s6] =	ssyncset.done $0x0  }
0xeb: {  	[sflag:s6] =	ssyncadd.s32 $0xFFFFE000  }
0xec: {  	_ =	swait.ge [sflag:s6], $0x2000  }
0xed: {  	[sflag:s6] =	ssyncset.done $0x0  }
0xee: {  	[sflag:s6] =	ssyncadd.s32 $0xFFFFE000  }
0xef: {  	_ =	swait.ge [sflag:s6], $0x2000  }
0xf0: {  	[sflag:s6] =	ssyncset.done $0x0  }
0xf1: {  	[sflag:s6] =	ssyncadd.s32 $0xFFFFE000  }
0xf2: {  	_ =	swait.ge [sflag:s6], $0x2000  }
0xf3: {  	[sflag:s6] =	ssyncset.done $0x0  }
0xf4: {  	[sflag:s6] =	ssyncadd.s32 $0xFFFFE000  }
0xf5: {  	_ =	swait.ge [sflag:s6], $0x2000  }
0xf6: {  	[sflag:s6] =	ssyncset.done $0x0  }
0xf7: {  	[sflag:s6] =	ssyncadd.s32 $0xFFFFE000  }
0xf8: {  	_ =	swait.ge [sflag:s6], $0x2000  }
0xf9: {  	[sflag:s6] =	ssyncset.done $0x0  }
0xfa: {  	[sflag:s6] =	ssyncadd.s32 $0xFFFFE000  }
0xfb: {  	p1 =	sne.s32 s1, $0x1;
	_ =	swait.ge [sflag:s6], $0x2000  }
.Ltmp2:
0xfc: {  	[sflag:s6] =	ssyncset.done $0x0;
	(pc) =	sbr.rel @p1 .LBB2_4-.Ltmp2, $4  }
0xfd: {  	s14 =	rddreg [dreg:$0x5];
	[sflag:s6] =	ssyncadd.s32 $0xFFFFE000  }
0xfe: {  	[hbm4b:s14+s2] =	stream.linear.scatter [tilespmem:s4], [sflag:$0x2], $0xE000, $0x38;
	[tilespmem:$0xEA80] =	vst v63  }
0xff: {  	_ =	swait.ge [sflag:s3], $0xE000  }
0x100: {  	s1 =	sadd.s32 $0xFFFFFFFF, s1;
	s0 =	rddreg [dreg:$0x2];
	[sflag:s3] =	ssyncset.done $0x0  }
0x101: {  	s21 =	simm.s32 $0x300;
	s31 =	simm.s32 $0x280  }
0x102: {  	s30 =	simm.s32 $0x200;
	s29 =	simm.s32 $0x680;
	s28 =	simm.s32 $0x600  }
0x103: {  	s26 =	simm.s32 $0x580;
	s25 =	simm.s32 $0x500;
	s24 =	simm.s32 $0x480  }
0x104: {  	s23 =	simm.s32 $0x400;
	s22 =	simm.s32 $0x380;
	s20 =	simm.s32 $0x980  }
0x105: {  	s19 =	simm.s32 $0x900;
	s18 =	simm.s32 $0x880;
	s17 =	simm.s32 $0x800  }
0x106: {  	s16 =	simm.s32 $0x780;
	s15 =	simm.s32 $0x700;
	s14 =	stileid.u32  }
.LBB2_6:
0x107: {  	[sflag:s3] =	ssyncadd.s32 @p0 $0xFFFF2000  }
0x108: {  	[tilespmem:s2], [sflag:$0x2] =	stream.linear.gather [hbm4b:s0+s2], $0xA80, $0x38;
	[tilespmem:$0xEA80] =	vst v63  }
0x109: {  	_ =	swait.ge [sflag:s3], $0xA80  }
0x10a: {  	[sflag:s3] =	ssyncset.done $0x0  }
0x10b: {  	[sflag:s3] =	ssyncadd.s32 $0xFFFFF580  }
0x10c: {  	[tilespmem:s4], [sflag:$0x1] =	stream.indirect.gather [hbm4b:s5+s7], $0x40, s2, s7, $0xb8;
	[tilespmem:$0xEA80] =	vst v63  }
0x10d: {  	_ = 	snop  }
0x10e: {  	[tilespmem:s8], [sflag:$0x1] =	stream.indirect.gather [hbm4b:s5+s7], $0x40, s7, s7, $0xb8;
	[tilespmem:$0xEA80] =	vst v63  }
0x10f: {  	s0 =	rddreg [dreg:$0x6]  }
0x110: {  	[tilespmem:s9], [sflag:$0x1] =	stream.indirect.gather [hbm4b:s5+s7], $0x40, s0, s7, $0xb8;
	[tilespmem:$0xEA80] =	vst v63  }
0x111: {  	s1 =	rddreg [dreg:$0x7]  }
0x112: {  	[tilespmem:s10], [sflag:$0x1] =	stream.indirect.gather [hbm4b:s5+s7], $0x40, s1, s7, $0xb8;
	[tilespmem:$0xEA80] =	vst v63  }
0x113: {  	_ = 	snop  }
0x114: {  	[tilespmem:s11], [sflag:$0x1] =	stream.indirect.gather [hbm4b:s5+s7], $0x40, s30, s7, $0xb8;
	[tilespmem:$0xEA80] =	vst v63  }
0x115: {  	_ = 	snop  }
0x116: {  	[tilespmem:s12], [sflag:$0x1] =	stream.indirect.gather [hbm4b:s5+s7], $0x40, s31, s7, $0xb8;
	[tilespmem:$0xEA80] =	vst v63  }
0x117: {  	_ = 	snop  }
0x118: {  	[tilespmem:s13], [sflag:$0x1] =	stream.indirect.gather [hbm4b:s5+s7], $0x40, s21, s7, $0xb8;
	[tilespmem:$0xEA80] =	vst v63  }
0x119: {  	_ =	swait.ge [sflag:s6], $0x2000  }
0x11a: {  	[sflag:s6] =	ssyncset.done $0x0  }
0x11b: {  	[sflag:s6] =	ssyncadd.s32 $0xFFFFE000  }
0x11c: {  	_ =	swait.ge [sflag:s6], $0x2000  }
0x11d: {  	[sflag:s6] =	ssyncset.done $0x0  }
0x11e: {  	[sflag:s6] =	ssyncadd.s32 $0xFFFFE000  }
0x11f: {  	_ =	swait.ge [sflag:s6], $0x2000  }
0x120: {  	[sflag:s6] =	ssyncset.done $0x0  }
0x121: {  	[sflag:s6] =	ssyncadd.s32 $0xFFFFE000  }
0x122: {  	_ =	swait.ge [sflag:s6], $0x2000  }
0x123: {  	[sflag:s6] =	ssyncset.done $0x0  }
0x124: {  	[sflag:s6] =	ssyncadd.s32 $0xFFFFE000  }
0x125: {  	_ =	swait.ge [sflag:s6], $0x2000  }
0x126: {  	[sflag:s6] =	ssyncset.done $0x0  }
0x127: {  	[sflag:s6] =	ssyncadd.s32 $0xFFFFE000  }
0x128: {  	_ =	swait.ge [sflag:s6], $0x2000  }
0x129: {  	[sflag:s6] =	ssyncset.done $0x0  }
0x12a: {  	[sflag:s6] =	ssyncadd.s32 $0xFFFFE000  }
0x12b: {  	_ =	swait.ge [sflag:s6], $0x2000  }
0x12c: {  	[sflag:s6] =	ssyncset.done $0x0  }
0x12d: {  	s21 =	rddreg [dreg:$0x3];
	[sflag:s6] =	ssyncadd.s32 $0xFFFFE000  }
0x12e: {  	[hbm4b:s21+s2] =	stream.linear.scatter [tilespmem:s4], [sflag:$0x2], $0xE000, $0x38;
	[tilespmem:$0xEA80] =	vst v63  }
0x12f: {  	_ =	swait.ge [sflag:s3], $0xE000  }
0x130: {  	[sflag:s3] =	ssyncset.done $0x0  }
0x131: {  	[sflag:s3] =	ssyncadd.s32 $0xFFFF2000  }
0x132: {  	[tilespmem:s4], [sflag:$0x1] =	stream.indirect.gather [hbm4b:s5+s7], $0x40, s22, s7, $0xb8;
	[tilespmem:$0xEA80] =	vst v63  }
0x133: {  	_ = 	snop  }
0x134: {  	[tilespmem:s8], [sflag:$0x1] =	stream.indirect.gather [hbm4b:s5+s7], $0x40, s23, s7, $0xb8;
	[tilespmem:$0xEA80] =	vst v63  }
0x135: {  	_ = 	snop  }
0x136: {  	[tilespmem:s9], [sflag:$0x1] =	stream.indirect.gather [hbm4b:s5+s7], $0x40, s24, s7, $0xb8;
	[tilespmem:$0xEA80] =	vst v63  }
0x137: {  	_ = 	snop  }
0x138: {  	[tilespmem:s10], [sflag:$0x1] =	stream.indirect.gather [hbm4b:s5+s7], $0x40, s25, s7, $0xb8;
	[tilespmem:$0xEA80] =	vst v63  }
0x139: {  	_ = 	snop  }
0x13a: {  	[tilespmem:s11], [sflag:$0x1] =	stream.indirect.gather [hbm4b:s5+s7], $0x40, s26, s7, $0xb8;
	[tilespmem:$0xEA80] =	vst v63  }
0x13b: {  	_ = 	snop  }
0x13c: {  	[tilespmem:s12], [sflag:$0x1] =	stream.indirect.gather [hbm4b:s5+s7], $0x40, s28, s7, $0xb8;
	[tilespmem:$0xEA80] =	vst v63  }
0x13d: {  	_ = 	snop  }
0x13e: {  	[tilespmem:s13], [sflag:$0x1] =	stream.indirect.gather [hbm4b:s5+s7], $0x40, s29, s7, $0xb8;
	[tilespmem:$0xEA80] =	vst v63  }
0x13f: {  	_ =	swait.ge [sflag:s6], $0x2000  }
0x140: {  	[sflag:s6] =	ssyncset.done $0x0  }
0x141: {  	[sflag:s6] =	ssyncadd.s32 $0xFFFFE000  }
0x142: {  	_ =	swait.ge [sflag:s6], $0x2000  }
0x143: {  	[sflag:s6] =	ssyncset.done $0x0  }
0x144: {  	[sflag:s6] =	ssyncadd.s32 $0xFFFFE000  }
0x145: {  	_ =	swait.ge [sflag:s6], $0x2000  }
0x146: {  	[sflag:s6] =	ssyncset.done $0x0  }
0x147: {  	[sflag:s6] =	ssyncadd.s32 $0xFFFFE000  }
0x148: {  	_ =	swait.ge [sflag:s6], $0x2000  }
0x149: {  	[sflag:s6] =	ssyncset.done $0x0  }
0x14a: {  	[sflag:s6] =	ssyncadd.s32 $0xFFFFE000  }
0x14b: {  	_ =	swait.ge [sflag:s6], $0x2000  }
0x14c: {  	[sflag:s6] =	ssyncset.done $0x0  }
0x14d: {  	[sflag:s6] =	ssyncadd.s32 $0xFFFFE000  }
0x14e: {  	_ =	swait.ge [sflag:s6], $0x2000  }
0x14f: {  	[sflag:s6] =	ssyncset.done $0x0  }
0x150: {  	[sflag:s6] =	ssyncadd.s32 $0xFFFFE000  }
0x151: {  	_ =	swait.ge [sflag:s6], $0x2000  }
0x152: {  	[sflag:s6] =	ssyncset.done $0x0  }
0x153: {  	s29 =	rddreg [dreg:$0x4];
	[sflag:s6] =	ssyncadd.s32 $0xFFFFE000  }
0x154: {  	[hbm4b:s29+s2] =	stream.linear.scatter [tilespmem:s4], [sflag:$0x2], $0xE000, $0x38;
	[tilespmem:$0xEA80] =	vst v63  }
0x155: {  	_ =	swait.ge [sflag:s3], $0xE000  }
0x156: {  	[sflag:s3] =	ssyncset.done $0x0  }
0x157: {  	[sflag:s3] =	ssyncadd.s32 $0xFFFF2000  }
0x158: {  	[tilespmem:s4], [sflag:$0x1] =	stream.indirect.gather [hbm4b:s5+s7], $0x40, s15, s7, $0xb8;
	[tilespmem:$0xEA80] =	vst v63  }
0x159: {  	_ = 	snop  }
0x15a: {  	[tilespmem:s8], [sflag:$0x1] =	stream.indirect.gather [hbm4b:s5+s7], $0x40, s16, s7, $0xb8;
	[tilespmem:$0xEA80] =	vst v63  }
0x15b: {  	_ = 	snop  }
0x15c: {  	[tilespmem:s9], [sflag:$0x1] =	stream.indirect.gather [hbm4b:s5+s7], $0x40, s17, s7, $0xb8;
	[tilespmem:$0xEA80] =	vst v63  }
0x15d: {  	_ = 	snop  }
0x15e: {  	[tilespmem:s10], [sflag:$0x1] =	stream.indirect.gather [hbm4b:s5+s7], $0x40, s18, s7, $0xb8;
	[tilespmem:$0xEA80] =	vst v63  }
0x15f: {  	_ = 	snop  }
0x160: {  	[tilespmem:s11], [sflag:$0x1] =	stream.indirect.gather [hbm4b:s5+s7], $0x40, s19, s7, $0xb8;
	[tilespmem:$0xEA80] =	vst v63  }
0x161: {  	_ = 	snop  }
0x162: {  	[tilespmem:s12], [sflag:$0x1] =	stream.indirect.gather [hbm4b:s5+s7], $0x40, s20, s7, $0xb8;
	[tilespmem:$0xEA80] =	vst v63  }
0x163: {  	s30 =	simm.s32 $0xA00  }
0x164: {  	[tilespmem:s13], [sflag:$0x1] =	stream.indirect.gather [hbm4b:s5+s7], $0x40, s30, s7, $0xb8;
	[tilespmem:$0xEA80] =	vst v63  }
0x165: {  	_ =	swait.ge [sflag:s6], $0x2000  }
0x166: {  	[sflag:s6] =	ssyncset.done $0x0  }
0x167: {  	[sflag:s6] =	ssyncadd.s32 $0xFFFFE000  }
0x168: {  	_ =	swait.ge [sflag:s6], $0x2000  }
0x169: {  	[sflag:s6] =	ssyncset.done $0x0  }
0x16a: {  	[sflag:s6] =	ssyncadd.s32 $0xFFFFE000  }
0x16b: {  	_ =	swait.ge [sflag:s6], $0x2000  }
0x16c: {  	[sflag:s6] =	ssyncset.done $0x0  }
0x16d: {  	[sflag:s6] =	ssyncadd.s32 $0xFFFFE000  }
0x16e: {  	_ =	swait.ge [sflag:s6], $0x2000  }
0x16f: {  	[sflag:s6] =	ssyncset.done $0x0  }
0x170: {  	[sflag:s6] =	ssyncadd.s32 $0xFFFFE000  }
0x171: {  	_ =	swait.ge [sflag:s6], $0x2000  }
0x172: {  	[sflag:s6] =	ssyncset.done $0x0  }
0x173: {  	[sflag:s6] =	ssyncadd.s32 $0xFFFFE000  }
0x174: {  	_ =	swait.ge [sflag:s6], $0x2000  }
0x175: {  	[sflag:s6] =	ssyncset.done $0x0  }
0x176: {  	[sflag:s6] =	ssyncadd.s32 $0xFFFFE000  }
0x177: {  	_ =	swait.ge [sflag:s6], $0x2000  }
0x178: {  	[sflag:s6] =	ssyncset.done $0x0  }
0x179: {  	s31 =	rddreg [dreg:$0x5];
	[sflag:s6] =	ssyncadd.s32 $0xFFFFE000  }
0x17a: {  	[hbm4b:s31+s2] =	stream.linear.scatter [tilespmem:s4], [sflag:$0x2], $0xE000, $0x38;
	[tilespmem:$0xEA80] =	vst v63  }
0x17b: {  	_ =	swait.ge [sflag:s3], $0xE000  }
0x17c: {  	[sflag:s3] =	ssyncset.done $0x0  }
0x17d: {  	[sflag:s3] =	ssyncadd.s32 $0xFFFF2000  }
0x17e: {  	_ =	sfence.sel $0x180000  }
0x17f: {  	[bflag:$0x0] =	sbarrier.arrive $0xFFFF  }
0x180: {  	_ =	strace $0x9000004D  }
0x181: {  	[bflag:$0x2] =	sbarrier.arrive $0xFFFF  }
0x182: {  	p0 =	sne.s32 s14, $0x0;
	s0 =	rddreg [dreg:$0x1]  }
0x183: {  	s0 =	sadd.s32 @!p0 $0x100000, s0  }
0x184: {  	[sflag:s0] =	ssyncadd.tile.s32 @!p0 $0x1;
	_ =	shalt  }
.LBB2_1:
0x185: {  	s21 =	simm.s32 $0x300;
	s31 =	simm.s32 $0x280  }
.Ltmp3:
0x186: {  	s30 =	simm.s32 $0x200;
	s29 =	simm.s32 $0x680;
	(pc) =	sbr.rel .LBB2_6-.Ltmp3, $4  }
0x187: {  	s28 =	simm.s32 $0x600;
	s26 =	simm.s32 $0x580;
	s25 =	simm.s32 $0x500  }
0x188: {  	s24 =	simm.s32 $0x480;
	s23 =	simm.s32 $0x400;
	s22 =	simm.s32 $0x380  }
0x189: {  	s20 =	simm.s32 $0x980;
	s19 =	simm.s32 $0x900;
	s18 =	simm.s32 $0x880  }
0x18a: {  	s17 =	simm.s32 $0x800;
	s16 =	simm.s32 $0x780;
	s15 =	simm.s32 $0x700  }
.LBB2_3:
0x18b: {  	s21 =	simm.s32 $0x300;
	s31 =	simm.s32 $0x280;
	s30 =	simm.s32 $0x200  }
.Ltmp4:
0x18c: {  	s29 =	simm.s32 $0x680;
	s28 =	simm.s32 $0x600;
	(pc) =	sbr.rel .LBB2_6-.Ltmp4, $4  }
0x18d: {  	s26 =	simm.s32 $0x580;
	s25 =	simm.s32 $0x500;
	s24 =	simm.s32 $0x480  }
0x18e: {  	s23 =	simm.s32 $0x400;
	s22 =	simm.s32 $0x380;
	s20 =	simm.s32 $0x980  }
0x18f: {  	s19 =	simm.s32 $0x900;
	s18 =	simm.s32 $0x880;
	s17 =	simm.s32 $0x800  }
0x190: {  	s16 =	simm.s32 $0x780;
	s15 =	simm.s32 $0x700;
	s14 =	stileid.u32  }
.Lfunc_end2:
_tile_overlayer_lowered:
.L_overlay_start_2:
0x191: {  	(tag) =	ssettag $0x2  }
0x192: {  	s0 =	rddreg [dreg:$0x0];
	s2 =	stileid.u32  }
0x193: {  	s1 =	rddreg [dreg:$0x1];
	p0 =	sne.s32 s2, $0x0  }
0x194: {  	s3 =	rddreg [dreg:$0x2];
	[bflag:$0x3] =	sbarrier.arrive $0xFFFF;
	s2 =	simm.s32 @!p0 $0x1C02  }
0x195: {  	[timem:s3], [sflag:s2] =	dma.local @!p0 [hbm:s0], s1  }
0x196: {  	s0 =	simm.s32 @!p0 $0x2  }
0x197: {  	_ =	swait.ge @!p0 [sflag:s0], s1  }
0x198: {  	s1 =	ssub.s32 @!p0 $0x0, s1;
	[sflag:s0] =	ssyncset.done @!p0 $0x0  }
0x199: {  	[sflag:s0] =	ssyncadd.s32 @!p0 s1  }
0x19a: {  	[bflag:$0x3] =	sbarrier.arrive $0xFFFF  }
0x19b: {  	_ =	shalt  }

// kernel: kernel.19.cloned.1.call-start
scs
__scs_entry_jumppad:
0x0: {  	(pc) =	sbr.rel $0x88, $3  }
0x1: {  	(tag) =	ssettag $0x0;
	lr =	simm.s32 $0x1  }
0x2: {  	[smem:$0x3F8C] =	sst lr;
	_ =	strace $0xD0000000  }
0x3: {  	_ = 	snop  }
0x4: {  	_ = 	snop  }
0x5: {  	_ = 	snop  }
0x6: {  	_ = 	snop  }
0x7: {  	_ = 	snop  }
__scs_overlays_trampoline_lowered:
0x8: {  	[smem:$0x3F9B] =	sst s0  }
0x9: {  	[smem:$0x3F9C] =	sst s1  }
0xa: {  	[smem:$0x3F9D] =	sst s2  }
0xb: {  	[smem:$0x3F9E] =	sst s3  }
0xc: {  	[smem:$0x3F9F] =	sst s4  }
0xd: {  	[smem:$0x3FA0] =	sst s5  }
0xe: {  	[smem:$0x3FA1] =	sst s6  }
0xf: {  	[smem:$0x3FA2] =	sst s7  }
0x10: {  	[smem:$0x3FA3] =	sst s8  }
0x11: {  	[smem:$0x3FA4] =	sst s9;
	s0 =	simm.s32 @!p0 $0x0  }
0x12: {  	s1 =	sld [smem:$0x3F8A];
	s0 =	simm.s32 @p0 $0x1  }
0x13: {  	[smem:$0x3FA5] =	sst s0;
	s0 =	simm.s32 @!p1 $0x0  }
0x14: {  	s2 =	sld [smem:$0x3F89];
	s0 =	simm.s32 @p1 $0x1  }
0x15: {  	[smem:$0x3FA6] =	sst s0;
	s0 =	simm.s32 @!p2 $0x0  }
0x16: {  	s3 =	sld [smem:$0x3FDB];
	s0 =	simm.s32 @p2 $0x1  }
0x17: {  	s4 =	simm.s32 $0x1BF5;
	[smem:$0x3FA8] =	sst s0  }
0x18: {  	s0 =	sld [smem:$0x3F8B];
	_ =	swait.ge [sflag:s4], $0x0  }
0x19: {  	s7 =	sld [smem:$0x3F8C]  }
0x1a: {  	s8 =	sadd.s32 $0xFFFFE003, lr  }
0x1b: {  	s9 =	sadd.s32 $0xFFFFFEF7, lr;
	s5 =	simm.s32 $0xFFFFFFFF;
	p2 =	slt.u32 s8, $0xFFFFF086  }
0x1c: {  	p1 =	slt.u32 s9, $0xF7A;
	s5 =	simm.s32 @!p2 $0x0  }
0x1d: {  	s5 =	simm.s32 @p1 $0x1;
	p0 =	seq.s32 s7, s2  }
0x1e: {  	s7 =	smul.u32 @!p0 $0xF7A, s2;
	p2 =	seq.s32 @!p0 s5, $0x0  }
0x1f: {  	s9 =	smul.u32 $0xF7A, s1;
	s8 =	simm.s32 @!p0 $0x1BF5;
	p2 =	por !p2, p0  }
0x20: {  	[sflag:s8] =	ssyncset.s32 @!p0 $0xFFFFF086;
	s6 =	sadd.s32 @!p0 s3, s7;
	s7 =	simm.s32 @!p0 $0x108  }
0x21: {  	s3 =	sadd.s32 s3, s9;
	s6 =	sadd.s32 @!p0 $0x88, s6;
	s7 =	simm.s32 @p2 $0x1082  }
0x22: {  	[simem:s7], [sflag:s8] =	dma.local @!p0 [hbm:s6], $0xF7A  }
0x23: {  	s9 =	sor.u32 $0xD0000000, s2;
	s6 =	simm.s32 $0x108;
	_ =	swait.ge @!p0 [sflag:s8], $0x0  }
0x24: {  	s3 =	sadd.s32 $0x88, s3;
	s6 =	simm.s32 @!p1 $0x1082;
	[sflag:s4] =	ssyncset.s32 $0xFFFFF086  }
0x25: {  	[simem:s6], [sflag:s4] =	dma.local [hbm:s3], $0xF7A  }
0x26: {  	[smem:$0x3F8C] =	sst s1;
	(tag) =	ssettag s2;
	_ =	strace s9  }
0x27: {  	s1 =	sld [smem:$0x3F9C]  }
0x28: {  	s2 =	sld [smem:$0x3F9D]  }
0x29: {  	s4 =	sld [smem:$0x3F9F]  }
0x2a: {  	p0 =	seq.s32 s5, $0x0;
	s5 =	sld [smem:$0x3FA0]  }
0x2b: {  	s6 =	sld [smem:$0x3FA1]  }
0x2c: {  	s7 =	sld [smem:$0x3FA2]  }
0x2d: {  	s3 =	simm.s32 $0x108;
	s8 =	sld [smem:$0x3FA3]  }
0x2e: {  	s3 =	simm.s32 @!p0 $0x1082;
	s9 =	sld [smem:$0x3FA4]  }
0x2f: {  	lr =	sadd.s32 s0, s3;
	s0 =	sld [smem:$0x3F9B]  }
0x30: {  	s3 =	sld [smem:$0x3F9E]  }
0x31: {  	[smem:$0x3FA7] =	sst s10  }
0x32: {  	s10 =	sld [smem:$0x3FA5];
	_ =	sdelay $0x3  }
0x33: {  	p0 =	seq.s32 s10, $0x1;
	s10 =	sld [smem:$0x3FA7];
	_ =	sdelay $0x3  }
0x34: {  	[smem:$0x3FA7] =	sst s10  }
0x35: {  	s10 =	sld [smem:$0x3FA6];
	_ =	sdelay $0x3  }
0x36: {  	p1 =	seq.s32 s10, $0x1;
	s10 =	sld [smem:$0x3FA7];
	_ =	sdelay $0x3  }
0x37: {  	[smem:$0x3FA7] =	sst s10  }
0x38: {  	s10 =	sld [smem:$0x3FA8]  }
0x39: {  	_ = 	snop;
	(pc) =	sbr.ind lr, $3  }
0x3a: {  	_ = 	snop  }
0x3b: {  	_ = 	snop  }
0x3c: {  	p2 =	seq.s32 s10, $0x1;
	s10 =	sld [smem:$0x3FA7]  }
0x3d: {  	_ =	shalt  }
0x3e: {  	_ =	shalt  }
0x3f: {  	_ =	shalt  }
0x40: {  	_ =	shalt  }
0x41: {  	_ =	shalt  }
0x42: {  	_ =	shalt  }
0x43: {  	_ =	shalt  }
0x44: {  	_ =	shalt  }
0x45: {  	_ =	shalt  }
0x46: {  	_ =	shalt  }
0x47: {  	_ =	shalt  }
0x48: {  	_ =	shalt  }
0x49: {  	_ =	shalt  }
0x4a: {  	_ =	shalt  }
0x4b: {  	_ =	shalt  }
0x4c: {  	_ =	shalt  }
0x4d: {  	_ =	shalt  }
0x4e: {  	_ =	shalt  }
0x4f: {  	_ =	shalt  }
0x50: {  	_ =	shalt  }
0x51: {  	_ =	shalt  }
0x52: {  	_ =	shalt  }
0x53: {  	_ =	shalt  }
0x54: {  	_ =	shalt  }
0x55: {  	_ =	shalt  }
0x56: {  	_ =	shalt  }
0x57: {  	_ =	shalt  }
0x58: {  	_ =	shalt  }
0x59: {  	_ =	shalt  }
0x5a: {  	_ =	shalt  }
0x5b: {  	_ =	shalt  }
0x5c: {  	_ =	shalt  }
0x5d: {  	_ =	shalt  }
0x5e: {  	_ =	shalt  }
0x5f: {  	_ =	shalt  }
0x60: {  	_ =	shalt  }
0x61: {  	_ =	shalt  }
0x62: {  	_ =	shalt  }
0x63: {  	_ =	shalt  }
0x64: {  	_ =	shalt  }
0x65: {  	_ =	shalt  }
0x66: {  	_ =	shalt  }
0x67: {  	_ =	shalt  }
0x68: {  	_ =	shalt  }
0x69: {  	_ =	shalt  }
0x6a: {  	_ =	shalt  }
0x6b: {  	_ =	shalt  }
0x6c: {  	_ =	shalt  }
0x6d: {  	_ =	shalt  }
0x6e: {  	_ =	shalt  }
0x6f: {  	_ =	shalt  }
0x70: {  	_ =	shalt  }
0x71: {  	_ =	shalt  }
0x72: {  	_ =	shalt  }
0x73: {  	_ =	shalt  }
0x74: {  	_ =	shalt  }
0x75: {  	_ =	shalt  }
0x76: {  	_ =	shalt  }
0x77: {  	_ =	shalt  }
0x78: {  	_ =	shalt  }
0x79: {  	_ =	shalt  }
0x7a: {  	_ =	shalt  }
0x7b: {  	_ =	shalt  }
0x7c: {  	_ =	shalt  }
0x7d: {  	_ =	shalt  }
0x7e: {  	_ =	shalt  }
0x7f: {  	_ =	shalt  }
0x80: {  	_ =	shalt  }
0x81: {  	_ =	shalt  }
0x82: {  	_ =	shalt  }
0x83: {  	_ =	shalt  }
0x84: {  	_ =	shalt  }
0x85: {  	_ =	shalt  }
0x86: {  	_ =	shalt  }
0x87: {  	_ =	shalt  }
.Lfunc_end0:
.L_simem_size_0:
called_computation.3_lowered:
.L_overlay_start_0:
0x88: {  	s2 =	sld [smem:$0x3FD9]  }
0x89: {  	s3 =	sld [smem:$0x3FFE];
	_ =	sdelay $0x1  }
0x8a: {  	s1 =	srdreg.scid  }
0x8b: {  	s0 =	sand.u32 $0x1, s1  }
0x8c: {  	s17 =	sshll.u32 s0, $0xA;
	s2 =	sadd.s32 s3, s2  }
0x8d: {  	s2 =	sadd.s32 s2, s17  }
0x8e: {  	[smem:$0x3FB3] =	sst s2  }
0x8f: {  	_ = 	snop  }
0x90: {  	(tm) =	ssettm $0x1  }
0x91: {  	s18 =	sld [smem:$0x3FFB];
	_ =	sdelay $0x3  }
0x92: {  	_ =	strace s18  }
0x93: {  	s2 =	sld [smem:$0x3FFC];
	_ =	sdelay $0x3  }
0x94: {  	_ =	strace s2  }
0x95: {  	s2 =	sld [smem:$0x3FFD];
	_ =	sdelay $0x3  }
0x96: {  	_ =	strace s2  }
0x97: {  	_ =	strace $0x8FFFFFFF  }
0x98: {  	s19 =	sld [smem:$0x3FDB];
	_ =	sdelay $0x1  }
0x99: {  	s20 =	simm.s32 $_scs_section_size  }
0x9a: {  	s4 =	simm.s32 $_size__tile_overlayer_lowered;
	s5 =	simm.s32 $_tile_overlayer_lowered  }
0x9b: {  	s6 =	simm.s32 $0x1BFF;
	s21 =	sshll.u32 s5, $0x1;
	s3 =	sadd.s32 s20, s19  }
0x9c: {  	s22 =	simm.s32 $0x0;
	s4 =	sshll.u32 s4, $0x1;
	s5 =	sadd.s32 s21, s3  }
0x9d: {  	[timem:s22], [sflag:s6] =	dma.local [hbm:s5], s4  }
0x9e: {  	_ =	swait.ge [sflag:s6], s4  }
0x9f: {  	s4 =	ssub.s32 $0x0, s4;
	[sflag:s6] =	ssyncset.done $0x0  }
0xa0: {  	[sflag:s6] =	ssyncadd.s32 s4;
	_ =	sdelay $0x1  }
0xa1: {  	s23 =	simm.s32 $0x1B8B  }
0xa2: {  	_ =	swait.ge [sflag:s23], $0x1  }
0xa3: {  	[sflag:s23] =	ssyncset.done $0x0  }
0xa4: {  	[sflag:s23] =	ssyncadd.s32 $0xFFFFFFFF  }
0xa5: {  	s4 =	sld [smem:$0x0]  }
0xa6: {  	s5 =	sand.u32 $0xFFFFFFFE, s1  }
0xa7: {  	p0 =	sne.s32 s1, s5  }
0xa8: {  	s5 =	sshll.u32 @p0 s5, $0xE  }
0xa9: {  	s5 =	sadd.s32 @p0 $0x11B8D, s5;
	s6 =	sshll.u32 @p0 s4, $0x11  }
0xaa: {  	s5 =	sor.u32 @p0 s6, s5  }
0xab: {  	[sflag:s5] =	ssyncadd.remote.s32 @p0 $0x1;
	_ =	sdelay $0x1  }
0xac: {  	s5 =	simm.s32 @p0 $0x1B8D  }
0xad: {  	_ =	swait.eq @p0 [sflag:s5], $0x1  }
0xae: {  	[sflag:s5] =	ssyncadd.s32 @p0 $0xFFFFFFFF  }
0xaf: {  	s6 =	sshll.u32 @!p0 s1, $0xE  }
0xb0: {  	s6 =	sor.u32 @!p0 $0x4000, s6;
	s5 =	simm.s32 @!p0 $0x1B8D  }
0xb1: {  	s4 =	sshll.u32 @!p0 s4, $0x11;
	s6 =	sadd.s32 @!p0 $0x11B8D, s6;
	_ =	swait.eq @!p0 [sflag:s5], $0x1  }
0xb2: {  	s4 =	sor.u32 @!p0 s4, s6;
	[sflag:s5] =	ssyncadd.s32 @!p0 $0xFFFFFFFF  }
0xb3: {  	s25 =	simm.s32 $0x1B8E;
	s24 =	sld [smem:$0x3FFE];
	[sflag:s4] =	ssyncadd.remote.s32 @!p0 $0x1  }
0xb4: {  	s26 =	simm.s32 $execute0_lowered;
	[smem:$0x3FD2] =	sst s25  }
0xb5: {  	s5 =	sshll.u32 s26, $0x1;
	_ =	strace $0x80000052;
	[dreg:$0x1] =	wrdreg $0xFFFFFFFF  }
0xb6: {  	s28 =	simm.s32 $_size_execute0_lowered;
	s3 =	sadd.s32 s3, s5;
	[dreg:$0x0] =	wrdreg $0x0  }
0xb7: {  	s5 =	sshll.u32 s28, $0x1;
	[dreg:$0x2] =	wrdreg s3  }
0xb8: {  	[dreg:$0x3] =	wrdreg s5  }
0xb9: {  	[dreg:$0x4] =	wrdreg $0xC0  }
0xba: {  	_ =	task [dreg:s22], $0x5FFFF  }
0xbb: {  	[dreg:$0x1] =	wrdreg $0xFFFFFFFF  }
0xbc: {  	[dreg:$0x0] =	wrdreg $0x60  }
0xbd: {  	[dreg:$0x2] =	wrdreg s24  }
0xbe: {  	[dreg:$0x3] =	wrdreg $0xB  }
0xbf: {  	_ =	task.clear_ibuf [dreg:s22], $0x4FFFF;
	_ =	strace $0x90000052  }
0xc0: {  	s29 =	simm.s32 $0xB;
	_ =	strace $0x80000054  }
0xc1: {  	_ =	swait.ge [sflag:s29], $0x1  }
0xc2: {  	[sflag:s29] =	ssyncadd.s32 $0xFFFFFFFF  }
0xc3: {  	_ =	strace $0x90000054  }
0xc4: {  	_ =	sfence  }
0xc5: {  	s30 =	sld [smem:$0x0];
	_ =	sdelay $0x2  }
0xc6: {  	s31 =	sshll.u32 s1, $0xD;
	s1 =	sshrl.u32 s1, $0x2  }
0xc7: {  	s4 =	sand.u32 $0x4000, s31;
	s1 =	sadd.s32 s1, s30  }
0xc8: {  	s0 =	sor.u32 s4, s0;
	s1 =	sshll.u32 s1, $0x11  }
0xc9: {  	s0 =	sor.u32 s1, s0  }
0xca: {  	s0 =	sadd.s32 $0x8F2B, s0  }
0xcb: {  	[sflag:s0] =	ssyncadd.remote.s32 $0x1  }
0xcc: {  	_ =	sfence.sel $0xFFFF  }
0xcd: {  	[dreg:$0x0] =	wrdreg $0xFFFFFFFF;
	(pc) =	sbr.abs _section_cstart, $3  }
0xce: {  	[dreg:$0x1] =	wrdreg $0xFFFFFFFF  }
0xcf: {  	_ =	task.clear_ibuf [dreg:s22], $0x2FFFF;
	_ =	strace $0x9FFFFFFF  }
0xd0: {  	(tm) =	ssettm $0x7FFFFFFF  }
0xd1: {  	_ =	shalt  }
tec
execute0_lowered:
.L_overlay_start_1:
0x0: {  	(tag) =	ssettag $0x1  }
0x1: {  	s1 =	srdreg.scid  }
0x2: {  	s0 =	stileid.u32;
	s4 =	rddreg [dreg:$0x0];
	s2 =	simm.s32 $0x0  }
0x3: {  	s11 =	simm.s32 $0x11200;
	s12 =	simm.s32 $0x13200;
	s13 =	simm.s32 $0x15200  }
0x4: {  	s14 =	simm.s32 $0x17200;
	s15 =	simm.s32 $0x19200;
	s16 =	simm.s32 $0x1  }
0x5: {  	s17 =	simm.s32 $0x0;
	s5 =	sand.u32 $0x1, s1;
	s1 =	rddreg [dreg:$0x1]  }
0x6: {  	s3 =	sshll.u32 s0, $0x1;
	[smem:$0x7FF] =	sst s2;
	s7 =	smul.u32 $0xD2000, s0  }
0x7: {  	s3 =	sor.u32 s5, s3;
	_ =	strace $0x80000053;
	s10 =	smul.u32 $0x69000, s5  }
0x8: {  	s8 =	ssub.s32 $0x2, s5;
	s6 =	smul.u32 $0x1A40, s3;
	s3 =	sadd.s32 $0x1FCA00, s4  }
0x9: {  	s9 =	sshrl.u32 s8, $0x1;
	s30 =	sadd.s32 s7, s4;
	s7 =	simm.s32 $0x2  }
0xa: {  	s31 =	ssub.s32 s8, s9;
	s8 =	simm.s32 $0x80;
	s9 =	simm.s32 $0xD200  }
0xb: {  	s29 =	sadd.s32 s6, s4;
	s5 =	smax.u32 s31, $0x1;
	s6 =	sadd.s32 s10, s30  }
0xc: {  	s10 =	simm.s32 $0xF200;
	s4 =	sadd.s32 $0x91400, s29;
	s6 =	sadd.s32 $0x101A400, s6  }
.LBB2_1:
0xd: {  	[tilespmem:s2], [sflag:$0x2] =	stream.linear.gather [hbm4b:s4+s2], $0xD200, $0x38;
	[tilespmem:$0x1B200] =	vst v63  }
0xe: {  	_ =	swait.ge [sflag:s7], $0xD200  }
0xf: {  	[sflag:s7] =	ssyncset.done $0x0  }
0x10: {  	s18 =	simm.s32 $0x0;
	[sflag:s7] =	ssyncadd.s32 $0xFFFF2E00  }
0x11: {  	[tilespmem:s9], [sflag:$0x1] =	stream.indirect.gather [hbm4b:s3+s8], $0x40, s18, s8, $0xb8;
	[tilespmem:$0x1B200] =	vst v63  }
0x12: {  	s25 =	simm.s32 $0x80  }
0x13: {  	[tilespmem:s10], [sflag:$0x1] =	stream.indirect.gather [hbm4b:s3+s8], $0x40, s25, s8, $0xb8;
	[tilespmem:$0x1B200] =	vst v63  }
0x14: {  	s26 =	simm.s32 $0x100  }
0x15: {  	[tilespmem:s11], [sflag:$0x1] =	stream.indirect.gather [hbm4b:s3+s8], $0x40, s26, s8, $0xb8;
	[tilespmem:$0x1B200] =	vst v63  }
0x16: {  	s28 =	simm.s32 $0x180  }
0x17: {  	[tilespmem:s12], [sflag:$0x1] =	stream.indirect.gather [hbm4b:s3+s8], $0x40, s28, s8, $0xb8;
	[tilespmem:$0x1B200] =	vst v63  }
0x18: {  	s29 =	simm.s32 $0x200  }
0x19: {  	[tilespmem:s13], [sflag:$0x1] =	stream.indirect.gather [hbm4b:s3+s8], $0x40, s29, s8, $0xb8;
	[tilespmem:$0x1B200] =	vst v63  }
0x1a: {  	s30 =	simm.s32 $0x280  }
0x1b: {  	[tilespmem:s14], [sflag:$0x1] =	stream.indirect.gather [hbm4b:s3+s8], $0x40, s30, s8, $0xb8;
	[tilespmem:$0x1B200] =	vst v63  }
0x1c: {  	s31 =	simm.s32 $0x300  }
0x1d: {  	[tilespmem:s15], [sflag:$0x1] =	stream.indirect.gather [hbm4b:s3+s8], $0x40, s31, s8, $0xb8;
	[tilespmem:$0x1B200] =	vst v63  }
0x1e: {  	_ =	swait.ge [sflag:s16], $0x2000  }
0x1f: {  	[sflag:s16] =	ssyncset.done $0x0  }
0x20: {  	[sflag:s16] =	ssyncadd.s32 $0xFFFFE000  }
0x21: {  	_ =	swait.ge [sflag:s16], $0x2000  }
0x22: {  	[sflag:s16] =	ssyncset.done $0x0  }
0x23: {  	[sflag:s16] =	ssyncadd.s32 $0xFFFFE000  }
0x24: {  	_ =	swait.ge [sflag:s16], $0x2000  }
0x25: {  	[sflag:s16] =	ssyncset.done $0x0  }
0x26: {  	[sflag:s16] =	ssyncadd.s32 $0xFFFFE000  }
0x27: {  	_ =	swait.ge [sflag:s16], $0x2000  }
0x28: {  	[sflag:s16] =	ssyncset.done $0x0  }
0x29: {  	[sflag:s16] =	ssyncadd.s32 $0xFFFFE000  }
0x2a: {  	_ =	swait.ge [sflag:s16], $0x2000  }
0x2b: {  	[sflag:s16] =	ssyncset.done $0x0  }
0x2c: {  	[sflag:s16] =	ssyncadd.s32 $0xFFFFE000  }
0x2d: {  	_ =	swait.ge [sflag:s16], $0x2000  }
0x2e: {  	[sflag:s16] =	ssyncset.done $0x0  }
0x2f: {  	[sflag:s16] =	ssyncadd.s32 $0xFFFFE000  }
0x30: {  	_ =	swait.ge [sflag:s16], $0x2000  }
0x31: {  	[sflag:s16] =	ssyncset.done $0x0  }
0x32: {  	[sflag:s16] =	ssyncadd.s32 $0xFFFFE000  }
0x33: {  	[hbm4b:s6+s2] =	stream.linear.scatter [tilespmem:s9], [sflag:$0x2], $0xE000, $0x38;
	[tilespmem:$0x1B200] =	vst v63  }
0x34: {  	s19 =	simm.s32 $0xE00;
	_ =	swait.ge [sflag:s7], $0xE000  }
0x35: {  	s21 =	simm.s32 $0x1C00;
	s18 =	sadd.s32 $0x1C00, s6;
	[sflag:s7] =	ssyncset.done $0x0  }
.LBB2_2:
0x36: {  	s22 =	sshra.s32 s19, $0x2  }
0x37: {  	[sflag:s7] =	ssyncadd.s32 $0xFFFF2000;
	s19 =	smov.u32 s21;
	s20 =	sadd.s32 $0xE00, s21  }
0x38: {  	[tilespmem:s9], [sflag:$0x1] =	stream.indirect.gather [hbm4b:s3+s8], $0x40, s22, s8, $0xb8;
	[tilespmem:$0x1B200] =	vst v63  }
0x39: {  	p0 =	sne.s32 s21, $0x33A00;
	s21 =	sadd.s32 $0x80, s22  }
0x3a: {  	[tilespmem:s10], [sflag:$0x1] =	stream.indirect.gather [hbm4b:s3+s8], $0x40, s21, s8, $0xb8;
	[tilespmem:$0x1B200] =	vst v63  }
0x3b: {  	s21 =	sadd.s32 $0x100, s22  }
0x3c: {  	[tilespmem:s11], [sflag:$0x1] =	stream.indirect.gather [hbm4b:s3+s8], $0x40, s21, s8, $0xb8;
	[tilespmem:$0x1B200] =	vst v63  }
0x3d: {  	s21 =	sadd.s32 $0x180, s22  }
0x3e: {  	[tilespmem:s12], [sflag:$0x1] =	stream.indirect.gather [hbm4b:s3+s8], $0x40, s21, s8, $0xb8;
	[tilespmem:$0x1B200] =	vst v63  }
0x3f: {  	s21 =	sadd.s32 $0x200, s22  }
0x40: {  	[tilespmem:s13], [sflag:$0x1] =	stream.indirect.gather [hbm4b:s3+s8], $0x40, s21, s8, $0xb8;
	[tilespmem:$0x1B200] =	vst v63  }
0x41: {  	s21 =	sadd.s32 $0x280, s22  }
0x42: {  	[tilespmem:s14], [sflag:$0x1] =	stream.indirect.gather [hbm4b:s3+s8], $0x40, s21, s8, $0xb8;
	[tilespmem:$0x1B200] =	vst v63  }
0x43: {  	s21 =	sadd.s32 $0x300, s22  }
0x44: {  	[tilespmem:s15], [sflag:$0x1] =	stream.indirect.gather [hbm4b:s3+s8], $0x40, s21, s8, $0xb8;
	[tilespmem:$0x1B200] =	vst v63  }
0x45: {  	_ =	swait.ge [sflag:s16], $0x2000  }
0x46: {  	[sflag:s16] =	ssyncset.done $0x0  }
0x47: {  	[sflag:s16] =	ssyncadd.s32 $0xFFFFE000  }
0x48: {  	_ =	swait.ge [sflag:s16], $0x2000  }
0x49: {  	[sflag:s16] =	ssyncset.done $0x0  }
0x4a: {  	[sflag:s16] =	ssyncadd.s32 $0xFFFFE000  }
0x4b: {  	_ =	swait.ge [sflag:s16], $0x2000  }
0x4c: {  	[sflag:s16] =	ssyncset.done $0x0  }
0x4d: {  	[sflag:s16] =	ssyncadd.s32 $0xFFFFE000  }
0x4e: {  	_ =	swait.ge [sflag:s16], $0x2000  }
0x4f: {  	[sflag:s16] =	ssyncset.done $0x0  }
0x50: {  	[sflag:s16] =	ssyncadd.s32 $0xFFFFE000  }
0x51: {  	_ =	swait.ge [sflag:s16], $0x2000  }
0x52: {  	[sflag:s16] =	ssyncset.done $0x0  }
0x53: {  	[sflag:s16] =	ssyncadd.s32 $0xFFFFE000  }
0x54: {  	_ =	swait.ge [sflag:s16], $0x2000  }
0x55: {  	[sflag:s16] =	ssyncset.done $0x0  }
0x56: {  	[sflag:s16] =	ssyncadd.s32 $0xFFFFE000  }
0x57: {  	_ =	swait.ge [sflag:s16], $0x2000  }
.Ltmp0:
0x58: {  	[sflag:s16] =	ssyncset.done $0x0;
	(pc) =	sbr.rel @p0 .LBB2_2-.Ltmp0, $4  }
0x59: {  	[sflag:s16] =	ssyncadd.s32 $0xFFFFE000  }
0x5a: {  	[hbm4b:s18+s2] =	stream.linear.scatter [tilespmem:s9], [sflag:$0x2], $0xE000, $0x38;
	[tilespmem:$0x1B200] =	vst v63  }
0x5b: {  	_ =	swait.ge [sflag:s7], $0xE000  }
0x5c: {  	s21 =	smov.u32 s20;
	s18 =	sadd.s32 $0x1C00, s18;
	[sflag:s7] =	ssyncset.done $0x0  }
0x5d: {  	s19 =	sshra.s32 s19, $0x2;
	[sflag:s7] =	ssyncadd.s32 $0xFFFF2000  }
0x5e: {  	[tilespmem:s9], [sflag:$0x1] =	stream.indirect.gather [hbm4b:s3+s8], $0x40, s19, s8, $0xb8;
	[tilespmem:$0x1B200] =	vst v63  }
0x5f: {  	s20 =	sadd.s32 $0x80, s19  }
0x60: {  	[tilespmem:s10], [sflag:$0x1] =	stream.indirect.gather [hbm4b:s3+s8], $0x40, s20, s8, $0xb8;
	[tilespmem:$0x1B200] =	vst v63  }
0x61: {  	s28 =	sadd.s32 $0x100, s19  }
0x62: {  	[tilespmem:s11], [sflag:$0x1] =	stream.indirect.gather [hbm4b:s3+s8], $0x40, s28, s8, $0xb8;
	[tilespmem:$0x1B200] =	vst v63  }
0x63: {  	s29 =	sadd.s32 $0x180, s19  }
0x64: {  	[tilespmem:s12], [sflag:$0x1] =	stream.indirect.gather [hbm4b:s3+s8], $0x40, s29, s8, $0xb8;
	[tilespmem:$0x1B200] =	vst v63  }
0x65: {  	s30 =	sadd.s32 $0x200, s19  }
0x66: {  	[tilespmem:s13], [sflag:$0x1] =	stream.indirect.gather [hbm4b:s3+s8], $0x40, s30, s8, $0xb8;
	[tilespmem:$0x1B200] =	vst v63  }
0x67: {  	s31 =	sadd.s32 $0x280, s19  }
0x68: {  	[tilespmem:s14], [sflag:$0x1] =	stream.indirect.gather [hbm4b:s3+s8], $0x40, s31, s8, $0xb8;
	[tilespmem:$0x1B200] =	vst v63  }
0x69: {  	s19 =	sadd.s32 $0x300, s19  }
0x6a: {  	[tilespmem:s15], [sflag:$0x1] =	stream.indirect.gather [hbm4b:s3+s8], $0x40, s19, s8, $0xb8;
	[tilespmem:$0x1B200] =	vst v63  }
0x6b: {  	_ =	swait.ge [sflag:s16], $0x2000  }
0x6c: {  	[sflag:s16] =	ssyncset.done $0x0  }
0x6d: {  	[sflag:s16] =	ssyncadd.s32 $0xFFFFE000  }
0x6e: {  	_ =	swait.ge [sflag:s16], $0x2000  }
0x6f: {  	[sflag:s16] =	ssyncset.done $0x0  }
0x70: {  	[sflag:s16] =	ssyncadd.s32 $0xFFFFE000  }
0x71: {  	_ =	swait.ge [sflag:s16], $0x2000  }
0x72: {  	[sflag:s16] =	ssyncset.done $0x0  }
0x73: {  	[sflag:s16] =	ssyncadd.s32 $0xFFFFE000  }
0x74: {  	_ =	swait.ge [sflag:s16], $0x2000  }
0x75: {  	[sflag:s16] =	ssyncset.done $0x0  }
0x76: {  	[sflag:s16] =	ssyncadd.s32 $0xFFFFE000  }
0x77: {  	_ =	swait.ge [sflag:s16], $0x2000  }
0x78: {  	[sflag:s16] =	ssyncset.done $0x0  }
0x79: {  	[sflag:s16] =	ssyncadd.s32 $0xFFFFE000  }
0x7a: {  	_ =	swait.ge [sflag:s16], $0x2000  }
0x7b: {  	[sflag:s16] =	ssyncset.done $0x0  }
0x7c: {  	[sflag:s16] =	ssyncadd.s32 $0xFFFFE000  }
0x7d: {  	s17 =	sadd.s32 $0x1, s17;
	_ =	swait.ge [sflag:s16], $0x2000  }
0x7e: {  	p0 =	sne.s32 s17, s5;
	[sflag:s16] =	ssyncset.done $0x0  }
.Ltmp1:
0x7f: {  	[sflag:s16] =	ssyncadd.s32 $0xFFFFE000;
	(pc) =	sbr.rel @p0 .LBB2_1-.Ltmp1, $4  }
0x80: {  	[hbm4b:s18+s2] =	stream.linear.scatter [tilespmem:s9], [sflag:$0x2], $0xE000, $0x38;
	[tilespmem:$0x1B200] =	vst v63  }
0x81: {  	_ =	swait.ge [sflag:s7], $0xE000  }
0x82: {  	[sflag:s7] =	ssyncset.done $0x0  }
0x83: {  	[sflag:s7] =	ssyncadd.s32 $0xFFFF2000  }
0x84: {  	_ =	sfence.sel $0x180000  }
0x85: {  	[bflag:$0x0] =	sbarrier.arrive $0xFFFF  }
0x86: {  	p0 =	sne.s32 s0, $0x0;
	_ =	strace $0x90000053  }
0x87: {  	s0 =	sadd.s32 @!p0 $0x100000, s1;
	[bflag:$0x2] =	sbarrier.arrive $0xFFFF  }
0x88: {  	[sflag:s0] =	ssyncadd.tile.s32 @!p0 $0x1;
	_ =	shalt  }
.Lfunc_end2:
_tile_overlayer_lowered:
.L_overlay_start_2:
0x89: {  	(tag) =	ssettag $0x2  }
0x8a: {  	s0 =	rddreg [dreg:$0x0];
	s2 =	stileid.u32  }
0x8b: {  	s1 =	rddreg [dreg:$0x1];
	p0 =	sne.s32 s2, $0x0  }
0x8c: {  	s3 =	rddreg [dreg:$0x2];
	[bflag:$0x3] =	sbarrier.arrive $0xFFFF;
	s2 =	simm.s32 @!p0 $0x1C02  }
0x8d: {  	[timem:s3], [sflag:s2] =	dma.local @!p0 [hbm:s0], s1  }
0x8e: {  	s0 =	simm.s32 @!p0 $0x2  }
0x8f: {  	_ =	swait.ge @!p0 [sflag:s0], s1  }
0x90: {  	s1 =	ssub.s32 @!p0 $0x0, s1;
	[sflag:s0] =	ssyncset.done @!p0 $0x0  }
0x91: {  	[sflag:s0] =	ssyncadd.s32 @!p0 s1  }
0x92: {  	[bflag:$0x3] =	sbarrier.arrive $0xFFFF  }
0x93: {  	_ =	shalt  }

// kernel: kernel.22.cloned.1.call-start
scs
__scs_entry_jumppad:
0x0: {  	(pc) =	sbr.rel $0x88, $3  }
0x1: {  	(tag) =	ssettag $0x0;
	lr =	simm.s32 $0x1  }
0x2: {  	[smem:$0x3F8C] =	sst lr;
	_ =	strace $0xD0000000  }
0x3: {  	_ = 	snop  }
0x4: {  	_ = 	snop  }
0x5: {  	_ = 	snop  }
0x6: {  	_ = 	snop  }
0x7: {  	_ = 	snop  }
__scs_overlays_trampoline_lowered:
0x8: {  	[smem:$0x3F9B] =	sst s0  }
0x9: {  	[smem:$0x3F9C] =	sst s1  }
0xa: {  	[smem:$0x3F9D] =	sst s2  }
0xb: {  	[smem:$0x3F9E] =	sst s3  }
0xc: {  	[smem:$0x3F9F] =	sst s4  }
0xd: {  	[smem:$0x3FA0] =	sst s5  }
0xe: {  	[smem:$0x3FA1] =	sst s6  }
0xf: {  	[smem:$0x3FA2] =	sst s7  }
0x10: {  	[smem:$0x3FA3] =	sst s8  }
0x11: {  	[smem:$0x3FA4] =	sst s9;
	s0 =	simm.s32 @!p0 $0x0  }
0x12: {  	s1 =	sld [smem:$0x3F8A];
	s0 =	simm.s32 @p0 $0x1  }
0x13: {  	[smem:$0x3FA5] =	sst s0;
	s0 =	simm.s32 @!p1 $0x0  }
0x14: {  	s2 =	sld [smem:$0x3F89];
	s0 =	simm.s32 @p1 $0x1  }
0x15: {  	[smem:$0x3FA6] =	sst s0;
	s0 =	simm.s32 @!p2 $0x0  }
0x16: {  	s3 =	sld [smem:$0x3FDB];
	s0 =	simm.s32 @p2 $0x1  }
0x17: {  	s4 =	simm.s32 $0x1BF5;
	[smem:$0x3FA8] =	sst s0  }
0x18: {  	s0 =	sld [smem:$0x3F8B];
	_ =	swait.ge [sflag:s4], $0x0  }
0x19: {  	s7 =	sld [smem:$0x3F8C]  }
0x1a: {  	s8 =	sadd.s32 $0xFFFFE003, lr  }
0x1b: {  	s9 =	sadd.s32 $0xFFFFFEF7, lr;
	s5 =	simm.s32 $0xFFFFFFFF;
	p2 =	slt.u32 s8, $0xFFFFF086  }
0x1c: {  	p1 =	slt.u32 s9, $0xF7A;
	s5 =	simm.s32 @!p2 $0x0  }
0x1d: {  	s5 =	simm.s32 @p1 $0x1;
	p0 =	seq.s32 s7, s2  }
0x1e: {  	s7 =	smul.u32 @!p0 $0xF7A, s2;
	p2 =	seq.s32 @!p0 s5, $0x0  }
0x1f: {  	s9 =	smul.u32 $0xF7A, s1;
	s8 =	simm.s32 @!p0 $0x1BF5;
	p2 =	por !p2, p0  }
0x20: {  	[sflag:s8] =	ssyncset.s32 @!p0 $0xFFFFF086;
	s6 =	sadd.s32 @!p0 s3, s7;
	s7 =	simm.s32 @!p0 $0x108  }
0x21: {  	s3 =	sadd.s32 s3, s9;
	s6 =	sadd.s32 @!p0 $0x88, s6;
	s7 =	simm.s32 @p2 $0x1082  }
0x22: {  	[simem:s7], [sflag:s8] =	dma.local @!p0 [hbm:s6], $0xF7A  }
0x23: {  	s9 =	sor.u32 $0xD0000000, s2;
	s6 =	simm.s32 $0x108;
	_ =	swait.ge @!p0 [sflag:s8], $0x0  }
0x24: {  	s3 =	sadd.s32 $0x88, s3;
	s6 =	simm.s32 @!p1 $0x1082;
	[sflag:s4] =	ssyncset.s32 $0xFFFFF086  }
0x25: {  	[simem:s6], [sflag:s4] =	dma.local [hbm:s3], $0xF7A  }
0x26: {  	[smem:$0x3F8C] =	sst s1;
	(tag) =	ssettag s2;
	_ =	strace s9  }
0x27: {  	s1 =	sld [smem:$0x3F9C]  }
0x28: {  	s2 =	sld [smem:$0x3F9D]  }
0x29: {  	s4 =	sld [smem:$0x3F9F]  }
0x2a: {  	p0 =	seq.s32 s5, $0x0;
	s5 =	sld [smem:$0x3FA0]  }
0x2b: {  	s6 =	sld [smem:$0x3FA1]  }
0x2c: {  	s7 =	sld [smem:$0x3FA2]  }
0x2d: {  	s3 =	simm.s32 $0x108;
	s8 =	sld [smem:$0x3FA3]  }
0x2e: {  	s3 =	simm.s32 @!p0 $0x1082;
	s9 =	sld [smem:$0x3FA4]  }
0x2f: {  	lr =	sadd.s32 s0, s3;
	s0 =	sld [smem:$0x3F9B]  }
0x30: {  	s3 =	sld [smem:$0x3F9E]  }
0x31: {  	[smem:$0x3FA7] =	sst s10  }
0x32: {  	s10 =	sld [smem:$0x3FA5];
	_ =	sdelay $0x3  }
0x33: {  	p0 =	seq.s32 s10, $0x1;
	s10 =	sld [smem:$0x3FA7];
	_ =	sdelay $0x3  }
0x34: {  	[smem:$0x3FA7] =	sst s10  }
0x35: {  	s10 =	sld [smem:$0x3FA6];
	_ =	sdelay $0x3  }
0x36: {  	p1 =	seq.s32 s10, $0x1;
	s10 =	sld [smem:$0x3FA7];
	_ =	sdelay $0x3  }
0x37: {  	[smem:$0x3FA7] =	sst s10  }
0x38: {  	s10 =	sld [smem:$0x3FA8]  }
0x39: {  	_ = 	snop;
	(pc) =	sbr.ind lr, $3  }
0x3a: {  	_ = 	snop  }
0x3b: {  	_ = 	snop  }
0x3c: {  	p2 =	seq.s32 s10, $0x1;
	s10 =	sld [smem:$0x3FA7]  }
0x3d: {  	_ =	shalt  }
0x3e: {  	_ =	shalt  }
0x3f: {  	_ =	shalt  }
0x40: {  	_ =	shalt  }
0x41: {  	_ =	shalt  }
0x42: {  	_ =	shalt  }
0x43: {  	_ =	shalt  }
0x44: {  	_ =	shalt  }
0x45: {  	_ =	shalt  }
0x46: {  	_ =	shalt  }
0x47: {  	_ =	shalt  }
0x48: {  	_ =	shalt  }
0x49: {  	_ =	shalt  }
0x4a: {  	_ =	shalt  }
0x4b: {  	_ =	shalt  }
0x4c: {  	_ =	shalt  }
0x4d: {  	_ =	shalt  }
0x4e: {  	_ =	shalt  }
0x4f: {  	_ =	shalt  }
0x50: {  	_ =	shalt  }
0x51: {  	_ =	shalt  }
0x52: {  	_ =	shalt  }
0x53: {  	_ =	shalt  }
0x54: {  	_ =	shalt  }
0x55: {  	_ =	shalt  }
0x56: {  	_ =	shalt  }
0x57: {  	_ =	shalt  }
0x58: {  	_ =	shalt  }
0x59: {  	_ =	shalt  }
0x5a: {  	_ =	shalt  }
0x5b: {  	_ =	shalt  }
0x5c: {  	_ =	shalt  }
0x5d: {  	_ =	shalt  }
0x5e: {  	_ =	shalt  }
0x5f: {  	_ =	shalt  }
0x60: {  	_ =	shalt  }
0x61: {  	_ =	shalt  }
0x62: {  	_ =	shalt  }
0x63: {  	_ =	shalt  }
0x64: {  	_ =	shalt  }
0x65: {  	_ =	shalt  }
0x66: {  	_ =	shalt  }
0x67: {  	_ =	shalt  }
0x68: {  	_ =	shalt  }
0x69: {  	_ =	shalt  }
0x6a: {  	_ =	shalt  }
0x6b: {  	_ =	shalt  }
0x6c: {  	_ =	shalt  }
0x6d: {  	_ =	shalt  }
0x6e: {  	_ =	shalt  }
0x6f: {  	_ =	shalt  }
0x70: {  	_ =	shalt  }
0x71: {  	_ =	shalt  }
0x72: {  	_ =	shalt  }
0x73: {  	_ =	shalt  }
0x74: {  	_ =	shalt  }
0x75: {  	_ =	shalt  }
0x76: {  	_ =	shalt  }
0x77: {  	_ =	shalt  }
0x78: {  	_ =	shalt  }
0x79: {  	_ =	shalt  }
0x7a: {  	_ =	shalt  }
0x7b: {  	_ =	shalt  }
0x7c: {  	_ =	shalt  }
0x7d: {  	_ =	shalt  }
0x7e: {  	_ =	shalt  }
0x7f: {  	_ =	shalt  }
0x80: {  	_ =	shalt  }
0x81: {  	_ =	shalt  }
0x82: {  	_ =	shalt  }
0x83: {  	_ =	shalt  }
0x84: {  	_ =	shalt  }
0x85: {  	_ =	shalt  }
0x86: {  	_ =	shalt  }
0x87: {  	_ =	shalt  }
.Lfunc_end0:
.L_simem_size_0:
called_computation.4_lowered:
.L_overlay_start_0:
0x88: {  	s2 =	sld [smem:$0x3FD9]  }
0x89: {  	s3 =	sld [smem:$0x3FFE];
	_ =	sdelay $0x1  }
0x8a: {  	s1 =	srdreg.scid  }
0x8b: {  	s0 =	sand.u32 $0x1, s1  }
0x8c: {  	s17 =	sshll.u32 s0, $0xA;
	s2 =	sadd.s32 s3, s2  }
0x8d: {  	s2 =	sadd.s32 s2, s17  }
0x8e: {  	[smem:$0x3FB3] =	sst s2  }
0x8f: {  	_ = 	snop  }
0x90: {  	(tm) =	ssettm $0x1  }
0x91: {  	s18 =	sld [smem:$0x3FFB];
	_ =	sdelay $0x3  }
0x92: {  	_ =	strace s18  }
0x93: {  	s2 =	sld [smem:$0x3FFC];
	_ =	sdelay $0x3  }
0x94: {  	_ =	strace s2  }
0x95: {  	s2 =	sld [smem:$0x3FFD];
	_ =	sdelay $0x3  }
0x96: {  	_ =	strace s2  }
0x97: {  	_ =	strace $0x8FFFFFFF  }
0x98: {  	s19 =	sld [smem:$0x3FDB];
	_ =	sdelay $0x1  }
0x99: {  	s20 =	simm.s32 $_scs_section_size  }
0x9a: {  	s4 =	simm.s32 $_size__tile_overlayer_lowered;
	s5 =	simm.s32 $_tile_overlayer_lowered  }
0x9b: {  	s6 =	simm.s32 $0x1BFF;
	s21 =	sshll.u32 s5, $0x1;
	s3 =	sadd.s32 s20, s19  }
0x9c: {  	s22 =	simm.s32 $0x0;
	s4 =	sshll.u32 s4, $0x1;
	s5 =	sadd.s32 s21, s3  }
0x9d: {  	[timem:s22], [sflag:s6] =	dma.local [hbm:s5], s4  }
0x9e: {  	_ =	swait.ge [sflag:s6], s4  }
0x9f: {  	s4 =	ssub.s32 $0x0, s4;
	[sflag:s6] =	ssyncset.done $0x0  }
0xa0: {  	[sflag:s6] =	ssyncadd.s32 s4;
	_ =	sdelay $0x1  }
0xa1: {  	s23 =	simm.s32 $0x1B8B  }
0xa2: {  	_ =	swait.ge [sflag:s23], $0x1  }
0xa3: {  	[sflag:s23] =	ssyncset.done $0x0  }
0xa4: {  	[sflag:s23] =	ssyncadd.s32 $0xFFFFFFFF  }
0xa5: {  	s4 =	sld [smem:$0x0]  }
0xa6: {  	s5 =	sand.u32 $0xFFFFFFFE, s1  }
0xa7: {  	p0 =	sne.s32 s1, s5  }
0xa8: {  	s5 =	sshll.u32 @p0 s5, $0xE  }
0xa9: {  	s5 =	sadd.s32 @p0 $0x11B8D, s5;
	s6 =	sshll.u32 @p0 s4, $0x11  }
0xaa: {  	s5 =	sor.u32 @p0 s6, s5  }
0xab: {  	[sflag:s5] =	ssyncadd.remote.s32 @p0 $0x1;
	_ =	sdelay $0x1  }
0xac: {  	s5 =	simm.s32 @p0 $0x1B8D  }
0xad: {  	_ =	swait.eq @p0 [sflag:s5], $0x1  }
0xae: {  	[sflag:s5] =	ssyncadd.s32 @p0 $0xFFFFFFFF  }
0xaf: {  	s6 =	sshll.u32 @!p0 s1, $0xE  }
0xb0: {  	s6 =	sor.u32 @!p0 $0x4000, s6;
	s5 =	simm.s32 @!p0 $0x1B8D  }
0xb1: {  	s4 =	sshll.u32 @!p0 s4, $0x11;
	s6 =	sadd.s32 @!p0 $0x11B8D, s6;
	_ =	swait.eq @!p0 [sflag:s5], $0x1  }
0xb2: {  	s4 =	sor.u32 @!p0 s4, s6;
	[sflag:s5] =	ssyncadd.s32 @!p0 $0xFFFFFFFF  }
0xb3: {  	s25 =	simm.s32 $0x1B8E;
	s24 =	sld [smem:$0x3FFE];
	[sflag:s4] =	ssyncadd.remote.s32 @!p0 $0x1  }
0xb4: {  	s26 =	simm.s32 $execute0_lowered;
	[smem:$0x3FD2] =	sst s25  }
0xb5: {  	s5 =	sshll.u32 s26, $0x1;
	_ =	strace $0x80000055;
	[dreg:$0x1] =	wrdreg $0xFFFFFFFF  }
0xb6: {  	s28 =	simm.s32 $_size_execute0_lowered;
	s3 =	sadd.s32 s3, s5;
	[dreg:$0x0] =	wrdreg $0x0  }
0xb7: {  	s5 =	sshll.u32 s28, $0x1;
	[dreg:$0x2] =	wrdreg s3  }
0xb8: {  	[dreg:$0x3] =	wrdreg s5  }
0xb9: {  	[dreg:$0x4] =	wrdreg $0xC0  }
0xba: {  	_ =	task [dreg:s22], $0x5FFFF  }
0xbb: {  	[dreg:$0x1] =	wrdreg $0xFFFFFFFF  }
0xbc: {  	[dreg:$0x0] =	wrdreg $0x60  }
0xbd: {  	[dreg:$0x2] =	wrdreg s24  }
0xbe: {  	[dreg:$0x3] =	wrdreg $0xC  }
0xbf: {  	_ =	task.clear_ibuf [dreg:s22], $0x4FFFF;
	_ =	strace $0x90000055  }
0xc0: {  	s29 =	simm.s32 $0xC;
	_ =	strace $0x80000057  }
0xc1: {  	_ =	swait.ge [sflag:s29], $0x1  }
0xc2: {  	[sflag:s29] =	ssyncadd.s32 $0xFFFFFFFF  }
0xc3: {  	_ =	strace $0x90000057  }
0xc4: {  	_ =	sfence  }
0xc5: {  	s30 =	sld [smem:$0x0];
	_ =	sdelay $0x2  }
0xc6: {  	s31 =	sshll.u32 s1, $0xD;
	s1 =	sshrl.u32 s1, $0x2  }
0xc7: {  	s4 =	sand.u32 $0x4000, s31;
	s1 =	sadd.s32 s1, s30  }
0xc8: {  	s0 =	sor.u32 s4, s0;
	s1 =	sshll.u32 s1, $0x11  }
0xc9: {  	s0 =	sor.u32 s1, s0  }
0xca: {  	s0 =	sadd.s32 $0x8F2B, s0  }
0xcb: {  	[sflag:s0] =	ssyncadd.remote.s32 $0x1  }
0xcc: {  	_ =	sfence.sel $0xFFFF  }
0xcd: {  	[dreg:$0x0] =	wrdreg $0xFFFFFFFF;
	(pc) =	sbr.abs _section_cstart, $3  }
0xce: {  	[dreg:$0x1] =	wrdreg $0xFFFFFFFF  }
0xcf: {  	_ =	task.clear_ibuf [dreg:s22], $0x2FFFF;
	_ =	strace $0x9FFFFFFF  }
0xd0: {  	(tm) =	ssettm $0x7FFFFFFF  }
0xd1: {  	_ =	shalt  }
tec
execute0_lowered:
.L_overlay_start_1:
0x0: {  	(tag) =	ssettag $0x1  }
0x1: {  	s4 =	rddreg [dreg:$0x0]  }
0x2: {  	s0 =	rddreg [dreg:$0x1]  }
0x3: {  	s3 =	srdreg.scid;
	s1 =	stileid.u32;
	s2 =	simm.s32 $0x0  }
0x4: {  	s26 =	simm.s32 $0xDA00;
	s28 =	simm.s32 $0xE200;
	s29 =	simm.s32 $0xEA00  }
0x5: {  	s30 =	simm.s32 $0xF200;
	s31 =	simm.s32 $0xFA00;
	s11 =	simm.s32 $0x10A00  }
0x6: {  	s12 =	simm.s32 $0x11200;
	s13 =	simm.s32 $0x11A00;
	s14 =	simm.s32 $0x12200  }
0x7: {  	s15 =	simm.s32 $0x12A00;
	s16 =	simm.s32 $0x13200;
	s17 =	simm.s32 $0x13A00  }
0x8: {  	s18 =	simm.s32 $0x14200;
	s19 =	simm.s32 $0x1;
	[smem:$0x7FF] =	sst s2  }
0x9: {  	s20 =	simm.s32 $0x0;
	_ =	strace $0x80000056;
	[dreg:$0x2] =	wrdreg s26  }
0xa: {  	s5 =	sand.u32 $0x1, s3;
	s23 =	sshll.u32 s1, $0x1;
	[dreg:$0x3] =	wrdreg s28  }
0xb: {  	s7 =	smul.u32 $0x34800, s1;
	s3 =	sor.u32 s5, s23;
	[dreg:$0x4] =	wrdreg s29  }
0xc: {  	s8 =	ssub.s32 $0x2, s5;
	s10 =	smul.u32 $0x1A400, s5;
	[dreg:$0x5] =	wrdreg s30  }
0xd: {  	[dreg:$0x6] =	wrdreg s31;
	s6 =	smul.u32 $0x1A40, s3;
	s9 =	sshrl.u32 s8, $0x1  }
0xe: {  	s3 =	sadd.s32 $0xE93800, s4;
	s7 =	sadd.s32 s7, s4;
	s24 =	ssub.s32 s8, s9  }
0xf: {  	s25 =	sadd.s32 s10, s7;
	s7 =	simm.s32 $0x2;
	s8 =	simm.s32 $0x80  }
0x10: {  	s9 =	simm.s32 $0xD200;
	s10 =	simm.s32 $0x10200;
	s6 =	sadd.s32 s6, s4  }
0x11: {  	s5 =	smax.u32 s24, $0x1;
	s4 =	sadd.s32 $0xC5C00, s6;
	s6 =	sadd.s32 $0x286600, s25  }
.LBB2_1:
0x12: {  	[tilespmem:s2], [sflag:$0x2] =	stream.linear.gather [hbm4b:s4+s2], $0xD200, $0x38;
	[tilespmem:$0x14A00] =	vst v63  }
0x13: {  	_ =	swait.ge [sflag:s7], $0xD200  }
0x14: {  	[sflag:s7] =	ssyncset.done $0x0  }
0x15: {  	s21 =	simm.s32 $0x0;
	[sflag:s7] =	ssyncadd.s32 $0xFFFF2E00  }
0x16: {  	[tilespmem:s9], [sflag:$0x1] =	stream.indirect.gather [hbm4b:s3+s8], $0x10, s21, s8, $0xb8;
	[tilespmem:$0x14A00] =	vst v63  }
0x17: {  	s23 =	simm.s32 $0x80;
	s22 =	rddreg [dreg:$0x2]  }
0x18: {  	[tilespmem:s22], [sflag:$0x1] =	stream.indirect.gather [hbm4b:s3+s8], $0x10, s23, s8, $0xb8;
	[tilespmem:$0x14A00] =	vst v63  }
0x19: {  	s24 =	simm.s32 $0x100;
	s31 =	rddreg [dreg:$0x3]  }
0x1a: {  	[tilespmem:s31], [sflag:$0x1] =	stream.indirect.gather [hbm4b:s3+s8], $0x10, s24, s8, $0xb8;
	[tilespmem:$0x14A00] =	vst v63  }
0x1b: {  	s26 =	simm.s32 $0x180;
	s25 =	rddreg [dreg:$0x4]  }
0x1c: {  	[tilespmem:s25], [sflag:$0x1] =	stream.indirect.gather [hbm4b:s3+s8], $0x10, s26, s8, $0xb8;
	[tilespmem:$0x14A00] =	vst v63  }
0x1d: {  	s30 =	simm.s32 $0x200;
	s28 =	rddreg [dreg:$0x5]  }
0x1e: {  	[tilespmem:s28], [sflag:$0x1] =	stream.indirect.gather [hbm4b:s3+s8], $0x10, s30, s8, $0xb8;
	[tilespmem:$0x14A00] =	vst v63  }
0x1f: {  	s29 =	rddreg [dreg:$0x6];
	s31 =	simm.s32 $0x280  }
0x20: {  	[tilespmem:s29], [sflag:$0x1] =	stream.indirect.gather [hbm4b:s3+s8], $0x10, s31, s8, $0xb8;
	[tilespmem:$0x14A00] =	vst v63  }
0x21: {  	s22 =	simm.s32 $0x300  }
0x22: {  	[tilespmem:s10], [sflag:$0x1] =	stream.indirect.gather [hbm4b:s3+s8], $0x10, s22, s8, $0xb8;
	[tilespmem:$0x14A00] =	vst v63  }
0x23: {  	s23 =	simm.s32 $0x380  }
0x24: {  	[tilespmem:s11], [sflag:$0x1] =	stream.indirect.gather [hbm4b:s3+s8], $0x10, s23, s8, $0xb8;
	[tilespmem:$0x14A00] =	vst v63  }
0x25: {  	s24 =	simm.s32 $0x400  }
0x26: {  	[tilespmem:s12], [sflag:$0x1] =	stream.indirect.gather [hbm4b:s3+s8], $0x10, s24, s8, $0xb8;
	[tilespmem:$0x14A00] =	vst v63  }
0x27: {  	s25 =	simm.s32 $0x480  }
0x28: {  	[tilespmem:s13], [sflag:$0x1] =	stream.indirect.gather [hbm4b:s3+s8], $0x10, s25, s8, $0xb8;
	[tilespmem:$0x14A00] =	vst v63  }
0x29: {  	s26 =	simm.s32 $0x500  }
0x2a: {  	[tilespmem:s14], [sflag:$0x1] =	stream.indirect.gather [hbm4b:s3+s8], $0x10, s26, s8, $0xb8;
	[tilespmem:$0x14A00] =	vst v63  }
0x2b: {  	s28 =	simm.s32 $0x580  }
0x2c: {  	[tilespmem:s15], [sflag:$0x1] =	stream.indirect.gather [hbm4b:s3+s8], $0x10, s28, s8, $0xb8;
	[tilespmem:$0x14A00] =	vst v63  }
0x2d: {  	s29 =	simm.s32 $0x600  }
0x2e: {  	[tilespmem:s16], [sflag:$0x1] =	stream.indirect.gather [hbm4b:s3+s8], $0x10, s29, s8, $0xb8;
	[tilespmem:$0x14A00] =	vst v63  }
0x2f: {  	s30 =	simm.s32 $0x680  }
0x30: {  	[tilespmem:s17], [sflag:$0x1] =	stream.indirect.gather [hbm4b:s3+s8], $0x10, s30, s8, $0xb8;
	[tilespmem:$0x14A00] =	vst v63  }
0x31: {  	s31 =	simm.s32 $0x700  }
0x32: {  	[tilespmem:s18], [sflag:$0x1] =	stream.indirect.gather [hbm4b:s3+s8], $0x10, s31, s8, $0xb8;
	[tilespmem:$0x14A00] =	vst v63  }
0x33: {  	_ =	swait.ge [sflag:s19], $0x800  }
0x34: {  	[sflag:s19] =	ssyncset.done $0x0  }
0x35: {  	[sflag:s19] =	ssyncadd.s32 $0xFFFFF800  }
0x36: {  	_ =	swait.ge [sflag:s19], $0x800  }
0x37: {  	[sflag:s19] =	ssyncset.done $0x0  }
0x38: {  	[sflag:s19] =	ssyncadd.s32 $0xFFFFF800  }
0x39: {  	_ =	swait.ge [sflag:s19], $0x800  }
0x3a: {  	[sflag:s19] =	ssyncset.done $0x0  }
0x3b: {  	[sflag:s19] =	ssyncadd.s32 $0xFFFFF800  }
0x3c: {  	_ =	swait.ge [sflag:s19], $0x800  }
0x3d: {  	[sflag:s19] =	ssyncset.done $0x0  }
0x3e: {  	[sflag:s19] =	ssyncadd.s32 $0xFFFFF800  }
0x3f: {  	_ =	swait.ge [sflag:s19], $0x800  }
0x40: {  	[sflag:s19] =	ssyncset.done $0x0  }
0x41: {  	[sflag:s19] =	ssyncadd.s32 $0xFFFFF800  }
0x42: {  	_ =	swait.ge [sflag:s19], $0x800  }
0x43: {  	[sflag:s19] =	ssyncset.done $0x0  }
0x44: {  	[sflag:s19] =	ssyncadd.s32 $0xFFFFF800  }
0x45: {  	_ =	swait.ge [sflag:s19], $0x800  }
0x46: {  	[sflag:s19] =	ssyncset.done $0x0  }
0x47: {  	[sflag:s19] =	ssyncadd.s32 $0xFFFFF800  }
0x48: {  	_ =	swait.ge [sflag:s19], $0x800  }
0x49: {  	[sflag:s19] =	ssyncset.done $0x0  }
0x4a: {  	[sflag:s19] =	ssyncadd.s32 $0xFFFFF800  }
0x4b: {  	_ =	swait.ge [sflag:s19], $0x800  }
0x4c: {  	[sflag:s19] =	ssyncset.done $0x0  }
0x4d: {  	[sflag:s19] =	ssyncadd.s32 $0xFFFFF800  }
0x4e: {  	_ =	swait.ge [sflag:s19], $0x800  }
0x4f: {  	[sflag:s19] =	ssyncset.done $0x0  }
0x50: {  	[sflag:s19] =	ssyncadd.s32 $0xFFFFF800  }
0x51: {  	_ =	swait.ge [sflag:s19], $0x800  }
0x52: {  	[sflag:s19] =	ssyncset.done $0x0  }
0x53: {  	[sflag:s19] =	ssyncadd.s32 $0xFFFFF800  }
0x54: {  	_ =	swait.ge [sflag:s19], $0x800  }
0x55: {  	[sflag:s19] =	ssyncset.done $0x0  }
0x56: {  	[sflag:s19] =	ssyncadd.s32 $0xFFFFF800  }
0x57: {  	_ =	swait.ge [sflag:s19], $0x800  }
0x58: {  	[sflag:s19] =	ssyncset.done $0x0  }
0x59: {  	[sflag:s19] =	ssyncadd.s32 $0xFFFFF800  }
0x5a: {  	_ =	swait.ge [sflag:s19], $0x800  }
0x5b: {  	[sflag:s19] =	ssyncset.done $0x0  }
0x5c: {  	[sflag:s19] =	ssyncadd.s32 $0xFFFFF800  }
0x5d: {  	_ =	swait.ge [sflag:s19], $0x800  }
0x5e: {  	[sflag:s19] =	ssyncset.done $0x0  }
0x5f: {  	[sflag:s19] =	ssyncadd.s32 $0xFFFFF800  }
0x60: {  	[hbm4b:s6+s2] =	stream.linear.scatter [tilespmem:s9], [sflag:$0x2], $0x7800, $0x38;
	[tilespmem:$0x14A00] =	vst v63  }
0x61: {  	s21 =	sadd.s32 $0xF00, s6;
	s22 =	simm.s32 $0x1E00;
	_ =	swait.ge [sflag:s7], $0x7800  }
0x62: {  	s26 =	simm.s32 $0x3C00;
	s25 =	rddreg [dreg:$0x3];
	[sflag:s7] =	ssyncset.done $0x0  }
.LBB2_2:
0x63: {  	s24 =	sshra.s32 s22, $0x2;
	[sflag:s7] =	ssyncadd.s32 $0xFFFF8800  }
0x64: {  	[tilespmem:s9], [sflag:$0x1] =	stream.indirect.gather [hbm4b:s3+s8], $0x10, s24, s8, $0xb8;
	[tilespmem:$0x14A00] =	vst v63  }
0x65: {  	s28 =	rddreg [dreg:$0x2];
	s29 =	sadd.s32 $0x80, s24  }
0x66: {  	[tilespmem:s28], [sflag:$0x1] =	stream.indirect.gather [hbm4b:s3+s8], $0x10, s29, s8, $0xb8;
	[tilespmem:$0x14A00] =	vst v63  }
0x67: {  	s22 =	smov.u32 s26;
	s23 =	sadd.s32 $0x1E00, s26;
	s29 =	sadd.s32 $0x100, s24  }
0x68: {  	[tilespmem:s25], [sflag:$0x1] =	stream.indirect.gather [hbm4b:s3+s8], $0x10, s29, s8, $0xb8;
	[tilespmem:$0x14A00] =	vst v63  }
0x69: {  	p0 =	sne.s32 s26, $0x32A00;
	s31 =	rddreg [dreg:$0x4];
	s26 =	sadd.s32 $0x180, s24  }
0x6a: {  	[tilespmem:s31], [sflag:$0x1] =	stream.indirect.gather [hbm4b:s3+s8], $0x10, s26, s8, $0xb8;
	[tilespmem:$0x14A00] =	vst v63  }
0x6b: {  	s29 =	rddreg [dreg:$0x5];
	s31 =	sadd.s32 $0x200, s24  }
0x6c: {  	[tilespmem:s29], [sflag:$0x1] =	stream.indirect.gather [hbm4b:s3+s8], $0x10, s31, s8, $0xb8;
	[tilespmem:$0x14A00] =	vst v63  }
0x6d: {  	s30 =	rddreg [dreg:$0x6];
	s28 =	sadd.s32 $0x280, s24  }
0x6e: {  	[tilespmem:s30], [sflag:$0x1] =	stream.indirect.gather [hbm4b:s3+s8], $0x10, s28, s8, $0xb8;
	[tilespmem:$0x14A00] =	vst v63  }
0x6f: {  	s29 =	sadd.s32 $0x300, s24  }
0x70: {  	[tilespmem:s10], [sflag:$0x1] =	stream.indirect.gather [hbm4b:s3+s8], $0x10, s29, s8, $0xb8;
	[tilespmem:$0x14A00] =	vst v63  }
0x71: {  	s30 =	sadd.s32 $0x380, s24  }
0x72: {  	[tilespmem:s11], [sflag:$0x1] =	stream.indirect.gather [hbm4b:s3+s8], $0x10, s30, s8, $0xb8;
	[tilespmem:$0x14A00] =	vst v63  }
0x73: {  	s31 =	sadd.s32 $0x400, s24  }
0x74: {  	[tilespmem:s12], [sflag:$0x1] =	stream.indirect.gather [hbm4b:s3+s8], $0x10, s31, s8, $0xb8;
	[tilespmem:$0x14A00] =	vst v63  }
0x75: {  	s26 =	sadd.s32 $0x480, s24  }
0x76: {  	[tilespmem:s13], [sflag:$0x1] =	stream.indirect.gather [hbm4b:s3+s8], $0x10, s26, s8, $0xb8;
	[tilespmem:$0x14A00] =	vst v63  }
0x77: {  	s28 =	sadd.s32 $0x500, s24  }
0x78: {  	[tilespmem:s14], [sflag:$0x1] =	stream.indirect.gather [hbm4b:s3+s8], $0x10, s28, s8, $0xb8;
	[tilespmem:$0x14A00] =	vst v63  }
0x79: {  	s29 =	sadd.s32 $0x580, s24  }
0x7a: {  	[tilespmem:s15], [sflag:$0x1] =	stream.indirect.gather [hbm4b:s3+s8], $0x10, s29, s8, $0xb8;
	[tilespmem:$0x14A00] =	vst v63  }
0x7b: {  	s30 =	sadd.s32 $0x600, s24  }
0x7c: {  	[tilespmem:s16], [sflag:$0x1] =	stream.indirect.gather [hbm4b:s3+s8], $0x10, s30, s8, $0xb8;
	[tilespmem:$0x14A00] =	vst v63  }
0x7d: {  	s31 =	sadd.s32 $0x680, s24  }
0x7e: {  	[tilespmem:s17], [sflag:$0x1] =	stream.indirect.gather [hbm4b:s3+s8], $0x10, s31, s8, $0xb8;
	[tilespmem:$0x14A00] =	vst v63  }
0x7f: {  	s24 =	sadd.s32 $0x700, s24  }
0x80: {  	[tilespmem:s18], [sflag:$0x1] =	stream.indirect.gather [hbm4b:s3+s8], $0x10, s24, s8, $0xb8;
	[tilespmem:$0x14A00] =	vst v63  }
0x81: {  	_ =	swait.ge [sflag:s19], $0x800  }
0x82: {  	[sflag:s19] =	ssyncset.done $0x0  }
0x83: {  	[sflag:s19] =	ssyncadd.s32 $0xFFFFF800  }
0x84: {  	_ =	swait.ge [sflag:s19], $0x800  }
0x85: {  	[sflag:s19] =	ssyncset.done $0x0  }
0x86: {  	[sflag:s19] =	ssyncadd.s32 $0xFFFFF800  }
0x87: {  	_ =	swait.ge [sflag:s19], $0x800  }
0x88: {  	[sflag:s19] =	ssyncset.done $0x0  }
0x89: {  	[sflag:s19] =	ssyncadd.s32 $0xFFFFF800  }
0x8a: {  	_ =	swait.ge [sflag:s19], $0x800  }
0x8b: {  	[sflag:s19] =	ssyncset.done $0x0  }
0x8c: {  	[sflag:s19] =	ssyncadd.s32 $0xFFFFF800  }
0x8d: {  	_ =	swait.ge [sflag:s19], $0x800  }
0x8e: {  	[sflag:s19] =	ssyncset.done $0x0  }
0x8f: {  	[sflag:s19] =	ssyncadd.s32 $0xFFFFF800  }
0x90: {  	_ =	swait.ge [sflag:s19], $0x800  }
0x91: {  	[sflag:s19] =	ssyncset.done $0x0  }
0x92: {  	[sflag:s19] =	ssyncadd.s32 $0xFFFFF800  }
0x93: {  	_ =	swait.ge [sflag:s19], $0x800  }
0x94: {  	[sflag:s19] =	ssyncset.done $0x0  }
0x95: {  	[sflag:s19] =	ssyncadd.s32 $0xFFFFF800  }
0x96: {  	_ =	swait.ge [sflag:s19], $0x800  }
0x97: {  	[sflag:s19] =	ssyncset.done $0x0  }
0x98: {  	[sflag:s19] =	ssyncadd.s32 $0xFFFFF800  }
0x99: {  	_ =	swait.ge [sflag:s19], $0x800  }
0x9a: {  	[sflag:s19] =	ssyncset.done $0x0  }
0x9b: {  	[sflag:s19] =	ssyncadd.s32 $0xFFFFF800  }
0x9c: {  	_ =	swait.ge [sflag:s19], $0x800  }
0x9d: {  	[sflag:s19] =	ssyncset.done $0x0  }
0x9e: {  	[sflag:s19] =	ssyncadd.s32 $0xFFFFF800  }
0x9f: {  	_ =	swait.ge [sflag:s19], $0x800  }
0xa0: {  	[sflag:s19] =	ssyncset.done $0x0  }
0xa1: {  	[sflag:s19] =	ssyncadd.s32 $0xFFFFF800  }
0xa2: {  	_ =	swait.ge [sflag:s19], $0x800  }
0xa3: {  	[sflag:s19] =	ssyncset.done $0x0  }
0xa4: {  	[sflag:s19] =	ssyncadd.s32 $0xFFFFF800  }
0xa5: {  	_ =	swait.ge [sflag:s19], $0x800  }
0xa6: {  	[sflag:s19] =	ssyncset.done $0x0  }
0xa7: {  	[sflag:s19] =	ssyncadd.s32 $0xFFFFF800  }
0xa8: {  	_ =	swait.ge [sflag:s19], $0x800  }
0xa9: {  	[sflag:s19] =	ssyncset.done $0x0  }
0xaa: {  	[sflag:s19] =	ssyncadd.s32 $0xFFFFF800  }
0xab: {  	_ =	swait.ge [sflag:s19], $0x800  }
.Ltmp0:
0xac: {  	[sflag:s19] =	ssyncset.done $0x0;
	(pc) =	sbr.rel @p0 .LBB2_2-.Ltmp0, $4  }
0xad: {  	[sflag:s19] =	ssyncadd.s32 $0xFFFFF800  }
0xae: {  	[hbm4b:s21+s2] =	stream.linear.scatter [tilespmem:s9], [sflag:$0x2], $0x7800, $0x38;
	[tilespmem:$0x14A00] =	vst v63  }
0xaf: {  	s26 =	smov.u32 s23;
	_ =	swait.ge [sflag:s7], $0x7800  }
0xb0: {  	s21 =	sadd.s32 $0xF00, s21;
	s25 =	rddreg [dreg:$0x3];
	[sflag:s7] =	ssyncset.done $0x0  }
0xb1: {  	s22 =	sshra.s32 s22, $0x2;
	[sflag:s7] =	ssyncadd.s32 $0xFFFF8800  }
0xb2: {  	[tilespmem:s9], [sflag:$0x1] =	stream.indirect.gather [hbm4b:s3+s8], $0x10, s22, s8, $0xb8;
	[tilespmem:$0x14A00] =	vst v63  }
0xb3: {  	s23 =	rddreg [dreg:$0x2];
	s24 =	sadd.s32 $0x80, s22  }
0xb4: {  	[tilespmem:s23], [sflag:$0x1] =	stream.indirect.gather [hbm4b:s3+s8], $0x10, s24, s8, $0xb8;
	[tilespmem:$0x14A00] =	vst v63  }
0xb5: {  	s30 =	sadd.s32 $0x100, s22  }
0xb6: {  	[tilespmem:s25], [sflag:$0x1] =	stream.indirect.gather [hbm4b:s3+s8], $0x10, s30, s8, $0xb8;
	[tilespmem:$0x14A00] =	vst v63  }
0xb7: {  	s31 =	rddreg [dreg:$0x4];
	s25 =	sadd.s32 $0x180, s22  }
0xb8: {  	[tilespmem:s31], [sflag:$0x1] =	stream.indirect.gather [hbm4b:s3+s8], $0x10, s25, s8, $0xb8;
	[tilespmem:$0x14A00] =	vst v63  }
0xb9: {  	s26 =	rddreg [dreg:$0x5];
	s29 =	sadd.s32 $0x200, s22  }
0xba: {  	[tilespmem:s26], [sflag:$0x1] =	stream.indirect.gather [hbm4b:s3+s8], $0x10, s29, s8, $0xb8;
	[tilespmem:$0x14A00] =	vst v63  }
0xbb: {  	s28 =	rddreg [dreg:$0x6];
	s30 =	sadd.s32 $0x280, s22  }
0xbc: {  	[tilespmem:s28], [sflag:$0x1] =	stream.indirect.gather [hbm4b:s3+s8], $0x10, s30, s8, $0xb8;
	[tilespmem:$0x14A00] =	vst v63  }
0xbd: {  	s31 =	sadd.s32 $0x300, s22  }
0xbe: {  	[tilespmem:s10], [sflag:$0x1] =	stream.indirect.gather [hbm4b:s3+s8], $0x10, s31, s8, $0xb8;
	[tilespmem:$0x14A00] =	vst v63  }
0xbf: {  	s24 =	sadd.s32 $0x380, s22  }
0xc0: {  	[tilespmem:s11], [sflag:$0x1] =	stream.indirect.gather [hbm4b:s3+s8], $0x10, s24, s8, $0xb8;
	[tilespmem:$0x14A00] =	vst v63  }
0xc1: {  	s25 =	sadd.s32 $0x400, s22  }
0xc2: {  	[tilespmem:s12], [sflag:$0x1] =	stream.indirect.gather [hbm4b:s3+s8], $0x10, s25, s8, $0xb8;
	[tilespmem:$0x14A00] =	vst v63  }
0xc3: {  	s26 =	sadd.s32 $0x480, s22  }
0xc4: {  	[tilespmem:s13], [sflag:$0x1] =	stream.indirect.gather [hbm4b:s3+s8], $0x10, s26, s8, $0xb8;
	[tilespmem:$0x14A00] =	vst v63  }
0xc5: {  	s28 =	sadd.s32 $0x500, s22  }
0xc6: {  	[tilespmem:s14], [sflag:$0x1] =	stream.indirect.gather [hbm4b:s3+s8], $0x10, s28, s8, $0xb8;
	[tilespmem:$0x14A00] =	vst v63  }
0xc7: {  	s29 =	sadd.s32 $0x580, s22  }
0xc8: {  	[tilespmem:s15], [sflag:$0x1] =	stream.indirect.gather [hbm4b:s3+s8], $0x10, s29, s8, $0xb8;
	[tilespmem:$0x14A00] =	vst v63  }
0xc9: {  	s30 =	sadd.s32 $0x600, s22  }
0xca: {  	[tilespmem:s16], [sflag:$0x1] =	stream.indirect.gather [hbm4b:s3+s8], $0x10, s30, s8, $0xb8;
	[tilespmem:$0x14A00] =	vst v63  }
0xcb: {  	s31 =	sadd.s32 $0x680, s22  }
0xcc: {  	[tilespmem:s17], [sflag:$0x1] =	stream.indirect.gather [hbm4b:s3+s8], $0x10, s31, s8, $0xb8;
	[tilespmem:$0x14A00] =	vst v63  }
0xcd: {  	s22 =	sadd.s32 $0x700, s22  }
0xce: {  	[tilespmem:s18], [sflag:$0x1] =	stream.indirect.gather [hbm4b:s3+s8], $0x10, s22, s8, $0xb8;
	[tilespmem:$0x14A00] =	vst v63  }
0xcf: {  	_ =	swait.ge [sflag:s19], $0x800  }
0xd0: {  	[sflag:s19] =	ssyncset.done $0x0  }
0xd1: {  	[sflag:s19] =	ssyncadd.s32 $0xFFFFF800  }
0xd2: {  	_ =	swait.ge [sflag:s19], $0x800  }
0xd3: {  	[sflag:s19] =	ssyncset.done $0x0  }
0xd4: {  	[sflag:s19] =	ssyncadd.s32 $0xFFFFF800  }
0xd5: {  	_ =	swait.ge [sflag:s19], $0x800  }
0xd6: {  	[sflag:s19] =	ssyncset.done $0x0  }
0xd7: {  	[sflag:s19] =	ssyncadd.s32 $0xFFFFF800  }
0xd8: {  	_ =	swait.ge [sflag:s19], $0x800  }
0xd9: {  	[sflag:s19] =	ssyncset.done $0x0  }
0xda: {  	[sflag:s19] =	ssyncadd.s32 $0xFFFFF800  }
0xdb: {  	_ =	swait.ge [sflag:s19], $0x800  }
0xdc: {  	[sflag:s19] =	ssyncset.done $0x0  }
0xdd: {  	[sflag:s19] =	ssyncadd.s32 $0xFFFFF800  }
0xde: {  	_ =	swait.ge [sflag:s19], $0x800  }
0xdf: {  	[sflag:s19] =	ssyncset.done $0x0  }
0xe0: {  	[sflag:s19] =	ssyncadd.s32 $0xFFFFF800  }
0xe1: {  	_ =	swait.ge [sflag:s19], $0x800  }
0xe2: {  	[sflag:s19] =	ssyncset.done $0x0  }
0xe3: {  	[sflag:s19] =	ssyncadd.s32 $0xFFFFF800  }
0xe4: {  	_ =	swait.ge [sflag:s19], $0x800  }
0xe5: {  	[sflag:s19] =	ssyncset.done $0x0  }
0xe6: {  	[sflag:s19] =	ssyncadd.s32 $0xFFFFF800  }
0xe7: {  	_ =	swait.ge [sflag:s19], $0x800  }
0xe8: {  	[sflag:s19] =	ssyncset.done $0x0  }
0xe9: {  	[sflag:s19] =	ssyncadd.s32 $0xFFFFF800  }
0xea: {  	_ =	swait.ge [sflag:s19], $0x800  }
0xeb: {  	[sflag:s19] =	ssyncset.done $0x0  }
0xec: {  	[sflag:s19] =	ssyncadd.s32 $0xFFFFF800  }
0xed: {  	_ =	swait.ge [sflag:s19], $0x800  }
0xee: {  	[sflag:s19] =	ssyncset.done $0x0  }
0xef: {  	[sflag:s19] =	ssyncadd.s32 $0xFFFFF800  }
0xf0: {  	_ =	swait.ge [sflag:s19], $0x800  }
0xf1: {  	[sflag:s19] =	ssyncset.done $0x0  }
0xf2: {  	[sflag:s19] =	ssyncadd.s32 $0xFFFFF800  }
0xf3: {  	_ =	swait.ge [sflag:s19], $0x800  }
0xf4: {  	[sflag:s19] =	ssyncset.done $0x0  }
0xf5: {  	[sflag:s19] =	ssyncadd.s32 $0xFFFFF800  }
0xf6: {  	_ =	swait.ge [sflag:s19], $0x800  }
0xf7: {  	[sflag:s19] =	ssyncset.done $0x0  }
0xf8: {  	[sflag:s19] =	ssyncadd.s32 $0xFFFFF800  }
0xf9: {  	s20 =	sadd.s32 $0x1, s20;
	_ =	swait.ge [sflag:s19], $0x800  }
0xfa: {  	p0 =	sne.s32 s20, s5;
	[sflag:s19] =	ssyncset.done $0x0  }
.Ltmp1:
0xfb: {  	[sflag:s19] =	ssyncadd.s32 $0xFFFFF800;
	(pc) =	sbr.rel @p0 .LBB2_1-.Ltmp1, $4  }
0xfc: {  	[hbm4b:s21+s2] =	stream.linear.scatter [tilespmem:s9], [sflag:$0x2], $0x7800, $0x38;
	[tilespmem:$0x14A00] =	vst v63  }
0xfd: {  	_ =	swait.ge [sflag:s7], $0x7800  }
0xfe: {  	[sflag:s7] =	ssyncset.done $0x0  }
0xff: {  	[sflag:s7] =	ssyncadd.s32 $0xFFFF8800  }
0x100: {  	_ =	sfence.sel $0x180000  }
0x101: {  	[bflag:$0x0] =	sbarrier.arrive $0xFFFF  }
0x102: {  	p0 =	sne.s32 s1, $0x0;
	_ =	strace $0x90000056  }
0x103: {  	s0 =	sadd.s32 @!p0 $0x100000, s0;
	[bflag:$0x2] =	sbarrier.arrive $0xFFFF  }
0x104: {  	[sflag:s0] =	ssyncadd.tile.s32 @!p0 $0x1;
	_ =	shalt  }
.Lfunc_end2:
_tile_overlayer_lowered:
.L_overlay_start_2:
0x105: {  	(tag) =	ssettag $0x2  }
0x106: {  	s0 =	rddreg [dreg:$0x0];
	s2 =	stileid.u32  }
0x107: {  	s1 =	rddreg [dreg:$0x1];
	p0 =	sne.s32 s2, $0x0  }
0x108: {  	s3 =	rddreg [dreg:$0x2];
	[bflag:$0x3] =	sbarrier.arrive $0xFFFF;
	s2 =	simm.s32 @!p0 $0x1C02  }
0x109: {  	[timem:s3], [sflag:s2] =	dma.local @!p0 [hbm:s0], s1  }
0x10a: {  	s0 =	simm.s32 @!p0 $0x2  }
0x10b: {  	_ =	swait.ge @!p0 [sflag:s0], s1  }
0x10c: {  	s1 =	ssub.s32 @!p0 $0x0, s1;
	[sflag:s0] =	ssyncset.done @!p0 $0x0  }
0x10d: {  	[sflag:s0] =	ssyncadd.s32 @!p0 s1  }
0x10e: {  	[bflag:$0x3] =	sbarrier.arrive $0xFFFF  }
0x10f: {  	_ =	shalt  }

// kernel: kernel.25.cloned.1.call-start
scs
__scs_entry_jumppad:
0x0: {  	(pc) =	sbr.rel $0x88, $3  }
0x1: {  	(tag) =	ssettag $0x0;
	lr =	simm.s32 $0x1  }
0x2: {  	[smem:$0x3F8C] =	sst lr;
	_ =	strace $0xD0000000  }
0x3: {  	_ = 	snop  }
0x4: {  	_ = 	snop  }
0x5: {  	_ = 	snop  }
0x6: {  	_ = 	snop  }
0x7: {  	_ = 	snop  }
__scs_overlays_trampoline_lowered:
0x8: {  	[smem:$0x3F9B] =	sst s0  }
0x9: {  	[smem:$0x3F9C] =	sst s1  }
0xa: {  	[smem:$0x3F9D] =	sst s2  }
0xb: {  	[smem:$0x3F9E] =	sst s3  }
0xc: {  	[smem:$0x3F9F] =	sst s4  }
0xd: {  	[smem:$0x3FA0] =	sst s5  }
0xe: {  	[smem:$0x3FA1] =	sst s6  }
0xf: {  	[smem:$0x3FA2] =	sst s7  }
0x10: {  	[smem:$0x3FA3] =	sst s8  }
0x11: {  	[smem:$0x3FA4] =	sst s9;
	s0 =	simm.s32 @!p0 $0x0  }
0x12: {  	s1 =	sld [smem:$0x3F8A];
	s0 =	simm.s32 @p0 $0x1  }
0x13: {  	[smem:$0x3FA5] =	sst s0;
	s0 =	simm.s32 @!p1 $0x0  }
0x14: {  	s2 =	sld [smem:$0x3F89];
	s0 =	simm.s32 @p1 $0x1  }
0x15: {  	[smem:$0x3FA6] =	sst s0;
	s0 =	simm.s32 @!p2 $0x0  }
0x16: {  	s3 =	sld [smem:$0x3FDB];
	s0 =	simm.s32 @p2 $0x1  }
0x17: {  	s4 =	simm.s32 $0x1BF5;
	[smem:$0x3FA8] =	sst s0  }
0x18: {  	s0 =	sld [smem:$0x3F8B];
	_ =	swait.ge [sflag:s4], $0x0  }
0x19: {  	s7 =	sld [smem:$0x3F8C]  }
0x1a: {  	s8 =	sadd.s32 $0xFFFFE003, lr  }
0x1b: {  	s9 =	sadd.s32 $0xFFFFFEF7, lr;
	s5 =	simm.s32 $0xFFFFFFFF;
	p2 =	slt.u32 s8, $0xFFFFF086  }
0x1c: {  	p1 =	slt.u32 s9, $0xF7A;
	s5 =	simm.s32 @!p2 $0x0  }
0x1d: {  	s5 =	simm.s32 @p1 $0x1;
	p0 =	seq.s32 s7, s2  }
0x1e: {  	s7 =	smul.u32 @!p0 $0xF7A, s2;
	p2 =	seq.s32 @!p0 s5, $0x0  }
0x1f: {  	s9 =	smul.u32 $0xF7A, s1;
	s8 =	simm.s32 @!p0 $0x1BF5;
	p2 =	por !p2, p0  }
0x20: {  	[sflag:s8] =	ssyncset.s32 @!p0 $0xFFFFF086;
	s6 =	sadd.s32 @!p0 s3, s7;
	s7 =	simm.s32 @!p0 $0x108  }
0x21: {  	s3 =	sadd.s32 s3, s9;
	s6 =	sadd.s32 @!p0 $0x88, s6;
	s7 =	simm.s32 @p2 $0x1082  }
0x22: {  	[simem:s7], [sflag:s8] =	dma.local @!p0 [hbm:s6], $0xF7A  }
0x23: {  	s9 =	sor.u32 $0xD0000000, s2;
	s6 =	simm.s32 $0x108;
	_ =	swait.ge @!p0 [sflag:s8], $0x0  }
0x24: {  	s3 =	sadd.s32 $0x88, s3;
	s6 =	simm.s32 @!p1 $0x1082;
	[sflag:s4] =	ssyncset.s32 $0xFFFFF086  }
0x25: {  	[simem:s6], [sflag:s4] =	dma.local [hbm:s3], $0xF7A  }
0x26: {  	[smem:$0x3F8C] =	sst s1;
	(tag) =	ssettag s2;
	_ =	strace s9  }
0x27: {  	s1 =	sld [smem:$0x3F9C]  }
0x28: {  	s2 =	sld [smem:$0x3F9D]  }
0x29: {  	s4 =	sld [smem:$0x3F9F]  }
0x2a: {  	p0 =	seq.s32 s5, $0x0;
	s5 =	sld [smem:$0x3FA0]  }
0x2b: {  	s6 =	sld [smem:$0x3FA1]  }
0x2c: {  	s7 =	sld [smem:$0x3FA2]  }
0x2d: {  	s3 =	simm.s32 $0x108;
	s8 =	sld [smem:$0x3FA3]  }
0x2e: {  	s3 =	simm.s32 @!p0 $0x1082;
	s9 =	sld [smem:$0x3FA4]  }
0x2f: {  	lr =	sadd.s32 s0, s3;
	s0 =	sld [smem:$0x3F9B]  }
0x30: {  	s3 =	sld [smem:$0x3F9E]  }
0x31: {  	[smem:$0x3FA7] =	sst s10  }
0x32: {  	s10 =	sld [smem:$0x3FA5];
	_ =	sdelay $0x3  }
0x33: {  	p0 =	seq.s32 s10, $0x1;
	s10 =	sld [smem:$0x3FA7];
	_ =	sdelay $0x3  }
0x34: {  	[smem:$0x3FA7] =	sst s10  }
0x35: {  	s10 =	sld [smem:$0x3FA6];
	_ =	sdelay $0x3  }
0x36: {  	p1 =	seq.s32 s10, $0x1;
	s10 =	sld [smem:$0x3FA7];
	_ =	sdelay $0x3  }
0x37: {  	[smem:$0x3FA7] =	sst s10  }
0x38: {  	s10 =	sld [smem:$0x3FA8]  }
0x39: {  	_ = 	snop;
	(pc) =	sbr.ind lr, $3  }
0x3a: {  	_ = 	snop  }
0x3b: {  	_ = 	snop  }
0x3c: {  	p2 =	seq.s32 s10, $0x1;
	s10 =	sld [smem:$0x3FA7]  }
0x3d: {  	_ =	shalt  }
0x3e: {  	_ =	shalt  }
0x3f: {  	_ =	shalt  }
0x40: {  	_ =	shalt  }
0x41: {  	_ =	shalt  }
0x42: {  	_ =	shalt  }
0x43: {  	_ =	shalt  }
0x44: {  	_ =	shalt  }
0x45: {  	_ =	shalt  }
0x46: {  	_ =	shalt  }
0x47: {  	_ =	shalt  }
0x48: {  	_ =	shalt  }
0x49: {  	_ =	shalt  }
0x4a: {  	_ =	shalt  }
0x4b: {  	_ =	shalt  }
0x4c: {  	_ =	shalt  }
0x4d: {  	_ =	shalt  }
0x4e: {  	_ =	shalt  }
0x4f: {  	_ =	shalt  }
0x50: {  	_ =	shalt  }
0x51: {  	_ =	shalt  }
0x52: {  	_ =	shalt  }
0x53: {  	_ =	shalt  }
0x54: {  	_ =	shalt  }
0x55: {  	_ =	shalt  }
0x56: {  	_ =	shalt  }
0x57: {  	_ =	shalt  }
0x58: {  	_ =	shalt  }
0x59: {  	_ =	shalt  }
0x5a: {  	_ =	shalt  }
0x5b: {  	_ =	shalt  }
0x5c: {  	_ =	shalt  }
0x5d: {  	_ =	shalt  }
0x5e: {  	_ =	shalt  }
0x5f: {  	_ =	shalt  }
0x60: {  	_ =	shalt  }
0x61: {  	_ =	shalt  }
0x62: {  	_ =	shalt  }
0x63: {  	_ =	shalt  }
0x64: {  	_ =	shalt  }
0x65: {  	_ =	shalt  }
0x66: {  	_ =	shalt  }
0x67: {  	_ =	shalt  }
0x68: {  	_ =	shalt  }
0x69: {  	_ =	shalt  }
0x6a: {  	_ =	shalt  }
0x6b: {  	_ =	shalt  }
0x6c: {  	_ =	shalt  }
0x6d: {  	_ =	shalt  }
0x6e: {  	_ =	shalt  }
0x6f: {  	_ =	shalt  }
0x70: {  	_ =	shalt  }
0x71: {  	_ =	shalt  }
0x72: {  	_ =	shalt  }
0x73: {  	_ =	shalt  }
0x74: {  	_ =	shalt  }
0x75: {  	_ =	shalt  }
0x76: {  	_ =	shalt  }
0x77: {  	_ =	shalt  }
0x78: {  	_ =	shalt  }
0x79: {  	_ =	shalt  }
0x7a: {  	_ =	shalt  }
0x7b: {  	_ =	shalt  }
0x7c: {  	_ =	shalt  }
0x7d: {  	_ =	shalt  }
0x7e: {  	_ =	shalt  }
0x7f: {  	_ =	shalt  }
0x80: {  	_ =	shalt  }
0x81: {  	_ =	shalt  }
0x82: {  	_ =	shalt  }
0x83: {  	_ =	shalt  }
0x84: {  	_ =	shalt  }
0x85: {  	_ =	shalt  }
0x86: {  	_ =	shalt  }
0x87: {  	_ =	shalt  }
.Lfunc_end0:
.L_simem_size_0:
called_computation.5_lowered:
.L_overlay_start_0:
0x88: {  	s2 =	sld [smem:$0x3FD9]  }
0x89: {  	s3 =	sld [smem:$0x3FFE];
	_ =	sdelay $0x1  }
0x8a: {  	s1 =	srdreg.scid  }
0x8b: {  	s0 =	sand.u32 $0x1, s1  }
0x8c: {  	s17 =	sshll.u32 s0, $0xA;
	s2 =	sadd.s32 s3, s2  }
0x8d: {  	s2 =	sadd.s32 s2, s17  }
0x8e: {  	[smem:$0x3FB3] =	sst s2  }
0x8f: {  	_ = 	snop  }
0x90: {  	(tm) =	ssettm $0x1  }
0x91: {  	s18 =	sld [smem:$0x3FFB];
	_ =	sdelay $0x3  }
0x92: {  	_ =	strace s18  }
0x93: {  	s2 =	sld [smem:$0x3FFC];
	_ =	sdelay $0x3  }
0x94: {  	_ =	strace s2  }
0x95: {  	s2 =	sld [smem:$0x3FFD];
	_ =	sdelay $0x3  }
0x96: {  	_ =	strace s2  }
0x97: {  	_ =	strace $0x8FFFFFFF  }
0x98: {  	s19 =	sld [smem:$0x3FDB];
	_ =	sdelay $0x1  }
0x99: {  	s20 =	simm.s32 $_scs_section_size  }
0x9a: {  	s4 =	simm.s32 $_size__tile_overlayer_lowered;
	s5 =	simm.s32 $_tile_overlayer_lowered  }
0x9b: {  	s6 =	simm.s32 $0x1BFF;
	s21 =	sshll.u32 s5, $0x1;
	s3 =	sadd.s32 s20, s19  }
0x9c: {  	s22 =	simm.s32 $0x0;
	s4 =	sshll.u32 s4, $0x1;
	s5 =	sadd.s32 s21, s3  }
0x9d: {  	[timem:s22], [sflag:s6] =	dma.local [hbm:s5], s4  }
0x9e: {  	_ =	swait.ge [sflag:s6], s4  }
0x9f: {  	s4 =	ssub.s32 $0x0, s4;
	[sflag:s6] =	ssyncset.done $0x0  }
0xa0: {  	[sflag:s6] =	ssyncadd.s32 s4;
	_ =	sdelay $0x1  }
0xa1: {  	s23 =	simm.s32 $0x1B8B  }
0xa2: {  	_ =	swait.ge [sflag:s23], $0x1  }
0xa3: {  	[sflag:s23] =	ssyncset.done $0x0  }
0xa4: {  	[sflag:s23] =	ssyncadd.s32 $0xFFFFFFFF  }
0xa5: {  	s4 =	sld [smem:$0x0]  }
0xa6: {  	s5 =	sand.u32 $0xFFFFFFFE, s1  }
0xa7: {  	p0 =	sne.s32 s1, s5  }
0xa8: {  	s5 =	sshll.u32 @p0 s5, $0xE  }
0xa9: {  	s5 =	sadd.s32 @p0 $0x11B8D, s5;
	s6 =	sshll.u32 @p0 s4, $0x11  }
0xaa: {  	s5 =	sor.u32 @p0 s6, s5  }
0xab: {  	[sflag:s5] =	ssyncadd.remote.s32 @p0 $0x1;
	_ =	sdelay $0x1  }
0xac: {  	s5 =	simm.s32 @p0 $0x1B8D  }
0xad: {  	_ =	swait.eq @p0 [sflag:s5], $0x1  }
0xae: {  	[sflag:s5] =	ssyncadd.s32 @p0 $0xFFFFFFFF  }
0xaf: {  	s6 =	sshll.u32 @!p0 s1, $0xE  }
0xb0: {  	s6 =	sor.u32 @!p0 $0x4000, s6;
	s5 =	simm.s32 @!p0 $0x1B8D  }
0xb1: {  	s4 =	sshll.u32 @!p0 s4, $0x11;
	s6 =	sadd.s32 @!p0 $0x11B8D, s6;
	_ =	swait.eq @!p0 [sflag:s5], $0x1  }
0xb2: {  	s4 =	sor.u32 @!p0 s4, s6;
	[sflag:s5] =	ssyncadd.s32 @!p0 $0xFFFFFFFF  }
0xb3: {  	s25 =	simm.s32 $0x1B8E;
	s24 =	sld [smem:$0x3FFE];
	[sflag:s4] =	ssyncadd.remote.s32 @!p0 $0x1  }
0xb4: {  	s26 =	simm.s32 $execute0_lowered;
	[smem:$0x3FD2] =	sst s25  }
0xb5: {  	s5 =	sshll.u32 s26, $0x1;
	_ =	strace $0x8000004F;
	[dreg:$0x1] =	wrdreg $0xFFFFFFFF  }
0xb6: {  	s28 =	simm.s32 $_size_execute0_lowered;
	s3 =	sadd.s32 s3, s5;
	[dreg:$0x0] =	wrdreg $0x0  }
0xb7: {  	s5 =	sshll.u32 s28, $0x1;
	[dreg:$0x2] =	wrdreg s3  }
0xb8: {  	[dreg:$0x3] =	wrdreg s5  }
0xb9: {  	[dreg:$0x4] =	wrdreg $0xC0  }
0xba: {  	_ =	task [dreg:s22], $0x5FFFF  }
0xbb: {  	[dreg:$0x1] =	wrdreg $0xFFFFFFFF  }
0xbc: {  	[dreg:$0x0] =	wrdreg $0x60  }
0xbd: {  	[dreg:$0x2] =	wrdreg s24  }
0xbe: {  	[dreg:$0x3] =	wrdreg $0xA  }
0xbf: {  	_ =	task.clear_ibuf [dreg:s22], $0x4FFFF;
	_ =	strace $0x9000004F  }
0xc0: {  	s29 =	simm.s32 $0xA;
	_ =	strace $0x80000051  }
0xc1: {  	_ =	swait.ge [sflag:s29], $0x1  }
0xc2: {  	[sflag:s29] =	ssyncadd.s32 $0xFFFFFFFF  }
0xc3: {  	_ =	strace $0x90000051  }
0xc4: {  	_ =	sfence  }
0xc5: {  	s30 =	sld [smem:$0x0];
	_ =	sdelay $0x2  }
0xc6: {  	s31 =	sshll.u32 s1, $0xD;
	s1 =	sshrl.u32 s1, $0x2  }
0xc7: {  	s4 =	sand.u32 $0x4000, s31;
	s1 =	sadd.s32 s1, s30  }
0xc8: {  	s0 =	sor.u32 s4, s0;
	s1 =	sshll.u32 s1, $0x11  }
0xc9: {  	s0 =	sor.u32 s1, s0  }
0xca: {  	s0 =	sadd.s32 $0x8F2B, s0  }
0xcb: {  	[sflag:s0] =	ssyncadd.remote.s32 $0x1  }
0xcc: {  	_ =	sfence.sel $0xFFFF  }
0xcd: {  	[dreg:$0x0] =	wrdreg $0xFFFFFFFF;
	(pc) =	sbr.abs _section_cstart, $3  }
0xce: {  	[dreg:$0x1] =	wrdreg $0xFFFFFFFF  }
0xcf: {  	_ =	task.clear_ibuf [dreg:s22], $0x2FFFF;
	_ =	strace $0x9FFFFFFF  }
0xd0: {  	(tm) =	ssettm $0x7FFFFFFF  }
0xd1: {  	_ =	shalt  }
tec
execute0_lowered:
.L_overlay_start_1:
0x0: {  	(tag) =	ssettag $0x1  }
0x1: {  	s0 =	srdreg.scid  }
0x2: {  	s17 =	stileid.u32;
	s3 =	rddreg [dreg:$0x0]  }
0x3: {  	s2 =	simm.s32 $0x0;
	s7 =	simm.s32 $0x80;
	s23 =	simm.s32 $0x100  }
0x4: {  	s24 =	simm.s32 $0x180;
	s8 =	simm.s32 $0x1200;
	s25 =	simm.s32 $0x200  }
0x5: {  	s9 =	simm.s32 $0x1A00;
	s26 =	simm.s32 $0x280;
	s10 =	simm.s32 $0x2200  }
0x6: {  	s11 =	simm.s32 $0x2A00;
	s12 =	simm.s32 $0x3200;
	s29 =	simm.s32 $0x300  }
0x7: {  	s13 =	simm.s32 $0x3A00;
	s30 =	simm.s32 $0x380;
	s14 =	simm.s32 $0x4200  }
0x8: {  	s31 =	simm.s32 $0x400;
	s15 =	simm.s32 $0x4A00;
	s18 =	simm.s32 $0x480  }
0x9: {  	s16 =	simm.s32 $0x5200;
	s19 =	simm.s32 $0x580;
	s20 =	simm.s32 $0x600  }
0xa: {  	s21 =	simm.s32 $0x680;
	p0 =	por $0x0, $0x0;
	[smem:$0x7FF] =	sst s2  }
0xb: {  	s28 =	simm.s32 $0x980;
	_ =	strace $0x80000050;
	[dreg:$0x5] =	wrdreg s23  }
0xc: {  	s0 =	sand.u32 $0x1, s0;
	s1 =	sshll.u32 s17, $0x1;
	[dreg:$0x6] =	wrdreg s24  }
0xd: {  	s1 =	sor.u32 s0, s1;
	s0 =	ssub.s32 $0x2, s0;
	[dreg:$0x7] =	wrdreg s25  }
0xe: {  	s6 =	sadd.s32 $0xE93800, s3;
	[dreg:$0x8] =	wrdreg s26;
	s5 =	sshrl.u32 s0, $0x1  }
0xf: {  	s23 =	simm.s32 $0x780;
	s4 =	smul.u32 $0x140, s1;
	s0 =	ssub.s32 s0, s5  }
0x10: {  	s24 =	simm.s32 $0x800;
	s1 =	smul.u32 $0x1400, s1;
	s0 =	smax.u32 s0, $0x1  }
0x11: {  	s25 =	simm.s32 $0x880;
	s4 =	sadd.s32 s4, s3;
	p1 =	sne.s32 s0, $0x1  }
.Ltmp0:
0x12: {  	s1 =	sadd.s32 s1, s3;
	s4 =	sadd.s32 $0x6EA00, s4;
	(pc) =	sbr.rel @!p1 .LBB2_1-.Ltmp0, $4  }
0x13: {  	s26 =	simm.s32 $0x900;
	s22 =	sadd.s32 $0x25E600, s1;
	[dreg:$0x2] =	wrdreg s4  }
0x14: {  	s5 =	simm.s32 $0x1;
	s1 =	sadd.s32 $0x25F000, s1;
	[dreg:$0x3] =	wrdreg s22  }
0x15: {  	s3 =	simm.s32 $0x2;
	[dreg:$0x4] =	wrdreg s1;
	s4 =	simm.s32 $0xA00  }
0x16: {  	s1 =	sadd.s32 $0xFFFFFFFF, s0;
	s22 =	simm.s32 $0x700;
	s0 =	rddreg [dreg:$0x2]  }
0x17: {  	[tilespmem:s2], [sflag:$0x2] =	stream.linear.gather [hbm4b:s0+s2], $0xA00, $0x38;
	[tilespmem:$0x5A00] =	vst v63  }
0x18: {  	_ =	swait.ge [sflag:s3], $0xA00  }
0x19: {  	[sflag:s3] =	ssyncset.done $0x0  }
0x1a: {  	[sflag:s3] =	ssyncadd.s32 $0xFFFFF600  }
0x1b: {  	[tilespmem:s4], [sflag:$0x1] =	stream.indirect.gather [hbm4b:s6+s7], $0x10, s2, s7, $0xb8;
	[tilespmem:$0x5A00] =	vst v63  }
0x1c: {  	_ = 	snop  }
0x1d: {  	[tilespmem:s8], [sflag:$0x1] =	stream.indirect.gather [hbm4b:s6+s7], $0x10, s7, s7, $0xb8;
	[tilespmem:$0x5A00] =	vst v63  }
0x1e: {  	s0 =	rddreg [dreg:$0x5]  }
0x1f: {  	[tilespmem:s9], [sflag:$0x1] =	stream.indirect.gather [hbm4b:s6+s7], $0x10, s0, s7, $0xb8;
	[tilespmem:$0x5A00] =	vst v63  }
0x20: {  	s17 =	smov.u32 s1;
	s1 =	rddreg [dreg:$0x6]  }
0x21: {  	[tilespmem:s10], [sflag:$0x1] =	stream.indirect.gather [hbm4b:s6+s7], $0x10, s1, s7, $0xb8;
	[tilespmem:$0x5A00] =	vst v63  }
0x22: {  	s0 =	rddreg [dreg:$0x7]  }
0x23: {  	[tilespmem:s11], [sflag:$0x1] =	stream.indirect.gather [hbm4b:s6+s7], $0x10, s0, s7, $0xb8;
	[tilespmem:$0x5A00] =	vst v63  }
0x24: {  	s1 =	rddreg [dreg:$0x8]  }
0x25: {  	[tilespmem:s12], [sflag:$0x1] =	stream.indirect.gather [hbm4b:s6+s7], $0x10, s1, s7, $0xb8;
	[tilespmem:$0x5A00] =	vst v63  }
0x26: {  	_ = 	snop  }
0x27: {  	[tilespmem:s13], [sflag:$0x1] =	stream.indirect.gather [hbm4b:s6+s7], $0x10, s29, s7, $0xb8;
	[tilespmem:$0x5A00] =	vst v63  }
0x28: {  	_ = 	snop  }
0x29: {  	[tilespmem:s14], [sflag:$0x1] =	stream.indirect.gather [hbm4b:s6+s7], $0x10, s30, s7, $0xb8;
	[tilespmem:$0x5A00] =	vst v63  }
0x2a: {  	_ = 	snop  }
0x2b: {  	[tilespmem:s15], [sflag:$0x1] =	stream.indirect.gather [hbm4b:s6+s7], $0x10, s31, s7, $0xb8;
	[tilespmem:$0x5A00] =	vst v63  }
0x2c: {  	_ = 	snop  }
0x2d: {  	[tilespmem:s16], [sflag:$0x1] =	stream.indirect.gather [hbm4b:s6+s7], $0x10, s18, s7, $0xb8;
	[tilespmem:$0x5A00] =	vst v63  }
0x2e: {  	_ =	swait.ge [sflag:s5], $0x800  }
0x2f: {  	[sflag:s5] =	ssyncset.done $0x0  }
0x30: {  	[sflag:s5] =	ssyncadd.s32 $0xFFFFF800  }
0x31: {  	_ =	swait.ge [sflag:s5], $0x800  }
0x32: {  	[sflag:s5] =	ssyncset.done $0x0  }
0x33: {  	[sflag:s5] =	ssyncadd.s32 $0xFFFFF800  }
0x34: {  	_ =	swait.ge [sflag:s5], $0x800  }
0x35: {  	[sflag:s5] =	ssyncset.done $0x0  }
0x36: {  	[sflag:s5] =	ssyncadd.s32 $0xFFFFF800  }
0x37: {  	_ =	swait.ge [sflag:s5], $0x800  }
0x38: {  	[sflag:s5] =	ssyncset.done $0x0  }
0x39: {  	[sflag:s5] =	ssyncadd.s32 $0xFFFFF800  }
0x3a: {  	_ =	swait.ge [sflag:s5], $0x800  }
0x3b: {  	[sflag:s5] =	ssyncset.done $0x0  }
0x3c: {  	[sflag:s5] =	ssyncadd.s32 $0xFFFFF800  }
0x3d: {  	_ =	swait.ge [sflag:s5], $0x800  }
0x3e: {  	[sflag:s5] =	ssyncset.done $0x0  }
0x3f: {  	[sflag:s5] =	ssyncadd.s32 $0xFFFFF800  }
0x40: {  	_ =	swait.ge [sflag:s5], $0x800  }
0x41: {  	[sflag:s5] =	ssyncset.done $0x0  }
0x42: {  	[sflag:s5] =	ssyncadd.s32 $0xFFFFF800  }
0x43: {  	_ =	swait.ge [sflag:s5], $0x800  }
0x44: {  	[sflag:s5] =	ssyncset.done $0x0  }
0x45: {  	[sflag:s5] =	ssyncadd.s32 $0xFFFFF800  }
0x46: {  	_ =	swait.ge [sflag:s5], $0x800  }
0x47: {  	[sflag:s5] =	ssyncset.done $0x0  }
0x48: {  	[sflag:s5] =	ssyncadd.s32 $0xFFFFF800  }
0x49: {  	_ =	swait.ge [sflag:s5], $0x800  }
0x4a: {  	[sflag:s5] =	ssyncset.done $0x0  }
0x4b: {  	s1 =	rddreg [dreg:$0x3];
	[sflag:s5] =	ssyncadd.s32 $0xFFFFF800  }
0x4c: {  	[hbm4b:s1+s2] =	stream.linear.scatter [tilespmem:s4], [sflag:$0x2], $0x5000, $0x38;
	[tilespmem:$0x5A00] =	vst v63  }
0x4d: {  	_ =	swait.ge [sflag:s3], $0x5000  }
0x4e: {  	[sflag:s3] =	ssyncset.done $0x0  }
0x4f: {  	s1 =	simm.s32 $0x500;
	[sflag:s3] =	ssyncadd.s32 $0xFFFFB000  }
0x50: {  	[tilespmem:s4], [sflag:$0x1] =	stream.indirect.gather [hbm4b:s6+s7], $0x10, s1, s7, $0xb8;
	[tilespmem:$0x5A00] =	vst v63  }
0x51: {  	_ = 	snop  }
0x52: {  	[tilespmem:s8], [sflag:$0x1] =	stream.indirect.gather [hbm4b:s6+s7], $0x10, s19, s7, $0xb8;
	[tilespmem:$0x5A00] =	vst v63  }
0x53: {  	_ = 	snop  }
0x54: {  	[tilespmem:s9], [sflag:$0x1] =	stream.indirect.gather [hbm4b:s6+s7], $0x10, s20, s7, $0xb8;
	[tilespmem:$0x5A00] =	vst v63  }
0x55: {  	_ = 	snop  }
0x56: {  	[tilespmem:s10], [sflag:$0x1] =	stream.indirect.gather [hbm4b:s6+s7], $0x10, s21, s7, $0xb8;
	[tilespmem:$0x5A00] =	vst v63  }
0x57: {  	_ = 	snop  }
0x58: {  	[tilespmem:s11], [sflag:$0x1] =	stream.indirect.gather [hbm4b:s6+s7], $0x10, s22, s7, $0xb8;
	[tilespmem:$0x5A00] =	vst v63  }
0x59: {  	_ = 	snop  }
0x5a: {  	[tilespmem:s12], [sflag:$0x1] =	stream.indirect.gather [hbm4b:s6+s7], $0x10, s23, s7, $0xb8;
	[tilespmem:$0x5A00] =	vst v63  }
0x5b: {  	_ = 	snop  }
0x5c: {  	[tilespmem:s13], [sflag:$0x1] =	stream.indirect.gather [hbm4b:s6+s7], $0x10, s24, s7, $0xb8;
	[tilespmem:$0x5A00] =	vst v63  }
0x5d: {  	_ = 	snop  }
0x5e: {  	[tilespmem:s14], [sflag:$0x1] =	stream.indirect.gather [hbm4b:s6+s7], $0x10, s25, s7, $0xb8;
	[tilespmem:$0x5A00] =	vst v63  }
0x5f: {  	_ = 	snop  }
0x60: {  	[tilespmem:s15], [sflag:$0x1] =	stream.indirect.gather [hbm4b:s6+s7], $0x10, s26, s7, $0xb8;
	[tilespmem:$0x5A00] =	vst v63  }
0x61: {  	_ = 	snop  }
0x62: {  	[tilespmem:s16], [sflag:$0x1] =	stream.indirect.gather [hbm4b:s6+s7], $0x10, s28, s7, $0xb8;
	[tilespmem:$0x5A00] =	vst v63  }
0x63: {  	_ =	swait.ge [sflag:s5], $0x800  }
0x64: {  	[sflag:s5] =	ssyncset.done $0x0  }
0x65: {  	[sflag:s5] =	ssyncadd.s32 $0xFFFFF800  }
0x66: {  	_ =	swait.ge [sflag:s5], $0x800  }
0x67: {  	[sflag:s5] =	ssyncset.done $0x0  }
0x68: {  	[sflag:s5] =	ssyncadd.s32 $0xFFFFF800  }
0x69: {  	_ =	swait.ge [sflag:s5], $0x800  }
0x6a: {  	[sflag:s5] =	ssyncset.done $0x0  }
0x6b: {  	[sflag:s5] =	ssyncadd.s32 $0xFFFFF800  }
0x6c: {  	_ =	swait.ge [sflag:s5], $0x800  }
0x6d: {  	[sflag:s5] =	ssyncset.done $0x0  }
0x6e: {  	[sflag:s5] =	ssyncadd.s32 $0xFFFFF800  }
0x6f: {  	_ =	swait.ge [sflag:s5], $0x800  }
0x70: {  	[sflag:s5] =	ssyncset.done $0x0  }
0x71: {  	[sflag:s5] =	ssyncadd.s32 $0xFFFFF800  }
0x72: {  	_ =	swait.ge [sflag:s5], $0x800  }
0x73: {  	[sflag:s5] =	ssyncset.done $0x0  }
0x74: {  	[sflag:s5] =	ssyncadd.s32 $0xFFFFF800  }
0x75: {  	_ =	swait.ge [sflag:s5], $0x800  }
0x76: {  	[sflag:s5] =	ssyncset.done $0x0  }
0x77: {  	[sflag:s5] =	ssyncadd.s32 $0xFFFFF800  }
0x78: {  	_ =	swait.ge [sflag:s5], $0x800  }
0x79: {  	[sflag:s5] =	ssyncset.done $0x0  }
0x7a: {  	[sflag:s5] =	ssyncadd.s32 $0xFFFFF800  }
0x7b: {  	_ =	swait.ge [sflag:s5], $0x800  }
0x7c: {  	[sflag:s5] =	ssyncset.done $0x0  }
0x7d: {  	[sflag:s5] =	ssyncadd.s32 $0xFFFFF800  }
0x7e: {  	p1 =	sne.s32 s17, $0x1;
	_ =	swait.ge [sflag:s5], $0x800  }
.Ltmp1:
0x7f: {  	[sflag:s5] =	ssyncset.done $0x0;
	(pc) =	sbr.rel @!p1 .LBB2_3-.Ltmp1, $4  }
0x80: {  	s1 =	rddreg [dreg:$0x4];
	[sflag:s5] =	ssyncadd.s32 $0xFFFFF800  }
0x81: {  	[hbm4b:s1+s2] =	stream.linear.scatter [tilespmem:s4], [sflag:$0x2], $0x5000, $0x38;
	[tilespmem:$0x5A00] =	vst v63  }
0x82: {  	p0 =	por $0x1, $0x1;
	_ =	swait.ge [sflag:s3], $0x5000  }
0x83: {  	s1 =	sadd.s32 $0xFFFFFFFF, s17;
	s0 =	rddreg [dreg:$0x2];
	[sflag:s3] =	ssyncset.done $0x0  }
.LBB2_4:
0x84: {  	[sflag:s3] =	ssyncadd.s32 $0xFFFFB000  }
0x85: {  	[tilespmem:s2], [sflag:$0x2] =	stream.linear.gather [hbm4b:s0+s2], $0xA00, $0x38;
	[tilespmem:$0x5A00] =	vst v63  }
0x86: {  	_ =	swait.ge [sflag:s3], $0xA00  }
0x87: {  	[sflag:s3] =	ssyncset.done $0x0  }
0x88: {  	[sflag:s3] =	ssyncadd.s32 $0xFFFFF600  }
0x89: {  	[tilespmem:s4], [sflag:$0x1] =	stream.indirect.gather [hbm4b:s6+s7], $0x10, s2, s7, $0xb8;
	[tilespmem:$0x5A00] =	vst v63  }
0x8a: {  	_ = 	snop  }
0x8b: {  	[tilespmem:s8], [sflag:$0x1] =	stream.indirect.gather [hbm4b:s6+s7], $0x10, s7, s7, $0xb8;
	[tilespmem:$0x5A00] =	vst v63  }
0x8c: {  	s0 =	rddreg [dreg:$0x5]  }
0x8d: {  	[tilespmem:s9], [sflag:$0x1] =	stream.indirect.gather [hbm4b:s6+s7], $0x10, s0, s7, $0xb8;
	[tilespmem:$0x5A00] =	vst v63  }
0x8e: {  	s17 =	rddreg [dreg:$0x6]  }
0x8f: {  	[tilespmem:s10], [sflag:$0x1] =	stream.indirect.gather [hbm4b:s6+s7], $0x10, s17, s7, $0xb8;
	[tilespmem:$0x5A00] =	vst v63  }
0x90: {  	s0 =	rddreg [dreg:$0x7]  }
0x91: {  	[tilespmem:s11], [sflag:$0x1] =	stream.indirect.gather [hbm4b:s6+s7], $0x10, s0, s7, $0xb8;
	[tilespmem:$0x5A00] =	vst v63  }
0x92: {  	s17 =	rddreg [dreg:$0x8]  }
0x93: {  	[tilespmem:s12], [sflag:$0x1] =	stream.indirect.gather [hbm4b:s6+s7], $0x10, s17, s7, $0xb8;
	[tilespmem:$0x5A00] =	vst v63  }
0x94: {  	_ = 	snop  }
0x95: {  	[tilespmem:s13], [sflag:$0x1] =	stream.indirect.gather [hbm4b:s6+s7], $0x10, s29, s7, $0xb8;
	[tilespmem:$0x5A00] =	vst v63  }
0x96: {  	_ = 	snop  }
0x97: {  	[tilespmem:s14], [sflag:$0x1] =	stream.indirect.gather [hbm4b:s6+s7], $0x10, s30, s7, $0xb8;
	[tilespmem:$0x5A00] =	vst v63  }
0x98: {  	_ = 	snop  }
0x99: {  	[tilespmem:s15], [sflag:$0x1] =	stream.indirect.gather [hbm4b:s6+s7], $0x10, s31, s7, $0xb8;
	[tilespmem:$0x5A00] =	vst v63  }
0x9a: {  	_ = 	snop  }
0x9b: {  	[tilespmem:s16], [sflag:$0x1] =	stream.indirect.gather [hbm4b:s6+s7], $0x10, s18, s7, $0xb8;
	[tilespmem:$0x5A00] =	vst v63  }
0x9c: {  	_ =	swait.ge [sflag:s5], $0x800  }
0x9d: {  	[sflag:s5] =	ssyncset.done $0x0  }
0x9e: {  	[sflag:s5] =	ssyncadd.s32 $0xFFFFF800  }
0x9f: {  	_ =	swait.ge [sflag:s5], $0x800  }
0xa0: {  	[sflag:s5] =	ssyncset.done $0x0  }
0xa1: {  	[sflag:s5] =	ssyncadd.s32 $0xFFFFF800  }
0xa2: {  	_ =	swait.ge [sflag:s5], $0x800  }
0xa3: {  	[sflag:s5] =	ssyncset.done $0x0  }
0xa4: {  	[sflag:s5] =	ssyncadd.s32 $0xFFFFF800  }
0xa5: {  	_ =	swait.ge [sflag:s5], $0x800  }
0xa6: {  	[sflag:s5] =	ssyncset.done $0x0  }
0xa7: {  	[sflag:s5] =	ssyncadd.s32 $0xFFFFF800  }
0xa8: {  	_ =	swait.ge [sflag:s5], $0x800  }
0xa9: {  	[sflag:s5] =	ssyncset.done $0x0  }
0xaa: {  	[sflag:s5] =	ssyncadd.s32 $0xFFFFF800  }
0xab: {  	_ =	swait.ge [sflag:s5], $0x800  }
0xac: {  	[sflag:s5] =	ssyncset.done $0x0  }
0xad: {  	[sflag:s5] =	ssyncadd.s32 $0xFFFFF800  }
0xae: {  	_ =	swait.ge [sflag:s5], $0x800  }
0xaf: {  	[sflag:s5] =	ssyncset.done $0x0  }
0xb0: {  	[sflag:s5] =	ssyncadd.s32 $0xFFFFF800  }
0xb1: {  	_ =	swait.ge [sflag:s5], $0x800  }
0xb2: {  	[sflag:s5] =	ssyncset.done $0x0  }
0xb3: {  	[sflag:s5] =	ssyncadd.s32 $0xFFFFF800  }
0xb4: {  	_ =	swait.ge [sflag:s5], $0x800  }
0xb5: {  	[sflag:s5] =	ssyncset.done $0x0  }
0xb6: {  	[sflag:s5] =	ssyncadd.s32 $0xFFFFF800  }
0xb7: {  	_ =	swait.ge [sflag:s5], $0x800  }
0xb8: {  	[sflag:s5] =	ssyncset.done $0x0  }
0xb9: {  	s17 =	rddreg [dreg:$0x3];
	[sflag:s5] =	ssyncadd.s32 $0xFFFFF800  }
0xba: {  	[hbm4b:s17+s2] =	stream.linear.scatter [tilespmem:s4], [sflag:$0x2], $0x5000, $0x38;
	[tilespmem:$0x5A00] =	vst v63  }
0xbb: {  	_ =	swait.ge [sflag:s3], $0x5000  }
0xbc: {  	[sflag:s3] =	ssyncset.done $0x0  }
0xbd: {  	s17 =	simm.s32 $0x500;
	[sflag:s3] =	ssyncadd.s32 $0xFFFFB000  }
0xbe: {  	[tilespmem:s4], [sflag:$0x1] =	stream.indirect.gather [hbm4b:s6+s7], $0x10, s17, s7, $0xb8;
	[tilespmem:$0x5A00] =	vst v63  }
0xbf: {  	_ = 	snop  }
0xc0: {  	[tilespmem:s8], [sflag:$0x1] =	stream.indirect.gather [hbm4b:s6+s7], $0x10, s19, s7, $0xb8;
	[tilespmem:$0x5A00] =	vst v63  }
0xc1: {  	_ = 	snop  }
0xc2: {  	[tilespmem:s9], [sflag:$0x1] =	stream.indirect.gather [hbm4b:s6+s7], $0x10, s20, s7, $0xb8;
	[tilespmem:$0x5A00] =	vst v63  }
0xc3: {  	_ = 	snop  }
0xc4: {  	[tilespmem:s10], [sflag:$0x1] =	stream.indirect.gather [hbm4b:s6+s7], $0x10, s21, s7, $0xb8;
	[tilespmem:$0x5A00] =	vst v63  }
0xc5: {  	_ = 	snop  }
0xc6: {  	[tilespmem:s11], [sflag:$0x1] =	stream.indirect.gather [hbm4b:s6+s7], $0x10, s22, s7, $0xb8;
	[tilespmem:$0x5A00] =	vst v63  }
0xc7: {  	_ = 	snop  }
0xc8: {  	[tilespmem:s12], [sflag:$0x1] =	stream.indirect.gather [hbm4b:s6+s7], $0x10, s23, s7, $0xb8;
	[tilespmem:$0x5A00] =	vst v63  }
0xc9: {  	_ = 	snop  }
0xca: {  	[tilespmem:s13], [sflag:$0x1] =	stream.indirect.gather [hbm4b:s6+s7], $0x10, s24, s7, $0xb8;
	[tilespmem:$0x5A00] =	vst v63  }
0xcb: {  	_ = 	snop  }
0xcc: {  	[tilespmem:s14], [sflag:$0x1] =	stream.indirect.gather [hbm4b:s6+s7], $0x10, s25, s7, $0xb8;
	[tilespmem:$0x5A00] =	vst v63  }
0xcd: {  	_ = 	snop  }
0xce: {  	[tilespmem:s15], [sflag:$0x1] =	stream.indirect.gather [hbm4b:s6+s7], $0x10, s26, s7, $0xb8;
	[tilespmem:$0x5A00] =	vst v63  }
0xcf: {  	_ = 	snop  }
0xd0: {  	[tilespmem:s16], [sflag:$0x1] =	stream.indirect.gather [hbm4b:s6+s7], $0x10, s28, s7, $0xb8;
	[tilespmem:$0x5A00] =	vst v63  }
0xd1: {  	_ =	swait.ge [sflag:s5], $0x800  }
0xd2: {  	[sflag:s5] =	ssyncset.done $0x0  }
0xd3: {  	[sflag:s5] =	ssyncadd.s32 $0xFFFFF800  }
0xd4: {  	_ =	swait.ge [sflag:s5], $0x800  }
0xd5: {  	[sflag:s5] =	ssyncset.done $0x0  }
0xd6: {  	[sflag:s5] =	ssyncadd.s32 $0xFFFFF800  }
0xd7: {  	_ =	swait.ge [sflag:s5], $0x800  }
0xd8: {  	[sflag:s5] =	ssyncset.done $0x0  }
0xd9: {  	[sflag:s5] =	ssyncadd.s32 $0xFFFFF800  }
0xda: {  	_ =	swait.ge [sflag:s5], $0x800  }
0xdb: {  	[sflag:s5] =	ssyncset.done $0x0  }
0xdc: {  	[sflag:s5] =	ssyncadd.s32 $0xFFFFF800  }
0xdd: {  	_ =	swait.ge [sflag:s5], $0x800  }
0xde: {  	[sflag:s5] =	ssyncset.done $0x0  }
0xdf: {  	[sflag:s5] =	ssyncadd.s32 $0xFFFFF800  }
0xe0: {  	_ =	swait.ge [sflag:s5], $0x800  }
0xe1: {  	[sflag:s5] =	ssyncset.done $0x0  }
0xe2: {  	[sflag:s5] =	ssyncadd.s32 $0xFFFFF800  }
0xe3: {  	_ =	swait.ge [sflag:s5], $0x800  }
0xe4: {  	[sflag:s5] =	ssyncset.done $0x0  }
0xe5: {  	[sflag:s5] =	ssyncadd.s32 $0xFFFFF800  }
0xe6: {  	_ =	swait.ge [sflag:s5], $0x800  }
0xe7: {  	[sflag:s5] =	ssyncset.done $0x0  }
0xe8: {  	[sflag:s5] =	ssyncadd.s32 $0xFFFFF800  }
0xe9: {  	_ =	swait.ge [sflag:s5], $0x800  }
0xea: {  	[sflag:s5] =	ssyncset.done $0x0  }
0xeb: {  	[sflag:s5] =	ssyncadd.s32 $0xFFFFF800  }
0xec: {  	p1 =	sne.s32 s1, $0x1;
	_ =	swait.ge [sflag:s5], $0x800  }
.Ltmp2:
0xed: {  	[sflag:s5] =	ssyncset.done $0x0;
	(pc) =	sbr.rel @p1 .LBB2_4-.Ltmp2, $4  }
0xee: {  	s17 =	rddreg [dreg:$0x4];
	[sflag:s5] =	ssyncadd.s32 $0xFFFFF800  }
0xef: {  	[hbm4b:s17+s2] =	stream.linear.scatter [tilespmem:s4], [sflag:$0x2], $0x5000, $0x38;
	[tilespmem:$0x5A00] =	vst v63  }
0xf0: {  	_ =	swait.ge [sflag:s3], $0x5000  }
0xf1: {  	s1 =	sadd.s32 $0xFFFFFFFF, s1;
	s0 =	rddreg [dreg:$0x2];
	[sflag:s3] =	ssyncset.done $0x0  }
0xf2: {  	s28 =	simm.s32 $0x480;
	s31 =	simm.s32 $0x400  }
0xf3: {  	s30 =	simm.s32 $0x380;
	s29 =	simm.s32 $0x300;
	s26 =	simm.s32 $0x900  }
0xf4: {  	s25 =	simm.s32 $0x880;
	s24 =	simm.s32 $0x800;
	s23 =	simm.s32 $0x780  }
0xf5: {  	s22 =	simm.s32 $0x700;
	s21 =	simm.s32 $0x680;
	s20 =	simm.s32 $0x600  }
0xf6: {  	s19 =	simm.s32 $0x580;
	s18 =	simm.s32 $0x500;
	s17 =	stileid.u32  }
.LBB2_6:
0xf7: {  	[sflag:s3] =	ssyncadd.s32 @p0 $0xFFFFB000  }
0xf8: {  	[tilespmem:s2], [sflag:$0x2] =	stream.linear.gather [hbm4b:s0+s2], $0xA00, $0x38;
	[tilespmem:$0x5A00] =	vst v63  }
0xf9: {  	_ =	swait.ge [sflag:s3], $0xA00  }
0xfa: {  	[sflag:s3] =	ssyncset.done $0x0  }
0xfb: {  	[sflag:s3] =	ssyncadd.s32 $0xFFFFF600  }
0xfc: {  	[tilespmem:s4], [sflag:$0x1] =	stream.indirect.gather [hbm4b:s6+s7], $0x10, s2, s7, $0xb8;
	[tilespmem:$0x5A00] =	vst v63  }
0xfd: {  	_ = 	snop  }
0xfe: {  	[tilespmem:s8], [sflag:$0x1] =	stream.indirect.gather [hbm4b:s6+s7], $0x10, s7, s7, $0xb8;
	[tilespmem:$0x5A00] =	vst v63  }
0xff: {  	s0 =	rddreg [dreg:$0x5]  }
0x100: {  	[tilespmem:s9], [sflag:$0x1] =	stream.indirect.gather [hbm4b:s6+s7], $0x10, s0, s7, $0xb8;
	[tilespmem:$0x5A00] =	vst v63  }
0x101: {  	s1 =	rddreg [dreg:$0x6]  }
0x102: {  	[tilespmem:s10], [sflag:$0x1] =	stream.indirect.gather [hbm4b:s6+s7], $0x10, s1, s7, $0xb8;
	[tilespmem:$0x5A00] =	vst v63  }
0x103: {  	s0 =	rddreg [dreg:$0x7]  }
0x104: {  	[tilespmem:s11], [sflag:$0x1] =	stream.indirect.gather [hbm4b:s6+s7], $0x10, s0, s7, $0xb8;
	[tilespmem:$0x5A00] =	vst v63  }
0x105: {  	s1 =	rddreg [dreg:$0x8]  }
0x106: {  	[tilespmem:s12], [sflag:$0x1] =	stream.indirect.gather [hbm4b:s6+s7], $0x10, s1, s7, $0xb8;
	[tilespmem:$0x5A00] =	vst v63  }
0x107: {  	_ = 	snop  }
0x108: {  	[tilespmem:s13], [sflag:$0x1] =	stream.indirect.gather [hbm4b:s6+s7], $0x10, s29, s7, $0xb8;
	[tilespmem:$0x5A00] =	vst v63  }
0x109: {  	_ = 	snop  }
0x10a: {  	[tilespmem:s14], [sflag:$0x1] =	stream.indirect.gather [hbm4b:s6+s7], $0x10, s30, s7, $0xb8;
	[tilespmem:$0x5A00] =	vst v63  }
0x10b: {  	_ = 	snop  }
0x10c: {  	[tilespmem:s15], [sflag:$0x1] =	stream.indirect.gather [hbm4b:s6+s7], $0x10, s31, s7, $0xb8;
	[tilespmem:$0x5A00] =	vst v63  }
0x10d: {  	_ = 	snop  }
0x10e: {  	[tilespmem:s16], [sflag:$0x1] =	stream.indirect.gather [hbm4b:s6+s7], $0x10, s28, s7, $0xb8;
	[tilespmem:$0x5A00] =	vst v63  }
0x10f: {  	_ =	swait.ge [sflag:s5], $0x800  }
0x110: {  	[sflag:s5] =	ssyncset.done $0x0  }
0x111: {  	[sflag:s5] =	ssyncadd.s32 $0xFFFFF800  }
0x112: {  	_ =	swait.ge [sflag:s5], $0x800  }
0x113: {  	[sflag:s5] =	ssyncset.done $0x0  }
0x114: {  	[sflag:s5] =	ssyncadd.s32 $0xFFFFF800  }
0x115: {  	_ =	swait.ge [sflag:s5], $0x800  }
0x116: {  	[sflag:s5] =	ssyncset.done $0x0  }
0x117: {  	[sflag:s5] =	ssyncadd.s32 $0xFFFFF800  }
0x118: {  	_ =	swait.ge [sflag:s5], $0x800  }
0x119: {  	[sflag:s5] =	ssyncset.done $0x0  }
0x11a: {  	[sflag:s5] =	ssyncadd.s32 $0xFFFFF800  }
0x11b: {  	_ =	swait.ge [sflag:s5], $0x800  }
0x11c: {  	[sflag:s5] =	ssyncset.done $0x0  }
0x11d: {  	[sflag:s5] =	ssyncadd.s32 $0xFFFFF800  }
0x11e: {  	_ =	swait.ge [sflag:s5], $0x800  }
0x11f: {  	[sflag:s5] =	ssyncset.done $0x0  }
0x120: {  	[sflag:s5] =	ssyncadd.s32 $0xFFFFF800  }
0x121: {  	_ =	swait.ge [sflag:s5], $0x800  }
0x122: {  	[sflag:s5] =	ssyncset.done $0x0  }
0x123: {  	[sflag:s5] =	ssyncadd.s32 $0xFFFFF800  }
0x124: {  	_ =	swait.ge [sflag:s5], $0x800  }
0x125: {  	[sflag:s5] =	ssyncset.done $0x0  }
0x126: {  	[sflag:s5] =	ssyncadd.s32 $0xFFFFF800  }
0x127: {  	_ =	swait.ge [sflag:s5], $0x800  }
0x128: {  	[sflag:s5] =	ssyncset.done $0x0  }
0x129: {  	[sflag:s5] =	ssyncadd.s32 $0xFFFFF800  }
0x12a: {  	_ =	swait.ge [sflag:s5], $0x800  }
0x12b: {  	[sflag:s5] =	ssyncset.done $0x0  }
0x12c: {  	s29 =	rddreg [dreg:$0x3];
	[sflag:s5] =	ssyncadd.s32 $0xFFFFF800  }
0x12d: {  	[hbm4b:s29+s2] =	stream.linear.scatter [tilespmem:s4], [sflag:$0x2], $0x5000, $0x38;
	[tilespmem:$0x5A00] =	vst v63  }
0x12e: {  	_ =	swait.ge [sflag:s3], $0x5000  }
0x12f: {  	[sflag:s3] =	ssyncset.done $0x0  }
0x130: {  	[sflag:s3] =	ssyncadd.s32 $0xFFFFB000  }
0x131: {  	[tilespmem:s4], [sflag:$0x1] =	stream.indirect.gather [hbm4b:s6+s7], $0x10, s18, s7, $0xb8;
	[tilespmem:$0x5A00] =	vst v63  }
0x132: {  	_ = 	snop  }
0x133: {  	[tilespmem:s8], [sflag:$0x1] =	stream.indirect.gather [hbm4b:s6+s7], $0x10, s19, s7, $0xb8;
	[tilespmem:$0x5A00] =	vst v63  }
0x134: {  	_ = 	snop  }
0x135: {  	[tilespmem:s9], [sflag:$0x1] =	stream.indirect.gather [hbm4b:s6+s7], $0x10, s20, s7, $0xb8;
	[tilespmem:$0x5A00] =	vst v63  }
0x136: {  	_ = 	snop  }
0x137: {  	[tilespmem:s10], [sflag:$0x1] =	stream.indirect.gather [hbm4b:s6+s7], $0x10, s21, s7, $0xb8;
	[tilespmem:$0x5A00] =	vst v63  }
0x138: {  	_ = 	snop  }
0x139: {  	[tilespmem:s11], [sflag:$0x1] =	stream.indirect.gather [hbm4b:s6+s7], $0x10, s22, s7, $0xb8;
	[tilespmem:$0x5A00] =	vst v63  }
0x13a: {  	_ = 	snop  }
0x13b: {  	[tilespmem:s12], [sflag:$0x1] =	stream.indirect.gather [hbm4b:s6+s7], $0x10, s23, s7, $0xb8;
	[tilespmem:$0x5A00] =	vst v63  }
0x13c: {  	_ = 	snop  }
0x13d: {  	[tilespmem:s13], [sflag:$0x1] =	stream.indirect.gather [hbm4b:s6+s7], $0x10, s24, s7, $0xb8;
	[tilespmem:$0x5A00] =	vst v63  }
0x13e: {  	_ = 	snop  }
0x13f: {  	[tilespmem:s14], [sflag:$0x1] =	stream.indirect.gather [hbm4b:s6+s7], $0x10, s25, s7, $0xb8;
	[tilespmem:$0x5A00] =	vst v63  }
0x140: {  	_ = 	snop  }
0x141: {  	[tilespmem:s15], [sflag:$0x1] =	stream.indirect.gather [hbm4b:s6+s7], $0x10, s26, s7, $0xb8;
	[tilespmem:$0x5A00] =	vst v63  }
0x142: {  	s30 =	simm.s32 $0x980  }
0x143: {  	[tilespmem:s16], [sflag:$0x1] =	stream.indirect.gather [hbm4b:s6+s7], $0x10, s30, s7, $0xb8;
	[tilespmem:$0x5A00] =	vst v63  }
0x144: {  	_ =	swait.ge [sflag:s5], $0x800  }
0x145: {  	[sflag:s5] =	ssyncset.done $0x0  }
0x146: {  	[sflag:s5] =	ssyncadd.s32 $0xFFFFF800  }
0x147: {  	_ =	swait.ge [sflag:s5], $0x800  }
0x148: {  	[sflag:s5] =	ssyncset.done $0x0  }
0x149: {  	[sflag:s5] =	ssyncadd.s32 $0xFFFFF800  }
0x14a: {  	_ =	swait.ge [sflag:s5], $0x800  }
0x14b: {  	[sflag:s5] =	ssyncset.done $0x0  }
0x14c: {  	[sflag:s5] =	ssyncadd.s32 $0xFFFFF800  }
0x14d: {  	_ =	swait.ge [sflag:s5], $0x800  }
0x14e: {  	[sflag:s5] =	ssyncset.done $0x0  }
0x14f: {  	[sflag:s5] =	ssyncadd.s32 $0xFFFFF800  }
0x150: {  	_ =	swait.ge [sflag:s5], $0x800  }
0x151: {  	[sflag:s5] =	ssyncset.done $0x0  }
0x152: {  	[sflag:s5] =	ssyncadd.s32 $0xFFFFF800  }
0x153: {  	_ =	swait.ge [sflag:s5], $0x800  }
0x154: {  	[sflag:s5] =	ssyncset.done $0x0  }
0x155: {  	[sflag:s5] =	ssyncadd.s32 $0xFFFFF800  }
0x156: {  	_ =	swait.ge [sflag:s5], $0x800  }
0x157: {  	[sflag:s5] =	ssyncset.done $0x0  }
0x158: {  	[sflag:s5] =	ssyncadd.s32 $0xFFFFF800  }
0x159: {  	_ =	swait.ge [sflag:s5], $0x800  }
0x15a: {  	[sflag:s5] =	ssyncset.done $0x0  }
0x15b: {  	[sflag:s5] =	ssyncadd.s32 $0xFFFFF800  }
0x15c: {  	_ =	swait.ge [sflag:s5], $0x800  }
0x15d: {  	[sflag:s5] =	ssyncset.done $0x0  }
0x15e: {  	[sflag:s5] =	ssyncadd.s32 $0xFFFFF800  }
0x15f: {  	_ =	swait.ge [sflag:s5], $0x800  }
0x160: {  	[sflag:s5] =	ssyncset.done $0x0  }
0x161: {  	s31 =	rddreg [dreg:$0x4];
	[sflag:s5] =	ssyncadd.s32 $0xFFFFF800  }
0x162: {  	[hbm4b:s31+s2] =	stream.linear.scatter [tilespmem:s4], [sflag:$0x2], $0x5000, $0x38;
	[tilespmem:$0x5A00] =	vst v63  }
0x163: {  	_ =	swait.ge [sflag:s3], $0x5000  }
0x164: {  	[sflag:s3] =	ssyncset.done $0x0  }
0x165: {  	[sflag:s3] =	ssyncadd.s32 $0xFFFFB000  }
0x166: {  	_ =	sfence.sel $0x180000  }
0x167: {  	[bflag:$0x0] =	sbarrier.arrive $0xFFFF  }
0x168: {  	_ =	strace $0x90000050  }
0x169: {  	[bflag:$0x2] =	sbarrier.arrive $0xFFFF  }
0x16a: {  	p0 =	sne.s32 s17, $0x0;
	s0 =	rddreg [dreg:$0x1]  }
0x16b: {  	s0 =	sadd.s32 @!p0 $0x100000, s0  }
0x16c: {  	[sflag:s0] =	ssyncadd.tile.s32 @!p0 $0x1;
	_ =	shalt  }
.LBB2_1:
.Ltmp3:
0x16d: {  	s28 =	simm.s32 $0x480;
	(pc) =	sbr.rel .LBB2_6-.Ltmp3, $4  }
0x16e: {  	s31 =	simm.s32 $0x400;
	s30 =	simm.s32 $0x380;
	s29 =	simm.s32 $0x300  }
0x16f: {  	s26 =	simm.s32 $0x900;
	s25 =	simm.s32 $0x880;
	s24 =	simm.s32 $0x800  }
0x170: {  	s23 =	simm.s32 $0x780;
	s22 =	simm.s32 $0x700;
	s21 =	simm.s32 $0x680  }
0x171: {  	s20 =	simm.s32 $0x600;
	s19 =	simm.s32 $0x580;
	s18 =	simm.s32 $0x500  }
.LBB2_3:
.Ltmp4:
0x172: {  	s28 =	simm.s32 $0x480;
	s31 =	simm.s32 $0x400;
	(pc) =	sbr.rel .LBB2_6-.Ltmp4, $4  }
0x173: {  	s30 =	simm.s32 $0x380;
	s29 =	simm.s32 $0x300;
	s26 =	simm.s32 $0x900  }
0x174: {  	s25 =	simm.s32 $0x880;
	s24 =	simm.s32 $0x800;
	s23 =	simm.s32 $0x780  }
0x175: {  	s22 =	simm.s32 $0x700;
	s21 =	simm.s32 $0x680;
	s20 =	simm.s32 $0x600  }
0x176: {  	s19 =	simm.s32 $0x580;
	s18 =	simm.s32 $0x500;
	s17 =	stileid.u32  }
.Lfunc_end2:
_tile_overlayer_lowered:
.L_overlay_start_2:
0x177: {  	(tag) =	ssettag $0x2  }
0x178: {  	s0 =	rddreg [dreg:$0x0];
	s2 =	stileid.u32  }
0x179: {  	s1 =	rddreg [dreg:$0x1];
	p0 =	sne.s32 s2, $0x0  }
0x17a: {  	s3 =	rddreg [dreg:$0x2];
	[bflag:$0x3] =	sbarrier.arrive $0xFFFF;
	s2 =	simm.s32 @!p0 $0x1C02  }
0x17b: {  	[timem:s3], [sflag:s2] =	dma.local @!p0 [hbm:s0], s1  }
0x17c: {  	s0 =	simm.s32 @!p0 $0x2  }
0x17d: {  	_ =	swait.ge @!p0 [sflag:s0], s1  }
0x17e: {  	s1 =	ssub.s32 @!p0 $0x0, s1;
	[sflag:s0] =	ssyncset.done @!p0 $0x0  }
0x17f: {  	[sflag:s0] =	ssyncadd.s32 @!p0 s1  }
0x180: {  	[bflag:$0x3] =	sbarrier.arrive $0xFFFF  }
0x181: {  	_ =	shalt  }

</sc_bundles>
